<compile_context>
chip_gen: v7x
topology: tpu7x:2x2x1
jax: 0.10.2.dev20260603
libtpu: 0.0.44.dev20260713+nightly
codegen_flags: <defaults>
</compile_context>

<pallas_src>
import functools

import jax
import jax.numpy as jnp
from jax import lax
from jax.experimental import pallas as pl
from jax.experimental.pallas import tpu as pltpu
from jax.experimental.pallas import tpu_sc as plsc

_N = 2048
_B = 2
_NB = 4096
_NA = 8192
_NT = 12288
_NI = 2048
_NW = 32
_L = 16
_TI = 512


def _rsqrt(x):
    i = lax.bitcast_convert_type(x, jnp.int32)
    i = jnp.int32(0x5F3759DF) - (i >> 1)
    y = lax.bitcast_convert_type(i, jnp.float32)
    for _ in range(3):
        y = y * (1.5 - 0.5 * x * y * y)
    return y



def _bond_e(p0, p1, rest, kf):
    dx = p0[0] - p1[0]
    dy = p0[1] - p1[1]
    dz = p0[2] - p1[2]
    r2 = dx * dx + dy * dy + dz * dz
    dist = r2 * _rsqrt(jnp.maximum(r2, 1e-24))
    s = dist - rest
    return 0.5 * kf * s * s


def _angle_e(p1, p2, p3, kf, c0, c1, c2, ordi):
    v1x = p1[0] - p2[0]
    v1y = p1[1] - p2[1]
    v1z = p1[2] - p2[2]
    v2x = p3[0] - p2[0]
    v2y = p3[1] - p2[1]
    v2z = p3[2] - p2[2]
    dot = v1x * v2x + v1y * v2y + v1z * v2z
    d1 = v1x * v1x + v1y * v1y + v1z * v1z
    d2 = v2x * v2x + v2y * v2y + v2z * v2z
    inv = _rsqrt(jnp.maximum(d1 * d2, 1e-24))
    cos_t = jnp.clip(dot * inv, -0.999999, 0.999999)
    cos_sq = cos_t * cos_t
    sin_sq = jnp.maximum(1.0 - cos_sq, 1e-12)
    cos2 = cos_sq - sin_sq
    e_gen = c0 + c1 * cos_t + c2 * cos2
    t3 = cos_t * (cos_sq - 3.0 * sin_sq)
    t4 = cos_sq * cos_sq - 6.0 * cos_sq * sin_sq + sin_sq * sin_sq
    terms = jnp.where(ordi == 1, -cos_t, jnp.zeros_like(cos_t))
    terms = jnp.where(ordi == 2, cos2, terms)
    terms = jnp.where(ordi == 3, t3, terms)
    terms = jnp.where(ordi == 4, t4, terms)
    ordf = ordi.astype(jnp.float32)
    denom = jnp.maximum(ordf * ordf, 1.0)
    repl = (1.0 - terms) / denom
    e_term = jnp.where(ordi > 0, repl, e_gen)
    return kf * e_term


def _torsion_e(p1, p2, p3, p4, kf, ordi, cterm):
    r1x = p1[0] - p2[0]
    r1y = p1[1] - p2[1]
    r1z = p1[2] - p2[2]
    r2x = p3[0] - p2[0]
    r2y = p3[1] - p2[1]
    r2z = p3[2] - p2[2]
    r4x = p4[0] - p3[0]
    r4y = p4[1] - p3[1]
    r4z = p4[2] - p3[2]
    t1x = r1y * r2z - r1z * r2y
    t1y = r1z * r2x - r1x * r2z
    t1z = r1x * r2y - r1y * r2x
    t2x = r2z * r4y - r2y * r4z
    t2y = r2x * r4z - r2z * r4x
    t2z = r2y * r4x - r2x * r4y
    d1 = t1x * t1x + t1y * t1y + t1z * t1z
    d2 = t2x * t2x + t2y * t2y + t2z * t2z
    inv = _rsqrt(jnp.maximum(d1 * d2, 1e-24))
    dot = t1x * t2x + t1y * t2y + t1z * t2z
    cos_p = jnp.clip(dot * inv, -0.999999, 0.999999)
    cos_sq = cos_p * cos_p
    sin_sq = jnp.maximum(1.0 - cos_sq, 1e-12)
    cs2 = cos_sq * cos_sq
    cs3 = cs2 * cos_sq
    c2_ = 1.0 - 2.0 * sin_sq
    c3_ = cos_p * (cos_sq - 3.0 * sin_sq)
    c4_ = cs2 - 6.0 * cos_sq * sin_sq + sin_sq * sin_sq
    c6_ = 32.0 * cs3 - 48.0 * cs2 + 18.0 * cos_sq - 1.0
    cnp = jnp.where(ordi == 1, cos_p, jnp.zeros_like(cos_p))
    cnp = jnp.where(ordi == 2, c2_, cnp)
    cnp = jnp.where(ordi == 3, c3_, cnp)
    cnp = jnp.where(ordi == 4, c4_, cnp)
    cnp = jnp.where(ordi == 6, c6_, cnp)
    return 0.5 * kf * (1.0 - cterm * cnp)


def _inversion_e(pi, pj, pk, plv, kf, c0, c1, c2):
    rjix = pj[0] - pi[0]
    rjiy = pj[1] - pi[1]
    rjiz = pj[2] - pi[2]
    rkix = pk[0] - pi[0]
    rkiy = pk[1] - pi[1]
    rkiz = pk[2] - pi[2]
    rlix = plv[0] - pi[0]
    rliy = plv[1] - pi[1]
    rliz = plv[2] - pi[2]
    nx = rjiy * rkiz - rjiz * rkiy
    ny = rjiz * rkix - rjix * rkiz
    nz = rjix * rkiy - rjiy * rkix
    ss = nx * nx + ny * ny + nz * nz
    ll = rlix * rlix + rliy * rliy + rliz * rliz
    dot = nx * rlix + ny * rliy + nz * rliz
    sin_w = dot * _rsqrt(jnp.maximum(ss, 1e-24)) * _rsqrt(jnp.maximum(ll, 1e-24))
    sin_w = jnp.clip(sin_w, -0.999999, 0.999999)
    t = jnp.maximum(1.0 - sin_w * sin_w, 1e-12)
    cos_w = t * _rsqrt(t)
    cos2w = 2.0 * cos_w * cos_w - 1.0
    return kf * (c0 + c1 * cos_w + c2 * cos2w)



_CB = _NB // _NW
_CA = _NA // _NW
_CT = _NT // _NW
_CI = _NI // _NW

_f32 = jnp.float32
_i32 = jnp.int32


def _sc_bonded(cflat, bi, brest, bkf,
               ai, akf, ac0, ac1, ac2, aord,
               ti, tkf, tord, tcos,
               vi, vkf, vc0, vc1, vc2):
    mesh = plsc.VectorSubcoreMesh(core_axis_name="c", subcore_axis_name="s")
    scratch = [
        pltpu.VMEM((_B * _N * 3,), _f32),
        pltpu.VMEM((_CB * 2,), _i32),
        pltpu.VMEM((_CB,), _f32), pltpu.VMEM((_CB,), _f32),
        pltpu.VMEM((_CA * 3,), _i32),
        pltpu.VMEM((_CA,), _f32), pltpu.VMEM((_CA,), _f32), pltpu.VMEM((_CA,), _f32), pltpu.VMEM((_CA,), _f32),
        pltpu.VMEM((_CA,), _i32),
        pltpu.VMEM((_CT * 4,), _i32),
        pltpu.VMEM((_CT,), _f32), pltpu.VMEM((_CT,), _i32), pltpu.VMEM((_CT,), _f32),
        pltpu.VMEM((_CI * 4,), _i32),
        pltpu.VMEM((_CI,), _f32), pltpu.VMEM((_CI,), _f32), pltpu.VMEM((_CI,), _f32), pltpu.VMEM((_CI,), _f32),
        pltpu.VMEM((_B * _L,), _f32),
        pltpu.SemaphoreType.DMA,
    ]

    @functools.partial(
        pl.kernel, mesh=mesh,
        out_type=jax.ShapeDtypeStruct((_NW, _B * _L), _f32),
        scratch_types=scratch,
        compiler_params=pltpu.CompilerParams(needs_layout_passes=False),
        cost_estimate=pl.CostEstimate(
            flops=100_000_000, transcendentals=0, bytes_accessed=10_000_000),
    )
    def body(c_h, bi_h, brest_h, bkf_h,
             ai_h, akf_h, ac0_h, ac1_h, ac2_h, aord_h,
             ti_h, tkf_h, tord_h, tcos_h,
             vi_h, vkf_h, vc0_h, vc1_h, vc2_h,
             out_h,
             cvv, biv, brestv, bkfv,
             aiv, akfv, ac0v, ac1v, ac2v, aordv,
             tiv, tkfv, tordv, tcosv,
             viv, vkfv, vc0v, vc1v, vc2v,
             outv, sem):
        wid = lax.axis_index("s") * 2 + lax.axis_index("c")
        bb = wid * _CB
        ab = wid * _CA
        tb = wid * _CT
        vb = wid * _CI
        copies = [
            pltpu.async_copy(c_h, cvv, sem),
            pltpu.async_copy(bi_h.at[pl.ds(bb * 2, _CB * 2)], biv, sem),
            pltpu.async_copy(brest_h.at[pl.ds(bb, _CB)], brestv, sem),
            pltpu.async_copy(bkf_h.at[pl.ds(bb, _CB)], bkfv, sem),
            pltpu.async_copy(ai_h.at[pl.ds(ab * 3, _CA * 3)], aiv, sem),
            pltpu.async_copy(akf_h.at[pl.ds(ab, _CA)], akfv, sem),
            pltpu.async_copy(ac0_h.at[pl.ds(ab, _CA)], ac0v, sem),
            pltpu.async_copy(ac1_h.at[pl.ds(ab, _CA)], ac1v, sem),
            pltpu.async_copy(ac2_h.at[pl.ds(ab, _CA)], ac2v, sem),
            pltpu.async_copy(aord_h.at[pl.ds(ab, _CA)], aordv, sem),
            pltpu.async_copy(ti_h.at[pl.ds(tb * 4, _CT * 4)], tiv, sem),
            pltpu.async_copy(tkf_h.at[pl.ds(tb, _CT)], tkfv, sem),
            pltpu.async_copy(tord_h.at[pl.ds(tb, _CT)], tordv, sem),
            pltpu.async_copy(tcos_h.at[pl.ds(tb, _CT)], tcosv, sem),
            pltpu.async_copy(vi_h.at[pl.ds(vb * 4, _CI * 4)], viv, sem),
            pltpu.async_copy(vkf_h.at[pl.ds(vb, _CI)], vkfv, sem),
            pltpu.async_copy(vc0_h.at[pl.ds(vb, _CI)], vc0v, sem),
            pltpu.async_copy(vc1_h.at[pl.ds(vb, _CI)], vc1v, sem),
            pltpu.async_copy(vc2_h.at[pl.ds(vb, _CI)], vc2v, sem),
        ]
        for c in copies:
            c.wait()

        iota16 = lax.broadcasted_iota(_i32, (_L,), 0)

        def gxyz(idx, b):
            base3 = (idx + b * _N) * 3
            return (plsc.load_gather(cvv, [base3]),
                    plsc.load_gather(cvv, [base3 + 1]),
                    plsc.load_gather(cvv, [base3 + 2]))

        def col(ref, o, m, k):
            return plsc.load_gather(ref, [(o + iota16) * m + k])

        zero = jnp.zeros((_L,), _f32)

        def bond_body(g, acc):
            o = g * _L
            i0 = col(biv, o, 2, 0)
            i1 = col(biv, o, 2, 1)
            rest = brestv[pl.ds(o, _L)]
            kf = bkfv[pl.ds(o, _L)]
            out = []
            for b in range(_B):
                p0 = gxyz(i0, b)
                p1 = gxyz(i1, b)
                out.append(acc[b] + _bond_e(p0, p1, rest, kf))
            return tuple(out)

        acc = lax.fori_loop(0, _CB // _L, bond_body, (zero, zero))

        def angle_body(g, acc):
            o = g * _L
            i0 = col(aiv, o, 3, 0)
            i1 = col(aiv, o, 3, 1)
            i2 = col(aiv, o, 3, 2)
            kf = akfv[pl.ds(o, _L)]
            c0 = ac0v[pl.ds(o, _L)]
            c1 = ac1v[pl.ds(o, _L)]
            c2 = ac2v[pl.ds(o, _L)]
            ordi = aordv[pl.ds(o, _L)]
            out = []
            for b in range(_B):
                p1 = gxyz(i0, b)
                p2 = gxyz(i1, b)
                p3 = gxyz(i2, b)
                out.append(acc[b] + _angle_e(p1, p2, p3, kf, c0, c1, c2, ordi))
            return tuple(out)

        acc = lax.fori_loop(0, _CA // _L, angle_body, acc)

        def torsion_body(g, acc):
            o = g * _L
            i0 = col(tiv, o, 4, 0)
            i1 = col(tiv, o, 4, 1)
            i2 = col(tiv, o, 4, 2)
            i3 = col(tiv, o, 4, 3)
            kf = tkfv[pl.ds(o, _L)]
            ordi = tordv[pl.ds(o, _L)]
            ct = tcosv[pl.ds(o, _L)]
            out = []
            for b in range(_B):
                p1 = gxyz(i0, b)
                p2 = gxyz(i1, b)
                p3 = gxyz(i2, b)
                p4 = gxyz(i3, b)
                out.append(acc[b] + _torsion_e(p1, p2, p3, p4, kf, ordi, ct))
            return tuple(out)

        acc = lax.fori_loop(0, _CT // _L, torsion_body, acc)

        def inversion_body(g, acc):
            o = g * _L
            i0 = col(viv, o, 4, 0)
            i1 = col(viv, o, 4, 1)
            i2 = col(viv, o, 4, 2)
            i3 = col(viv, o, 4, 3)
            kf = vkfv[pl.ds(o, _L)]
            c0 = vc0v[pl.ds(o, _L)]
            c1 = vc1v[pl.ds(o, _L)]
            c2 = vc2v[pl.ds(o, _L)]
            out = []
            for b in range(_B):
                pi = gxyz(i0, b)
                pj = gxyz(i1, b)
                pk = gxyz(i2, b)
                pv = gxyz(i3, b)
                out.append(acc[b] + _inversion_e(pi, pj, pk, pv, kf, c0, c1, c2))
            return tuple(out)

        acc = lax.fori_loop(0, _CI // _L, inversion_body, acc)

        outv[pl.ds(0, _L)] = acc[0]
        outv[pl.ds(_L, _L)] = acc[1]
        pltpu.sync_copy(outv, out_h.at[wid])

    return body(cflat, bi, brest, bkf,
                ai, akf, ac0, ac1, ac2, aord,
                ti, tkf, tord, tcos,
                vi, vkf, vc0, vc1, vc2)



_NTI = _N // _TI
_TRI = _NTI * (_NTI + 1) // 2


def _tri_start(i):
    return i * _NTI - (i * (i - 1)) // 2


def _tri_i(t):
    n2 = 2 * _NTI + 1
    disc = (n2 * n2 - 8 * t).astype(jnp.float32)
    i = jnp.floor((n2 - jnp.sqrt(disc)) * 0.5).astype(jnp.int32)
    i = jnp.clip(i, 0, _NTI - 1)
    i = jnp.where(t >= _tri_start(i + 1), i + 1, i)
    i = jnp.where(t < _tri_start(i), i - 1, i)
    return jnp.clip(i, 0, _NTI - 1)


def _tri_j(t):
    i = _tri_i(t)
    return (t - _tri_start(i)) + i


def _vdw_tile(cc_ref, cr_ref, sigc_ref, sigr_ref, epsc_ref, epsr_ref,
              mask_ref, rel_ref, out_ref):
    t = pl.program_id(0)
    bi = _tri_i(t)
    bj = _tri_j(t)
    rows = bi * _TI + lax.broadcasted_iota(jnp.int32, (_TI, _TI), 0)
    cols = bj * _TI + lax.broadcasted_iota(jnp.int32, (_TI, _TI), 1)
    okm = ((rows < cols) & (mask_ref[0].astype(jnp.int32) != 0)
           & (rel_ref[0] >= 3))
    sig2 = sigc_ref[...] * sigr_ref[...]
    ep = jnp.sqrt(epsc_ref[...]) * jnp.sqrt(epsr_ref[...])
    cut2 = jnp.minimum(6.25 * sig2, 100.0)
    cc = cc_ref[...]
    cr = cr_ref[...]
    csums = []
    for b in range(_B):
        xi = cc[b, :, 0:1]
        yi = cc[b, :, 1:2]
        zi = cc[b, :, 2:3]
        xj = cr[b, 0:1, :]
        yj = cr[b, 1:2, :]
        zj = cr[b, 2:3, :]
        dx = xi - xj
        dy = yi - yj
        dz = zi - zj
        r2 = dx * dx + dy * dy + dz * dz
        x2 = sig2 / jnp.maximum(r2, 0.09)
        x6 = x2 * x2 * x2
        e = ep * x6 * (x6 - 2.0)
        good = okm & (r2 <= cut2)
        csums.append(jnp.sum(jnp.where(good, e, 0.0), axis=0, keepdims=True))
    out_ref[...] = jnp.concatenate(csums, axis=0).reshape(1, _B, _TI)


def _vdw_tc(cc, cr, sigc, sigr, epsc, epsr, mask_i8, rel_i8):
    return pl.pallas_call(
        _vdw_tile,
        grid=(_TRI,),
        in_specs=[
            pl.BlockSpec((_B, _TI, 3), lambda t: (0, _tri_i(t), 0)),
            pl.BlockSpec((_B, 3, _TI), lambda t: (0, 0, _tri_j(t))),
            pl.BlockSpec((_TI, 1), lambda t: (_tri_i(t), 0)),
            pl.BlockSpec((1, _TI), lambda t: (0, _tri_j(t))),
            pl.BlockSpec((_TI, 1), lambda t: (_tri_i(t), 0)),
            pl.BlockSpec((1, _TI), lambda t: (0, _tri_j(t))),
            pl.BlockSpec((1, _TI, _TI), lambda t: (_tri_i(t), 0, _tri_j(t))),
            pl.BlockSpec((1, _TI, _TI), lambda t: (_tri_i(t), 0, _tri_j(t))),
        ],
        out_specs=pl.BlockSpec((1, _B, _TI), lambda t: (t, 0, 0)),
        out_shape=jax.ShapeDtypeStruct((_TRI, _B, _TI), jnp.float32),
        cost_estimate=pl.CostEstimate(
            flops=200_000_000, transcendentals=0, bytes_accessed=30_000_000),
    )(cc, cr, sigc, sigr, epsc, epsr, mask_i8, rel_i8)


def kernel(coords, bond_index, bond_rest_length, bond_force_constant,
           angle_index, angle_force_constant, angle_c0, angle_c1, angle_c2,
           angle_order, torsion_index, torsion_force_constant, torsion_order,
           torsion_cos_term, inversion_index, inversion_force_constant,
           inversion_c0, inversion_c1, inversion_c2, vdw_sigma, vdw_epsilon,
           vdw_mask, nonbond_relation):
    c = coords.astype(jnp.float32)
    part = _sc_bonded(
        c.reshape(_B * _N * 3),
        bond_index.astype(_i32).reshape(_NB * 2),
        bond_rest_length, bond_force_constant,
        angle_index.astype(_i32).reshape(_NA * 3), angle_force_constant,
        angle_c0, angle_c1, angle_c2, angle_order.astype(_i32),
        torsion_index.astype(_i32).reshape(_NT * 4),
        torsion_force_constant, torsion_order.astype(_i32), torsion_cos_term,
        inversion_index.astype(_i32).reshape(_NI * 4),
        inversion_force_constant, inversion_c0, inversion_c1, inversion_c2)
    e_bonded = part.reshape(_NW, _B, _L).sum(axis=(0, 2))

    vparts = _vdw_tc(
        c, c.transpose(0, 2, 1),
        vdw_sigma.reshape(_N, 1), vdw_sigma.reshape(1, _N),
        vdw_epsilon.reshape(_N, 1), vdw_epsilon.reshape(1, _N),
        vdw_mask.astype(jnp.int8).reshape(_NTI, _TI, _N),
        nonbond_relation.astype(_i32).reshape(_NTI, _TI, _N))
    e_vdw = vparts.sum(axis=(0, 2))
    return e_bonded + e_vdw

# --- scband reference (transcript-rebuilt; emitter-appended) ---
"""Pipeline reference for scband-ufftorch-2379411882041 (READ-ONLY COPY).

The authoritative reference and input builder live on the scoring server;
editing this copy changes nothing except your own understanding.
"""

import jax, jax.numpy as jnp
import numpy as np

N = 2048
B = 2
NB = 4096
NA = 8192
NT = 12288
NI = 2048
VDW_MULT = 2.5
MAX_CUT = 10.0
BOX = 40.0


def setup_inputs(seed: int = 0) -> dict:
    key = jax.random.key(seed)
    ks = jax.random.split(key, 24)
    coords = jax.random.uniform(ks[0], (B, N, 3), jnp.float32, 0.0, BOX)
    bond_index = jax.random.randint(ks[1], (NB, 2), 0, N)
    bond_rest_length = jax.random.uniform(ks[2], (NB,), jnp.float32, 1.0, 1.8)
    bond_force_constant = jax.random.uniform(ks[3], (NB,), jnp.float32, 300.0, 700.0)
    angle_index = jax.random.randint(ks[4], (NA, 3), 0, N)
    angle_force_constant = jax.random.uniform(ks[5], (NA,), jnp.float32, 50.0, 200.0)
    angle_c0 = jax.random.uniform(ks[6], (NA,), jnp.float32, 0.5, 2.0)
    angle_c1 = jax.random.uniform(ks[7], (NA,), jnp.float32, -1.0, 1.0)
    angle_c2 = jax.random.uniform(ks[8], (NA,), jnp.float32, -1.0, 1.0)
    angle_order = jax.random.randint(ks[9], (NA,), 0, 5)
    torsion_index = jax.random.randint(ks[10], (NT, 4), 0, N)
    torsion_force_constant = jax.random.uniform(ks[11], (NT,), jnp.float32, 1.0, 20.0)
    torsion_order = jax.random.randint(ks[12], (NT,), 1, 7)
    torsion_cos_term = jnp.where(jax.random.bernoulli(ks[13], 0.5, (NT,)), 1.0, -1.0).astype(jnp.float32)
    inversion_index = jax.random.randint(ks[14], (NI, 4), 0, N)
    inversion_force_constant = jax.random.uniform(ks[15], (NI,), jnp.float32, 1.0, 40.0)
    inversion_c0 = jax.random.uniform(ks[16], (NI,), jnp.float32, 0.5, 2.0)
    inversion_c1 = jax.random.uniform(ks[17], (NI,), jnp.float32, -1.0, 1.0)
    inversion_c2 = jax.random.uniform(ks[18], (NI,), jnp.float32, -1.0, 1.0)
    vdw_sigma = jax.random.uniform(ks[19], (N,), jnp.float32, 2.5, 4.0)
    vdw_epsilon = jax.random.uniform(ks[20], (N,), jnp.float32, 0.05, 0.3)
    vdw_mask = jax.random.bernoulli(ks[21], 0.95, (N, N))
    nonbond_relation = jax.random.randint(ks[22], (N, N), 0, 6)
    return {"coords": coords, "bond_index": bond_index, "bond_rest_length": bond_rest_length, "bond_force_constant": bond_force_constant, "angle_index": angle_index, "angle_force_constant": angle_force_constant, "angle_c0": angle_c0, "angle_c1": angle_c1, "angle_c2": angle_c2, "angle_order": angle_order, "torsion_index": torsion_index, "torsion_force_constant": torsion_force_constant, "torsion_order": torsion_order, "torsion_cos_term": torsion_cos_term, "inversion_index": inversion_index, "inversion_force_constant": inversion_force_constant, "inversion_c0": inversion_c0, "inversion_c1": inversion_c1, "inversion_c2": inversion_c2, "vdw_sigma": vdw_sigma, "vdw_epsilon": vdw_epsilon, "vdw_mask": vdw_mask, "nonbond_relation": nonbond_relation}


def _bond_energy(coords, idx, rest, kf):
    d = coords[:, idx[:, 0], :] - coords[:, idx[:, 1], :]
    dist = jnp.sqrt(jnp.sum(d * d, -1))
    s = dist - rest[None, :]
    return jnp.sum(0.5 * kf[None, :] * s * s, -1)


def _angle_energy(coords, idx, kf, c0, c1, c2, order_i):
    p1 = coords[:, idx[:, 0], :]
    p2 = coords[:, idx[:, 1], :]
    p3 = coords[:, idx[:, 2], :]
    v1 = p1 - p2
    v2 = p3 - p2
    dot = jnp.sum(v1 * v2, -1)
    d1 = jnp.sum(v1 * v1, -1)
    d2 = jnp.sum(v2 * v2, -1)
    inv = 1.0 / jnp.sqrt(jnp.clip(d1 * d2, 1e-24, None))
    cos_t = jnp.clip(dot * inv, -0.999999, 0.999999)
    sin_sq = jnp.clip(1.0 - cos_t * cos_t, 1e-12, None)
    cos2 = cos_t * cos_t - sin_sq
    e_term = c0[None, :] + c1[None, :] * cos_t + c2[None, :] * cos2
    order = jnp.broadcast_to(order_i.astype(coords.dtype)[None, :], cos_t.shape)
    cos_sq = cos_t * cos_t
    terms = jnp.zeros_like(cos_t)
    terms = jnp.where(order == 1.0, -cos_t, terms)
    terms = jnp.where(order == 2.0, cos2, terms)
    terms = jnp.where(order == 3.0, cos_t * (cos_sq - 3.0 * sin_sq), terms)
    terms = jnp.where(order == 4.0, cos_sq * cos_sq - 6.0 * cos_sq * sin_sq + sin_sq * sin_sq, terms)
    denom = jnp.clip(order * order, 1.0, None)
    repl = (1.0 - terms) / denom
    e_term = jnp.where(order > 0.0, repl, e_term)
    return jnp.sum(kf[None, :] * e_term, -1)


def _torsion_energy(coords, idx, kf, order_i, cos_term):
    p1 = coords[:, idx[:, 0], :]
    p2 = coords[:, idx[:, 1], :]
    p3 = coords[:, idx[:, 2], :]
    p4 = coords[:, idx[:, 3], :]
    r1 = p1 - p2
    r2 = p3 - p2
    r3 = p2 - p3
    r4 = p4 - p3
    t1 = jnp.cross(r1, r2)
    t2 = jnp.cross(r3, r4)
    d1 = jnp.sum(t1 * t1, -1)
    d2 = jnp.sum(t2 * t2, -1)
    inv = 1.0 / jnp.sqrt(jnp.clip(d1 * d2, 1e-24, None))
    cos_phi = jnp.clip(jnp.sum(t1 * t2, -1) * inv, -0.999999, 0.999999)
    sin_sq = jnp.clip(1.0 - cos_phi * cos_phi, 1e-12, None)
    order = jnp.broadcast_to(order_i[None, :], cos_phi.shape)
    cos_sq = cos_phi * cos_phi
    cnp = jnp.zeros_like(cos_phi)
    cnp = jnp.where(order == 1, cos_phi, cnp)
    cnp = jnp.where(order == 2, 1.0 - 2.0 * sin_sq, cnp)
    cnp = jnp.where(order == 3, cos_phi * (cos_sq - 3.0 * sin_sq), cnp)
    cnp = jnp.where(order == 4, cos_sq * cos_sq - 6.0 * cos_sq * sin_sq + sin_sq * sin_sq, cnp)
    cnp = jnp.where(order == 6, 32.0 * cos_sq ** 3 - 48.0 * cos_sq ** 2 + 18.0 * cos_sq - 1.0, cnp)
    return jnp.sum(0.5 * kf[None, :] * (1.0 - cos_term[None, :] * cnp), -1)


def _inversion_energy(coords, idx, kf, c0, c1, c2):
    pi = coords[:, idx[:, 0], :]
    pj = coords[:, idx[:, 1], :]
    pk = coords[:, idx[:, 2], :]
    pl = coords[:, idx[:, 3], :]
    rji = pj - pi
    rki = pk - pi
    rli = pl - pi
    nrm = jnp.cross(rji, rki)
    nn = jnp.sqrt(jnp.clip(jnp.sum(nrm * nrm, -1), 1e-24, None))
    ln = jnp.sqrt(jnp.clip(jnp.sum(rli * rli, -1), 1e-24, None))
    sin_w = jnp.clip(jnp.sum(nrm * rli, -1) / (nn * ln), -0.999999, 0.999999)
    cos_w = jnp.sqrt(jnp.clip(1.0 - sin_w * sin_w, 1e-12, None))
    cos2w = 2.0 * cos_w * cos_w - 1.0
    return jnp.sum(kf[None, :] * (c0[None, :] + c1[None, :] * cos_w + c2[None, :] * cos2w), -1)


def _vdw_energy(coords, sigma, eps, mask, relation):
    diff = coords[:, :, None, :] - coords[:, None, :, :]
    r = jnp.sqrt(jnp.clip(jnp.sum(diff * diff, -1), 1e-6, None))
    sig = jnp.sqrt(sigma[:, None] * sigma[None, :])
    ep = jnp.sqrt(eps[:, None] * eps[None, :])
    cutoff = jnp.minimum(VDW_MULT * sig, MAX_CUT)
    x = sig[None, :, :] / jnp.maximum(r, 0.3)
    x6 = x ** 6
    e = ep[None, :, :] * (x6 * x6 - 2.0 * x6)
    iu = jnp.triu(jnp.ones((N, N), dtype=bool), 1)
    pm = mask & (relation >= 3) & iu
    e = jnp.where(pm[None, :, :] & (r <= cutoff[None, :, :]), e, 0.0)
    return jnp.sum(e, axis=(-1, -2))


def reference(coords, bond_index, bond_rest_length, bond_force_constant, angle_index, angle_force_constant, angle_c0, angle_c1, angle_c2, angle_order, torsion_index, torsion_force_constant, torsion_order, torsion_cos_term, inversion_index, inversion_force_constant, inversion_c0, inversion_c1, inversion_c2, vdw_sigma, vdw_epsilon, vdw_mask, nonbond_relation):
    e = _bond_energy(coords, bond_index, bond_rest_length, bond_force_constant)
    e = e + _angle_energy(coords, angle_index, angle_force_constant, angle_c0, angle_c1, angle_c2, angle_order)
    e = e + _torsion_energy(coords, torsion_index, torsion_force_constant, torsion_order, torsion_cos_term)
    e = e + _inversion_energy(coords, inversion_index, inversion_force_constant, inversion_c0, inversion_c1, inversion_c2)
    e = e + _vdw_energy(coords, vdw_sigma, vdw_epsilon, vdw_mask, nonbond_relation)
    return e

if __name__ == "__main__":
    import jax
    _d = setup_inputs()
    print(jax.jit(kernel)(*tuple(_d.values())))

</pallas_src>

<mosaic_0001>
#map = affine_map<(d0, d1) -> (0)>
#map1 = affine_map<(d0, d1) -> (0, 0)>
module attributes {stable_mosaic.version = 14 : i64} {
  func.func @body(%arg0: i32, %arg1: i32, %arg2: memref<12288xf32, #tpu.memory_space<hbm>>, %arg3: memref<8192xi32, #tpu.memory_space<hbm>>, %arg4: memref<4096xf32, #tpu.memory_space<hbm>>, %arg5: memref<4096xf32, #tpu.memory_space<hbm>>, %arg6: memref<24576xi32, #tpu.memory_space<hbm>>, %arg7: memref<8192xf32, #tpu.memory_space<hbm>>, %arg8: memref<8192xf32, #tpu.memory_space<hbm>>, %arg9: memref<8192xf32, #tpu.memory_space<hbm>>, %arg10: memref<8192xf32, #tpu.memory_space<hbm>>, %arg11: memref<8192xi32, #tpu.memory_space<hbm>>, %arg12: memref<49152xi32, #tpu.memory_space<hbm>>, %arg13: memref<12288xf32, #tpu.memory_space<hbm>>, %arg14: memref<12288xi32, #tpu.memory_space<hbm>>, %arg15: memref<12288xf32, #tpu.memory_space<hbm>>, %arg16: memref<8192xi32, #tpu.memory_space<hbm>>, %arg17: memref<2048xf32, #tpu.memory_space<hbm>>, %arg18: memref<2048xf32, #tpu.memory_space<hbm>>, %arg19: memref<2048xf32, #tpu.memory_space<hbm>>, %arg20: memref<2048xf32, #tpu.memory_space<hbm>>, %arg21: memref<32x32xf32, #tpu.memory_space<hbm>>, %arg22: memref<12288xf32, #tpu.memory_space<vmem>>, %arg23: memref<256xi32, #tpu.memory_space<vmem>>, %arg24: memref<128xf32, #tpu.memory_space<vmem>>, %arg25: memref<128xf32, #tpu.memory_space<vmem>>, %arg26: memref<768xi32, #tpu.memory_space<vmem>>, %arg27: memref<256xf32, #tpu.memory_space<vmem>>, %arg28: memref<256xf32, #tpu.memory_space<vmem>>, %arg29: memref<256xf32, #tpu.memory_space<vmem>>, %arg30: memref<256xf32, #tpu.memory_space<vmem>>, %arg31: memref<256xi32, #tpu.memory_space<vmem>>, %arg32: memref<1536xi32, #tpu.memory_space<vmem>>, %arg33: memref<384xf32, #tpu.memory_space<vmem>>, %arg34: memref<384xi32, #tpu.memory_space<vmem>>, %arg35: memref<384xf32, #tpu.memory_space<vmem>>, %arg36: memref<256xi32, #tpu.memory_space<vmem>>, %arg37: memref<64xf32, #tpu.memory_space<vmem>>, %arg38: memref<64xf32, #tpu.memory_space<vmem>>, %arg39: memref<64xf32, #tpu.memory_space<vmem>>, %arg40: memref<64xf32, #tpu.memory_space<vmem>>, %arg41: memref<32xf32, #tpu.memory_space<vmem>>, %arg42: memref<!tpu.dma_semaphore, #tpu.memory_space<semaphore_mem>>) attributes {dimension_semantics = [#tpu.dimension_semantics<core_parallel>, #tpu.dimension_semantics<subcore_parallel>], iteration_bounds = array<i64: 2, 16>, scalar_prefetch = 0 : i64, scratch_operands = 21 : i64, tpu.core_type = #tpu.core_type<sc_vector_subcore>, window_params = [{transform_indices = #map}, {transform_indices = #map}, {transform_indices = #map}, {transform_indices = #map}, {transform_indices = #map}, {transform_indices = #map}, {transform_indices = #map}, {transform_indices = #map}, {transform_indices = #map}, {transform_indices = #map}, {transform_indices = #map}, {transform_indices = #map}, {transform_indices = #map}, {transform_indices = #map}, {transform_indices = #map}, {transform_indices = #map}, {transform_indices = #map}, {transform_indices = #map}, {transform_indices = #map}, {transform_indices = #map1}]} {
    %mul3A = arith.constant 2 : i32
    %mul3A_0 = arith.muli %arg1, %mul3A : i32
    %add3A = arith.addi %mul3A_0, %arg0 : i32
    %mul3A_1 = arith.constant 128 : i32
    %mul3A_2 = arith.muli %add3A, %mul3A_1 : i32
    %mul3A_3 = arith.constant 256 : i32
    %mul3A_4 = arith.muli %add3A, %mul3A_3 : i32
    %mul3A_5 = arith.constant 384 : i32
    %mul3A_6 = arith.muli %add3A, %mul3A_5 : i32
    %mul3A_7 = arith.constant 64 : i32
    %mul3A_8 = arith.muli %add3A, %mul3A_7 : i32
    tpu.enqueue_dma source(%arg2 : memref<12288xf32, #tpu.memory_space<hbm>>) target(%arg22 : memref<12288xf32, #tpu.memory_space<vmem>>) target_semaphore(%arg42 : memref<!tpu.dma_semaphore, #tpu.memory_space<semaphore_mem>>)
    %mul3A_9 = arith.constant 2 : i32
    %mul3A_10 = arith.muli %mul3A_2, %mul3A_9 : i32
    %dma_start3A = tpu.memref_slice %arg3[%mul3A_10] : memref<8192xi32, #tpu.memory_space<hbm>> -> memref<256xi32, #tpu.memory_space<hbm>>
    %dma_start3A_11 = tpu.memref_slice %arg3[%mul3A_10] : memref<8192xi32, #tpu.memory_space<hbm>> -> memref<256xi32, #tpu.memory_space<hbm>>
    tpu.enqueue_dma source(%dma_start3A_11 : memref<256xi32, #tpu.memory_space<hbm>>) target(%arg23 : memref<256xi32, #tpu.memory_space<vmem>>) target_semaphore(%arg42 : memref<!tpu.dma_semaphore, #tpu.memory_space<semaphore_mem>>)
    %dma_start3A_12 = tpu.memref_slice %arg4[%mul3A_2] : memref<4096xf32, #tpu.memory_space<hbm>> -> memref<128xf32, #tpu.memory_space<hbm>>
    %dma_start3A_13 = tpu.memref_slice %arg4[%mul3A_2] : memref<4096xf32, #tpu.memory_space<hbm>> -> memref<128xf32, #tpu.memory_space<hbm>>
    tpu.enqueue_dma source(%dma_start3A_13 : memref<128xf32, #tpu.memory_space<hbm>>) target(%arg24 : memref<128xf32, #tpu.memory_space<vmem>>) target_semaphore(%arg42 : memref<!tpu.dma_semaphore, #tpu.memory_space<semaphore_mem>>)
    %dma_start3A_14 = tpu.memref_slice %arg5[%mul3A_2] : memref<4096xf32, #tpu.memory_space<hbm>> -> memref<128xf32, #tpu.memory_space<hbm>>
    %dma_start3A_15 = tpu.memref_slice %arg5[%mul3A_2] : memref<4096xf32, #tpu.memory_space<hbm>> -> memref<128xf32, #tpu.memory_space<hbm>>
    tpu.enqueue_dma source(%dma_start3A_15 : memref<128xf32, #tpu.memory_space<hbm>>) target(%arg25 : memref<128xf32, #tpu.memory_space<vmem>>) target_semaphore(%arg42 : memref<!tpu.dma_semaphore, #tpu.memory_space<semaphore_mem>>)
    %mul3A_16 = arith.constant 3 : i32
    %mul3A_17 = arith.muli %mul3A_4, %mul3A_16 : i32
    %dma_start3A_18 = tpu.memref_slice %arg6[%mul3A_17] : memref<24576xi32, #tpu.memory_space<hbm>> -> memref<768xi32, #tpu.memory_space<hbm>>
    %dma_start3A_19 = tpu.memref_slice %arg6[%mul3A_17] : memref<24576xi32, #tpu.memory_space<hbm>> -> memref<768xi32, #tpu.memory_space<hbm>>
    tpu.enqueue_dma source(%dma_start3A_19 : memref<768xi32, #tpu.memory_space<hbm>>) target(%arg26 : memref<768xi32, #tpu.memory_space<vmem>>) target_semaphore(%arg42 : memref<!tpu.dma_semaphore, #tpu.memory_space<semaphore_mem>>)
    %dma_start3A_20 = tpu.memref_slice %arg7[%mul3A_4] : memref<8192xf32, #tpu.memory_space<hbm>> -> memref<256xf32, #tpu.memory_space<hbm>>
    %dma_start3A_21 = tpu.memref_slice %arg7[%mul3A_4] : memref<8192xf32, #tpu.memory_space<hbm>> -> memref<256xf32, #tpu.memory_space<hbm>>
    tpu.enqueue_dma source(%dma_start3A_21 : memref<256xf32, #tpu.memory_space<hbm>>) target(%arg27 : memref<256xf32, #tpu.memory_space<vmem>>) target_semaphore(%arg42 : memref<!tpu.dma_semaphore, #tpu.memory_space<semaphore_mem>>)
    %dma_start3A_22 = tpu.memref_slice %arg8[%mul3A_4] : memref<8192xf32, #tpu.memory_space<hbm>> -> memref<256xf32, #tpu.memory_space<hbm>>
    %dma_start3A_23 = tpu.memref_slice %arg8[%mul3A_4] : memref<8192xf32, #tpu.memory_space<hbm>> -> memref<256xf32, #tpu.memory_space<hbm>>
    tpu.enqueue_dma source(%dma_start3A_23 : memref<256xf32, #tpu.memory_space<hbm>>) target(%arg28 : memref<256xf32, #tpu.memory_space<vmem>>) target_semaphore(%arg42 : memref<!tpu.dma_semaphore, #tpu.memory_space<semaphore_mem>>)
    %dma_start3A_24 = tpu.memref_slice %arg9[%mul3A_4] : memref<8192xf32, #tpu.memory_space<hbm>> -> memref<256xf32, #tpu.memory_space<hbm>>
    %dma_start3A_25 = tpu.memref_slice %arg9[%mul3A_4] : memref<8192xf32, #tpu.memory_space<hbm>> -> memref<256xf32, #tpu.memory_space<hbm>>
    tpu.enqueue_dma source(%dma_start3A_25 : memref<256xf32, #tpu.memory_space<hbm>>) target(%arg29 : memref<256xf32, #tpu.memory_space<vmem>>) target_semaphore(%arg42 : memref<!tpu.dma_semaphore, #tpu.memory_space<semaphore_mem>>)
    %dma_start3A_26 = tpu.memref_slice %arg10[%mul3A_4] : memref<8192xf32, #tpu.memory_space<hbm>> -> memref<256xf32, #tpu.memory_space<hbm>>
    %dma_start3A_27 = tpu.memref_slice %arg10[%mul3A_4] : memref<8192xf32, #tpu.memory_space<hbm>> -> memref<256xf32, #tpu.memory_space<hbm>>
    tpu.enqueue_dma source(%dma_start3A_27 : memref<256xf32, #tpu.memory_space<hbm>>) target(%arg30 : memref<256xf32, #tpu.memory_space<vmem>>) target_semaphore(%arg42 : memref<!tpu.dma_semaphore, #tpu.memory_space<semaphore_mem>>)
    %dma_start3A_28 = tpu.memref_slice %arg11[%mul3A_4] : memref<8192xi32, #tpu.memory_space<hbm>> -> memref<256xi32, #tpu.memory_space<hbm>>
    %dma_start3A_29 = tpu.memref_slice %arg11[%mul3A_4] : memref<8192xi32, #tpu.memory_space<hbm>> -> memref<256xi32, #tpu.memory_space<hbm>>
    tpu.enqueue_dma source(%dma_start3A_29 : memref<256xi32, #tpu.memory_space<hbm>>) target(%arg31 : memref<256xi32, #tpu.memory_space<vmem>>) target_semaphore(%arg42 : memref<!tpu.dma_semaphore, #tpu.memory_space<semaphore_mem>>)
    %mul3A_30 = arith.constant 4 : i32
    %mul3A_31 = arith.muli %mul3A_6, %mul3A_30 : i32
    %dma_start3A_32 = tpu.memref_slice %arg12[%mul3A_31] : memref<49152xi32, #tpu.memory_space<hbm>> -> memref<1536xi32, #tpu.memory_space<hbm>>
    %dma_start3A_33 = tpu.memref_slice %arg12[%mul3A_31] : memref<49152xi32, #tpu.memory_space<hbm>> -> memref<1536xi32, #tpu.memory_space<hbm>>
    tpu.enqueue_dma source(%dma_start3A_33 : memref<1536xi32, #tpu.memory_space<hbm>>) target(%arg32 : memref<1536xi32, #tpu.memory_space<vmem>>) target_semaphore(%arg42 : memref<!tpu.dma_semaphore, #tpu.memory_space<semaphore_mem>>)
    %dma_start3A_34 = tpu.memref_slice %arg13[%mul3A_6] : memref<12288xf32, #tpu.memory_space<hbm>> -> memref<384xf32, #tpu.memory_space<hbm>>
    %dma_start3A_35 = tpu.memref_slice %arg13[%mul3A_6] : memref<12288xf32, #tpu.memory_space<hbm>> -> memref<384xf32, #tpu.memory_space<hbm>>
    tpu.enqueue_dma source(%dma_start3A_35 : memref<384xf32, #tpu.memory_space<hbm>>) target(%arg33 : memref<384xf32, #tpu.memory_space<vmem>>) target_semaphore(%arg42 : memref<!tpu.dma_semaphore, #tpu.memory_space<semaphore_mem>>)
    %dma_start3A_36 = tpu.memref_slice %arg14[%mul3A_6] : memref<12288xi32, #tpu.memory_space<hbm>> -> memref<384xi32, #tpu.memory_space<hbm>>
    %dma_start3A_37 = tpu.memref_slice %arg14[%mul3A_6] : memref<12288xi32, #tpu.memory_space<hbm>> -> memref<384xi32, #tpu.memory_space<hbm>>
    tpu.enqueue_dma source(%dma_start3A_37 : memref<384xi32, #tpu.memory_space<hbm>>) target(%arg34 : memref<384xi32, #tpu.memory_space<vmem>>) target_semaphore(%arg42 : memref<!tpu.dma_semaphore, #tpu.memory_space<semaphore_mem>>)
    %dma_start3A_38 = tpu.memref_slice %arg15[%mul3A_6] : memref<12288xf32, #tpu.memory_space<hbm>> -> memref<384xf32, #tpu.memory_space<hbm>>
    %dma_start3A_39 = tpu.memref_slice %arg15[%mul3A_6] : memref<12288xf32, #tpu.memory_space<hbm>> -> memref<384xf32, #tpu.memory_space<hbm>>
    tpu.enqueue_dma source(%dma_start3A_39 : memref<384xf32, #tpu.memory_space<hbm>>) target(%arg35 : memref<384xf32, #tpu.memory_space<vmem>>) target_semaphore(%arg42 : memref<!tpu.dma_semaphore, #tpu.memory_space<semaphore_mem>>)
    %mul3A_40 = arith.constant 4 : i32
    %mul3A_41 = arith.muli %mul3A_8, %mul3A_40 : i32
    %dma_start3A_42 = tpu.memref_slice %arg16[%mul3A_41] : memref<8192xi32, #tpu.memory_space<hbm>> -> memref<256xi32, #tpu.memory_space<hbm>>
    %dma_start3A_43 = tpu.memref_slice %arg16[%mul3A_41] : memref<8192xi32, #tpu.memory_space<hbm>> -> memref<256xi32, #tpu.memory_space<hbm>>
    tpu.enqueue_dma source(%dma_start3A_43 : memref<256xi32, #tpu.memory_space<hbm>>) target(%arg36 : memref<256xi32, #tpu.memory_space<vmem>>) target_semaphore(%arg42 : memref<!tpu.dma_semaphore, #tpu.memory_space<semaphore_mem>>)
    %dma_start3A_44 = tpu.memref_slice %arg17[%mul3A_8] : memref<2048xf32, #tpu.memory_space<hbm>> -> memref<64xf32, #tpu.memory_space<hbm>>
    %dma_start3A_45 = tpu.memref_slice %arg17[%mul3A_8] : memref<2048xf32, #tpu.memory_space<hbm>> -> memref<64xf32, #tpu.memory_space<hbm>>
    tpu.enqueue_dma source(%dma_start3A_45 : memref<64xf32, #tpu.memory_space<hbm>>) target(%arg37 : memref<64xf32, #tpu.memory_space<vmem>>) target_semaphore(%arg42 : memref<!tpu.dma_semaphore, #tpu.memory_space<semaphore_mem>>)
    %dma_start3A_46 = tpu.memref_slice %arg18[%mul3A_8] : memref<2048xf32, #tpu.memory_space<hbm>> -> memref<64xf32, #tpu.memory_space<hbm>>
    %dma_start3A_47 = tpu.memref_slice %arg18[%mul3A_8] : memref<2048xf32, #tpu.memory_space<hbm>> -> memref<64xf32, #tpu.memory_space<hbm>>
    tpu.enqueue_dma source(%dma_start3A_47 : memref<64xf32, #tpu.memory_space<hbm>>) target(%arg38 : memref<64xf32, #tpu.memory_space<vmem>>) target_semaphore(%arg42 : memref<!tpu.dma_semaphore, #tpu.memory_space<semaphore_mem>>)
    %dma_start3A_48 = tpu.memref_slice %arg19[%mul3A_8] : memref<2048xf32, #tpu.memory_space<hbm>> -> memref<64xf32, #tpu.memory_space<hbm>>
    %dma_start3A_49 = tpu.memref_slice %arg19[%mul3A_8] : memref<2048xf32, #tpu.memory_space<hbm>> -> memref<64xf32, #tpu.memory_space<hbm>>
    tpu.enqueue_dma source(%dma_start3A_49 : memref<64xf32, #tpu.memory_space<hbm>>) target(%arg39 : memref<64xf32, #tpu.memory_space<vmem>>) target_semaphore(%arg42 : memref<!tpu.dma_semaphore, #tpu.memory_space<semaphore_mem>>)
    %dma_start3A_50 = tpu.memref_slice %arg20[%mul3A_8] : memref<2048xf32, #tpu.memory_space<hbm>> -> memref<64xf32, #tpu.memory_space<hbm>>
    %dma_start3A_51 = tpu.memref_slice %arg20[%mul3A_8] : memref<2048xf32, #tpu.memory_space<hbm>> -> memref<64xf32, #tpu.memory_space<hbm>>
    tpu.enqueue_dma source(%dma_start3A_51 : memref<64xf32, #tpu.memory_space<hbm>>) target(%arg40 : memref<64xf32, #tpu.memory_space<vmem>>) target_semaphore(%arg42 : memref<!tpu.dma_semaphore, #tpu.memory_space<semaphore_mem>>)
    tpu.wait_dma2 semaphore(%arg42 : memref<!tpu.dma_semaphore, #tpu.memory_space<semaphore_mem>>) src(%arg2 : memref<12288xf32, #tpu.memory_space<hbm>>) dst(%arg22 : memref<12288xf32, #tpu.memory_space<vmem>>)
    %dma_wait3A = tpu.memref_slice %arg3[%mul3A_10] : memref<8192xi32, #tpu.memory_space<hbm>> -> memref<256xi32, #tpu.memory_space<hbm>>
    %dma_wait3A_52 = tpu.memref_slice %arg3[%mul3A_10] : memref<8192xi32, #tpu.memory_space<hbm>> -> memref<256xi32, #tpu.memory_space<hbm>>
    tpu.wait_dma2 semaphore(%arg42 : memref<!tpu.dma_semaphore, #tpu.memory_space<semaphore_mem>>) src(%dma_wait3A_52 : memref<256xi32, #tpu.memory_space<hbm>>) dst(%arg23 : memref<256xi32, #tpu.memory_space<vmem>>)
    %dma_wait3A_53 = tpu.memref_slice %arg4[%mul3A_2] : memref<4096xf32, #tpu.memory_space<hbm>> -> memref<128xf32, #tpu.memory_space<hbm>>
    %dma_wait3A_54 = tpu.memref_slice %arg4[%mul3A_2] : memref<4096xf32, #tpu.memory_space<hbm>> -> memref<128xf32, #tpu.memory_space<hbm>>
    tpu.wait_dma2 semaphore(%arg42 : memref<!tpu.dma_semaphore, #tpu.memory_space<semaphore_mem>>) src(%dma_wait3A_54 : memref<128xf32, #tpu.memory_space<hbm>>) dst(%arg24 : memref<128xf32, #tpu.memory_space<vmem>>)
    %dma_wait3A_55 = tpu.memref_slice %arg5[%mul3A_2] : memref<4096xf32, #tpu.memory_space<hbm>> -> memref<128xf32, #tpu.memory_space<hbm>>
    %dma_wait3A_56 = tpu.memref_slice %arg5[%mul3A_2] : memref<4096xf32, #tpu.memory_space<hbm>> -> memref<128xf32, #tpu.memory_space<hbm>>
    tpu.wait_dma2 semaphore(%arg42 : memref<!tpu.dma_semaphore, #tpu.memory_space<semaphore_mem>>) src(%dma_wait3A_56 : memref<128xf32, #tpu.memory_space<hbm>>) dst(%arg25 : memref<128xf32, #tpu.memory_space<vmem>>)
    %dma_wait3A_57 = tpu.memref_slice %arg6[%mul3A_17] : memref<24576xi32, #tpu.memory_space<hbm>> -> memref<768xi32, #tpu.memory_space<hbm>>
    %dma_wait3A_58 = tpu.memref_slice %arg6[%mul3A_17] : memref<24576xi32, #tpu.memory_space<hbm>> -> memref<768xi32, #tpu.memory_space<hbm>>
    tpu.wait_dma2 semaphore(%arg42 : memref<!tpu.dma_semaphore, #tpu.memory_space<semaphore_mem>>) src(%dma_wait3A_58 : memref<768xi32, #tpu.memory_space<hbm>>) dst(%arg26 : memref<768xi32, #tpu.memory_space<vmem>>)
    %dma_wait3A_59 = tpu.memref_slice %arg7[%mul3A_4] : memref<8192xf32, #tpu.memory_space<hbm>> -> memref<256xf32, #tpu.memory_space<hbm>>
    %dma_wait3A_60 = tpu.memref_slice %arg7[%mul3A_4] : memref<8192xf32, #tpu.memory_space<hbm>> -> memref<256xf32, #tpu.memory_space<hbm>>
    tpu.wait_dma2 semaphore(%arg42 : memref<!tpu.dma_semaphore, #tpu.memory_space<semaphore_mem>>) src(%dma_wait3A_60 : memref<256xf32, #tpu.memory_space<hbm>>) dst(%arg27 : memref<256xf32, #tpu.memory_space<vmem>>)
    %dma_wait3A_61 = tpu.memref_slice %arg8[%mul3A_4] : memref<8192xf32, #tpu.memory_space<hbm>> -> memref<256xf32, #tpu.memory_space<hbm>>
    %dma_wait3A_62 = tpu.memref_slice %arg8[%mul3A_4] : memref<8192xf32, #tpu.memory_space<hbm>> -> memref<256xf32, #tpu.memory_space<hbm>>
    tpu.wait_dma2 semaphore(%arg42 : memref<!tpu.dma_semaphore, #tpu.memory_space<semaphore_mem>>) src(%dma_wait3A_62 : memref<256xf32, #tpu.memory_space<hbm>>) dst(%arg28 : memref<256xf32, #tpu.memory_space<vmem>>)
    %dma_wait3A_63 = tpu.memref_slice %arg9[%mul3A_4] : memref<8192xf32, #tpu.memory_space<hbm>> -> memref<256xf32, #tpu.memory_space<hbm>>
    %dma_wait3A_64 = tpu.memref_slice %arg9[%mul3A_4] : memref<8192xf32, #tpu.memory_space<hbm>> -> memref<256xf32, #tpu.memory_space<hbm>>
    tpu.wait_dma2 semaphore(%arg42 : memref<!tpu.dma_semaphore, #tpu.memory_space<semaphore_mem>>) src(%dma_wait3A_64 : memref<256xf32, #tpu.memory_space<hbm>>) dst(%arg29 : memref<256xf32, #tpu.memory_space<vmem>>)
    %dma_wait3A_65 = tpu.memref_slice %arg10[%mul3A_4] : memref<8192xf32, #tpu.memory_space<hbm>> -> memref<256xf32, #tpu.memory_space<hbm>>
    %dma_wait3A_66 = tpu.memref_slice %arg10[%mul3A_4] : memref<8192xf32, #tpu.memory_space<hbm>> -> memref<256xf32, #tpu.memory_space<hbm>>
    tpu.wait_dma2 semaphore(%arg42 : memref<!tpu.dma_semaphore, #tpu.memory_space<semaphore_mem>>) src(%dma_wait3A_66 : memref<256xf32, #tpu.memory_space<hbm>>) dst(%arg30 : memref<256xf32, #tpu.memory_space<vmem>>)
    %dma_wait3A_67 = tpu.memref_slice %arg11[%mul3A_4] : memref<8192xi32, #tpu.memory_space<hbm>> -> memref<256xi32, #tpu.memory_space<hbm>>
    %dma_wait3A_68 = tpu.memref_slice %arg11[%mul3A_4] : memref<8192xi32, #tpu.memory_space<hbm>> -> memref<256xi32, #tpu.memory_space<hbm>>
    tpu.wait_dma2 semaphore(%arg42 : memref<!tpu.dma_semaphore, #tpu.memory_space<semaphore_mem>>) src(%dma_wait3A_68 : memref<256xi32, #tpu.memory_space<hbm>>) dst(%arg31 : memref<256xi32, #tpu.memory_space<vmem>>)
    %dma_wait3A_69 = tpu.memref_slice %arg12[%mul3A_31] : memref<49152xi32, #tpu.memory_space<hbm>> -> memref<1536xi32, #tpu.memory_space<hbm>>
    %dma_wait3A_70 = tpu.memref_slice %arg12[%mul3A_31] : memref<49152xi32, #tpu.memory_space<hbm>> -> memref<1536xi32, #tpu.memory_space<hbm>>
    tpu.wait_dma2 semaphore(%arg42 : memref<!tpu.dma_semaphore, #tpu.memory_space<semaphore_mem>>) src(%dma_wait3A_70 : memref<1536xi32, #tpu.memory_space<hbm>>) dst(%arg32 : memref<1536xi32, #tpu.memory_space<vmem>>)
    %dma_wait3A_71 = tpu.memref_slice %arg13[%mul3A_6] : memref<12288xf32, #tpu.memory_space<hbm>> -> memref<384xf32, #tpu.memory_space<hbm>>
    %dma_wait3A_72 = tpu.memref_slice %arg13[%mul3A_6] : memref<12288xf32, #tpu.memory_space<hbm>> -> memref<384xf32, #tpu.memory_space<hbm>>
    tpu.wait_dma2 semaphore(%arg42 : memref<!tpu.dma_semaphore, #tpu.memory_space<semaphore_mem>>) src(%dma_wait3A_72 : memref<384xf32, #tpu.memory_space<hbm>>) dst(%arg33 : memref<384xf32, #tpu.memory_space<vmem>>)
    %dma_wait3A_73 = tpu.memref_slice %arg14[%mul3A_6] : memref<12288xi32, #tpu.memory_space<hbm>> -> memref<384xi32, #tpu.memory_space<hbm>>
    %dma_wait3A_74 = tpu.memref_slice %arg14[%mul3A_6] : memref<12288xi32, #tpu.memory_space<hbm>> -> memref<384xi32, #tpu.memory_space<hbm>>
    tpu.wait_dma2 semaphore(%arg42 : memref<!tpu.dma_semaphore, #tpu.memory_space<semaphore_mem>>) src(%dma_wait3A_74 : memref<384xi32, #tpu.memory_space<hbm>>) dst(%arg34 : memref<384xi32, #tpu.memory_space<vmem>>)
    %dma_wait3A_75 = tpu.memref_slice %arg15[%mul3A_6] : memref<12288xf32, #tpu.memory_space<hbm>> -> memref<384xf32, #tpu.memory_space<hbm>>
    %dma_wait3A_76 = tpu.memref_slice %arg15[%mul3A_6] : memref<12288xf32, #tpu.memory_space<hbm>> -> memref<384xf32, #tpu.memory_space<hbm>>
    tpu.wait_dma2 semaphore(%arg42 : memref<!tpu.dma_semaphore, #tpu.memory_space<semaphore_mem>>) src(%dma_wait3A_76 : memref<384xf32, #tpu.memory_space<hbm>>) dst(%arg35 : memref<384xf32, #tpu.memory_space<vmem>>)
    %dma_wait3A_77 = tpu.memref_slice %arg16[%mul3A_41] : memref<8192xi32, #tpu.memory_space<hbm>> -> memref<256xi32, #tpu.memory_space<hbm>>
    %dma_wait3A_78 = tpu.memref_slice %arg16[%mul3A_41] : memref<8192xi32, #tpu.memory_space<hbm>> -> memref<256xi32, #tpu.memory_space<hbm>>
    tpu.wait_dma2 semaphore(%arg42 : memref<!tpu.dma_semaphore, #tpu.memory_space<semaphore_mem>>) src(%dma_wait3A_78 : memref<256xi32, #tpu.memory_space<hbm>>) dst(%arg36 : memref<256xi32, #tpu.memory_space<vmem>>)
    %dma_wait3A_79 = tpu.memref_slice %arg17[%mul3A_8] : memref<2048xf32, #tpu.memory_space<hbm>> -> memref<64xf32, #tpu.memory_space<hbm>>
    %dma_wait3A_80 = tpu.memref_slice %arg17[%mul3A_8] : memref<2048xf32, #tpu.memory_space<hbm>> -> memref<64xf32, #tpu.memory_space<hbm>>
    tpu.wait_dma2 semaphore(%arg42 : memref<!tpu.dma_semaphore, #tpu.memory_space<semaphore_mem>>) src(%dma_wait3A_80 : memref<64xf32, #tpu.memory_space<hbm>>) dst(%arg37 : memref<64xf32, #tpu.memory_space<vmem>>)
    %dma_wait3A_81 = tpu.memref_slice %arg18[%mul3A_8] : memref<2048xf32, #tpu.memory_space<hbm>> -> memref<64xf32, #tpu.memory_space<hbm>>
    %dma_wait3A_82 = tpu.memref_slice %arg18[%mul3A_8] : memref<2048xf32, #tpu.memory_space<hbm>> -> memref<64xf32, #tpu.memory_space<hbm>>
    tpu.wait_dma2 semaphore(%arg42 : memref<!tpu.dma_semaphore, #tpu.memory_space<semaphore_mem>>) src(%dma_wait3A_82 : memref<64xf32, #tpu.memory_space<hbm>>) dst(%arg38 : memref<64xf32, #tpu.memory_space<vmem>>)
    %dma_wait3A_83 = tpu.memref_slice %arg19[%mul3A_8] : memref<2048xf32, #tpu.memory_space<hbm>> -> memref<64xf32, #tpu.memory_space<hbm>>
    %dma_wait3A_84 = tpu.memref_slice %arg19[%mul3A_8] : memref<2048xf32, #tpu.memory_space<hbm>> -> memref<64xf32, #tpu.memory_space<hbm>>
    tpu.wait_dma2 semaphore(%arg42 : memref<!tpu.dma_semaphore, #tpu.memory_space<semaphore_mem>>) src(%dma_wait3A_84 : memref<64xf32, #tpu.memory_space<hbm>>) dst(%arg39 : memref<64xf32, #tpu.memory_space<vmem>>)
    %dma_wait3A_85 = tpu.memref_slice %arg20[%mul3A_8] : memref<2048xf32, #tpu.memory_space<hbm>> -> memref<64xf32, #tpu.memory_space<hbm>>
    %dma_wait3A_86 = tpu.memref_slice %arg20[%mul3A_8] : memref<2048xf32, #tpu.memory_space<hbm>> -> memref<64xf32, #tpu.memory_space<hbm>>
    tpu.wait_dma2 semaphore(%arg42 : memref<!tpu.dma_semaphore, #tpu.memory_space<semaphore_mem>>) src(%dma_wait3A_86 : memref<64xf32, #tpu.memory_space<hbm>>) dst(%arg40 : memref<64xf32, #tpu.memory_space<vmem>>)
    %iota3A = tpu.iota {dimensions = array<i32: 0>} : vector<16xi32>
    %broadcast_in_dim3A = arith.constant 0.000000e+00 : f32
    %broadcast_in_dim3A_87 = vector.broadcast %broadcast_in_dim3A : f32 to vector<16xf32>
    %scan3A = arith.constant 0 : i32
    %scan3A_88 = arith.constant 8 : i32
    %scan3A_89 = arith.addi %scan3A, %scan3A_88 : i32
    %scan3A_90 = arith.constant 1 : i32
    %scan3A_91:2 = scf.for %scan3A_114 = %scan3A to %scan3A_89 step %scan3A_90 iter_args(%scan3A_115 = %broadcast_in_dim3A_87, %scan3A_116 = %broadcast_in_dim3A_87) -> (vector<16xf32>, vector<16xf32>)  : i32 {
      %mul3A_117 = arith.constant 16 : i32
      %mul3A_118 = arith.muli %scan3A_114, %mul3A_117 : i32
      %add3A_119 = vector.broadcast %mul3A_118 : i32 to vector<16xi32>
      %add3A_120 = arith.addi %add3A_119, %iota3A : vector<16xi32>
      %mul3A_121 = arith.constant 2 : i32
      %mul3A_122 = vector.broadcast %mul3A_121 : i32 to vector<16xi32>
      %mul3A_123 = arith.muli %add3A_120, %mul3A_122 : vector<16xi32>
      %add3A_124 = arith.constant 0 : i32
      %add3A_125 = vector.broadcast %add3A_124 : i32 to vector<16xi32>
      %add3A_126 = arith.addi %mul3A_123, %add3A_125 : vector<16xi32>
      %gather3A = tpu.vector_load_idx %arg23[%add3A_126] : memref<256xi32, #tpu.memory_space<vmem>>[vector<16xi32>], vector<16xi32>,
      %add3A_127 = vector.broadcast %mul3A_118 : i32 to vector<16xi32>
      %add3A_128 = arith.addi %add3A_127, %iota3A : vector<16xi32>
      %mul3A_129 = arith.constant 2 : i32
      %mul3A_130 = vector.broadcast %mul3A_129 : i32 to vector<16xi32>
      %mul3A_131 = arith.muli %add3A_128, %mul3A_130 : vector<16xi32>
      %add3A_132 = arith.constant 1 : i32
      %add3A_133 = vector.broadcast %add3A_132 : i32 to vector<16xi32>
      %add3A_134 = arith.addi %mul3A_131, %add3A_133 : vector<16xi32>
      %gather3A_135 = tpu.vector_load_idx %arg23[%add3A_134] : memref<256xi32, #tpu.memory_space<vmem>>[vector<16xi32>], vector<16xi32>,
      %get3A = arith.index_cast %mul3A_118 : i32 to index
      %get3A_136 = tpu.vector_load %arg24[%get3A] {strides = array<i32>} : memref<128xf32, #tpu.memory_space<vmem>>, vector<16xf32>,
      %get3A_137 = arith.index_cast %mul3A_118 : i32 to index
      %get3A_138 = tpu.vector_load %arg25[%get3A_137] {strides = array<i32>} : memref<128xf32, #tpu.memory_space<vmem>>, vector<16xf32>,
      %add3A_139 = arith.constant 0 : i32
      %add3A_140 = vector.broadcast %add3A_139 : i32 to vector<16xi32>
      %add3A_141 = arith.addi %gather3A, %add3A_140 : vector<16xi32>
      %mul3A_142 = arith.constant 3 : i32
      %mul3A_143 = vector.broadcast %mul3A_142 : i32 to vector<16xi32>
      %mul3A_144 = arith.muli %add3A_141, %mul3A_143 : vector<16xi32>
      %gather3A_145 = tpu.vector_load_idx %arg22[%mul3A_144] : memref<12288xf32, #tpu.memory_space<vmem>>[vector<16xi32>], vector<16xf32>,
      %add3A_146 = arith.constant 1 : i32
      %add3A_147 = vector.broadcast %add3A_146 : i32 to vector<16xi32>
      %add3A_148 = arith.addi %mul3A_144, %add3A_147 : vector<16xi32>
      %gather3A_149 = tpu.vector_load_idx %arg22[%add3A_148] : memref<12288xf32, #tpu.memory_space<vmem>>[vector<16xi32>], vector<16xf32>,
      %add3A_150 = arith.constant 2 : i32
      %add3A_151 = vector.broadcast %add3A_150 : i32 to vector<16xi32>
      %add3A_152 = arith.addi %mul3A_144, %add3A_151 : vector<16xi32>
      %gather3A_153 = tpu.vector_load_idx %arg22[%add3A_152] : memref<12288xf32, #tpu.memory_space<vmem>>[vector<16xi32>], vector<16xf32>,
      %add3A_154 = arith.constant 0 : i32
      %add3A_155 = vector.broadcast %add3A_154 : i32 to vector<16xi32>
      %add3A_156 = arith.addi %gather3A_135, %add3A_155 : vector<16xi32>
      %mul3A_157 = arith.constant 3 : i32
      %mul3A_158 = vector.broadcast %mul3A_157 : i32 to vector<16xi32>
      %mul3A_159 = arith.muli %add3A_156, %mul3A_158 : vector<16xi32>
      %gather3A_160 = tpu.vector_load_idx %arg22[%mul3A_159] : memref<12288xf32, #tpu.memory_space<vmem>>[vector<16xi32>], vector<16xf32>,
      %add3A_161 = arith.constant 1 : i32
      %add3A_162 = vector.broadcast %add3A_161 : i32 to vector<16xi32>
      %add3A_163 = arith.addi %mul3A_159, %add3A_162 : vector<16xi32>
      %gather3A_164 = tpu.vector_load_idx %arg22[%add3A_163] : memref<12288xf32, #tpu.memory_space<vmem>>[vector<16xi32>], vector<16xf32>,
      %add3A_165 = arith.constant 2 : i32
      %add3A_166 = vector.broadcast %add3A_165 : i32 to vector<16xi32>
      %add3A_167 = arith.addi %mul3A_159, %add3A_166 : vector<16xi32>
      %gather3A_168 = tpu.vector_load_idx %arg22[%add3A_167] : memref<12288xf32, #tpu.memory_space<vmem>>[vector<16xi32>], vector<16xf32>,
      %sub3A = arith.subf %gather3A_145, %gather3A_160 : vector<16xf32>
      %sub3A_169 = arith.subf %gather3A_149, %gather3A_164 : vector<16xf32>
      %sub3A_170 = arith.subf %gather3A_153, %gather3A_168 : vector<16xf32>
      %mul3A_171 = arith.mulf %sub3A, %sub3A : vector<16xf32>
      %mul3A_172 = arith.mulf %sub3A_169, %sub3A_169 : vector<16xf32>
      %add3A_173 = arith.addf %mul3A_171, %mul3A_172 : vector<16xf32>
      %mul3A_174 = arith.mulf %sub3A_170, %sub3A_170 : vector<16xf32>
      %add3A_175 = arith.addf %add3A_173, %mul3A_174 : vector<16xf32>
      %max3A = arith.constant 1.000000e-24 : f32
      %max3A_176 = vector.broadcast %max3A : f32 to vector<16xf32>
      %max3A_177 = arith.maximumf %add3A_175, %max3A_176 : vector<16xf32>
      %bitcast_convert_type3A = tpu.bitcast %max3A_177 : vector<16xf32> -> vector<16xi32>
      %shift_right_arithmetic3A = arith.constant 1 : i32
      %shift_right_arithmetic3A_178 = vector.broadcast %shift_right_arithmetic3A : i32 to vector<16xi32>
      %shift_right_arithmetic3A_179 = arith.shrsi %bitcast_convert_type3A, %shift_right_arithmetic3A_178 : vector<16xi32>
      %sub3A_180 = arith.constant 1597463007 : i32
      %sub3A_181 = vector.broadcast %sub3A_180 : i32 to vector<16xi32>
      %sub3A_182 = arith.subi %sub3A_181, %shift_right_arithmetic3A_179 : vector<16xi32>
      %bitcast_convert_type3A_183 = tpu.bitcast %sub3A_182 : vector<16xi32> -> vector<16xf32>
      %mul3A_184 = arith.constant 5.000000e-01 : f32
      %mul3A_185 = vector.broadcast %mul3A_184 : f32 to vector<16xf32>
      %mul3A_186 = arith.mulf %mul3A_185, %max3A_177 : vector<16xf32>
      %mul3A_187 = arith.mulf %mul3A_186, %bitcast_convert_type3A_183 : vector<16xf32>
      %mul3A_188 = arith.mulf %mul3A_187, %bitcast_convert_type3A_183 : vector<16xf32>
      %sub3A_189 = arith.constant 1.500000e+00 : f32
      %sub3A_190 = vector.broadcast %sub3A_189 : f32 to vector<16xf32>
      %sub3A_191 = arith.subf %sub3A_190, %mul3A_188 : vector<16xf32>
      %mul3A_192 = arith.mulf %bitcast_convert_type3A_183, %sub3A_191 : vector<16xf32>
      %mul3A_193 = arith.constant 5.000000e-01 : f32
      %mul3A_194 = vector.broadcast %mul3A_193 : f32 to vector<16xf32>
      %mul3A_195 = arith.mulf %mul3A_194, %max3A_177 : vector<16xf32>
      %mul3A_196 = arith.mulf %mul3A_195, %mul3A_192 : vector<16xf32>
      %mul3A_197 = arith.mulf %mul3A_196, %mul3A_192 : vector<16xf32>
      %sub3A_198 = arith.constant 1.500000e+00 : f32
      %sub3A_199 = vector.broadcast %sub3A_198 : f32 to vector<16xf32>
      %sub3A_200 = arith.subf %sub3A_199, %mul3A_197 : vector<16xf32>
      %mul3A_201 = arith.mulf %mul3A_192, %sub3A_200 : vector<16xf32>
      %mul3A_202 = arith.constant 5.000000e-01 : f32
      %mul3A_203 = vector.broadcast %mul3A_202 : f32 to vector<16xf32>
      %mul3A_204 = arith.mulf %mul3A_203, %max3A_177 : vector<16xf32>
      %mul3A_205 = arith.mulf %mul3A_204, %mul3A_201 : vector<16xf32>
      %mul3A_206 = arith.mulf %mul3A_205, %mul3A_201 : vector<16xf32>
      %sub3A_207 = arith.constant 1.500000e+00 : f32
      %sub3A_208 = vector.broadcast %sub3A_207 : f32 to vector<16xf32>
      %sub3A_209 = arith.subf %sub3A_208, %mul3A_206 : vector<16xf32>
      %mul3A_210 = arith.mulf %mul3A_201, %sub3A_209 : vector<16xf32>
      %mul3A_211 = arith.mulf %add3A_175, %mul3A_210 : vector<16xf32>
      %sub3A_212 = arith.subf %mul3A_211, %get3A_136 : vector<16xf32>
      %mul3A_213 = arith.constant 5.000000e-01 : f32
      %mul3A_214 = vector.broadcast %mul3A_213 : f32 to vector<16xf32>
      %mul3A_215 = arith.mulf %mul3A_214, %get3A_138 : vector<16xf32>
      %mul3A_216 = arith.mulf %mul3A_215, %sub3A_212 : vector<16xf32>
      %mul3A_217 = arith.mulf %mul3A_216, %sub3A_212 : vector<16xf32>
      %add3A_218 = arith.addf %scan3A_115, %mul3A_217 : vector<16xf32>
      %add3A_219 = arith.constant 2048 : i32
      %add3A_220 = vector.broadcast %add3A_219 : i32 to vector<16xi32>
      %add3A_221 = arith.addi %gather3A, %add3A_220 : vector<16xi32>
      %mul3A_222 = arith.constant 3 : i32
      %mul3A_223 = vector.broadcast %mul3A_222 : i32 to vector<16xi32>
      %mul3A_224 = arith.muli %add3A_221, %mul3A_223 : vector<16xi32>
      %gather3A_225 = tpu.vector_load_idx %arg22[%mul3A_224] : memref<12288xf32, #tpu.memory_space<vmem>>[vector<16xi32>], vector<16xf32>,
      %add3A_226 = arith.constant 1 : i32
      %add3A_227 = vector.broadcast %add3A_226 : i32 to vector<16xi32>
      %add3A_228 = arith.addi %mul3A_224, %add3A_227 : vector<16xi32>
      %gather3A_229 = tpu.vector_load_idx %arg22[%add3A_228] : memref<12288xf32, #tpu.memory_space<vmem>>[vector<16xi32>], vector<16xf32>,
      %add3A_230 = arith.constant 2 : i32
      %add3A_231 = vector.broadcast %add3A_230 : i32 to vector<16xi32>
      %add3A_232 = arith.addi %mul3A_224, %add3A_231 : vector<16xi32>
      %gather3A_233 = tpu.vector_load_idx %arg22[%add3A_232] : memref<12288xf32, #tpu.memory_space<vmem>>[vector<16xi32>], vector<16xf32>,
      %add3A_234 = arith.constant 2048 : i32
      %add3A_235 = vector.broadcast %add3A_234 : i32 to vector<16xi32>
      %add3A_236 = arith.addi %gather3A_135, %add3A_235 : vector<16xi32>
      %mul3A_237 = arith.constant 3 : i32
      %mul3A_238 = vector.broadcast %mul3A_237 : i32 to vector<16xi32>
      %mul3A_239 = arith.muli %add3A_236, %mul3A_238 : vector<16xi32>
      %gather3A_240 = tpu.vector_load_idx %arg22[%mul3A_239] : memref<12288xf32, #tpu.memory_space<vmem>>[vector<16xi32>], vector<16xf32>,
      %add3A_241 = arith.constant 1 : i32
      %add3A_242 = vector.broadcast %add3A_241 : i32 to vector<16xi32>
      %add3A_243 = arith.addi %mul3A_239, %add3A_242 : vector<16xi32>
      %gather3A_244 = tpu.vector_load_idx %arg22[%add3A_243] : memref<12288xf32, #tpu.memory_space<vmem>>[vector<16xi32>], vector<16xf32>,
      %add3A_245 = arith.constant 2 : i32
      %add3A_246 = vector.broadcast %add3A_245 : i32 to vector<16xi32>
      %add3A_247 = arith.addi %mul3A_239, %add3A_246 : vector<16xi32>
      %gather3A_248 = tpu.vector_load_idx %arg22[%add3A_247] : memref<12288xf32, #tpu.memory_space<vmem>>[vector<16xi32>], vector<16xf32>,
      %sub3A_249 = arith.subf %gather3A_225, %gather3A_240 : vector<16xf32>
      %sub3A_250 = arith.subf %gather3A_229, %gather3A_244 : vector<16xf32>
      %sub3A_251 = arith.subf %gather3A_233, %gather3A_248 : vector<16xf32>
      %mul3A_252 = arith.mulf %sub3A_249, %sub3A_249 : vector<16xf32>
      %mul3A_253 = arith.mulf %sub3A_250, %sub3A_250 : vector<16xf32>
      %add3A_254 = arith.addf %mul3A_252, %mul3A_253 : vector<16xf32>
      %mul3A_255 = arith.mulf %sub3A_251, %sub3A_251 : vector<16xf32>
      %add3A_256 = arith.addf %add3A_254, %mul3A_255 : vector<16xf32>
      %max3A_257 = arith.constant 1.000000e-24 : f32
      %max3A_258 = vector.broadcast %max3A_257 : f32 to vector<16xf32>
      %max3A_259 = arith.maximumf %add3A_256, %max3A_258 : vector<16xf32>
      %bitcast_convert_type3A_260 = tpu.bitcast %max3A_259 : vector<16xf32> -> vector<16xi32>
      %shift_right_arithmetic3A_261 = arith.constant 1 : i32
      %shift_right_arithmetic3A_262 = vector.broadcast %shift_right_arithmetic3A_261 : i32 to vector<16xi32>
      %shift_right_arithmetic3A_263 = arith.shrsi %bitcast_convert_type3A_260, %shift_right_arithmetic3A_262 : vector<16xi32>
      %sub3A_264 = arith.constant 1597463007 : i32
      %sub3A_265 = vector.broadcast %sub3A_264 : i32 to vector<16xi32>
      %sub3A_266 = arith.subi %sub3A_265, %shift_right_arithmetic3A_263 : vector<16xi32>
      %bitcast_convert_type3A_267 = tpu.bitcast %sub3A_266 : vector<16xi32> -> vector<16xf32>
      %mul3A_268 = arith.constant 5.000000e-01 : f32
      %mul3A_269 = vector.broadcast %mul3A_268 : f32 to vector<16xf32>
      %mul3A_270 = arith.mulf %mul3A_269, %max3A_259 : vector<16xf32>
      %mul3A_271 = arith.mulf %mul3A_270, %bitcast_convert_type3A_267 : vector<16xf32>
      %mul3A_272 = arith.mulf %mul3A_271, %bitcast_convert_type3A_267 : vector<16xf32>
      %sub3A_273 = arith.constant 1.500000e+00 : f32
      %sub3A_274 = vector.broadcast %sub3A_273 : f32 to vector<16xf32>
      %sub3A_275 = arith.subf %sub3A_274, %mul3A_272 : vector<16xf32>
      %mul3A_276 = arith.mulf %bitcast_convert_type3A_267, %sub3A_275 : vector<16xf32>
      %mul3A_277 = arith.constant 5.000000e-01 : f32
      %mul3A_278 = vector.broadcast %mul3A_277 : f32 to vector<16xf32>
      %mul3A_279 = arith.mulf %mul3A_278, %max3A_259 : vector<16xf32>
      %mul3A_280 = arith.mulf %mul3A_279, %mul3A_276 : vector<16xf32>
      %mul3A_281 = arith.mulf %mul3A_280, %mul3A_276 : vector<16xf32>
      %sub3A_282 = arith.constant 1.500000e+00 : f32
      %sub3A_283 = vector.broadcast %sub3A_282 : f32 to vector<16xf32>
      %sub3A_284 = arith.subf %sub3A_283, %mul3A_281 : vector<16xf32>
      %mul3A_285 = arith.mulf %mul3A_276, %sub3A_284 : vector<16xf32>
      %mul3A_286 = arith.constant 5.000000e-01 : f32
      %mul3A_287 = vector.broadcast %mul3A_286 : f32 to vector<16xf32>
      %mul3A_288 = arith.mulf %mul3A_287, %max3A_259 : vector<16xf32>
      %mul3A_289 = arith.mulf %mul3A_288, %mul3A_285 : vector<16xf32>
      %mul3A_290 = arith.mulf %mul3A_289, %mul3A_285 : vector<16xf32>
      %sub3A_291 = arith.constant 1.500000e+00 : f32
      %sub3A_292 = vector.broadcast %sub3A_291 : f32 to vector<16xf32>
      %sub3A_293 = arith.subf %sub3A_292, %mul3A_290 : vector<16xf32>
      %mul3A_294 = arith.mulf %mul3A_285, %sub3A_293 : vector<16xf32>
      %mul3A_295 = arith.mulf %add3A_256, %mul3A_294 : vector<16xf32>
      %sub3A_296 = arith.subf %mul3A_295, %get3A_136 : vector<16xf32>
      %mul3A_297 = arith.constant 5.000000e-01 : f32
      %mul3A_298 = vector.broadcast %mul3A_297 : f32 to vector<16xf32>
      %mul3A_299 = arith.mulf %mul3A_298, %get3A_138 : vector<16xf32>
      %mul3A_300 = arith.mulf %mul3A_299, %sub3A_296 : vector<16xf32>
      %mul3A_301 = arith.mulf %mul3A_300, %sub3A_296 : vector<16xf32>
      %add3A_302 = arith.addf %scan3A_116, %mul3A_301 : vector<16xf32>
      scf.yield %add3A_218, %add3A_302 : vector<16xf32>, vector<16xf32>
    }
    %scan3A_92 = arith.constant 8 : i32
    %scan3A_93 = arith.constant 0 : i32
    %scan3A_94 = arith.constant 16 : i32
    %scan3A_95 = arith.addi %scan3A_93, %scan3A_94 : i32
    %scan3A_96 = arith.constant 1 : i32
    %scan3A_97:2 = scf.for %scan3A_114 = %scan3A_93 to %scan3A_95 step %scan3A_96 iter_args(%scan3A_115 = %scan3A_91#0, %scan3A_116 = %scan3A_91#1) -> (vector<16xf32>, vector<16xf32>)  : i32 {
      %mul3A_117 = arith.constant 16 : i32
      %mul3A_118 = arith.muli %scan3A_114, %mul3A_117 : i32
      %add3A_119 = vector.broadcast %mul3A_118 : i32 to vector<16xi32>
      %add3A_120 = arith.addi %add3A_119, %iota3A : vector<16xi32>
      %mul3A_121 = arith.constant 3 : i32
      %mul3A_122 = vector.broadcast %mul3A_121 : i32 to vector<16xi32>
      %mul3A_123 = arith.muli %add3A_120, %mul3A_122 : vector<16xi32>
      %add3A_124 = arith.constant 0 : i32
      %add3A_125 = vector.broadcast %add3A_124 : i32 to vector<16xi32>
      %add3A_126 = arith.addi %mul3A_123, %add3A_125 : vector<16xi32>
      %gather3A = tpu.vector_load_idx %arg26[%add3A_126] : memref<768xi32, #tpu.memory_space<vmem>>[vector<16xi32>], vector<16xi32>,
      %add3A_127 = vector.broadcast %mul3A_118 : i32 to vector<16xi32>
      %add3A_128 = arith.addi %add3A_127, %iota3A : vector<16xi32>
      %mul3A_129 = arith.constant 3 : i32
      %mul3A_130 = vector.broadcast %mul3A_129 : i32 to vector<16xi32>
      %mul3A_131 = arith.muli %add3A_128, %mul3A_130 : vector<16xi32>
      %add3A_132 = arith.constant 1 : i32
      %add3A_133 = vector.broadcast %add3A_132 : i32 to vector<16xi32>
      %add3A_134 = arith.addi %mul3A_131, %add3A_133 : vector<16xi32>
      %gather3A_135 = tpu.vector_load_idx %arg26[%add3A_134] : memref<768xi32, #tpu.memory_space<vmem>>[vector<16xi32>], vector<16xi32>,
      %add3A_136 = vector.broadcast %mul3A_118 : i32 to vector<16xi32>
      %add3A_137 = arith.addi %add3A_136, %iota3A : vector<16xi32>
      %mul3A_138 = arith.constant 3 : i32
      %mul3A_139 = vector.broadcast %mul3A_138 : i32 to vector<16xi32>
      %mul3A_140 = arith.muli %add3A_137, %mul3A_139 : vector<16xi32>
      %add3A_141 = arith.constant 2 : i32
      %add3A_142 = vector.broadcast %add3A_141 : i32 to vector<16xi32>
      %add3A_143 = arith.addi %mul3A_140, %add3A_142 : vector<16xi32>
      %gather3A_144 = tpu.vector_load_idx %arg26[%add3A_143] : memref<768xi32, #tpu.memory_space<vmem>>[vector<16xi32>], vector<16xi32>,
      %get3A = arith.index_cast %mul3A_118 : i32 to index
      %get3A_145 = tpu.vector_load %arg27[%get3A] {strides = array<i32>} : memref<256xf32, #tpu.memory_space<vmem>>, vector<16xf32>,
      %get3A_146 = arith.index_cast %mul3A_118 : i32 to index
      %get3A_147 = tpu.vector_load %arg28[%get3A_146] {strides = array<i32>} : memref<256xf32, #tpu.memory_space<vmem>>, vector<16xf32>,
      %get3A_148 = arith.index_cast %mul3A_118 : i32 to index
      %get3A_149 = tpu.vector_load %arg29[%get3A_148] {strides = array<i32>} : memref<256xf32, #tpu.memory_space<vmem>>, vector<16xf32>,
      %get3A_150 = arith.index_cast %mul3A_118 : i32 to index
      %get3A_151 = tpu.vector_load %arg30[%get3A_150] {strides = array<i32>} : memref<256xf32, #tpu.memory_space<vmem>>, vector<16xf32>,
      %get3A_152 = arith.index_cast %mul3A_118 : i32 to index
      %get3A_153 = tpu.vector_load %arg31[%get3A_152] {strides = array<i32>} : memref<256xi32, #tpu.memory_space<vmem>>, vector<16xi32>,
      %add3A_154 = arith.constant 0 : i32
      %add3A_155 = vector.broadcast %add3A_154 : i32 to vector<16xi32>
      %add3A_156 = arith.addi %gather3A, %add3A_155 : vector<16xi32>
      %mul3A_157 = arith.constant 3 : i32
      %mul3A_158 = vector.broadcast %mul3A_157 : i32 to vector<16xi32>
      %mul3A_159 = arith.muli %add3A_156, %mul3A_158 : vector<16xi32>
      %gather3A_160 = tpu.vector_load_idx %arg22[%mul3A_159] : memref<12288xf32, #tpu.memory_space<vmem>>[vector<16xi32>], vector<16xf32>,
      %add3A_161 = arith.constant 1 : i32
      %add3A_162 = vector.broadcast %add3A_161 : i32 to vector<16xi32>
      %add3A_163 = arith.addi %mul3A_159, %add3A_162 : vector<16xi32>
      %gather3A_164 = tpu.vector_load_idx %arg22[%add3A_163] : memref<12288xf32, #tpu.memory_space<vmem>>[vector<16xi32>], vector<16xf32>,
      %add3A_165 = arith.constant 2 : i32
      %add3A_166 = vector.broadcast %add3A_165 : i32 to vector<16xi32>
      %add3A_167 = arith.addi %mul3A_159, %add3A_166 : vector<16xi32>
      %gather3A_168 = tpu.vector_load_idx %arg22[%add3A_167] : memref<12288xf32, #tpu.memory_space<vmem>>[vector<16xi32>], vector<16xf32>,
      %add3A_169 = arith.constant 0 : i32
      %add3A_170 = vector.broadcast %add3A_169 : i32 to vector<16xi32>
      %add3A_171 = arith.addi %gather3A_135, %add3A_170 : vector<16xi32>
      %mul3A_172 = arith.constant 3 : i32
      %mul3A_173 = vector.broadcast %mul3A_172 : i32 to vector<16xi32>
      %mul3A_174 = arith.muli %add3A_171, %mul3A_173 : vector<16xi32>
      %gather3A_175 = tpu.vector_load_idx %arg22[%mul3A_174] : memref<12288xf32, #tpu.memory_space<vmem>>[vector<16xi32>], vector<16xf32>,
      %add3A_176 = arith.constant 1 : i32
      %add3A_177 = vector.broadcast %add3A_176 : i32 to vector<16xi32>
      %add3A_178 = arith.addi %mul3A_174, %add3A_177 : vector<16xi32>
      %gather3A_179 = tpu.vector_load_idx %arg22[%add3A_178] : memref<12288xf32, #tpu.memory_space<vmem>>[vector<16xi32>], vector<16xf32>,
      %add3A_180 = arith.constant 2 : i32
      %add3A_181 = vector.broadcast %add3A_180 : i32 to vector<16xi32>
      %add3A_182 = arith.addi %mul3A_174, %add3A_181 : vector<16xi32>
      %gather3A_183 = tpu.vector_load_idx %arg22[%add3A_182] : memref<12288xf32, #tpu.memory_space<vmem>>[vector<16xi32>], vector<16xf32>,
      %add3A_184 = arith.constant 0 : i32
      %add3A_185 = vector.broadcast %add3A_184 : i32 to vector<16xi32>
      %add3A_186 = arith.addi %gather3A_144, %add3A_185 : vector<16xi32>
      %mul3A_187 = arith.constant 3 : i32
      %mul3A_188 = vector.broadcast %mul3A_187 : i32 to vector<16xi32>
      %mul3A_189 = arith.muli %add3A_186, %mul3A_188 : vector<16xi32>
      %gather3A_190 = tpu.vector_load_idx %arg22[%mul3A_189] : memref<12288xf32, #tpu.memory_space<vmem>>[vector<16xi32>], vector<16xf32>,
      %add3A_191 = arith.constant 1 : i32
      %add3A_192 = vector.broadcast %add3A_191 : i32 to vector<16xi32>
      %add3A_193 = arith.addi %mul3A_189, %add3A_192 : vector<16xi32>
      %gather3A_194 = tpu.vector_load_idx %arg22[%add3A_193] : memref<12288xf32, #tpu.memory_space<vmem>>[vector<16xi32>], vector<16xf32>,
      %add3A_195 = arith.constant 2 : i32
      %add3A_196 = vector.broadcast %add3A_195 : i32 to vector<16xi32>
      %add3A_197 = arith.addi %mul3A_189, %add3A_196 : vector<16xi32>
      %gather3A_198 = tpu.vector_load_idx %arg22[%add3A_197] : memref<12288xf32, #tpu.memory_space<vmem>>[vector<16xi32>], vector<16xf32>,
      %sub3A = arith.subf %gather3A_160, %gather3A_175 : vector<16xf32>
      %sub3A_199 = arith.subf %gather3A_164, %gather3A_179 : vector<16xf32>
      %sub3A_200 = arith.subf %gather3A_168, %gather3A_183 : vector<16xf32>
      %sub3A_201 = arith.subf %gather3A_190, %gather3A_175 : vector<16xf32>
      %sub3A_202 = arith.subf %gather3A_194, %gather3A_179 : vector<16xf32>
      %sub3A_203 = arith.subf %gather3A_198, %gather3A_183 : vector<16xf32>
      %mul3A_204 = arith.mulf %sub3A, %sub3A_201 : vector<16xf32>
      %mul3A_205 = arith.mulf %sub3A_199, %sub3A_202 : vector<16xf32>
      %add3A_206 = arith.addf %mul3A_204, %mul3A_205 : vector<16xf32>
      %mul3A_207 = arith.mulf %sub3A_200, %sub3A_203 : vector<16xf32>
      %add3A_208 = arith.addf %add3A_206, %mul3A_207 : vector<16xf32>
      %mul3A_209 = arith.mulf %sub3A, %sub3A : vector<16xf32>
      %mul3A_210 = arith.mulf %sub3A_199, %sub3A_199 : vector<16xf32>
      %add3A_211 = arith.addf %mul3A_209, %mul3A_210 : vector<16xf32>
      %mul3A_212 = arith.mulf %sub3A_200, %sub3A_200 : vector<16xf32>
      %add3A_213 = arith.addf %add3A_211, %mul3A_212 : vector<16xf32>
      %mul3A_214 = arith.mulf %sub3A_201, %sub3A_201 : vector<16xf32>
      %mul3A_215 = arith.mulf %sub3A_202, %sub3A_202 : vector<16xf32>
      %add3A_216 = arith.addf %mul3A_214, %mul3A_215 : vector<16xf32>
      %mul3A_217 = arith.mulf %sub3A_203, %sub3A_203 : vector<16xf32>
      %add3A_218 = arith.addf %add3A_216, %mul3A_217 : vector<16xf32>
      %mul3A_219 = arith.mulf %add3A_213, %add3A_218 : vector<16xf32>
      %max3A = arith.constant 1.000000e-24 : f32
      %max3A_220 = vector.broadcast %max3A : f32 to vector<16xf32>
      %max3A_221 = arith.maximumf %mul3A_219, %max3A_220 : vector<16xf32>
      %bitcast_convert_type3A = tpu.bitcast %max3A_221 : vector<16xf32> -> vector<16xi32>
      %shift_right_arithmetic3A = arith.constant 1 : i32
      %shift_right_arithmetic3A_222 = vector.broadcast %shift_right_arithmetic3A : i32 to vector<16xi32>
      %shift_right_arithmetic3A_223 = arith.shrsi %bitcast_convert_type3A, %shift_right_arithmetic3A_222 : vector<16xi32>
      %sub3A_224 = arith.constant 1597463007 : i32
      %sub3A_225 = vector.broadcast %sub3A_224 : i32 to vector<16xi32>
      %sub3A_226 = arith.subi %sub3A_225, %shift_right_arithmetic3A_223 : vector<16xi32>
      %bitcast_convert_type3A_227 = tpu.bitcast %sub3A_226 : vector<16xi32> -> vector<16xf32>
      %mul3A_228 = arith.constant 5.000000e-01 : f32
      %mul3A_229 = vector.broadcast %mul3A_228 : f32 to vector<16xf32>
      %mul3A_230 = arith.mulf %mul3A_229, %max3A_221 : vector<16xf32>
      %mul3A_231 = arith.mulf %mul3A_230, %bitcast_convert_type3A_227 : vector<16xf32>
      %mul3A_232 = arith.mulf %mul3A_231, %bitcast_convert_type3A_227 : vector<16xf32>
      %sub3A_233 = arith.constant 1.500000e+00 : f32
      %sub3A_234 = vector.broadcast %sub3A_233 : f32 to vector<16xf32>
      %sub3A_235 = arith.subf %sub3A_234, %mul3A_232 : vector<16xf32>
      %mul3A_236 = arith.mulf %bitcast_convert_type3A_227, %sub3A_235 : vector<16xf32>
      %mul3A_237 = arith.constant 5.000000e-01 : f32
      %mul3A_238 = vector.broadcast %mul3A_237 : f32 to vector<16xf32>
      %mul3A_239 = arith.mulf %mul3A_238, %max3A_221 : vector<16xf32>
      %mul3A_240 = arith.mulf %mul3A_239, %mul3A_236 : vector<16xf32>
      %mul3A_241 = arith.mulf %mul3A_240, %mul3A_236 : vector<16xf32>
      %sub3A_242 = arith.constant 1.500000e+00 : f32
      %sub3A_243 = vector.broadcast %sub3A_242 : f32 to vector<16xf32>
      %sub3A_244 = arith.subf %sub3A_243, %mul3A_241 : vector<16xf32>
      %mul3A_245 = arith.mulf %mul3A_236, %sub3A_244 : vector<16xf32>
      %mul3A_246 = arith.constant 5.000000e-01 : f32
      %mul3A_247 = vector.broadcast %mul3A_246 : f32 to vector<16xf32>
      %mul3A_248 = arith.mulf %mul3A_247, %max3A_221 : vector<16xf32>
      %mul3A_249 = arith.mulf %mul3A_248, %mul3A_245 : vector<16xf32>
      %mul3A_250 = arith.mulf %mul3A_249, %mul3A_245 : vector<16xf32>
      %sub3A_251 = arith.constant 1.500000e+00 : f32
      %sub3A_252 = vector.broadcast %sub3A_251 : f32 to vector<16xf32>
      %sub3A_253 = arith.subf %sub3A_252, %mul3A_250 : vector<16xf32>
      %mul3A_254 = arith.mulf %mul3A_245, %sub3A_253 : vector<16xf32>
      %mul3A_255 = arith.mulf %add3A_208, %mul3A_254 : vector<16xf32>
      %jit3A = arith.constant -0.999998986 : f32
      %jit3A_256 = arith.constant 0.999998986 : f32
      %max3A_257 = vector.broadcast %jit3A : f32 to vector<16xf32>
      %max3A_258 = arith.maximumf %max3A_257, %mul3A_255 : vector<16xf32>
      %min3A = vector.broadcast %jit3A_256 : f32 to vector<16xf32>
      %min3A_259 = arith.minimumf %min3A, %max3A_258 : vector<16xf32>
      %mul3A_260 = arith.mulf %min3A_259, %min3A_259 : vector<16xf32>
      %sub3A_261 = arith.constant 1.000000e+00 : f32
      %sub3A_262 = vector.broadcast %sub3A_261 : f32 to vector<16xf32>
      %sub3A_263 = arith.subf %sub3A_262, %mul3A_260 : vector<16xf32>
      %max3A_264 = arith.constant 9.99999996E-13 : f32
      %max3A_265 = vector.broadcast %max3A_264 : f32 to vector<16xf32>
      %max3A_266 = arith.maximumf %sub3A_263, %max3A_265 : vector<16xf32>
      %sub3A_267 = arith.subf %mul3A_260, %max3A_266 : vector<16xf32>
      %mul3A_268 = arith.mulf %get3A_149, %min3A_259 : vector<16xf32>
      %add3A_269 = arith.addf %get3A_147, %mul3A_268 : vector<16xf32>
      %mul3A_270 = arith.mulf %get3A_151, %sub3A_267 : vector<16xf32>
      %add3A_271 = arith.addf %add3A_269, %mul3A_270 : vector<16xf32>
      %mul3A_272 = arith.constant 3.000000e+00 : f32
      %mul3A_273 = vector.broadcast %mul3A_272 : f32 to vector<16xf32>
      %mul3A_274 = arith.mulf %mul3A_273, %max3A_266 : vector<16xf32>
      %sub3A_275 = arith.subf %mul3A_260, %mul3A_274 : vector<16xf32>
      %mul3A_276 = arith.mulf %min3A_259, %sub3A_275 : vector<16xf32>
      %mul3A_277 = arith.mulf %mul3A_260, %mul3A_260 : vector<16xf32>
      %mul3A_278 = arith.constant 6.000000e+00 : f32
      %mul3A_279 = vector.broadcast %mul3A_278 : f32 to vector<16xf32>
      %mul3A_280 = arith.mulf %mul3A_279, %mul3A_260 : vector<16xf32>
      %mul3A_281 = arith.mulf %mul3A_280, %max3A_266 : vector<16xf32>
      %sub3A_282 = arith.subf %mul3A_277, %mul3A_281 : vector<16xf32>
      %mul3A_283 = arith.mulf %max3A_266, %max3A_266 : vector<16xf32>
      %add3A_284 = arith.addf %sub3A_282, %mul3A_283 : vector<16xf32>
      %eq3A = arith.constant 1 : i32
      %eq3A_285 = vector.broadcast %eq3A : i32 to vector<16xi32>
      %eq3A_286 = arith.cmpi eq, %get3A_153, %eq3A_285 : vector<16xi32>
      %neg3A = arith.constant 0.000000e+00 : f32
      %neg3A_287 = vector.broadcast %neg3A : f32 to vector<16xf32>
      %neg3A_288 = arith.subf %neg3A_287, %min3A_259 : vector<16xf32>
      %broadcast_in_dim3A_289 = arith.constant 0.000000e+00 : f32
      %broadcast_in_dim3A_290 = vector.broadcast %broadcast_in_dim3A_289 : f32 to vector<16xf32>
      %select_n3A = arith.select %eq3A_286, %neg3A_288, %broadcast_in_dim3A_290 : vector<16xi1>, vector<16xf32>
      %eq3A_291 = arith.constant 2 : i32
      %eq3A_292 = vector.broadcast %eq3A_291 : i32 to vector<16xi32>
      %eq3A_293 = arith.cmpi eq, %get3A_153, %eq3A_292 : vector<16xi32>
      %select_n3A_294 = arith.select %eq3A_293, %sub3A_267, %select_n3A : vector<16xi1>, vector<16xf32>
      %eq3A_295 = arith.constant 3 : i32
      %eq3A_296 = vector.broadcast %eq3A_295 : i32 to vector<16xi32>
      %eq3A_297 = arith.cmpi eq, %get3A_153, %eq3A_296 : vector<16xi32>
      %select_n3A_298 = arith.select %eq3A_297, %mul3A_276, %select_n3A_294 : vector<16xi1>, vector<16xf32>
      %eq3A_299 = arith.constant 4 : i32
      %eq3A_300 = vector.broadcast %eq3A_299 : i32 to vector<16xi32>
      %eq3A_301 = arith.cmpi eq, %get3A_153, %eq3A_300 : vector<16xi32>
      %select_n3A_302 = arith.select %eq3A_301, %add3A_284, %select_n3A_298 : vector<16xi1>, vector<16xf32>
      %convert_element_type3A = arith.sitofp %get3A_153 : vector<16xi32> to vector<16xf32>
      %mul3A_303 = arith.mulf %convert_element_type3A, %convert_element_type3A : vector<16xf32>
      %max3A_304 = arith.constant 1.000000e+00 : f32
      %max3A_305 = vector.broadcast %max3A_304 : f32 to vector<16xf32>
      %max3A_306 = arith.maximumf %mul3A_303, %max3A_305 : vector<16xf32>
      %sub3A_307 = arith.constant 1.000000e+00 : f32
      %sub3A_308 = vector.broadcast %sub3A_307 : f32 to vector<16xf32>
      %sub3A_309 = arith.subf %sub3A_308, %select_n3A_302 : vector<16xf32>
      %div3A = arith.divf %sub3A_309, %max3A_306 : vector<16xf32>
      %gt3A = arith.constant 0 : i32
      %gt3A_310 = vector.broadcast %gt3A : i32 to vector<16xi32>
      %gt3A_311 = arith.cmpi sgt, %get3A_153, %gt3A_310 : vector<16xi32>
      %select_n3A_312 = arith.select %gt3A_311, %div3A, %add3A_271 : vector<16xi1>, vector<16xf32>
      %mul3A_313 = arith.mulf %get3A_145, %select_n3A_312 : vector<16xf32>
      %add3A_314 = arith.addf %scan3A_115, %mul3A_313 : vector<16xf32>
      %add3A_315 = arith.constant 2048 : i32
      %add3A_316 = vector.broadcast %add3A_315 : i32 to vector<16xi32>
      %add3A_317 = arith.addi %gather3A, %add3A_316 : vector<16xi32>
      %mul3A_318 = arith.constant 3 : i32
      %mul3A_319 = vector.broadcast %mul3A_318 : i32 to vector<16xi32>
      %mul3A_320 = arith.muli %add3A_317, %mul3A_319 : vector<16xi32>
      %gather3A_321 = tpu.vector_load_idx %arg22[%mul3A_320] : memref<12288xf32, #tpu.memory_space<vmem>>[vector<16xi32>], vector<16xf32>,
      %add3A_322 = arith.constant 1 : i32
      %add3A_323 = vector.broadcast %add3A_322 : i32 to vector<16xi32>
      %add3A_324 = arith.addi %mul3A_320, %add3A_323 : vector<16xi32>
      %gather3A_325 = tpu.vector_load_idx %arg22[%add3A_324] : memref<12288xf32, #tpu.memory_space<vmem>>[vector<16xi32>], vector<16xf32>,
      %add3A_326 = arith.constant 2 : i32
      %add3A_327 = vector.broadcast %add3A_326 : i32 to vector<16xi32>
      %add3A_328 = arith.addi %mul3A_320, %add3A_327 : vector<16xi32>
      %gather3A_329 = tpu.vector_load_idx %arg22[%add3A_328] : memref<12288xf32, #tpu.memory_space<vmem>>[vector<16xi32>], vector<16xf32>,
      %add3A_330 = arith.constant 2048 : i32
      %add3A_331 = vector.broadcast %add3A_330 : i32 to vector<16xi32>
      %add3A_332 = arith.addi %gather3A_135, %add3A_331 : vector<16xi32>
      %mul3A_333 = arith.constant 3 : i32
      %mul3A_334 = vector.broadcast %mul3A_333 : i32 to vector<16xi32>
      %mul3A_335 = arith.muli %add3A_332, %mul3A_334 : vector<16xi32>
      %gather3A_336 = tpu.vector_load_idx %arg22[%mul3A_335] : memref<12288xf32, #tpu.memory_space<vmem>>[vector<16xi32>], vector<16xf32>,
      %add3A_337 = arith.constant 1 : i32
      %add3A_338 = vector.broadcast %add3A_337 : i32 to vector<16xi32>
      %add3A_339 = arith.addi %mul3A_335, %add3A_338 : vector<16xi32>
      %gather3A_340 = tpu.vector_load_idx %arg22[%add3A_339] : memref<12288xf32, #tpu.memory_space<vmem>>[vector<16xi32>], vector<16xf32>,
      %add3A_341 = arith.constant 2 : i32
      %add3A_342 = vector.broadcast %add3A_341 : i32 to vector<16xi32>
      %add3A_343 = arith.addi %mul3A_335, %add3A_342 : vector<16xi32>
      %gather3A_344 = tpu.vector_load_idx %arg22[%add3A_343] : memref<12288xf32, #tpu.memory_space<vmem>>[vector<16xi32>], vector<16xf32>,
      %add3A_345 = arith.constant 2048 : i32
      %add3A_346 = vector.broadcast %add3A_345 : i32 to vector<16xi32>
      %add3A_347 = arith.addi %gather3A_144, %add3A_346 : vector<16xi32>
      %mul3A_348 = arith.constant 3 : i32
      %mul3A_349 = vector.broadcast %mul3A_348 : i32 to vector<16xi32>
      %mul3A_350 = arith.muli %add3A_347, %mul3A_349 : vector<16xi32>
      %gather3A_351 = tpu.vector_load_idx %arg22[%mul3A_350] : memref<12288xf32, #tpu.memory_space<vmem>>[vector<16xi32>], vector<16xf32>,
      %add3A_352 = arith.constant 1 : i32
      %add3A_353 = vector.broadcast %add3A_352 : i32 to vector<16xi32>
      %add3A_354 = arith.addi %mul3A_350, %add3A_353 : vector<16xi32>
      %gather3A_355 = tpu.vector_load_idx %arg22[%add3A_354] : memref<12288xf32, #tpu.memory_space<vmem>>[vector<16xi32>], vector<16xf32>,
      %add3A_356 = arith.constant 2 : i32
      %add3A_357 = vector.broadcast %add3A_356 : i32 to vector<16xi32>
      %add3A_358 = arith.addi %mul3A_350, %add3A_357 : vector<16xi32>
      %gather3A_359 = tpu.vector_load_idx %arg22[%add3A_358] : memref<12288xf32, #tpu.memory_space<vmem>>[vector<16xi32>], vector<16xf32>,
      %sub3A_360 = arith.subf %gather3A_321, %gather3A_336 : vector<16xf32>
      %sub3A_361 = arith.subf %gather3A_325, %gather3A_340 : vector<16xf32>
      %sub3A_362 = arith.subf %gather3A_329, %gather3A_344 : vector<16xf32>
      %sub3A_363 = arith.subf %gather3A_351, %gather3A_336 : vector<16xf32>
      %sub3A_364 = arith.subf %gather3A_355, %gather3A_340 : vector<16xf32>
      %sub3A_365 = arith.subf %gather3A_359, %gather3A_344 : vector<16xf32>
      %mul3A_366 = arith.mulf %sub3A_360, %sub3A_363 : vector<16xf32>
      %mul3A_367 = arith.mulf %sub3A_361, %sub3A_364 : vector<16xf32>
      %add3A_368 = arith.addf %mul3A_366, %mul3A_367 : vector<16xf32>
      %mul3A_369 = arith.mulf %sub3A_362, %sub3A_365 : vector<16xf32>
      %add3A_370 = arith.addf %add3A_368, %mul3A_369 : vector<16xf32>
      %mul3A_371 = arith.mulf %sub3A_360, %sub3A_360 : vector<16xf32>
      %mul3A_372 = arith.mulf %sub3A_361, %sub3A_361 : vector<16xf32>
      %add3A_373 = arith.addf %mul3A_371, %mul3A_372 : vector<16xf32>
      %mul3A_374 = arith.mulf %sub3A_362, %sub3A_362 : vector<16xf32>
      %add3A_375 = arith.addf %add3A_373, %mul3A_374 : vector<16xf32>
      %mul3A_376 = arith.mulf %sub3A_363, %sub3A_363 : vector<16xf32>
      %mul3A_377 = arith.mulf %sub3A_364, %sub3A_364 : vector<16xf32>
      %add3A_378 = arith.addf %mul3A_376, %mul3A_377 : vector<16xf32>
      %mul3A_379 = arith.mulf %sub3A_365, %sub3A_365 : vector<16xf32>
      %add3A_380 = arith.addf %add3A_378, %mul3A_379 : vector<16xf32>
      %mul3A_381 = arith.mulf %add3A_375, %add3A_380 : vector<16xf32>
      %max3A_382 = arith.constant 1.000000e-24 : f32
      %max3A_383 = vector.broadcast %max3A_382 : f32 to vector<16xf32>
      %max3A_384 = arith.maximumf %mul3A_381, %max3A_383 : vector<16xf32>
      %bitcast_convert_type3A_385 = tpu.bitcast %max3A_384 : vector<16xf32> -> vector<16xi32>
      %shift_right_arithmetic3A_386 = arith.constant 1 : i32
      %shift_right_arithmetic3A_387 = vector.broadcast %shift_right_arithmetic3A_386 : i32 to vector<16xi32>
      %shift_right_arithmetic3A_388 = arith.shrsi %bitcast_convert_type3A_385, %shift_right_arithmetic3A_387 : vector<16xi32>
      %sub3A_389 = arith.constant 1597463007 : i32
      %sub3A_390 = vector.broadcast %sub3A_389 : i32 to vector<16xi32>
      %sub3A_391 = arith.subi %sub3A_390, %shift_right_arithmetic3A_388 : vector<16xi32>
      %bitcast_convert_type3A_392 = tpu.bitcast %sub3A_391 : vector<16xi32> -> vector<16xf32>
      %mul3A_393 = arith.constant 5.000000e-01 : f32
      %mul3A_394 = vector.broadcast %mul3A_393 : f32 to vector<16xf32>
      %mul3A_395 = arith.mulf %mul3A_394, %max3A_384 : vector<16xf32>
      %mul3A_396 = arith.mulf %mul3A_395, %bitcast_convert_type3A_392 : vector<16xf32>
      %mul3A_397 = arith.mulf %mul3A_396, %bitcast_convert_type3A_392 : vector<16xf32>
      %sub3A_398 = arith.constant 1.500000e+00 : f32
      %sub3A_399 = vector.broadcast %sub3A_398 : f32 to vector<16xf32>
      %sub3A_400 = arith.subf %sub3A_399, %mul3A_397 : vector<16xf32>
      %mul3A_401 = arith.mulf %bitcast_convert_type3A_392, %sub3A_400 : vector<16xf32>
      %mul3A_402 = arith.constant 5.000000e-01 : f32
      %mul3A_403 = vector.broadcast %mul3A_402 : f32 to vector<16xf32>
      %mul3A_404 = arith.mulf %mul3A_403, %max3A_384 : vector<16xf32>
      %mul3A_405 = arith.mulf %mul3A_404, %mul3A_401 : vector<16xf32>
      %mul3A_406 = arith.mulf %mul3A_405, %mul3A_401 : vector<16xf32>
      %sub3A_407 = arith.constant 1.500000e+00 : f32
      %sub3A_408 = vector.broadcast %sub3A_407 : f32 to vector<16xf32>
      %sub3A_409 = arith.subf %sub3A_408, %mul3A_406 : vector<16xf32>
      %mul3A_410 = arith.mulf %mul3A_401, %sub3A_409 : vector<16xf32>
      %mul3A_411 = arith.constant 5.000000e-01 : f32
      %mul3A_412 = vector.broadcast %mul3A_411 : f32 to vector<16xf32>
      %mul3A_413 = arith.mulf %mul3A_412, %max3A_384 : vector<16xf32>
      %mul3A_414 = arith.mulf %mul3A_413, %mul3A_410 : vector<16xf32>
      %mul3A_415 = arith.mulf %mul3A_414, %mul3A_410 : vector<16xf32>
      %sub3A_416 = arith.constant 1.500000e+00 : f32
      %sub3A_417 = vector.broadcast %sub3A_416 : f32 to vector<16xf32>
      %sub3A_418 = arith.subf %sub3A_417, %mul3A_415 : vector<16xf32>
      %mul3A_419 = arith.mulf %mul3A_410, %sub3A_418 : vector<16xf32>
      %mul3A_420 = arith.mulf %add3A_370, %mul3A_419 : vector<16xf32>
      %jit3A_421 = arith.constant -0.999998986 : f32
      %jit3A_422 = arith.constant 0.999998986 : f32
      %max3A_423 = vector.broadcast %jit3A_421 : f32 to vector<16xf32>
      %max3A_424 = arith.maximumf %max3A_423, %mul3A_420 : vector<16xf32>
      %min3A_425 = vector.broadcast %jit3A_422 : f32 to vector<16xf32>
      %min3A_426 = arith.minimumf %min3A_425, %max3A_424 : vector<16xf32>
      %mul3A_427 = arith.mulf %min3A_426, %min3A_426 : vector<16xf32>
      %sub3A_428 = arith.constant 1.000000e+00 : f32
      %sub3A_429 = vector.broadcast %sub3A_428 : f32 to vector<16xf32>
      %sub3A_430 = arith.subf %sub3A_429, %mul3A_427 : vector<16xf32>
      %max3A_431 = arith.constant 9.99999996E-13 : f32
      %max3A_432 = vector.broadcast %max3A_431 : f32 to vector<16xf32>
      %max3A_433 = arith.maximumf %sub3A_430, %max3A_432 : vector<16xf32>
      %sub3A_434 = arith.subf %mul3A_427, %max3A_433 : vector<16xf32>
      %mul3A_435 = arith.mulf %get3A_149, %min3A_426 : vector<16xf32>
      %add3A_436 = arith.addf %get3A_147, %mul3A_435 : vector<16xf32>
      %mul3A_437 = arith.mulf %get3A_151, %sub3A_434 : vector<16xf32>
      %add3A_438 = arith.addf %add3A_436, %mul3A_437 : vector<16xf32>
      %mul3A_439 = arith.constant 3.000000e+00 : f32
      %mul3A_440 = vector.broadcast %mul3A_439 : f32 to vector<16xf32>
      %mul3A_441 = arith.mulf %mul3A_440, %max3A_433 : vector<16xf32>
      %sub3A_442 = arith.subf %mul3A_427, %mul3A_441 : vector<16xf32>
      %mul3A_443 = arith.mulf %min3A_426, %sub3A_442 : vector<16xf32>
      %mul3A_444 = arith.mulf %mul3A_427, %mul3A_427 : vector<16xf32>
      %mul3A_445 = arith.constant 6.000000e+00 : f32
      %mul3A_446 = vector.broadcast %mul3A_445 : f32 to vector<16xf32>
      %mul3A_447 = arith.mulf %mul3A_446, %mul3A_427 : vector<16xf32>
      %mul3A_448 = arith.mulf %mul3A_447, %max3A_433 : vector<16xf32>
      %sub3A_449 = arith.subf %mul3A_444, %mul3A_448 : vector<16xf32>
      %mul3A_450 = arith.mulf %max3A_433, %max3A_433 : vector<16xf32>
      %add3A_451 = arith.addf %sub3A_449, %mul3A_450 : vector<16xf32>
      %eq3A_452 = arith.constant 1 : i32
      %eq3A_453 = vector.broadcast %eq3A_452 : i32 to vector<16xi32>
      %eq3A_454 = arith.cmpi eq, %get3A_153, %eq3A_453 : vector<16xi32>
      %neg3A_455 = arith.constant 0.000000e+00 : f32
      %neg3A_456 = vector.broadcast %neg3A_455 : f32 to vector<16xf32>
      %neg3A_457 = arith.subf %neg3A_456, %min3A_426 : vector<16xf32>
      %broadcast_in_dim3A_458 = arith.constant 0.000000e+00 : f32
      %broadcast_in_dim3A_459 = vector.broadcast %broadcast_in_dim3A_458 : f32 to vector<16xf32>
      %select_n3A_460 = arith.select %eq3A_454, %neg3A_457, %broadcast_in_dim3A_459 : vector<16xi1>, vector<16xf32>
      %eq3A_461 = arith.constant 2 : i32
      %eq3A_462 = vector.broadcast %eq3A_461 : i32 to vector<16xi32>
      %eq3A_463 = arith.cmpi eq, %get3A_153, %eq3A_462 : vector<16xi32>
      %select_n3A_464 = arith.select %eq3A_463, %sub3A_434, %select_n3A_460 : vector<16xi1>, vector<16xf32>
      %eq3A_465 = arith.constant 3 : i32
      %eq3A_466 = vector.broadcast %eq3A_465 : i32 to vector<16xi32>
      %eq3A_467 = arith.cmpi eq, %get3A_153, %eq3A_466 : vector<16xi32>
      %select_n3A_468 = arith.select %eq3A_467, %mul3A_443, %select_n3A_464 : vector<16xi1>, vector<16xf32>
      %eq3A_469 = arith.constant 4 : i32
      %eq3A_470 = vector.broadcast %eq3A_469 : i32 to vector<16xi32>
      %eq3A_471 = arith.cmpi eq, %get3A_153, %eq3A_470 : vector<16xi32>
      %select_n3A_472 = arith.select %eq3A_471, %add3A_451, %select_n3A_468 : vector<16xi1>, vector<16xf32>
      %convert_element_type3A_473 = arith.sitofp %get3A_153 : vector<16xi32> to vector<16xf32>
      %mul3A_474 = arith.mulf %convert_element_type3A_473, %convert_element_type3A_473 : vector<16xf32>
      %max3A_475 = arith.constant 1.000000e+00 : f32
      %max3A_476 = vector.broadcast %max3A_475 : f32 to vector<16xf32>
      %max3A_477 = arith.maximumf %mul3A_474, %max3A_476 : vector<16xf32>
      %sub3A_478 = arith.constant 1.000000e+00 : f32
      %sub3A_479 = vector.broadcast %sub3A_478 : f32 to vector<16xf32>
      %sub3A_480 = arith.subf %sub3A_479, %select_n3A_472 : vector<16xf32>
      %div3A_481 = arith.divf %sub3A_480, %max3A_477 : vector<16xf32>
      %gt3A_482 = arith.constant 0 : i32
      %gt3A_483 = vector.broadcast %gt3A_482 : i32 to vector<16xi32>
      %gt3A_484 = arith.cmpi sgt, %get3A_153, %gt3A_483 : vector<16xi32>
      %select_n3A_485 = arith.select %gt3A_484, %div3A_481, %add3A_438 : vector<16xi1>, vector<16xf32>
      %mul3A_486 = arith.mulf %get3A_145, %select_n3A_485 : vector<16xf32>
      %add3A_487 = arith.addf %scan3A_116, %mul3A_486 : vector<16xf32>
      scf.yield %add3A_314, %add3A_487 : vector<16xf32>, vector<16xf32>
    }
    %scan3A_98 = arith.constant 16 : i32
    %scan3A_99 = arith.constant 0 : i32
    %scan3A_100 = arith.constant 24 : i32
    %scan3A_101 = arith.addi %scan3A_99, %scan3A_100 : i32
    %scan3A_102 = arith.constant 1 : i32
    %scan3A_103:2 = scf.for %scan3A_114 = %scan3A_99 to %scan3A_101 step %scan3A_102 iter_args(%scan3A_115 = %scan3A_97#0, %scan3A_116 = %scan3A_97#1) -> (vector<16xf32>, vector<16xf32>)  : i32 {
      %mul3A_117 = arith.constant 16 : i32
      %mul3A_118 = arith.muli %scan3A_114, %mul3A_117 : i32
      %add3A_119 = vector.broadcast %mul3A_118 : i32 to vector<16xi32>
      %add3A_120 = arith.addi %add3A_119, %iota3A : vector<16xi32>
      %mul3A_121 = arith.constant 4 : i32
      %mul3A_122 = vector.broadcast %mul3A_121 : i32 to vector<16xi32>
      %mul3A_123 = arith.muli %add3A_120, %mul3A_122 : vector<16xi32>
      %add3A_124 = arith.constant 0 : i32
      %add3A_125 = vector.broadcast %add3A_124 : i32 to vector<16xi32>
      %add3A_126 = arith.addi %mul3A_123, %add3A_125 : vector<16xi32>
      %gather3A = tpu.vector_load_idx %arg32[%add3A_126] : memref<1536xi32, #tpu.memory_space<vmem>>[vector<16xi32>], vector<16xi32>,
      %add3A_127 = vector.broadcast %mul3A_118 : i32 to vector<16xi32>
      %add3A_128 = arith.addi %add3A_127, %iota3A : vector<16xi32>
      %mul3A_129 = arith.constant 4 : i32
      %mul3A_130 = vector.broadcast %mul3A_129 : i32 to vector<16xi32>
      %mul3A_131 = arith.muli %add3A_128, %mul3A_130 : vector<16xi32>
      %add3A_132 = arith.constant 1 : i32
      %add3A_133 = vector.broadcast %add3A_132 : i32 to vector<16xi32>
      %add3A_134 = arith.addi %mul3A_131, %add3A_133 : vector<16xi32>
      %gather3A_135 = tpu.vector_load_idx %arg32[%add3A_134] : memref<1536xi32, #tpu.memory_space<vmem>>[vector<16xi32>], vector<16xi32>,
      %add3A_136 = vector.broadcast %mul3A_118 : i32 to vector<16xi32>
      %add3A_137 = arith.addi %add3A_136, %iota3A : vector<16xi32>
      %mul3A_138 = arith.constant 4 : i32
      %mul3A_139 = vector.broadcast %mul3A_138 : i32 to vector<16xi32>
      %mul3A_140 = arith.muli %add3A_137, %mul3A_139 : vector<16xi32>
      %add3A_141 = arith.constant 2 : i32
      %add3A_142 = vector.broadcast %add3A_141 : i32 to vector<16xi32>
      %add3A_143 = arith.addi %mul3A_140, %add3A_142 : vector<16xi32>
      %gather3A_144 = tpu.vector_load_idx %arg32[%add3A_143] : memref<1536xi32, #tpu.memory_space<vmem>>[vector<16xi32>], vector<16xi32>,
      %add3A_145 = vector.broadcast %mul3A_118 : i32 to vector<16xi32>
      %add3A_146 = arith.addi %add3A_145, %iota3A : vector<16xi32>
      %mul3A_147 = arith.constant 4 : i32
      %mul3A_148 = vector.broadcast %mul3A_147 : i32 to vector<16xi32>
      %mul3A_149 = arith.muli %add3A_146, %mul3A_148 : vector<16xi32>
      %add3A_150 = arith.constant 3 : i32
      %add3A_151 = vector.broadcast %add3A_150 : i32 to vector<16xi32>
      %add3A_152 = arith.addi %mul3A_149, %add3A_151 : vector<16xi32>
      %gather3A_153 = tpu.vector_load_idx %arg32[%add3A_152] : memref<1536xi32, #tpu.memory_space<vmem>>[vector<16xi32>], vector<16xi32>,
      %get3A = arith.index_cast %mul3A_118 : i32 to index
      %get3A_154 = tpu.vector_load %arg33[%get3A] {strides = array<i32>} : memref<384xf32, #tpu.memory_space<vmem>>, vector<16xf32>,
      %get3A_155 = arith.index_cast %mul3A_118 : i32 to index
      %get3A_156 = tpu.vector_load %arg34[%get3A_155] {strides = array<i32>} : memref<384xi32, #tpu.memory_space<vmem>>, vector<16xi32>,
      %get3A_157 = arith.index_cast %mul3A_118 : i32 to index
      %get3A_158 = tpu.vector_load %arg35[%get3A_157] {strides = array<i32>} : memref<384xf32, #tpu.memory_space<vmem>>, vector<16xf32>,
      %add3A_159 = arith.constant 0 : i32
      %add3A_160 = vector.broadcast %add3A_159 : i32 to vector<16xi32>
      %add3A_161 = arith.addi %gather3A, %add3A_160 : vector<16xi32>
      %mul3A_162 = arith.constant 3 : i32
      %mul3A_163 = vector.broadcast %mul3A_162 : i32 to vector<16xi32>
      %mul3A_164 = arith.muli %add3A_161, %mul3A_163 : vector<16xi32>
      %gather3A_165 = tpu.vector_load_idx %arg22[%mul3A_164] : memref<12288xf32, #tpu.memory_space<vmem>>[vector<16xi32>], vector<16xf32>,
      %add3A_166 = arith.constant 1 : i32
      %add3A_167 = vector.broadcast %add3A_166 : i32 to vector<16xi32>
      %add3A_168 = arith.addi %mul3A_164, %add3A_167 : vector<16xi32>
      %gather3A_169 = tpu.vector_load_idx %arg22[%add3A_168] : memref<12288xf32, #tpu.memory_space<vmem>>[vector<16xi32>], vector<16xf32>,
      %add3A_170 = arith.constant 2 : i32
      %add3A_171 = vector.broadcast %add3A_170 : i32 to vector<16xi32>
      %add3A_172 = arith.addi %mul3A_164, %add3A_171 : vector<16xi32>
      %gather3A_173 = tpu.vector_load_idx %arg22[%add3A_172] : memref<12288xf32, #tpu.memory_space<vmem>>[vector<16xi32>], vector<16xf32>,
      %add3A_174 = arith.constant 0 : i32
      %add3A_175 = vector.broadcast %add3A_174 : i32 to vector<16xi32>
      %add3A_176 = arith.addi %gather3A_135, %add3A_175 : vector<16xi32>
      %mul3A_177 = arith.constant 3 : i32
      %mul3A_178 = vector.broadcast %mul3A_177 : i32 to vector<16xi32>
      %mul3A_179 = arith.muli %add3A_176, %mul3A_178 : vector<16xi32>
      %gather3A_180 = tpu.vector_load_idx %arg22[%mul3A_179] : memref<12288xf32, #tpu.memory_space<vmem>>[vector<16xi32>], vector<16xf32>,
      %add3A_181 = arith.constant 1 : i32
      %add3A_182 = vector.broadcast %add3A_181 : i32 to vector<16xi32>
      %add3A_183 = arith.addi %mul3A_179, %add3A_182 : vector<16xi32>
      %gather3A_184 = tpu.vector_load_idx %arg22[%add3A_183] : memref<12288xf32, #tpu.memory_space<vmem>>[vector<16xi32>], vector<16xf32>,
      %add3A_185 = arith.constant 2 : i32
      %add3A_186 = vector.broadcast %add3A_185 : i32 to vector<16xi32>
      %add3A_187 = arith.addi %mul3A_179, %add3A_186 : vector<16xi32>
      %gather3A_188 = tpu.vector_load_idx %arg22[%add3A_187] : memref<12288xf32, #tpu.memory_space<vmem>>[vector<16xi32>], vector<16xf32>,
      %add3A_189 = arith.constant 0 : i32
      %add3A_190 = vector.broadcast %add3A_189 : i32 to vector<16xi32>
      %add3A_191 = arith.addi %gather3A_144, %add3A_190 : vector<16xi32>
      %mul3A_192 = arith.constant 3 : i32
      %mul3A_193 = vector.broadcast %mul3A_192 : i32 to vector<16xi32>
      %mul3A_194 = arith.muli %add3A_191, %mul3A_193 : vector<16xi32>
      %gather3A_195 = tpu.vector_load_idx %arg22[%mul3A_194] : memref<12288xf32, #tpu.memory_space<vmem>>[vector<16xi32>], vector<16xf32>,
      %add3A_196 = arith.constant 1 : i32
      %add3A_197 = vector.broadcast %add3A_196 : i32 to vector<16xi32>
      %add3A_198 = arith.addi %mul3A_194, %add3A_197 : vector<16xi32>
      %gather3A_199 = tpu.vector_load_idx %arg22[%add3A_198] : memref<12288xf32, #tpu.memory_space<vmem>>[vector<16xi32>], vector<16xf32>,
      %add3A_200 = arith.constant 2 : i32
      %add3A_201 = vector.broadcast %add3A_200 : i32 to vector<16xi32>
      %add3A_202 = arith.addi %mul3A_194, %add3A_201 : vector<16xi32>
      %gather3A_203 = tpu.vector_load_idx %arg22[%add3A_202] : memref<12288xf32, #tpu.memory_space<vmem>>[vector<16xi32>], vector<16xf32>,
      %add3A_204 = arith.constant 0 : i32
      %add3A_205 = vector.broadcast %add3A_204 : i32 to vector<16xi32>
      %add3A_206 = arith.addi %gather3A_153, %add3A_205 : vector<16xi32>
      %mul3A_207 = arith.constant 3 : i32
      %mul3A_208 = vector.broadcast %mul3A_207 : i32 to vector<16xi32>
      %mul3A_209 = arith.muli %add3A_206, %mul3A_208 : vector<16xi32>
      %gather3A_210 = tpu.vector_load_idx %arg22[%mul3A_209] : memref<12288xf32, #tpu.memory_space<vmem>>[vector<16xi32>], vector<16xf32>,
      %add3A_211 = arith.constant 1 : i32
      %add3A_212 = vector.broadcast %add3A_211 : i32 to vector<16xi32>
      %add3A_213 = arith.addi %mul3A_209, %add3A_212 : vector<16xi32>
      %gather3A_214 = tpu.vector_load_idx %arg22[%add3A_213] : memref<12288xf32, #tpu.memory_space<vmem>>[vector<16xi32>], vector<16xf32>,
      %add3A_215 = arith.constant 2 : i32
      %add3A_216 = vector.broadcast %add3A_215 : i32 to vector<16xi32>
      %add3A_217 = arith.addi %mul3A_209, %add3A_216 : vector<16xi32>
      %gather3A_218 = tpu.vector_load_idx %arg22[%add3A_217] : memref<12288xf32, #tpu.memory_space<vmem>>[vector<16xi32>], vector<16xf32>,
      %sub3A = arith.subf %gather3A_165, %gather3A_180 : vector<16xf32>
      %sub3A_219 = arith.subf %gather3A_169, %gather3A_184 : vector<16xf32>
      %sub3A_220 = arith.subf %gather3A_173, %gather3A_188 : vector<16xf32>
      %sub3A_221 = arith.subf %gather3A_195, %gather3A_180 : vector<16xf32>
      %sub3A_222 = arith.subf %gather3A_199, %gather3A_184 : vector<16xf32>
      %sub3A_223 = arith.subf %gather3A_203, %gather3A_188 : vector<16xf32>
      %sub3A_224 = arith.subf %gather3A_210, %gather3A_195 : vector<16xf32>
      %sub3A_225 = arith.subf %gather3A_214, %gather3A_199 : vector<16xf32>
      %sub3A_226 = arith.subf %gather3A_218, %gather3A_203 : vector<16xf32>
      %mul3A_227 = arith.mulf %sub3A_219, %sub3A_223 : vector<16xf32>
      %mul3A_228 = arith.mulf %sub3A_220, %sub3A_222 : vector<16xf32>
      %sub3A_229 = arith.subf %mul3A_227, %mul3A_228 : vector<16xf32>
      %mul3A_230 = arith.mulf %sub3A_220, %sub3A_221 : vector<16xf32>
      %mul3A_231 = arith.mulf %sub3A, %sub3A_223 : vector<16xf32>
      %sub3A_232 = arith.subf %mul3A_230, %mul3A_231 : vector<16xf32>
      %mul3A_233 = arith.mulf %sub3A, %sub3A_222 : vector<16xf32>
      %mul3A_234 = arith.mulf %sub3A_219, %sub3A_221 : vector<16xf32>
      %sub3A_235 = arith.subf %mul3A_233, %mul3A_234 : vector<16xf32>
      %mul3A_236 = arith.mulf %sub3A_223, %sub3A_225 : vector<16xf32>
      %mul3A_237 = arith.mulf %sub3A_222, %sub3A_226 : vector<16xf32>
      %sub3A_238 = arith.subf %mul3A_236, %mul3A_237 : vector<16xf32>
      %mul3A_239 = arith.mulf %sub3A_221, %sub3A_226 : vector<16xf32>
      %mul3A_240 = arith.mulf %sub3A_223, %sub3A_224 : vector<16xf32>
      %sub3A_241 = arith.subf %mul3A_239, %mul3A_240 : vector<16xf32>
      %mul3A_242 = arith.mulf %sub3A_222, %sub3A_224 : vector<16xf32>
      %mul3A_243 = arith.mulf %sub3A_221, %sub3A_225 : vector<16xf32>
      %sub3A_244 = arith.subf %mul3A_242, %mul3A_243 : vector<16xf32>
      %mul3A_245 = arith.mulf %sub3A_229, %sub3A_229 : vector<16xf32>
      %mul3A_246 = arith.mulf %sub3A_232, %sub3A_232 : vector<16xf32>
      %add3A_247 = arith.addf %mul3A_245, %mul3A_246 : vector<16xf32>
      %mul3A_248 = arith.mulf %sub3A_235, %sub3A_235 : vector<16xf32>
      %add3A_249 = arith.addf %add3A_247, %mul3A_248 : vector<16xf32>
      %mul3A_250 = arith.mulf %sub3A_238, %sub3A_238 : vector<16xf32>
      %mul3A_251 = arith.mulf %sub3A_241, %sub3A_241 : vector<16xf32>
      %add3A_252 = arith.addf %mul3A_250, %mul3A_251 : vector<16xf32>
      %mul3A_253 = arith.mulf %sub3A_244, %sub3A_244 : vector<16xf32>
      %add3A_254 = arith.addf %add3A_252, %mul3A_253 : vector<16xf32>
      %mul3A_255 = arith.mulf %add3A_249, %add3A_254 : vector<16xf32>
      %max3A = arith.constant 1.000000e-24 : f32
      %max3A_256 = vector.broadcast %max3A : f32 to vector<16xf32>
      %max3A_257 = arith.maximumf %mul3A_255, %max3A_256 : vector<16xf32>
      %bitcast_convert_type3A = tpu.bitcast %max3A_257 : vector<16xf32> -> vector<16xi32>
      %shift_right_arithmetic3A = arith.constant 1 : i32
      %shift_right_arithmetic3A_258 = vector.broadcast %shift_right_arithmetic3A : i32 to vector<16xi32>
      %shift_right_arithmetic3A_259 = arith.shrsi %bitcast_convert_type3A, %shift_right_arithmetic3A_258 : vector<16xi32>
      %sub3A_260 = arith.constant 1597463007 : i32
      %sub3A_261 = vector.broadcast %sub3A_260 : i32 to vector<16xi32>
      %sub3A_262 = arith.subi %sub3A_261, %shift_right_arithmetic3A_259 : vector<16xi32>
      %bitcast_convert_type3A_263 = tpu.bitcast %sub3A_262 : vector<16xi32> -> vector<16xf32>
      %mul3A_264 = arith.constant 5.000000e-01 : f32
      %mul3A_265 = vector.broadcast %mul3A_264 : f32 to vector<16xf32>
      %mul3A_266 = arith.mulf %mul3A_265, %max3A_257 : vector<16xf32>
      %mul3A_267 = arith.mulf %mul3A_266, %bitcast_convert_type3A_263 : vector<16xf32>
      %mul3A_268 = arith.mulf %mul3A_267, %bitcast_convert_type3A_263 : vector<16xf32>
      %sub3A_269 = arith.constant 1.500000e+00 : f32
      %sub3A_270 = vector.broadcast %sub3A_269 : f32 to vector<16xf32>
      %sub3A_271 = arith.subf %sub3A_270, %mul3A_268 : vector<16xf32>
      %mul3A_272 = arith.mulf %bitcast_convert_type3A_263, %sub3A_271 : vector<16xf32>
      %mul3A_273 = arith.constant 5.000000e-01 : f32
      %mul3A_274 = vector.broadcast %mul3A_273 : f32 to vector<16xf32>
      %mul3A_275 = arith.mulf %mul3A_274, %max3A_257 : vector<16xf32>
      %mul3A_276 = arith.mulf %mul3A_275, %mul3A_272 : vector<16xf32>
      %mul3A_277 = arith.mulf %mul3A_276, %mul3A_272 : vector<16xf32>
      %sub3A_278 = arith.constant 1.500000e+00 : f32
      %sub3A_279 = vector.broadcast %sub3A_278 : f32 to vector<16xf32>
      %sub3A_280 = arith.subf %sub3A_279, %mul3A_277 : vector<16xf32>
      %mul3A_281 = arith.mulf %mul3A_272, %sub3A_280 : vector<16xf32>
      %mul3A_282 = arith.constant 5.000000e-01 : f32
      %mul3A_283 = vector.broadcast %mul3A_282 : f32 to vector<16xf32>
      %mul3A_284 = arith.mulf %mul3A_283, %max3A_257 : vector<16xf32>
      %mul3A_285 = arith.mulf %mul3A_284, %mul3A_281 : vector<16xf32>
      %mul3A_286 = arith.mulf %mul3A_285, %mul3A_281 : vector<16xf32>
      %sub3A_287 = arith.constant 1.500000e+00 : f32
      %sub3A_288 = vector.broadcast %sub3A_287 : f32 to vector<16xf32>
      %sub3A_289 = arith.subf %sub3A_288, %mul3A_286 : vector<16xf32>
      %mul3A_290 = arith.mulf %mul3A_281, %sub3A_289 : vector<16xf32>
      %mul3A_291 = arith.mulf %sub3A_229, %sub3A_238 : vector<16xf32>
      %mul3A_292 = arith.mulf %sub3A_232, %sub3A_241 : vector<16xf32>
      %add3A_293 = arith.addf %mul3A_291, %mul3A_292 : vector<16xf32>
      %mul3A_294 = arith.mulf %sub3A_235, %sub3A_244 : vector<16xf32>
      %add3A_295 = arith.addf %add3A_293, %mul3A_294 : vector<16xf32>
      %mul3A_296 = arith.mulf %add3A_295, %mul3A_290 : vector<16xf32>
      %jit3A = arith.constant -0.999998986 : f32
      %jit3A_297 = arith.constant 0.999998986 : f32
      %max3A_298 = vector.broadcast %jit3A : f32 to vector<16xf32>
      %max3A_299 = arith.maximumf %max3A_298, %mul3A_296 : vector<16xf32>
      %min3A = vector.broadcast %jit3A_297 : f32 to vector<16xf32>
      %min3A_300 = arith.minimumf %min3A, %max3A_299 : vector<16xf32>
      %mul3A_301 = arith.mulf %min3A_300, %min3A_300 : vector<16xf32>
      %sub3A_302 = arith.constant 1.000000e+00 : f32
      %sub3A_303 = vector.broadcast %sub3A_302 : f32 to vector<16xf32>
      %sub3A_304 = arith.subf %sub3A_303, %mul3A_301 : vector<16xf32>
      %max3A_305 = arith.constant 9.99999996E-13 : f32
      %max3A_306 = vector.broadcast %max3A_305 : f32 to vector<16xf32>
      %max3A_307 = arith.maximumf %sub3A_304, %max3A_306 : vector<16xf32>
      %mul3A_308 = arith.mulf %mul3A_301, %mul3A_301 : vector<16xf32>
      %mul3A_309 = arith.mulf %mul3A_308, %mul3A_301 : vector<16xf32>
      %mul3A_310 = arith.constant 2.000000e+00 : f32
      %mul3A_311 = vector.broadcast %mul3A_310 : f32 to vector<16xf32>
      %mul3A_312 = arith.mulf %mul3A_311, %max3A_307 : vector<16xf32>
      %sub3A_313 = arith.constant 1.000000e+00 : f32
      %sub3A_314 = vector.broadcast %sub3A_313 : f32 to vector<16xf32>
      %sub3A_315 = arith.subf %sub3A_314, %mul3A_312 : vector<16xf32>
      %mul3A_316 = arith.constant 3.000000e+00 : f32
      %mul3A_317 = vector.broadcast %mul3A_316 : f32 to vector<16xf32>
      %mul3A_318 = arith.mulf %mul3A_317, %max3A_307 : vector<16xf32>
      %sub3A_319 = arith.subf %mul3A_301, %mul3A_318 : vector<16xf32>
      %mul3A_320 = arith.mulf %min3A_300, %sub3A_319 : vector<16xf32>
      %mul3A_321 = arith.constant 6.000000e+00 : f32
      %mul3A_322 = vector.broadcast %mul3A_321 : f32 to vector<16xf32>
      %mul3A_323 = arith.mulf %mul3A_322, %mul3A_301 : vector<16xf32>
      %mul3A_324 = arith.mulf %mul3A_323, %max3A_307 : vector<16xf32>
      %sub3A_325 = arith.subf %mul3A_308, %mul3A_324 : vector<16xf32>
      %mul3A_326 = arith.mulf %max3A_307, %max3A_307 : vector<16xf32>
      %add3A_327 = arith.addf %sub3A_325, %mul3A_326 : vector<16xf32>
      %mul3A_328 = arith.constant 3.200000e+01 : f32
      %mul3A_329 = vector.broadcast %mul3A_328 : f32 to vector<16xf32>
      %mul3A_330 = arith.mulf %mul3A_329, %mul3A_309 : vector<16xf32>
      %mul3A_331 = arith.constant 4.800000e+01 : f32
      %mul3A_332 = vector.broadcast %mul3A_331 : f32 to vector<16xf32>
      %mul3A_333 = arith.mulf %mul3A_332, %mul3A_308 : vector<16xf32>
      %sub3A_334 = arith.subf %mul3A_330, %mul3A_333 : vector<16xf32>
      %mul3A_335 = arith.constant 1.800000e+01 : f32
      %mul3A_336 = vector.broadcast %mul3A_335 : f32 to vector<16xf32>
      %mul3A_337 = arith.mulf %mul3A_336, %mul3A_301 : vector<16xf32>
      %add3A_338 = arith.addf %sub3A_334, %mul3A_337 : vector<16xf32>
      %sub3A_339 = arith.constant 1.000000e+00 : f32
      %sub3A_340 = vector.broadcast %sub3A_339 : f32 to vector<16xf32>
      %sub3A_341 = arith.subf %add3A_338, %sub3A_340 : vector<16xf32>
      %eq3A = arith.constant 1 : i32
      %eq3A_342 = vector.broadcast %eq3A : i32 to vector<16xi32>
      %eq3A_343 = arith.cmpi eq, %get3A_156, %eq3A_342 : vector<16xi32>
      %broadcast_in_dim3A_344 = arith.constant 0.000000e+00 : f32
      %broadcast_in_dim3A_345 = vector.broadcast %broadcast_in_dim3A_344 : f32 to vector<16xf32>
      %select_n3A = arith.select %eq3A_343, %min3A_300, %broadcast_in_dim3A_345 : vector<16xi1>, vector<16xf32>
      %eq3A_346 = arith.constant 2 : i32
      %eq3A_347 = vector.broadcast %eq3A_346 : i32 to vector<16xi32>
      %eq3A_348 = arith.cmpi eq, %get3A_156, %eq3A_347 : vector<16xi32>
      %select_n3A_349 = arith.select %eq3A_348, %sub3A_315, %select_n3A : vector<16xi1>, vector<16xf32>
      %eq3A_350 = arith.constant 3 : i32
      %eq3A_351 = vector.broadcast %eq3A_350 : i32 to vector<16xi32>
      %eq3A_352 = arith.cmpi eq, %get3A_156, %eq3A_351 : vector<16xi32>
      %select_n3A_353 = arith.select %eq3A_352, %mul3A_320, %select_n3A_349 : vector<16xi1>, vector<16xf32>
      %eq3A_354 = arith.constant 4 : i32
      %eq3A_355 = vector.broadcast %eq3A_354 : i32 to vector<16xi32>
      %eq3A_356 = arith.cmpi eq, %get3A_156, %eq3A_355 : vector<16xi32>
      %select_n3A_357 = arith.select %eq3A_356, %add3A_327, %select_n3A_353 : vector<16xi1>, vector<16xf32>
      %eq3A_358 = arith.constant 6 : i32
      %eq3A_359 = vector.broadcast %eq3A_358 : i32 to vector<16xi32>
      %eq3A_360 = arith.cmpi eq, %get3A_156, %eq3A_359 : vector<16xi32>
      %select_n3A_361 = arith.select %eq3A_360, %sub3A_341, %select_n3A_357 : vector<16xi1>, vector<16xf32>
      %mul3A_362 = arith.constant 5.000000e-01 : f32
      %mul3A_363 = vector.broadcast %mul3A_362 : f32 to vector<16xf32>
      %mul3A_364 = arith.mulf %mul3A_363, %get3A_154 : vector<16xf32>
      %mul3A_365 = arith.mulf %get3A_158, %select_n3A_361 : vector<16xf32>
      %sub3A_366 = arith.constant 1.000000e+00 : f32
      %sub3A_367 = vector.broadcast %sub3A_366 : f32 to vector<16xf32>
      %sub3A_368 = arith.subf %sub3A_367, %mul3A_365 : vector<16xf32>
      %mul3A_369 = arith.mulf %mul3A_364, %sub3A_368 : vector<16xf32>
      %add3A_370 = arith.addf %scan3A_115, %mul3A_369 : vector<16xf32>
      %add3A_371 = arith.constant 2048 : i32
      %add3A_372 = vector.broadcast %add3A_371 : i32 to vector<16xi32>
      %add3A_373 = arith.addi %gather3A, %add3A_372 : vector<16xi32>
      %mul3A_374 = arith.constant 3 : i32
      %mul3A_375 = vector.broadcast %mul3A_374 : i32 to vector<16xi32>
      %mul3A_376 = arith.muli %add3A_373, %mul3A_375 : vector<16xi32>
      %gather3A_377 = tpu.vector_load_idx %arg22[%mul3A_376] : memref<12288xf32, #tpu.memory_space<vmem>>[vector<16xi32>], vector<16xf32>,
      %add3A_378 = arith.constant 1 : i32
      %add3A_379 = vector.broadcast %add3A_378 : i32 to vector<16xi32>
      %add3A_380 = arith.addi %mul3A_376, %add3A_379 : vector<16xi32>
      %gather3A_381 = tpu.vector_load_idx %arg22[%add3A_380] : memref<12288xf32, #tpu.memory_space<vmem>>[vector<16xi32>], vector<16xf32>,
      %add3A_382 = arith.constant 2 : i32
      %add3A_383 = vector.broadcast %add3A_382 : i32 to vector<16xi32>
      %add3A_384 = arith.addi %mul3A_376, %add3A_383 : vector<16xi32>
      %gather3A_385 = tpu.vector_load_idx %arg22[%add3A_384] : memref<12288xf32, #tpu.memory_space<vmem>>[vector<16xi32>], vector<16xf32>,
      %add3A_386 = arith.constant 2048 : i32
      %add3A_387 = vector.broadcast %add3A_386 : i32 to vector<16xi32>
      %add3A_388 = arith.addi %gather3A_135, %add3A_387 : vector<16xi32>
      %mul3A_389 = arith.constant 3 : i32
      %mul3A_390 = vector.broadcast %mul3A_389 : i32 to vector<16xi32>
      %mul3A_391 = arith.muli %add3A_388, %mul3A_390 : vector<16xi32>
      %gather3A_392 = tpu.vector_load_idx %arg22[%mul3A_391] : memref<12288xf32, #tpu.memory_space<vmem>>[vector<16xi32>], vector<16xf32>,
      %add3A_393 = arith.constant 1 : i32
      %add3A_394 = vector.broadcast %add3A_393 : i32 to vector<16xi32>
      %add3A_395 = arith.addi %mul3A_391, %add3A_394 : vector<16xi32>
      %gather3A_396 = tpu.vector_load_idx %arg22[%add3A_395] : memref<12288xf32, #tpu.memory_space<vmem>>[vector<16xi32>], vector<16xf32>,
      %add3A_397 = arith.constant 2 : i32
      %add3A_398 = vector.broadcast %add3A_397 : i32 to vector<16xi32>
      %add3A_399 = arith.addi %mul3A_391, %add3A_398 : vector<16xi32>
      %gather3A_400 = tpu.vector_load_idx %arg22[%add3A_399] : memref<12288xf32, #tpu.memory_space<vmem>>[vector<16xi32>], vector<16xf32>,
      %add3A_401 = arith.constant 2048 : i32
      %add3A_402 = vector.broadcast %add3A_401 : i32 to vector<16xi32>
      %add3A_403 = arith.addi %gather3A_144, %add3A_402 : vector<16xi32>
      %mul3A_404 = arith.constant 3 : i32
      %mul3A_405 = vector.broadcast %mul3A_404 : i32 to vector<16xi32>
      %mul3A_406 = arith.muli %add3A_403, %mul3A_405 : vector<16xi32>
      %gather3A_407 = tpu.vector_load_idx %arg22[%mul3A_406] : memref<12288xf32, #tpu.memory_space<vmem>>[vector<16xi32>], vector<16xf32>,
      %add3A_408 = arith.constant 1 : i32
      %add3A_409 = vector.broadcast %add3A_408 : i32 to vector<16xi32>
      %add3A_410 = arith.addi %mul3A_406, %add3A_409 : vector<16xi32>
      %gather3A_411 = tpu.vector_load_idx %arg22[%add3A_410] : memref<12288xf32, #tpu.memory_space<vmem>>[vector<16xi32>], vector<16xf32>,
      %add3A_412 = arith.constant 2 : i32
      %add3A_413 = vector.broadcast %add3A_412 : i32 to vector<16xi32>
      %add3A_414 = arith.addi %mul3A_406, %add3A_413 : vector<16xi32>
      %gather3A_415 = tpu.vector_load_idx %arg22[%add3A_414] : memref<12288xf32, #tpu.memory_space<vmem>>[vector<16xi32>], vector<16xf32>,
      %add3A_416 = arith.constant 2048 : i32
      %add3A_417 = vector.broadcast %add3A_416 : i32 to vector<16xi32>
      %add3A_418 = arith.addi %gather3A_153, %add3A_417 : vector<16xi32>
      %mul3A_419 = arith.constant 3 : i32
      %mul3A_420 = vector.broadcast %mul3A_419 : i32 to vector<16xi32>
      %mul3A_421 = arith.muli %add3A_418, %mul3A_420 : vector<16xi32>
      %gather3A_422 = tpu.vector_load_idx %arg22[%mul3A_421] : memref<12288xf32, #tpu.memory_space<vmem>>[vector<16xi32>], vector<16xf32>,
      %add3A_423 = arith.constant 1 : i32
      %add3A_424 = vector.broadcast %add3A_423 : i32 to vector<16xi32>
      %add3A_425 = arith.addi %mul3A_421, %add3A_424 : vector<16xi32>
      %gather3A_426 = tpu.vector_load_idx %arg22[%add3A_425] : memref<12288xf32, #tpu.memory_space<vmem>>[vector<16xi32>], vector<16xf32>,
      %add3A_427 = arith.constant 2 : i32
      %add3A_428 = vector.broadcast %add3A_427 : i32 to vector<16xi32>
      %add3A_429 = arith.addi %mul3A_421, %add3A_428 : vector<16xi32>
      %gather3A_430 = tpu.vector_load_idx %arg22[%add3A_429] : memref<12288xf32, #tpu.memory_space<vmem>>[vector<16xi32>], vector<16xf32>,
      %sub3A_431 = arith.subf %gather3A_377, %gather3A_392 : vector<16xf32>
      %sub3A_432 = arith.subf %gather3A_381, %gather3A_396 : vector<16xf32>
      %sub3A_433 = arith.subf %gather3A_385, %gather3A_400 : vector<16xf32>
      %sub3A_434 = arith.subf %gather3A_407, %gather3A_392 : vector<16xf32>
      %sub3A_435 = arith.subf %gather3A_411, %gather3A_396 : vector<16xf32>
      %sub3A_436 = arith.subf %gather3A_415, %gather3A_400 : vector<16xf32>
      %sub3A_437 = arith.subf %gather3A_422, %gather3A_407 : vector<16xf32>
      %sub3A_438 = arith.subf %gather3A_426, %gather3A_411 : vector<16xf32>
      %sub3A_439 = arith.subf %gather3A_430, %gather3A_415 : vector<16xf32>
      %mul3A_440 = arith.mulf %sub3A_432, %sub3A_436 : vector<16xf32>
      %mul3A_441 = arith.mulf %sub3A_433, %sub3A_435 : vector<16xf32>
      %sub3A_442 = arith.subf %mul3A_440, %mul3A_441 : vector<16xf32>
      %mul3A_443 = arith.mulf %sub3A_433, %sub3A_434 : vector<16xf32>
      %mul3A_444 = arith.mulf %sub3A_431, %sub3A_436 : vector<16xf32>
      %sub3A_445 = arith.subf %mul3A_443, %mul3A_444 : vector<16xf32>
      %mul3A_446 = arith.mulf %sub3A_431, %sub3A_435 : vector<16xf32>
      %mul3A_447 = arith.mulf %sub3A_432, %sub3A_434 : vector<16xf32>
      %sub3A_448 = arith.subf %mul3A_446, %mul3A_447 : vector<16xf32>
      %mul3A_449 = arith.mulf %sub3A_436, %sub3A_438 : vector<16xf32>
      %mul3A_450 = arith.mulf %sub3A_435, %sub3A_439 : vector<16xf32>
      %sub3A_451 = arith.subf %mul3A_449, %mul3A_450 : vector<16xf32>
      %mul3A_452 = arith.mulf %sub3A_434, %sub3A_439 : vector<16xf32>
      %mul3A_453 = arith.mulf %sub3A_436, %sub3A_437 : vector<16xf32>
      %sub3A_454 = arith.subf %mul3A_452, %mul3A_453 : vector<16xf32>
      %mul3A_455 = arith.mulf %sub3A_435, %sub3A_437 : vector<16xf32>
      %mul3A_456 = arith.mulf %sub3A_434, %sub3A_438 : vector<16xf32>
      %sub3A_457 = arith.subf %mul3A_455, %mul3A_456 : vector<16xf32>
      %mul3A_458 = arith.mulf %sub3A_442, %sub3A_442 : vector<16xf32>
      %mul3A_459 = arith.mulf %sub3A_445, %sub3A_445 : vector<16xf32>
      %add3A_460 = arith.addf %mul3A_458, %mul3A_459 : vector<16xf32>
      %mul3A_461 = arith.mulf %sub3A_448, %sub3A_448 : vector<16xf32>
      %add3A_462 = arith.addf %add3A_460, %mul3A_461 : vector<16xf32>
      %mul3A_463 = arith.mulf %sub3A_451, %sub3A_451 : vector<16xf32>
      %mul3A_464 = arith.mulf %sub3A_454, %sub3A_454 : vector<16xf32>
      %add3A_465 = arith.addf %mul3A_463, %mul3A_464 : vector<16xf32>
      %mul3A_466 = arith.mulf %sub3A_457, %sub3A_457 : vector<16xf32>
      %add3A_467 = arith.addf %add3A_465, %mul3A_466 : vector<16xf32>
      %mul3A_468 = arith.mulf %add3A_462, %add3A_467 : vector<16xf32>
      %max3A_469 = arith.constant 1.000000e-24 : f32
      %max3A_470 = vector.broadcast %max3A_469 : f32 to vector<16xf32>
      %max3A_471 = arith.maximumf %mul3A_468, %max3A_470 : vector<16xf32>
      %bitcast_convert_type3A_472 = tpu.bitcast %max3A_471 : vector<16xf32> -> vector<16xi32>
      %shift_right_arithmetic3A_473 = arith.constant 1 : i32
      %shift_right_arithmetic3A_474 = vector.broadcast %shift_right_arithmetic3A_473 : i32 to vector<16xi32>
      %shift_right_arithmetic3A_475 = arith.shrsi %bitcast_convert_type3A_472, %shift_right_arithmetic3A_474 : vector<16xi32>
      %sub3A_476 = arith.constant 1597463007 : i32
      %sub3A_477 = vector.broadcast %sub3A_476 : i32 to vector<16xi32>
      %sub3A_478 = arith.subi %sub3A_477, %shift_right_arithmetic3A_475 : vector<16xi32>
      %bitcast_convert_type3A_479 = tpu.bitcast %sub3A_478 : vector<16xi32> -> vector<16xf32>
      %mul3A_480 = arith.constant 5.000000e-01 : f32
      %mul3A_481 = vector.broadcast %mul3A_480 : f32 to vector<16xf32>
      %mul3A_482 = arith.mulf %mul3A_481, %max3A_471 : vector<16xf32>
      %mul3A_483 = arith.mulf %mul3A_482, %bitcast_convert_type3A_479 : vector<16xf32>
      %mul3A_484 = arith.mulf %mul3A_483, %bitcast_convert_type3A_479 : vector<16xf32>
      %sub3A_485 = arith.constant 1.500000e+00 : f32
      %sub3A_486 = vector.broadcast %sub3A_485 : f32 to vector<16xf32>
      %sub3A_487 = arith.subf %sub3A_486, %mul3A_484 : vector<16xf32>
      %mul3A_488 = arith.mulf %bitcast_convert_type3A_479, %sub3A_487 : vector<16xf32>
      %mul3A_489 = arith.constant 5.000000e-01 : f32
      %mul3A_490 = vector.broadcast %mul3A_489 : f32 to vector<16xf32>
      %mul3A_491 = arith.mulf %mul3A_490, %max3A_471 : vector<16xf32>
      %mul3A_492 = arith.mulf %mul3A_491, %mul3A_488 : vector<16xf32>
      %mul3A_493 = arith.mulf %mul3A_492, %mul3A_488 : vector<16xf32>
      %sub3A_494 = arith.constant 1.500000e+00 : f32
      %sub3A_495 = vector.broadcast %sub3A_494 : f32 to vector<16xf32>
      %sub3A_496 = arith.subf %sub3A_495, %mul3A_493 : vector<16xf32>
      %mul3A_497 = arith.mulf %mul3A_488, %sub3A_496 : vector<16xf32>
      %mul3A_498 = arith.constant 5.000000e-01 : f32
      %mul3A_499 = vector.broadcast %mul3A_498 : f32 to vector<16xf32>
      %mul3A_500 = arith.mulf %mul3A_499, %max3A_471 : vector<16xf32>
      %mul3A_501 = arith.mulf %mul3A_500, %mul3A_497 : vector<16xf32>
      %mul3A_502 = arith.mulf %mul3A_501, %mul3A_497 : vector<16xf32>
      %sub3A_503 = arith.constant 1.500000e+00 : f32
      %sub3A_504 = vector.broadcast %sub3A_503 : f32 to vector<16xf32>
      %sub3A_505 = arith.subf %sub3A_504, %mul3A_502 : vector<16xf32>
      %mul3A_506 = arith.mulf %mul3A_497, %sub3A_505 : vector<16xf32>
      %mul3A_507 = arith.mulf %sub3A_442, %sub3A_451 : vector<16xf32>
      %mul3A_508 = arith.mulf %sub3A_445, %sub3A_454 : vector<16xf32>
      %add3A_509 = arith.addf %mul3A_507, %mul3A_508 : vector<16xf32>
      %mul3A_510 = arith.mulf %sub3A_448, %sub3A_457 : vector<16xf32>
      %add3A_511 = arith.addf %add3A_509, %mul3A_510 : vector<16xf32>
      %mul3A_512 = arith.mulf %add3A_511, %mul3A_506 : vector<16xf32>
      %jit3A_513 = arith.constant -0.999998986 : f32
      %jit3A_514 = arith.constant 0.999998986 : f32
      %max3A_515 = vector.broadcast %jit3A_513 : f32 to vector<16xf32>
      %max3A_516 = arith.maximumf %max3A_515, %mul3A_512 : vector<16xf32>
      %min3A_517 = vector.broadcast %jit3A_514 : f32 to vector<16xf32>
      %min3A_518 = arith.minimumf %min3A_517, %max3A_516 : vector<16xf32>
      %mul3A_519 = arith.mulf %min3A_518, %min3A_518 : vector<16xf32>
      %sub3A_520 = arith.constant 1.000000e+00 : f32
      %sub3A_521 = vector.broadcast %sub3A_520 : f32 to vector<16xf32>
      %sub3A_522 = arith.subf %sub3A_521, %mul3A_519 : vector<16xf32>
      %max3A_523 = arith.constant 9.99999996E-13 : f32
      %max3A_524 = vector.broadcast %max3A_523 : f32 to vector<16xf32>
      %max3A_525 = arith.maximumf %sub3A_522, %max3A_524 : vector<16xf32>
      %mul3A_526 = arith.mulf %mul3A_519, %mul3A_519 : vector<16xf32>
      %mul3A_527 = arith.mulf %mul3A_526, %mul3A_519 : vector<16xf32>
      %mul3A_528 = arith.constant 2.000000e+00 : f32
      %mul3A_529 = vector.broadcast %mul3A_528 : f32 to vector<16xf32>
      %mul3A_530 = arith.mulf %mul3A_529, %max3A_525 : vector<16xf32>
      %sub3A_531 = arith.constant 1.000000e+00 : f32
      %sub3A_532 = vector.broadcast %sub3A_531 : f32 to vector<16xf32>
      %sub3A_533 = arith.subf %sub3A_532, %mul3A_530 : vector<16xf32>
      %mul3A_534 = arith.constant 3.000000e+00 : f32
      %mul3A_535 = vector.broadcast %mul3A_534 : f32 to vector<16xf32>
      %mul3A_536 = arith.mulf %mul3A_535, %max3A_525 : vector<16xf32>
      %sub3A_537 = arith.subf %mul3A_519, %mul3A_536 : vector<16xf32>
      %mul3A_538 = arith.mulf %min3A_518, %sub3A_537 : vector<16xf32>
      %mul3A_539 = arith.constant 6.000000e+00 : f32
      %mul3A_540 = vector.broadcast %mul3A_539 : f32 to vector<16xf32>
      %mul3A_541 = arith.mulf %mul3A_540, %mul3A_519 : vector<16xf32>
      %mul3A_542 = arith.mulf %mul3A_541, %max3A_525 : vector<16xf32>
      %sub3A_543 = arith.subf %mul3A_526, %mul3A_542 : vector<16xf32>
      %mul3A_544 = arith.mulf %max3A_525, %max3A_525 : vector<16xf32>
      %add3A_545 = arith.addf %sub3A_543, %mul3A_544 : vector<16xf32>
      %mul3A_546 = arith.constant 3.200000e+01 : f32
      %mul3A_547 = vector.broadcast %mul3A_546 : f32 to vector<16xf32>
      %mul3A_548 = arith.mulf %mul3A_547, %mul3A_527 : vector<16xf32>
      %mul3A_549 = arith.constant 4.800000e+01 : f32
      %mul3A_550 = vector.broadcast %mul3A_549 : f32 to vector<16xf32>
      %mul3A_551 = arith.mulf %mul3A_550, %mul3A_526 : vector<16xf32>
      %sub3A_552 = arith.subf %mul3A_548, %mul3A_551 : vector<16xf32>
      %mul3A_553 = arith.constant 1.800000e+01 : f32
      %mul3A_554 = vector.broadcast %mul3A_553 : f32 to vector<16xf32>
      %mul3A_555 = arith.mulf %mul3A_554, %mul3A_519 : vector<16xf32>
      %add3A_556 = arith.addf %sub3A_552, %mul3A_555 : vector<16xf32>
      %sub3A_557 = arith.constant 1.000000e+00 : f32
      %sub3A_558 = vector.broadcast %sub3A_557 : f32 to vector<16xf32>
      %sub3A_559 = arith.subf %add3A_556, %sub3A_558 : vector<16xf32>
      %eq3A_560 = arith.constant 1 : i32
      %eq3A_561 = vector.broadcast %eq3A_560 : i32 to vector<16xi32>
      %eq3A_562 = arith.cmpi eq, %get3A_156, %eq3A_561 : vector<16xi32>
      %broadcast_in_dim3A_563 = arith.constant 0.000000e+00 : f32
      %broadcast_in_dim3A_564 = vector.broadcast %broadcast_in_dim3A_563 : f32 to vector<16xf32>
      %select_n3A_565 = arith.select %eq3A_562, %min3A_518, %broadcast_in_dim3A_564 : vector<16xi1>, vector<16xf32>
      %eq3A_566 = arith.constant 2 : i32
      %eq3A_567 = vector.broadcast %eq3A_566 : i32 to vector<16xi32>
      %eq3A_568 = arith.cmpi eq, %get3A_156, %eq3A_567 : vector<16xi32>
      %select_n3A_569 = arith.select %eq3A_568, %sub3A_533, %select_n3A_565 : vector<16xi1>, vector<16xf32>
      %eq3A_570 = arith.constant 3 : i32
      %eq3A_571 = vector.broadcast %eq3A_570 : i32 to vector<16xi32>
      %eq3A_572 = arith.cmpi eq, %get3A_156, %eq3A_571 : vector<16xi32>
      %select_n3A_573 = arith.select %eq3A_572, %mul3A_538, %select_n3A_569 : vector<16xi1>, vector<16xf32>
      %eq3A_574 = arith.constant 4 : i32
      %eq3A_575 = vector.broadcast %eq3A_574 : i32 to vector<16xi32>
      %eq3A_576 = arith.cmpi eq, %get3A_156, %eq3A_575 : vector<16xi32>
      %select_n3A_577 = arith.select %eq3A_576, %add3A_545, %select_n3A_573 : vector<16xi1>, vector<16xf32>
      %eq3A_578 = arith.constant 6 : i32
      %eq3A_579 = vector.broadcast %eq3A_578 : i32 to vector<16xi32>
      %eq3A_580 = arith.cmpi eq, %get3A_156, %eq3A_579 : vector<16xi32>
      %select_n3A_581 = arith.select %eq3A_580, %sub3A_559, %select_n3A_577 : vector<16xi1>, vector<16xf32>
      %mul3A_582 = arith.constant 5.000000e-01 : f32
      %mul3A_583 = vector.broadcast %mul3A_582 : f32 to vector<16xf32>
      %mul3A_584 = arith.mulf %mul3A_583, %get3A_154 : vector<16xf32>
      %mul3A_585 = arith.mulf %get3A_158, %select_n3A_581 : vector<16xf32>
      %sub3A_586 = arith.constant 1.000000e+00 : f32
      %sub3A_587 = vector.broadcast %sub3A_586 : f32 to vector<16xf32>
      %sub3A_588 = arith.subf %sub3A_587, %mul3A_585 : vector<16xf32>
      %mul3A_589 = arith.mulf %mul3A_584, %sub3A_588 : vector<16xf32>
      %add3A_590 = arith.addf %scan3A_116, %mul3A_589 : vector<16xf32>
      scf.yield %add3A_370, %add3A_590 : vector<16xf32>, vector<16xf32>
    }
    %scan3A_104 = arith.constant 24 : i32
    %scan3A_105 = arith.constant 0 : i32
    %scan3A_106 = arith.constant 4 : i32
    %scan3A_107 = arith.addi %scan3A_105, %scan3A_106 : i32
    %scan3A_108 = arith.constant 1 : i32
    %scan3A_109:2 = scf.for %scan3A_114 = %scan3A_105 to %scan3A_107 step %scan3A_108 iter_args(%scan3A_115 = %scan3A_103#0, %scan3A_116 = %scan3A_103#1) -> (vector<16xf32>, vector<16xf32>)  : i32 {
      %mul3A_117 = arith.constant 16 : i32
      %mul3A_118 = arith.muli %scan3A_114, %mul3A_117 : i32
      %add3A_119 = vector.broadcast %mul3A_118 : i32 to vector<16xi32>
      %add3A_120 = arith.addi %add3A_119, %iota3A : vector<16xi32>
      %mul3A_121 = arith.constant 4 : i32
      %mul3A_122 = vector.broadcast %mul3A_121 : i32 to vector<16xi32>
      %mul3A_123 = arith.muli %add3A_120, %mul3A_122 : vector<16xi32>
      %add3A_124 = arith.constant 0 : i32
      %add3A_125 = vector.broadcast %add3A_124 : i32 to vector<16xi32>
      %add3A_126 = arith.addi %mul3A_123, %add3A_125 : vector<16xi32>
      %gather3A = tpu.vector_load_idx %arg36[%add3A_126] : memref<256xi32, #tpu.memory_space<vmem>>[vector<16xi32>], vector<16xi32>,
      %add3A_127 = vector.broadcast %mul3A_118 : i32 to vector<16xi32>
      %add3A_128 = arith.addi %add3A_127, %iota3A : vector<16xi32>
      %mul3A_129 = arith.constant 4 : i32
      %mul3A_130 = vector.broadcast %mul3A_129 : i32 to vector<16xi32>
      %mul3A_131 = arith.muli %add3A_128, %mul3A_130 : vector<16xi32>
      %add3A_132 = arith.constant 1 : i32
      %add3A_133 = vector.broadcast %add3A_132 : i32 to vector<16xi32>
      %add3A_134 = arith.addi %mul3A_131, %add3A_133 : vector<16xi32>
      %gather3A_135 = tpu.vector_load_idx %arg36[%add3A_134] : memref<256xi32, #tpu.memory_space<vmem>>[vector<16xi32>], vector<16xi32>,
      %add3A_136 = vector.broadcast %mul3A_118 : i32 to vector<16xi32>
      %add3A_137 = arith.addi %add3A_136, %iota3A : vector<16xi32>
      %mul3A_138 = arith.constant 4 : i32
      %mul3A_139 = vector.broadcast %mul3A_138 : i32 to vector<16xi32>
      %mul3A_140 = arith.muli %add3A_137, %mul3A_139 : vector<16xi32>
      %add3A_141 = arith.constant 2 : i32
      %add3A_142 = vector.broadcast %add3A_141 : i32 to vector<16xi32>
      %add3A_143 = arith.addi %mul3A_140, %add3A_142 : vector<16xi32>
      %gather3A_144 = tpu.vector_load_idx %arg36[%add3A_143] : memref<256xi32, #tpu.memory_space<vmem>>[vector<16xi32>], vector<16xi32>,
      %add3A_145 = vector.broadcast %mul3A_118 : i32 to vector<16xi32>
      %add3A_146 = arith.addi %add3A_145, %iota3A : vector<16xi32>
      %mul3A_147 = arith.constant 4 : i32
      %mul3A_148 = vector.broadcast %mul3A_147 : i32 to vector<16xi32>
      %mul3A_149 = arith.muli %add3A_146, %mul3A_148 : vector<16xi32>
      %add3A_150 = arith.constant 3 : i32
      %add3A_151 = vector.broadcast %add3A_150 : i32 to vector<16xi32>
      %add3A_152 = arith.addi %mul3A_149, %add3A_151 : vector<16xi32>
      %gather3A_153 = tpu.vector_load_idx %arg36[%add3A_152] : memref<256xi32, #tpu.memory_space<vmem>>[vector<16xi32>], vector<16xi32>,
      %get3A = arith.index_cast %mul3A_118 : i32 to index
      %get3A_154 = tpu.vector_load %arg37[%get3A] {strides = array<i32>} : memref<64xf32, #tpu.memory_space<vmem>>, vector<16xf32>,
      %get3A_155 = arith.index_cast %mul3A_118 : i32 to index
      %get3A_156 = tpu.vector_load %arg38[%get3A_155] {strides = array<i32>} : memref<64xf32, #tpu.memory_space<vmem>>, vector<16xf32>,
      %get3A_157 = arith.index_cast %mul3A_118 : i32 to index
      %get3A_158 = tpu.vector_load %arg39[%get3A_157] {strides = array<i32>} : memref<64xf32, #tpu.memory_space<vmem>>, vector<16xf32>,
      %get3A_159 = arith.index_cast %mul3A_118 : i32 to index
      %get3A_160 = tpu.vector_load %arg40[%get3A_159] {strides = array<i32>} : memref<64xf32, #tpu.memory_space<vmem>>, vector<16xf32>,
      %add3A_161 = arith.constant 0 : i32
      %add3A_162 = vector.broadcast %add3A_161 : i32 to vector<16xi32>
      %add3A_163 = arith.addi %gather3A, %add3A_162 : vector<16xi32>
      %mul3A_164 = arith.constant 3 : i32
      %mul3A_165 = vector.broadcast %mul3A_164 : i32 to vector<16xi32>
      %mul3A_166 = arith.muli %add3A_163, %mul3A_165 : vector<16xi32>
      %gather3A_167 = tpu.vector_load_idx %arg22[%mul3A_166] : memref<12288xf32, #tpu.memory_space<vmem>>[vector<16xi32>], vector<16xf32>,
      %add3A_168 = arith.constant 1 : i32
      %add3A_169 = vector.broadcast %add3A_168 : i32 to vector<16xi32>
      %add3A_170 = arith.addi %mul3A_166, %add3A_169 : vector<16xi32>
      %gather3A_171 = tpu.vector_load_idx %arg22[%add3A_170] : memref<12288xf32, #tpu.memory_space<vmem>>[vector<16xi32>], vector<16xf32>,
      %add3A_172 = arith.constant 2 : i32
      %add3A_173 = vector.broadcast %add3A_172 : i32 to vector<16xi32>
      %add3A_174 = arith.addi %mul3A_166, %add3A_173 : vector<16xi32>
      %gather3A_175 = tpu.vector_load_idx %arg22[%add3A_174] : memref<12288xf32, #tpu.memory_space<vmem>>[vector<16xi32>], vector<16xf32>,
      %add3A_176 = arith.constant 0 : i32
      %add3A_177 = vector.broadcast %add3A_176 : i32 to vector<16xi32>
      %add3A_178 = arith.addi %gather3A_135, %add3A_177 : vector<16xi32>
      %mul3A_179 = arith.constant 3 : i32
      %mul3A_180 = vector.broadcast %mul3A_179 : i32 to vector<16xi32>
      %mul3A_181 = arith.muli %add3A_178, %mul3A_180 : vector<16xi32>
      %gather3A_182 = tpu.vector_load_idx %arg22[%mul3A_181] : memref<12288xf32, #tpu.memory_space<vmem>>[vector<16xi32>], vector<16xf32>,
      %add3A_183 = arith.constant 1 : i32
      %add3A_184 = vector.broadcast %add3A_183 : i32 to vector<16xi32>
      %add3A_185 = arith.addi %mul3A_181, %add3A_184 : vector<16xi32>
      %gather3A_186 = tpu.vector_load_idx %arg22[%add3A_185] : memref<12288xf32, #tpu.memory_space<vmem>>[vector<16xi32>], vector<16xf32>,
      %add3A_187 = arith.constant 2 : i32
      %add3A_188 = vector.broadcast %add3A_187 : i32 to vector<16xi32>
      %add3A_189 = arith.addi %mul3A_181, %add3A_188 : vector<16xi32>
      %gather3A_190 = tpu.vector_load_idx %arg22[%add3A_189] : memref<12288xf32, #tpu.memory_space<vmem>>[vector<16xi32>], vector<16xf32>,
      %add3A_191 = arith.constant 0 : i32
      %add3A_192 = vector.broadcast %add3A_191 : i32 to vector<16xi32>
      %add3A_193 = arith.addi %gather3A_144, %add3A_192 : vector<16xi32>
      %mul3A_194 = arith.constant 3 : i32
      %mul3A_195 = vector.broadcast %mul3A_194 : i32 to vector<16xi32>
      %mul3A_196 = arith.muli %add3A_193, %mul3A_195 : vector<16xi32>
      %gather3A_197 = tpu.vector_load_idx %arg22[%mul3A_196] : memref<12288xf32, #tpu.memory_space<vmem>>[vector<16xi32>], vector<16xf32>,
      %add3A_198 = arith.constant 1 : i32
      %add3A_199 = vector.broadcast %add3A_198 : i32 to vector<16xi32>
      %add3A_200 = arith.addi %mul3A_196, %add3A_199 : vector<16xi32>
      %gather3A_201 = tpu.vector_load_idx %arg22[%add3A_200] : memref<12288xf32, #tpu.memory_space<vmem>>[vector<16xi32>], vector<16xf32>,
      %add3A_202 = arith.constant 2 : i32
      %add3A_203 = vector.broadcast %add3A_202 : i32 to vector<16xi32>
      %add3A_204 = arith.addi %mul3A_196, %add3A_203 : vector<16xi32>
      %gather3A_205 = tpu.vector_load_idx %arg22[%add3A_204] : memref<12288xf32, #tpu.memory_space<vmem>>[vector<16xi32>], vector<16xf32>,
      %add3A_206 = arith.constant 0 : i32
      %add3A_207 = vector.broadcast %add3A_206 : i32 to vector<16xi32>
      %add3A_208 = arith.addi %gather3A_153, %add3A_207 : vector<16xi32>
      %mul3A_209 = arith.constant 3 : i32
      %mul3A_210 = vector.broadcast %mul3A_209 : i32 to vector<16xi32>
      %mul3A_211 = arith.muli %add3A_208, %mul3A_210 : vector<16xi32>
      %gather3A_212 = tpu.vector_load_idx %arg22[%mul3A_211] : memref<12288xf32, #tpu.memory_space<vmem>>[vector<16xi32>], vector<16xf32>,
      %add3A_213 = arith.constant 1 : i32
      %add3A_214 = vector.broadcast %add3A_213 : i32 to vector<16xi32>
      %add3A_215 = arith.addi %mul3A_211, %add3A_214 : vector<16xi32>
      %gather3A_216 = tpu.vector_load_idx %arg22[%add3A_215] : memref<12288xf32, #tpu.memory_space<vmem>>[vector<16xi32>], vector<16xf32>,
      %add3A_217 = arith.constant 2 : i32
      %add3A_218 = vector.broadcast %add3A_217 : i32 to vector<16xi32>
      %add3A_219 = arith.addi %mul3A_211, %add3A_218 : vector<16xi32>
      %gather3A_220 = tpu.vector_load_idx %arg22[%add3A_219] : memref<12288xf32, #tpu.memory_space<vmem>>[vector<16xi32>], vector<16xf32>,
      %sub3A = arith.subf %gather3A_182, %gather3A_167 : vector<16xf32>
      %sub3A_221 = arith.subf %gather3A_186, %gather3A_171 : vector<16xf32>
      %sub3A_222 = arith.subf %gather3A_190, %gather3A_175 : vector<16xf32>
      %sub3A_223 = arith.subf %gather3A_197, %gather3A_167 : vector<16xf32>
      %sub3A_224 = arith.subf %gather3A_201, %gather3A_171 : vector<16xf32>
      %sub3A_225 = arith.subf %gather3A_205, %gather3A_175 : vector<16xf32>
      %sub3A_226 = arith.subf %gather3A_212, %gather3A_167 : vector<16xf32>
      %sub3A_227 = arith.subf %gather3A_216, %gather3A_171 : vector<16xf32>
      %sub3A_228 = arith.subf %gather3A_220, %gather3A_175 : vector<16xf32>
      %mul3A_229 = arith.mulf %sub3A_221, %sub3A_225 : vector<16xf32>
      %mul3A_230 = arith.mulf %sub3A_222, %sub3A_224 : vector<16xf32>
      %sub3A_231 = arith.subf %mul3A_229, %mul3A_230 : vector<16xf32>
      %mul3A_232 = arith.mulf %sub3A_222, %sub3A_223 : vector<16xf32>
      %mul3A_233 = arith.mulf %sub3A, %sub3A_225 : vector<16xf32>
      %sub3A_234 = arith.subf %mul3A_232, %mul3A_233 : vector<16xf32>
      %mul3A_235 = arith.mulf %sub3A, %sub3A_224 : vector<16xf32>
      %mul3A_236 = arith.mulf %sub3A_221, %sub3A_223 : vector<16xf32>
      %sub3A_237 = arith.subf %mul3A_235, %mul3A_236 : vector<16xf32>
      %mul3A_238 = arith.mulf %sub3A_231, %sub3A_231 : vector<16xf32>
      %mul3A_239 = arith.mulf %sub3A_234, %sub3A_234 : vector<16xf32>
      %add3A_240 = arith.addf %mul3A_238, %mul3A_239 : vector<16xf32>
      %mul3A_241 = arith.mulf %sub3A_237, %sub3A_237 : vector<16xf32>
      %add3A_242 = arith.addf %add3A_240, %mul3A_241 : vector<16xf32>
      %mul3A_243 = arith.mulf %sub3A_226, %sub3A_226 : vector<16xf32>
      %mul3A_244 = arith.mulf %sub3A_227, %sub3A_227 : vector<16xf32>
      %add3A_245 = arith.addf %mul3A_243, %mul3A_244 : vector<16xf32>
      %mul3A_246 = arith.mulf %sub3A_228, %sub3A_228 : vector<16xf32>
      %add3A_247 = arith.addf %add3A_245, %mul3A_246 : vector<16xf32>
      %mul3A_248 = arith.mulf %sub3A_231, %sub3A_226 : vector<16xf32>
      %mul3A_249 = arith.mulf %sub3A_234, %sub3A_227 : vector<16xf32>
      %add3A_250 = arith.addf %mul3A_248, %mul3A_249 : vector<16xf32>
      %mul3A_251 = arith.mulf %sub3A_237, %sub3A_228 : vector<16xf32>
      %add3A_252 = arith.addf %add3A_250, %mul3A_251 : vector<16xf32>
      %max3A = arith.constant 1.000000e-24 : f32
      %max3A_253 = vector.broadcast %max3A : f32 to vector<16xf32>
      %max3A_254 = arith.maximumf %add3A_242, %max3A_253 : vector<16xf32>
      %bitcast_convert_type3A = tpu.bitcast %max3A_254 : vector<16xf32> -> vector<16xi32>
      %shift_right_arithmetic3A = arith.constant 1 : i32
      %shift_right_arithmetic3A_255 = vector.broadcast %shift_right_arithmetic3A : i32 to vector<16xi32>
      %shift_right_arithmetic3A_256 = arith.shrsi %bitcast_convert_type3A, %shift_right_arithmetic3A_255 : vector<16xi32>
      %sub3A_257 = arith.constant 1597463007 : i32
      %sub3A_258 = vector.broadcast %sub3A_257 : i32 to vector<16xi32>
      %sub3A_259 = arith.subi %sub3A_258, %shift_right_arithmetic3A_256 : vector<16xi32>
      %bitcast_convert_type3A_260 = tpu.bitcast %sub3A_259 : vector<16xi32> -> vector<16xf32>
      %mul3A_261 = arith.constant 5.000000e-01 : f32
      %mul3A_262 = vector.broadcast %mul3A_261 : f32 to vector<16xf32>
      %mul3A_263 = arith.mulf %mul3A_262, %max3A_254 : vector<16xf32>
      %mul3A_264 = arith.mulf %mul3A_263, %bitcast_convert_type3A_260 : vector<16xf32>
      %mul3A_265 = arith.mulf %mul3A_264, %bitcast_convert_type3A_260 : vector<16xf32>
      %sub3A_266 = arith.constant 1.500000e+00 : f32
      %sub3A_267 = vector.broadcast %sub3A_266 : f32 to vector<16xf32>
      %sub3A_268 = arith.subf %sub3A_267, %mul3A_265 : vector<16xf32>
      %mul3A_269 = arith.mulf %bitcast_convert_type3A_260, %sub3A_268 : vector<16xf32>
      %mul3A_270 = arith.constant 5.000000e-01 : f32
      %mul3A_271 = vector.broadcast %mul3A_270 : f32 to vector<16xf32>
      %mul3A_272 = arith.mulf %mul3A_271, %max3A_254 : vector<16xf32>
      %mul3A_273 = arith.mulf %mul3A_272, %mul3A_269 : vector<16xf32>
      %mul3A_274 = arith.mulf %mul3A_273, %mul3A_269 : vector<16xf32>
      %sub3A_275 = arith.constant 1.500000e+00 : f32
      %sub3A_276 = vector.broadcast %sub3A_275 : f32 to vector<16xf32>
      %sub3A_277 = arith.subf %sub3A_276, %mul3A_274 : vector<16xf32>
      %mul3A_278 = arith.mulf %mul3A_269, %sub3A_277 : vector<16xf32>
      %mul3A_279 = arith.constant 5.000000e-01 : f32
      %mul3A_280 = vector.broadcast %mul3A_279 : f32 to vector<16xf32>
      %mul3A_281 = arith.mulf %mul3A_280, %max3A_254 : vector<16xf32>
      %mul3A_282 = arith.mulf %mul3A_281, %mul3A_278 : vector<16xf32>
      %mul3A_283 = arith.mulf %mul3A_282, %mul3A_278 : vector<16xf32>
      %sub3A_284 = arith.constant 1.500000e+00 : f32
      %sub3A_285 = vector.broadcast %sub3A_284 : f32 to vector<16xf32>
      %sub3A_286 = arith.subf %sub3A_285, %mul3A_283 : vector<16xf32>
      %mul3A_287 = arith.mulf %mul3A_278, %sub3A_286 : vector<16xf32>
      %mul3A_288 = arith.mulf %add3A_252, %mul3A_287 : vector<16xf32>
      %max3A_289 = arith.constant 1.000000e-24 : f32
      %max3A_290 = vector.broadcast %max3A_289 : f32 to vector<16xf32>
      %max3A_291 = arith.maximumf %add3A_247, %max3A_290 : vector<16xf32>
      %bitcast_convert_type3A_292 = tpu.bitcast %max3A_291 : vector<16xf32> -> vector<16xi32>
      %shift_right_arithmetic3A_293 = arith.constant 1 : i32
      %shift_right_arithmetic3A_294 = vector.broadcast %shift_right_arithmetic3A_293 : i32 to vector<16xi32>
      %shift_right_arithmetic3A_295 = arith.shrsi %bitcast_convert_type3A_292, %shift_right_arithmetic3A_294 : vector<16xi32>
      %sub3A_296 = arith.constant 1597463007 : i32
      %sub3A_297 = vector.broadcast %sub3A_296 : i32 to vector<16xi32>
      %sub3A_298 = arith.subi %sub3A_297, %shift_right_arithmetic3A_295 : vector<16xi32>
      %bitcast_convert_type3A_299 = tpu.bitcast %sub3A_298 : vector<16xi32> -> vector<16xf32>
      %mul3A_300 = arith.constant 5.000000e-01 : f32
      %mul3A_301 = vector.broadcast %mul3A_300 : f32 to vector<16xf32>
      %mul3A_302 = arith.mulf %mul3A_301, %max3A_291 : vector<16xf32>
      %mul3A_303 = arith.mulf %mul3A_302, %bitcast_convert_type3A_299 : vector<16xf32>
      %mul3A_304 = arith.mulf %mul3A_303, %bitcast_convert_type3A_299 : vector<16xf32>
      %sub3A_305 = arith.constant 1.500000e+00 : f32
      %sub3A_306 = vector.broadcast %sub3A_305 : f32 to vector<16xf32>
      %sub3A_307 = arith.subf %sub3A_306, %mul3A_304 : vector<16xf32>
      %mul3A_308 = arith.mulf %bitcast_convert_type3A_299, %sub3A_307 : vector<16xf32>
      %mul3A_309 = arith.constant 5.000000e-01 : f32
      %mul3A_310 = vector.broadcast %mul3A_309 : f32 to vector<16xf32>
      %mul3A_311 = arith.mulf %mul3A_310, %max3A_291 : vector<16xf32>
      %mul3A_312 = arith.mulf %mul3A_311, %mul3A_308 : vector<16xf32>
      %mul3A_313 = arith.mulf %mul3A_312, %mul3A_308 : vector<16xf32>
      %sub3A_314 = arith.constant 1.500000e+00 : f32
      %sub3A_315 = vector.broadcast %sub3A_314 : f32 to vector<16xf32>
      %sub3A_316 = arith.subf %sub3A_315, %mul3A_313 : vector<16xf32>
      %mul3A_317 = arith.mulf %mul3A_308, %sub3A_316 : vector<16xf32>
      %mul3A_318 = arith.constant 5.000000e-01 : f32
      %mul3A_319 = vector.broadcast %mul3A_318 : f32 to vector<16xf32>
      %mul3A_320 = arith.mulf %mul3A_319, %max3A_291 : vector<16xf32>
      %mul3A_321 = arith.mulf %mul3A_320, %mul3A_317 : vector<16xf32>
      %mul3A_322 = arith.mulf %mul3A_321, %mul3A_317 : vector<16xf32>
      %sub3A_323 = arith.constant 1.500000e+00 : f32
      %sub3A_324 = vector.broadcast %sub3A_323 : f32 to vector<16xf32>
      %sub3A_325 = arith.subf %sub3A_324, %mul3A_322 : vector<16xf32>
      %mul3A_326 = arith.mulf %mul3A_317, %sub3A_325 : vector<16xf32>
      %mul3A_327 = arith.mulf %mul3A_288, %mul3A_326 : vector<16xf32>
      %jit3A = arith.constant -0.999998986 : f32
      %jit3A_328 = arith.constant 0.999998986 : f32
      %max3A_329 = vector.broadcast %jit3A : f32 to vector<16xf32>
      %max3A_330 = arith.maximumf %max3A_329, %mul3A_327 : vector<16xf32>
      %min3A = vector.broadcast %jit3A_328 : f32 to vector<16xf32>
      %min3A_331 = arith.minimumf %min3A, %max3A_330 : vector<16xf32>
      %mul3A_332 = arith.mulf %min3A_331, %min3A_331 : vector<16xf32>
      %sub3A_333 = arith.constant 1.000000e+00 : f32
      %sub3A_334 = vector.broadcast %sub3A_333 : f32 to vector<16xf32>
      %sub3A_335 = arith.subf %sub3A_334, %mul3A_332 : vector<16xf32>
      %max3A_336 = arith.constant 9.99999996E-13 : f32
      %max3A_337 = vector.broadcast %max3A_336 : f32 to vector<16xf32>
      %max3A_338 = arith.maximumf %sub3A_335, %max3A_337 : vector<16xf32>
      %bitcast_convert_type3A_339 = tpu.bitcast %max3A_338 : vector<16xf32> -> vector<16xi32>
      %shift_right_arithmetic3A_340 = arith.constant 1 : i32
      %shift_right_arithmetic3A_341 = vector.broadcast %shift_right_arithmetic3A_340 : i32 to vector<16xi32>
      %shift_right_arithmetic3A_342 = arith.shrsi %bitcast_convert_type3A_339, %shift_right_arithmetic3A_341 : vector<16xi32>
      %sub3A_343 = arith.constant 1597463007 : i32
      %sub3A_344 = vector.broadcast %sub3A_343 : i32 to vector<16xi32>
      %sub3A_345 = arith.subi %sub3A_344, %shift_right_arithmetic3A_342 : vector<16xi32>
      %bitcast_convert_type3A_346 = tpu.bitcast %sub3A_345 : vector<16xi32> -> vector<16xf32>
      %mul3A_347 = arith.constant 5.000000e-01 : f32
      %mul3A_348 = vector.broadcast %mul3A_347 : f32 to vector<16xf32>
      %mul3A_349 = arith.mulf %mul3A_348, %max3A_338 : vector<16xf32>
      %mul3A_350 = arith.mulf %mul3A_349, %bitcast_convert_type3A_346 : vector<16xf32>
      %mul3A_351 = arith.mulf %mul3A_350, %bitcast_convert_type3A_346 : vector<16xf32>
      %sub3A_352 = arith.constant 1.500000e+00 : f32
      %sub3A_353 = vector.broadcast %sub3A_352 : f32 to vector<16xf32>
      %sub3A_354 = arith.subf %sub3A_353, %mul3A_351 : vector<16xf32>
      %mul3A_355 = arith.mulf %bitcast_convert_type3A_346, %sub3A_354 : vector<16xf32>
      %mul3A_356 = arith.constant 5.000000e-01 : f32
      %mul3A_357 = vector.broadcast %mul3A_356 : f32 to vector<16xf32>
      %mul3A_358 = arith.mulf %mul3A_357, %max3A_338 : vector<16xf32>
      %mul3A_359 = arith.mulf %mul3A_358, %mul3A_355 : vector<16xf32>
      %mul3A_360 = arith.mulf %mul3A_359, %mul3A_355 : vector<16xf32>
      %sub3A_361 = arith.constant 1.500000e+00 : f32
      %sub3A_362 = vector.broadcast %sub3A_361 : f32 to vector<16xf32>
      %sub3A_363 = arith.subf %sub3A_362, %mul3A_360 : vector<16xf32>
      %mul3A_364 = arith.mulf %mul3A_355, %sub3A_363 : vector<16xf32>
      %mul3A_365 = arith.constant 5.000000e-01 : f32
      %mul3A_366 = vector.broadcast %mul3A_365 : f32 to vector<16xf32>
      %mul3A_367 = arith.mulf %mul3A_366, %max3A_338 : vector<16xf32>
      %mul3A_368 = arith.mulf %mul3A_367, %mul3A_364 : vector<16xf32>
      %mul3A_369 = arith.mulf %mul3A_368, %mul3A_364 : vector<16xf32>
      %sub3A_370 = arith.constant 1.500000e+00 : f32
      %sub3A_371 = vector.broadcast %sub3A_370 : f32 to vector<16xf32>
      %sub3A_372 = arith.subf %sub3A_371, %mul3A_369 : vector<16xf32>
      %mul3A_373 = arith.mulf %mul3A_364, %sub3A_372 : vector<16xf32>
      %mul3A_374 = arith.mulf %max3A_338, %mul3A_373 : vector<16xf32>
      %mul3A_375 = arith.constant 2.000000e+00 : f32
      %mul3A_376 = vector.broadcast %mul3A_375 : f32 to vector<16xf32>
      %mul3A_377 = arith.mulf %mul3A_376, %mul3A_374 : vector<16xf32>
      %mul3A_378 = arith.mulf %mul3A_377, %mul3A_374 : vector<16xf32>
      %sub3A_379 = arith.constant 1.000000e+00 : f32
      %sub3A_380 = vector.broadcast %sub3A_379 : f32 to vector<16xf32>
      %sub3A_381 = arith.subf %mul3A_378, %sub3A_380 : vector<16xf32>
      %mul3A_382 = arith.mulf %get3A_158, %mul3A_374 : vector<16xf32>
      %add3A_383 = arith.addf %get3A_156, %mul3A_382 : vector<16xf32>
      %mul3A_384 = arith.mulf %get3A_160, %sub3A_381 : vector<16xf32>
      %add3A_385 = arith.addf %add3A_383, %mul3A_384 : vector<16xf32>
      %mul3A_386 = arith.mulf %get3A_154, %add3A_385 : vector<16xf32>
      %add3A_387 = arith.addf %scan3A_115, %mul3A_386 : vector<16xf32>
      %add3A_388 = arith.constant 2048 : i32
      %add3A_389 = vector.broadcast %add3A_388 : i32 to vector<16xi32>
      %add3A_390 = arith.addi %gather3A, %add3A_389 : vector<16xi32>
      %mul3A_391 = arith.constant 3 : i32
      %mul3A_392 = vector.broadcast %mul3A_391 : i32 to vector<16xi32>
      %mul3A_393 = arith.muli %add3A_390, %mul3A_392 : vector<16xi32>
      %gather3A_394 = tpu.vector_load_idx %arg22[%mul3A_393] : memref<12288xf32, #tpu.memory_space<vmem>>[vector<16xi32>], vector<16xf32>,
      %add3A_395 = arith.constant 1 : i32
      %add3A_396 = vector.broadcast %add3A_395 : i32 to vector<16xi32>
      %add3A_397 = arith.addi %mul3A_393, %add3A_396 : vector<16xi32>
      %gather3A_398 = tpu.vector_load_idx %arg22[%add3A_397] : memref<12288xf32, #tpu.memory_space<vmem>>[vector<16xi32>], vector<16xf32>,
      %add3A_399 = arith.constant 2 : i32
      %add3A_400 = vector.broadcast %add3A_399 : i32 to vector<16xi32>
      %add3A_401 = arith.addi %mul3A_393, %add3A_400 : vector<16xi32>
      %gather3A_402 = tpu.vector_load_idx %arg22[%add3A_401] : memref<12288xf32, #tpu.memory_space<vmem>>[vector<16xi32>], vector<16xf32>,
      %add3A_403 = arith.constant 2048 : i32
      %add3A_404 = vector.broadcast %add3A_403 : i32 to vector<16xi32>
      %add3A_405 = arith.addi %gather3A_135, %add3A_404 : vector<16xi32>
      %mul3A_406 = arith.constant 3 : i32
      %mul3A_407 = vector.broadcast %mul3A_406 : i32 to vector<16xi32>
      %mul3A_408 = arith.muli %add3A_405, %mul3A_407 : vector<16xi32>
      %gather3A_409 = tpu.vector_load_idx %arg22[%mul3A_408] : memref<12288xf32, #tpu.memory_space<vmem>>[vector<16xi32>], vector<16xf32>,
      %add3A_410 = arith.constant 1 : i32
      %add3A_411 = vector.broadcast %add3A_410 : i32 to vector<16xi32>
      %add3A_412 = arith.addi %mul3A_408, %add3A_411 : vector<16xi32>
      %gather3A_413 = tpu.vector_load_idx %arg22[%add3A_412] : memref<12288xf32, #tpu.memory_space<vmem>>[vector<16xi32>], vector<16xf32>,
      %add3A_414 = arith.constant 2 : i32
      %add3A_415 = vector.broadcast %add3A_414 : i32 to vector<16xi32>
      %add3A_416 = arith.addi %mul3A_408, %add3A_415 : vector<16xi32>
      %gather3A_417 = tpu.vector_load_idx %arg22[%add3A_416] : memref<12288xf32, #tpu.memory_space<vmem>>[vector<16xi32>], vector<16xf32>,
      %add3A_418 = arith.constant 2048 : i32
      %add3A_419 = vector.broadcast %add3A_418 : i32 to vector<16xi32>
      %add3A_420 = arith.addi %gather3A_144, %add3A_419 : vector<16xi32>
      %mul3A_421 = arith.constant 3 : i32
      %mul3A_422 = vector.broadcast %mul3A_421 : i32 to vector<16xi32>
      %mul3A_423 = arith.muli %add3A_420, %mul3A_422 : vector<16xi32>
      %gather3A_424 = tpu.vector_load_idx %arg22[%mul3A_423] : memref<12288xf32, #tpu.memory_space<vmem>>[vector<16xi32>], vector<16xf32>,
      %add3A_425 = arith.constant 1 : i32
      %add3A_426 = vector.broadcast %add3A_425 : i32 to vector<16xi32>
      %add3A_427 = arith.addi %mul3A_423, %add3A_426 : vector<16xi32>
      %gather3A_428 = tpu.vector_load_idx %arg22[%add3A_427] : memref<12288xf32, #tpu.memory_space<vmem>>[vector<16xi32>], vector<16xf32>,
      %add3A_429 = arith.constant 2 : i32
      %add3A_430 = vector.broadcast %add3A_429 : i32 to vector<16xi32>
      %add3A_431 = arith.addi %mul3A_423, %add3A_430 : vector<16xi32>
      %gather3A_432 = tpu.vector_load_idx %arg22[%add3A_431] : memref<12288xf32, #tpu.memory_space<vmem>>[vector<16xi32>], vector<16xf32>,
      %add3A_433 = arith.constant 2048 : i32
      %add3A_434 = vector.broadcast %add3A_433 : i32 to vector<16xi32>
      %add3A_435 = arith.addi %gather3A_153, %add3A_434 : vector<16xi32>
      %mul3A_436 = arith.constant 3 : i32
      %mul3A_437 = vector.broadcast %mul3A_436 : i32 to vector<16xi32>
      %mul3A_438 = arith.muli %add3A_435, %mul3A_437 : vector<16xi32>
      %gather3A_439 = tpu.vector_load_idx %arg22[%mul3A_438] : memref<12288xf32, #tpu.memory_space<vmem>>[vector<16xi32>], vector<16xf32>,
      %add3A_440 = arith.constant 1 : i32
      %add3A_441 = vector.broadcast %add3A_440 : i32 to vector<16xi32>
      %add3A_442 = arith.addi %mul3A_438, %add3A_441 : vector<16xi32>
      %gather3A_443 = tpu.vector_load_idx %arg22[%add3A_442] : memref<12288xf32, #tpu.memory_space<vmem>>[vector<16xi32>], vector<16xf32>,
      %add3A_444 = arith.constant 2 : i32
      %add3A_445 = vector.broadcast %add3A_444 : i32 to vector<16xi32>
      %add3A_446 = arith.addi %mul3A_438, %add3A_445 : vector<16xi32>
      %gather3A_447 = tpu.vector_load_idx %arg22[%add3A_446] : memref<12288xf32, #tpu.memory_space<vmem>>[vector<16xi32>], vector<16xf32>,
      %sub3A_448 = arith.subf %gather3A_409, %gather3A_394 : vector<16xf32>
      %sub3A_449 = arith.subf %gather3A_413, %gather3A_398 : vector<16xf32>
      %sub3A_450 = arith.subf %gather3A_417, %gather3A_402 : vector<16xf32>
      %sub3A_451 = arith.subf %gather3A_424, %gather3A_394 : vector<16xf32>
      %sub3A_452 = arith.subf %gather3A_428, %gather3A_398 : vector<16xf32>
      %sub3A_453 = arith.subf %gather3A_432, %gather3A_402 : vector<16xf32>
      %sub3A_454 = arith.subf %gather3A_439, %gather3A_394 : vector<16xf32>
      %sub3A_455 = arith.subf %gather3A_443, %gather3A_398 : vector<16xf32>
      %sub3A_456 = arith.subf %gather3A_447, %gather3A_402 : vector<16xf32>
      %mul3A_457 = arith.mulf %sub3A_449, %sub3A_453 : vector<16xf32>
      %mul3A_458 = arith.mulf %sub3A_450, %sub3A_452 : vector<16xf32>
      %sub3A_459 = arith.subf %mul3A_457, %mul3A_458 : vector<16xf32>
      %mul3A_460 = arith.mulf %sub3A_450, %sub3A_451 : vector<16xf32>
      %mul3A_461 = arith.mulf %sub3A_448, %sub3A_453 : vector<16xf32>
      %sub3A_462 = arith.subf %mul3A_460, %mul3A_461 : vector<16xf32>
      %mul3A_463 = arith.mulf %sub3A_448, %sub3A_452 : vector<16xf32>
      %mul3A_464 = arith.mulf %sub3A_449, %sub3A_451 : vector<16xf32>
      %sub3A_465 = arith.subf %mul3A_463, %mul3A_464 : vector<16xf32>
      %mul3A_466 = arith.mulf %sub3A_459, %sub3A_459 : vector<16xf32>
      %mul3A_467 = arith.mulf %sub3A_462, %sub3A_462 : vector<16xf32>
      %add3A_468 = arith.addf %mul3A_466, %mul3A_467 : vector<16xf32>
      %mul3A_469 = arith.mulf %sub3A_465, %sub3A_465 : vector<16xf32>
      %add3A_470 = arith.addf %add3A_468, %mul3A_469 : vector<16xf32>
      %mul3A_471 = arith.mulf %sub3A_454, %sub3A_454 : vector<16xf32>
      %mul3A_472 = arith.mulf %sub3A_455, %sub3A_455 : vector<16xf32>
      %add3A_473 = arith.addf %mul3A_471, %mul3A_472 : vector<16xf32>
      %mul3A_474 = arith.mulf %sub3A_456, %sub3A_456 : vector<16xf32>
      %add3A_475 = arith.addf %add3A_473, %mul3A_474 : vector<16xf32>
      %mul3A_476 = arith.mulf %sub3A_459, %sub3A_454 : vector<16xf32>
      %mul3A_477 = arith.mulf %sub3A_462, %sub3A_455 : vector<16xf32>
      %add3A_478 = arith.addf %mul3A_476, %mul3A_477 : vector<16xf32>
      %mul3A_479 = arith.mulf %sub3A_465, %sub3A_456 : vector<16xf32>
      %add3A_480 = arith.addf %add3A_478, %mul3A_479 : vector<16xf32>
      %max3A_481 = arith.constant 1.000000e-24 : f32
      %max3A_482 = vector.broadcast %max3A_481 : f32 to vector<16xf32>
      %max3A_483 = arith.maximumf %add3A_470, %max3A_482 : vector<16xf32>
      %bitcast_convert_type3A_484 = tpu.bitcast %max3A_483 : vector<16xf32> -> vector<16xi32>
      %shift_right_arithmetic3A_485 = arith.constant 1 : i32
      %shift_right_arithmetic3A_486 = vector.broadcast %shift_right_arithmetic3A_485 : i32 to vector<16xi32>
      %shift_right_arithmetic3A_487 = arith.shrsi %bitcast_convert_type3A_484, %shift_right_arithmetic3A_486 : vector<16xi32>
      %sub3A_488 = arith.constant 1597463007 : i32
      %sub3A_489 = vector.broadcast %sub3A_488 : i32 to vector<16xi32>
      %sub3A_490 = arith.subi %sub3A_489, %shift_right_arithmetic3A_487 : vector<16xi32>
      %bitcast_convert_type3A_491 = tpu.bitcast %sub3A_490 : vector<16xi32> -> vector<16xf32>
      %mul3A_492 = arith.constant 5.000000e-01 : f32
      %mul3A_493 = vector.broadcast %mul3A_492 : f32 to vector<16xf32>
      %mul3A_494 = arith.mulf %mul3A_493, %max3A_483 : vector<16xf32>
      %mul3A_495 = arith.mulf %mul3A_494, %bitcast_convert_type3A_491 : vector<16xf32>
      %mul3A_496 = arith.mulf %mul3A_495, %bitcast_convert_type3A_491 : vector<16xf32>
      %sub3A_497 = arith.constant 1.500000e+00 : f32
      %sub3A_498 = vector.broadcast %sub3A_497 : f32 to vector<16xf32>
      %sub3A_499 = arith.subf %sub3A_498, %mul3A_496 : vector<16xf32>
      %mul3A_500 = arith.mulf %bitcast_convert_type3A_491, %sub3A_499 : vector<16xf32>
      %mul3A_501 = arith.constant 5.000000e-01 : f32
      %mul3A_502 = vector.broadcast %mul3A_501 : f32 to vector<16xf32>
      %mul3A_503 = arith.mulf %mul3A_502, %max3A_483 : vector<16xf32>
      %mul3A_504 = arith.mulf %mul3A_503, %mul3A_500 : vector<16xf32>
      %mul3A_505 = arith.mulf %mul3A_504, %mul3A_500 : vector<16xf32>
      %sub3A_506 = arith.constant 1.500000e+00 : f32
      %sub3A_507 = vector.broadcast %sub3A_506 : f32 to vector<16xf32>
      %sub3A_508 = arith.subf %sub3A_507, %mul3A_505 : vector<16xf32>
      %mul3A_509 = arith.mulf %mul3A_500, %sub3A_508 : vector<16xf32>
      %mul3A_510 = arith.constant 5.000000e-01 : f32
      %mul3A_511 = vector.broadcast %mul3A_510 : f32 to vector<16xf32>
      %mul3A_512 = arith.mulf %mul3A_511, %max3A_483 : vector<16xf32>
      %mul3A_513 = arith.mulf %mul3A_512, %mul3A_509 : vector<16xf32>
      %mul3A_514 = arith.mulf %mul3A_513, %mul3A_509 : vector<16xf32>
      %sub3A_515 = arith.constant 1.500000e+00 : f32
      %sub3A_516 = vector.broadcast %sub3A_515 : f32 to vector<16xf32>
      %sub3A_517 = arith.subf %sub3A_516, %mul3A_514 : vector<16xf32>
      %mul3A_518 = arith.mulf %mul3A_509, %sub3A_517 : vector<16xf32>
      %mul3A_519 = arith.mulf %add3A_480, %mul3A_518 : vector<16xf32>
      %max3A_520 = arith.constant 1.000000e-24 : f32
      %max3A_521 = vector.broadcast %max3A_520 : f32 to vector<16xf32>
      %max3A_522 = arith.maximumf %add3A_475, %max3A_521 : vector<16xf32>
      %bitcast_convert_type3A_523 = tpu.bitcast %max3A_522 : vector<16xf32> -> vector<16xi32>
      %shift_right_arithmetic3A_524 = arith.constant 1 : i32
      %shift_right_arithmetic3A_525 = vector.broadcast %shift_right_arithmetic3A_524 : i32 to vector<16xi32>
      %shift_right_arithmetic3A_526 = arith.shrsi %bitcast_convert_type3A_523, %shift_right_arithmetic3A_525 : vector<16xi32>
      %sub3A_527 = arith.constant 1597463007 : i32
      %sub3A_528 = vector.broadcast %sub3A_527 : i32 to vector<16xi32>
      %sub3A_529 = arith.subi %sub3A_528, %shift_right_arithmetic3A_526 : vector<16xi32>
      %bitcast_convert_type3A_530 = tpu.bitcast %sub3A_529 : vector<16xi32> -> vector<16xf32>
      %mul3A_531 = arith.constant 5.000000e-01 : f32
      %mul3A_532 = vector.broadcast %mul3A_531 : f32 to vector<16xf32>
      %mul3A_533 = arith.mulf %mul3A_532, %max3A_522 : vector<16xf32>
      %mul3A_534 = arith.mulf %mul3A_533, %bitcast_convert_type3A_530 : vector<16xf32>
      %mul3A_535 = arith.mulf %mul3A_534, %bitcast_convert_type3A_530 : vector<16xf32>
      %sub3A_536 = arith.constant 1.500000e+00 : f32
      %sub3A_537 = vector.broadcast %sub3A_536 : f32 to vector<16xf32>
      %sub3A_538 = arith.subf %sub3A_537, %mul3A_535 : vector<16xf32>
      %mul3A_539 = arith.mulf %bitcast_convert_type3A_530, %sub3A_538 : vector<16xf32>
      %mul3A_540 = arith.constant 5.000000e-01 : f32
      %mul3A_541 = vector.broadcast %mul3A_540 : f32 to vector<16xf32>
      %mul3A_542 = arith.mulf %mul3A_541, %max3A_522 : vector<16xf32>
      %mul3A_543 = arith.mulf %mul3A_542, %mul3A_539 : vector<16xf32>
      %mul3A_544 = arith.mulf %mul3A_543, %mul3A_539 : vector<16xf32>
      %sub3A_545 = arith.constant 1.500000e+00 : f32
      %sub3A_546 = vector.broadcast %sub3A_545 : f32 to vector<16xf32>
      %sub3A_547 = arith.subf %sub3A_546, %mul3A_544 : vector<16xf32>
      %mul3A_548 = arith.mulf %mul3A_539, %sub3A_547 : vector<16xf32>
      %mul3A_549 = arith.constant 5.000000e-01 : f32
      %mul3A_550 = vector.broadcast %mul3A_549 : f32 to vector<16xf32>
      %mul3A_551 = arith.mulf %mul3A_550, %max3A_522 : vector<16xf32>
      %mul3A_552 = arith.mulf %mul3A_551, %mul3A_548 : vector<16xf32>
      %mul3A_553 = arith.mulf %mul3A_552, %mul3A_548 : vector<16xf32>
      %sub3A_554 = arith.constant 1.500000e+00 : f32
      %sub3A_555 = vector.broadcast %sub3A_554 : f32 to vector<16xf32>
      %sub3A_556 = arith.subf %sub3A_555, %mul3A_553 : vector<16xf32>
      %mul3A_557 = arith.mulf %mul3A_548, %sub3A_556 : vector<16xf32>
      %mul3A_558 = arith.mulf %mul3A_519, %mul3A_557 : vector<16xf32>
      %jit3A_559 = arith.constant -0.999998986 : f32
      %jit3A_560 = arith.constant 0.999998986 : f32
      %max3A_561 = vector.broadcast %jit3A_559 : f32 to vector<16xf32>
      %max3A_562 = arith.maximumf %max3A_561, %mul3A_558 : vector<16xf32>
      %min3A_563 = vector.broadcast %jit3A_560 : f32 to vector<16xf32>
      %min3A_564 = arith.minimumf %min3A_563, %max3A_562 : vector<16xf32>
      %mul3A_565 = arith.mulf %min3A_564, %min3A_564 : vector<16xf32>
      %sub3A_566 = arith.constant 1.000000e+00 : f32
      %sub3A_567 = vector.broadcast %sub3A_566 : f32 to vector<16xf32>
      %sub3A_568 = arith.subf %sub3A_567, %mul3A_565 : vector<16xf32>
      %max3A_569 = arith.constant 9.99999996E-13 : f32
      %max3A_570 = vector.broadcast %max3A_569 : f32 to vector<16xf32>
      %max3A_571 = arith.maximumf %sub3A_568, %max3A_570 : vector<16xf32>
      %bitcast_convert_type3A_572 = tpu.bitcast %max3A_571 : vector<16xf32> -> vector<16xi32>
      %shift_right_arithmetic3A_573 = arith.constant 1 : i32
      %shift_right_arithmetic3A_574 = vector.broadcast %shift_right_arithmetic3A_573 : i32 to vector<16xi32>
      %shift_right_arithmetic3A_575 = arith.shrsi %bitcast_convert_type3A_572, %shift_right_arithmetic3A_574 : vector<16xi32>
      %sub3A_576 = arith.constant 1597463007 : i32
      %sub3A_577 = vector.broadcast %sub3A_576 : i32 to vector<16xi32>
      %sub3A_578 = arith.subi %sub3A_577, %shift_right_arithmetic3A_575 : vector<16xi32>
      %bitcast_convert_type3A_579 = tpu.bitcast %sub3A_578 : vector<16xi32> -> vector<16xf32>
      %mul3A_580 = arith.constant 5.000000e-01 : f32
      %mul3A_581 = vector.broadcast %mul3A_580 : f32 to vector<16xf32>
      %mul3A_582 = arith.mulf %mul3A_581, %max3A_571 : vector<16xf32>
      %mul3A_583 = arith.mulf %mul3A_582, %bitcast_convert_type3A_579 : vector<16xf32>
      %mul3A_584 = arith.mulf %mul3A_583, %bitcast_convert_type3A_579 : vector<16xf32>
      %sub3A_585 = arith.constant 1.500000e+00 : f32
      %sub3A_586 = vector.broadcast %sub3A_585 : f32 to vector<16xf32>
      %sub3A_587 = arith.subf %sub3A_586, %mul3A_584 : vector<16xf32>
      %mul3A_588 = arith.mulf %bitcast_convert_type3A_579, %sub3A_587 : vector<16xf32>
      %mul3A_589 = arith.constant 5.000000e-01 : f32
      %mul3A_590 = vector.broadcast %mul3A_589 : f32 to vector<16xf32>
      %mul3A_591 = arith.mulf %mul3A_590, %max3A_571 : vector<16xf32>
      %mul3A_592 = arith.mulf %mul3A_591, %mul3A_588 : vector<16xf32>
      %mul3A_593 = arith.mulf %mul3A_592, %mul3A_588 : vector<16xf32>
      %sub3A_594 = arith.constant 1.500000e+00 : f32
      %sub3A_595 = vector.broadcast %sub3A_594 : f32 to vector<16xf32>
      %sub3A_596 = arith.subf %sub3A_595, %mul3A_593 : vector<16xf32>
      %mul3A_597 = arith.mulf %mul3A_588, %sub3A_596 : vector<16xf32>
      %mul3A_598 = arith.constant 5.000000e-01 : f32
      %mul3A_599 = vector.broadcast %mul3A_598 : f32 to vector<16xf32>
      %mul3A_600 = arith.mulf %mul3A_599, %max3A_571 : vector<16xf32>
      %mul3A_601 = arith.mulf %mul3A_600, %mul3A_597 : vector<16xf32>
      %mul3A_602 = arith.mulf %mul3A_601, %mul3A_597 : vector<16xf32>
      %sub3A_603 = arith.constant 1.500000e+00 : f32
      %sub3A_604 = vector.broadcast %sub3A_603 : f32 to vector<16xf32>
      %sub3A_605 = arith.subf %sub3A_604, %mul3A_602 : vector<16xf32>
      %mul3A_606 = arith.mulf %mul3A_597, %sub3A_605 : vector<16xf32>
      %mul3A_607 = arith.mulf %max3A_571, %mul3A_606 : vector<16xf32>
      %mul3A_608 = arith.constant 2.000000e+00 : f32
      %mul3A_609 = vector.broadcast %mul3A_608 : f32 to vector<16xf32>
      %mul3A_610 = arith.mulf %mul3A_609, %mul3A_607 : vector<16xf32>
      %mul3A_611 = arith.mulf %mul3A_610, %mul3A_607 : vector<16xf32>
      %sub3A_612 = arith.constant 1.000000e+00 : f32
      %sub3A_613 = vector.broadcast %sub3A_612 : f32 to vector<16xf32>
      %sub3A_614 = arith.subf %mul3A_611, %sub3A_613 : vector<16xf32>
      %mul3A_615 = arith.mulf %get3A_158, %mul3A_607 : vector<16xf32>
      %add3A_616 = arith.addf %get3A_156, %mul3A_615 : vector<16xf32>
      %mul3A_617 = arith.mulf %get3A_160, %sub3A_614 : vector<16xf32>
      %add3A_618 = arith.addf %add3A_616, %mul3A_617 : vector<16xf32>
      %mul3A_619 = arith.mulf %get3A_154, %add3A_618 : vector<16xf32>
      %add3A_620 = arith.addf %scan3A_116, %mul3A_619 : vector<16xf32>
      scf.yield %add3A_387, %add3A_620 : vector<16xf32>, vector<16xf32>
    }
    %scan3A_110 = arith.constant 4 : i32
    %swap3A = arith.constant 0 : index
    %swap3A_111 = tpu.vector_load %arg41[%swap3A] {strides = array<i32>} : memref<32xf32, #tpu.memory_space<vmem>>, vector<16xf32>,
    tpu.vector_store %arg41[%swap3A], %scan3A_109#0 {strides = array<i32>} : memref<32xf32, #tpu.memory_space<vmem>>, vector<16xf32>,
    %swap3A_112 = arith.constant 16 : index
    %swap3A_113 = tpu.vector_load %arg41[%swap3A_112] {strides = array<i32>} : memref<32xf32, #tpu.memory_space<vmem>>, vector<16xf32>,
    tpu.vector_store %arg41[%swap3A_112], %scan3A_109#1 {strides = array<i32>} : memref<32xf32, #tpu.memory_space<vmem>>, vector<16xf32>,
    "tpu.region"() ({
      %run_scoped3A = tpu.sem_alloc : memref<!tpu.dma_semaphore, #tpu.memory_space<semaphore_mem>>
      %dma_start3A_114 = arith.constant 0 : i32
      %dma_start3A_115 = tpu.memref_slice %arg21[%add3A, %dma_start3A_114] : memref<32x32xf32, #tpu.memory_space<hbm>> -> memref<1x32xf32, #tpu.memory_space<hbm>>
      %dma_start3A_116 = tpu.memref_squeeze %dma_start3A_115 : memref<1x32xf32, #tpu.memory_space<hbm>> -> memref<32xf32, #tpu.memory_space<hbm>>
      %dma_start3A_117 = arith.constant 0 : i32
      %dma_start3A_118 = tpu.memref_slice %arg21[%add3A, %dma_start3A_117] : memref<32x32xf32, #tpu.memory_space<hbm>> -> memref<1x32xf32, #tpu.memory_space<hbm>>
      %dma_start3A_119 = tpu.memref_squeeze %dma_start3A_118 : memref<1x32xf32, #tpu.memory_space<hbm>> -> memref<32xf32, #tpu.memory_space<hbm>>
      tpu.enqueue_dma source(%arg41 : memref<32xf32, #tpu.memory_space<vmem>>) target(%dma_start3A_119 : memref<32xf32, #tpu.memory_space<hbm>>) target_semaphore(%run_scoped3A : memref<!tpu.dma_semaphore, #tpu.memory_space<semaphore_mem>>)
      %dma_wait3A_120 = arith.constant 0 : i32
      %dma_wait3A_121 = tpu.memref_slice %arg21[%add3A, %dma_wait3A_120] : memref<32x32xf32, #tpu.memory_space<hbm>> -> memref<1x32xf32, #tpu.memory_space<hbm>>
      %dma_wait3A_122 = tpu.memref_squeeze %dma_wait3A_121 : memref<1x32xf32, #tpu.memory_space<hbm>> -> memref<32xf32, #tpu.memory_space<hbm>>
      %dma_wait3A_123 = arith.constant 0 : i32
      %dma_wait3A_124 = tpu.memref_slice %arg21[%add3A, %dma_wait3A_123] : memref<32x32xf32, #tpu.memory_space<hbm>> -> memref<1x32xf32, #tpu.memory_space<hbm>>
      %dma_wait3A_125 = tpu.memref_squeeze %dma_wait3A_124 : memref<1x32xf32, #tpu.memory_space<hbm>> -> memref<32xf32, #tpu.memory_space<hbm>>
      tpu.wait_dma2 semaphore(%run_scoped3A : memref<!tpu.dma_semaphore, #tpu.memory_space<semaphore_mem>>) src(%arg41 : memref<32xf32, #tpu.memory_space<vmem>>) dst(%dma_wait3A_125 : memref<32xf32, #tpu.memory_space<hbm>>)
      tpu.yield
    }) : () -> ()
    return
  }
}

module attributes {stable_mosaic.version = 14 : i64} {
  func.func @_vdw_tile(%arg0: i32, %arg1: memref<2x512x3xf32, #tpu.memory_space<vmem>>, %arg2: memref<2x3x512xf32, #tpu.memory_space<vmem>>, %arg3: memref<512x1xf32, #tpu.memory_space<vmem>>, %arg4: memref<1x512xf32, #tpu.memory_space<vmem>>, %arg5: memref<512x1xf32, #tpu.memory_space<vmem>>, %arg6: memref<1x512xf32, #tpu.memory_space<vmem>>, %arg7: memref<1x512x512xi8, #tpu.memory_space<vmem>>, %arg8: memref<1x512x512xi32, #tpu.memory_space<vmem>>, %arg9: memref<1x2x512xf32, #tpu.memory_space<vmem>>) attributes {dimension_semantics = [#tpu.dimension_semantics<arbitrary>], iteration_bounds = array<i64: 10>, scalar_prefetch = 0 : i64, scratch_operands = 0 : i64, tpu.core_type = #tpu.core_type<tc>, window_params = [{transform_indices = @transform_0, window_bounds = array<i64: 2, 512, 3>}, {transform_indices = @transform_1, window_bounds = array<i64: 2, 3, 512>}, {transform_indices = @transform_2, window_bounds = array<i64: 512, 1>}, {transform_indices = @transform_3, window_bounds = array<i64: 1, 512>}, {transform_indices = @transform_4, window_bounds = array<i64: 512, 1>}, {transform_indices = @transform_5, window_bounds = array<i64: 1, 512>}, {transform_indices = @transform_6, window_bounds = array<i64: 1, 512, 512>}, {transform_indices = @transform_7, window_bounds = array<i64: 1, 512, 512>}, {transform_indices = @transform_8, window_bounds = array<i64: 1, 2, 512>}]} {
    %mul3A = arith.constant 8 : i32
    %mul3A_0 = arith.muli %mul3A, %arg0 : i32
    %sub3A = arith.constant 81 : i32
    %sub3A_1 = arith.subi %sub3A, %mul3A_0 : i32
    %convert_element_type3A = arith.sitofp %sub3A_1 : i32 to f32
    %sqrt3A = math.sqrt %convert_element_type3A : f32
    %sub3A_2 = arith.constant 9.000000e+00 : f32
    %sub3A_3 = arith.subf %sub3A_2, %sqrt3A : f32
    %mul3A_4 = arith.constant 5.000000e-01 : f32
    %mul3A_5 = arith.mulf %sub3A_3, %mul3A_4 : f32
    %floor3A = math.floor %mul3A_5 : f32
    %convert_element_type3A_6 = arith.fptosi %floor3A : f32 to i32
    %jit3A = arith.constant 0 : i32
    %jit3A_7 = arith.constant 3 : i32
    %max3A = arith.maxsi %jit3A, %convert_element_type3A_6 : i32
    %min3A = arith.minsi %jit3A_7, %max3A : i32
    %add3A = arith.constant 1 : i32
    %add3A_8 = arith.addi %min3A, %add3A : i32
    %mul3A_9 = arith.constant 4 : i32
    %mul3A_10 = arith.muli %add3A_8, %mul3A_9 : i32
    %sub3A_11 = arith.constant 1 : i32
    %sub3A_12 = arith.subi %add3A_8, %sub3A_11 : i32
    %mul3A_13 = arith.muli %add3A_8, %sub3A_12 : i32
    %jit3A_14 = arith.constant 2 : i32
    %div3A = arith.divsi %mul3A_13, %jit3A_14 : i32
    %sign3A = arith.constant 0 : i32
    %sign3A_15 = arith.cmpi sgt, %mul3A_13, %sign3A : i32
    %sign3A_16 = arith.extui %sign3A_15 : i1 to i32
    %sign3A_17 = arith.constant 0 : i32
    %sign3A_18 = arith.cmpi slt, %mul3A_13, %sign3A_17 : i32
    %sign3A_19 = arith.extui %sign3A_18 : i1 to i32
    %sign3A_20 = arith.subi %sign3A_16, %sign3A_19 : i32
    %sign3A_21 = arith.constant 0 : i32
    %sign3A_22 = arith.cmpi sgt, %jit3A_14, %sign3A_21 : i32
    %sign3A_23 = arith.extui %sign3A_22 : i1 to i32
    %sign3A_24 = arith.constant 0 : i32
    %sign3A_25 = arith.cmpi slt, %jit3A_14, %sign3A_24 : i32
    %sign3A_26 = arith.extui %sign3A_25 : i1 to i32
    %sign3A_27 = arith.subi %sign3A_23, %sign3A_26 : i32
    %ne3A = arith.cmpi ne, %sign3A_20, %sign3A_27 : i32
    %rem3A = arith.remsi %mul3A_13, %jit3A_14 : i32
    %ne3A_28 = arith.constant 0 : i32
    %ne3A_29 = arith.cmpi ne, %rem3A, %ne3A_28 : i32
    %and3A = arith.andi %ne3A, %ne3A_29 : i1
    %sub3A_30 = arith.constant 1 : i32
    %sub3A_31 = arith.subi %div3A, %sub3A_30 : i32
    %select_n3A = arith.select %and3A, %sub3A_31, %div3A : i32
    %sub3A_32 = arith.subi %mul3A_10, %select_n3A : i32
    %ge3A = arith.cmpi sge, %arg0, %sub3A_32 : i32
    %add3A_33 = arith.constant 1 : i32
    %add3A_34 = arith.addi %min3A, %add3A_33 : i32
    %select_n3A_35 = arith.select %ge3A, %add3A_34, %min3A : i32
    %mul3A_36 = arith.constant 4 : i32
    %mul3A_37 = arith.muli %select_n3A_35, %mul3A_36 : i32
    %sub3A_38 = arith.constant 1 : i32
    %sub3A_39 = arith.subi %select_n3A_35, %sub3A_38 : i32
    %mul3A_40 = arith.muli %select_n3A_35, %sub3A_39 : i32
    %jit3A_41 = arith.constant 2 : i32
    %div3A_42 = arith.divsi %mul3A_40, %jit3A_41 : i32
    %sign3A_43 = arith.constant 0 : i32
    %sign3A_44 = arith.cmpi sgt, %mul3A_40, %sign3A_43 : i32
    %sign3A_45 = arith.extui %sign3A_44 : i1 to i32
    %sign3A_46 = arith.constant 0 : i32
    %sign3A_47 = arith.cmpi slt, %mul3A_40, %sign3A_46 : i32
    %sign3A_48 = arith.extui %sign3A_47 : i1 to i32
    %sign3A_49 = arith.subi %sign3A_45, %sign3A_48 : i32
    %sign3A_50 = arith.constant 0 : i32
    %sign3A_51 = arith.cmpi sgt, %jit3A_41, %sign3A_50 : i32
    %sign3A_52 = arith.extui %sign3A_51 : i1 to i32
    %sign3A_53 = arith.constant 0 : i32
    %sign3A_54 = arith.cmpi slt, %jit3A_41, %sign3A_53 : i32
    %sign3A_55 = arith.extui %sign3A_54 : i1 to i32
    %sign3A_56 = arith.subi %sign3A_52, %sign3A_55 : i32
    %ne3A_57 = arith.cmpi ne, %sign3A_49, %sign3A_56 : i32
    %rem3A_58 = arith.remsi %mul3A_40, %jit3A_41 : i32
    %ne3A_59 = arith.constant 0 : i32
    %ne3A_60 = arith.cmpi ne, %rem3A_58, %ne3A_59 : i32
    %and3A_61 = arith.andi %ne3A_57, %ne3A_60 : i1
    %sub3A_62 = arith.constant 1 : i32
    %sub3A_63 = arith.subi %div3A_42, %sub3A_62 : i32
    %select_n3A_64 = arith.select %and3A_61, %sub3A_63, %div3A_42 : i32
    %sub3A_65 = arith.subi %mul3A_37, %select_n3A_64 : i32
    %lt3A = arith.cmpi slt, %arg0, %sub3A_65 : i32
    %sub3A_66 = arith.constant 1 : i32
    %sub3A_67 = arith.subi %select_n3A_35, %sub3A_66 : i32
    %select_n3A_68 = arith.select %lt3A, %sub3A_67, %select_n3A_35 : i32
    %jit3A_69 = arith.constant 0 : i32
    %jit3A_70 = arith.constant 3 : i32
    %max3A_71 = arith.maxsi %jit3A_69, %select_n3A_68 : i32
    %min3A_72 = arith.minsi %jit3A_70, %max3A_71 : i32
    %mul3A_73 = arith.constant 8 : i32
    %mul3A_74 = arith.muli %mul3A_73, %arg0 : i32
    %sub3A_75 = arith.constant 81 : i32
    %sub3A_76 = arith.subi %sub3A_75, %mul3A_74 : i32
    %convert_element_type3A_77 = arith.sitofp %sub3A_76 : i32 to f32
    %sqrt3A_78 = math.sqrt %convert_element_type3A_77 : f32
    %sub3A_79 = arith.constant 9.000000e+00 : f32
    %sub3A_80 = arith.subf %sub3A_79, %sqrt3A_78 : f32
    %mul3A_81 = arith.constant 5.000000e-01 : f32
    %mul3A_82 = arith.mulf %sub3A_80, %mul3A_81 : f32
    %floor3A_83 = math.floor %mul3A_82 : f32
    %convert_element_type3A_84 = arith.fptosi %floor3A_83 : f32 to i32
    %jit3A_85 = arith.constant 0 : i32
    %jit3A_86 = arith.constant 3 : i32
    %max3A_87 = arith.maxsi %jit3A_85, %convert_element_type3A_84 : i32
    %min3A_88 = arith.minsi %jit3A_86, %max3A_87 : i32
    %add3A_89 = arith.constant 1 : i32
    %add3A_90 = arith.addi %min3A_88, %add3A_89 : i32
    %mul3A_91 = arith.constant 4 : i32
    %mul3A_92 = arith.muli %add3A_90, %mul3A_91 : i32
    %sub3A_93 = arith.constant 1 : i32
    %sub3A_94 = arith.subi %add3A_90, %sub3A_93 : i32
    %mul3A_95 = arith.muli %add3A_90, %sub3A_94 : i32
    %jit3A_96 = arith.constant 2 : i32
    %div3A_97 = arith.divsi %mul3A_95, %jit3A_96 : i32
    %sign3A_98 = arith.constant 0 : i32
    %sign3A_99 = arith.cmpi sgt, %mul3A_95, %sign3A_98 : i32
    %sign3A_100 = arith.extui %sign3A_99 : i1 to i32
    %sign3A_101 = arith.constant 0 : i32
    %sign3A_102 = arith.cmpi slt, %mul3A_95, %sign3A_101 : i32
    %sign3A_103 = arith.extui %sign3A_102 : i1 to i32
    %sign3A_104 = arith.subi %sign3A_100, %sign3A_103 : i32
    %sign3A_105 = arith.constant 0 : i32
    %sign3A_106 = arith.cmpi sgt, %jit3A_96, %sign3A_105 : i32
    %sign3A_107 = arith.extui %sign3A_106 : i1 to i32
    %sign3A_108 = arith.constant 0 : i32
    %sign3A_109 = arith.cmpi slt, %jit3A_96, %sign3A_108 : i32
    %sign3A_110 = arith.extui %sign3A_109 : i1 to i32
    %sign3A_111 = arith.subi %sign3A_107, %sign3A_110 : i32
    %ne3A_112 = arith.cmpi ne, %sign3A_104, %sign3A_111 : i32
    %rem3A_113 = arith.remsi %mul3A_95, %jit3A_96 : i32
    %ne3A_114 = arith.constant 0 : i32
    %ne3A_115 = arith.cmpi ne, %rem3A_113, %ne3A_114 : i32
    %and3A_116 = arith.andi %ne3A_112, %ne3A_115 : i1
    %sub3A_117 = arith.constant 1 : i32
    %sub3A_118 = arith.subi %div3A_97, %sub3A_117 : i32
    %select_n3A_119 = arith.select %and3A_116, %sub3A_118, %div3A_97 : i32
    %sub3A_120 = arith.subi %mul3A_92, %select_n3A_119 : i32
    %ge3A_121 = arith.cmpi sge, %arg0, %sub3A_120 : i32
    %add3A_122 = arith.constant 1 : i32
    %add3A_123 = arith.addi %min3A_88, %add3A_122 : i32
    %select_n3A_124 = arith.select %ge3A_121, %add3A_123, %min3A_88 : i32
    %mul3A_125 = arith.constant 4 : i32
    %mul3A_126 = arith.muli %select_n3A_124, %mul3A_125 : i32
    %sub3A_127 = arith.constant 1 : i32
    %sub3A_128 = arith.subi %select_n3A_124, %sub3A_127 : i32
    %mul3A_129 = arith.muli %select_n3A_124, %sub3A_128 : i32
    %jit3A_130 = arith.constant 2 : i32
    %div3A_131 = arith.divsi %mul3A_129, %jit3A_130 : i32
    %sign3A_132 = arith.constant 0 : i32
    %sign3A_133 = arith.cmpi sgt, %mul3A_129, %sign3A_132 : i32
    %sign3A_134 = arith.extui %sign3A_133 : i1 to i32
    %sign3A_135 = arith.constant 0 : i32
    %sign3A_136 = arith.cmpi slt, %mul3A_129, %sign3A_135 : i32
    %sign3A_137 = arith.extui %sign3A_136 : i1 to i32
    %sign3A_138 = arith.subi %sign3A_134, %sign3A_137 : i32
    %sign3A_139 = arith.constant 0 : i32
    %sign3A_140 = arith.cmpi sgt, %jit3A_130, %sign3A_139 : i32
    %sign3A_141 = arith.extui %sign3A_140 : i1 to i32
    %sign3A_142 = arith.constant 0 : i32
    %sign3A_143 = arith.cmpi slt, %jit3A_130, %sign3A_142 : i32
    %sign3A_144 = arith.extui %sign3A_143 : i1 to i32
    %sign3A_145 = arith.subi %sign3A_141, %sign3A_144 : i32
    %ne3A_146 = arith.cmpi ne, %sign3A_138, %sign3A_145 : i32
    %rem3A_147 = arith.remsi %mul3A_129, %jit3A_130 : i32
    %ne3A_148 = arith.constant 0 : i32
    %ne3A_149 = arith.cmpi ne, %rem3A_147, %ne3A_148 : i32
    %and3A_150 = arith.andi %ne3A_146, %ne3A_149 : i1
    %sub3A_151 = arith.constant 1 : i32
    %sub3A_152 = arith.subi %div3A_131, %sub3A_151 : i32
    %select_n3A_153 = arith.select %and3A_150, %sub3A_152, %div3A_131 : i32
    %sub3A_154 = arith.subi %mul3A_126, %select_n3A_153 : i32
    %lt3A_155 = arith.cmpi slt, %arg0, %sub3A_154 : i32
    %sub3A_156 = arith.constant 1 : i32
    %sub3A_157 = arith.subi %select_n3A_124, %sub3A_156 : i32
    %select_n3A_158 = arith.select %lt3A_155, %sub3A_157, %select_n3A_124 : i32
    %jit3A_159 = arith.constant 0 : i32
    %jit3A_160 = arith.constant 3 : i32
    %max3A_161 = arith.maxsi %jit3A_159, %select_n3A_158 : i32
    %min3A_162 = arith.minsi %jit3A_160, %max3A_161 : i32
    %mul3A_163 = arith.constant 4 : i32
    %mul3A_164 = arith.muli %min3A_162, %mul3A_163 : i32
    %sub3A_165 = arith.constant 1 : i32
    %sub3A_166 = arith.subi %min3A_162, %sub3A_165 : i32
    %mul3A_167 = arith.muli %min3A_162, %sub3A_166 : i32
    %jit3A_168 = arith.constant 2 : i32
    %div3A_169 = arith.divsi %mul3A_167, %jit3A_168 : i32
    %sign3A_170 = arith.constant 0 : i32
    %sign3A_171 = arith.cmpi sgt, %mul3A_167, %sign3A_170 : i32
    %sign3A_172 = arith.extui %sign3A_171 : i1 to i32
    %sign3A_173 = arith.constant 0 : i32
    %sign3A_174 = arith.cmpi slt, %mul3A_167, %sign3A_173 : i32
    %sign3A_175 = arith.extui %sign3A_174 : i1 to i32
    %sign3A_176 = arith.subi %sign3A_172, %sign3A_175 : i32
    %sign3A_177 = arith.constant 0 : i32
    %sign3A_178 = arith.cmpi sgt, %jit3A_168, %sign3A_177 : i32
    %sign3A_179 = arith.extui %sign3A_178 : i1 to i32
    %sign3A_180 = arith.constant 0 : i32
    %sign3A_181 = arith.cmpi slt, %jit3A_168, %sign3A_180 : i32
    %sign3A_182 = arith.extui %sign3A_181 : i1 to i32
    %sign3A_183 = arith.subi %sign3A_179, %sign3A_182 : i32
    %ne3A_184 = arith.cmpi ne, %sign3A_176, %sign3A_183 : i32
    %rem3A_185 = arith.remsi %mul3A_167, %jit3A_168 : i32
    %ne3A_186 = arith.constant 0 : i32
    %ne3A_187 = arith.cmpi ne, %rem3A_185, %ne3A_186 : i32
    %and3A_188 = arith.andi %ne3A_184, %ne3A_187 : i1
    %sub3A_189 = arith.constant 1 : i32
    %sub3A_190 = arith.subi %div3A_169, %sub3A_189 : i32
    %select_n3A_191 = arith.select %and3A_188, %sub3A_190, %div3A_169 : i32
    %sub3A_192 = arith.subi %mul3A_164, %select_n3A_191 : i32
    %sub3A_193 = arith.subi %arg0, %sub3A_192 : i32
    %add3A_194 = arith.addi %sub3A_193, %min3A_162 : i32
    %mul3A_195 = arith.constant 512 : i32
    %mul3A_196 = arith.muli %min3A_72, %mul3A_195 : i32
    %iota3A = tpu.iota {dimensions = array<i32: 0>} : vector<512x512xi32>
    %add3A_197 = vector.broadcast %mul3A_196 : i32 to vector<512x512xi32>
    %add3A_198 = arith.addi %add3A_197, %iota3A : vector<512x512xi32>
    %mul3A_199 = arith.constant 512 : i32
    %mul3A_200 = arith.muli %add3A_194, %mul3A_199 : i32
    %iota3A_201 = tpu.iota {dimensions = array<i32: 1>} : vector<512x512xi32>
    %add3A_202 = vector.broadcast %mul3A_200 : i32 to vector<512x512xi32>
    %add3A_203 = arith.addi %add3A_202, %iota3A_201 : vector<512x512xi32>
    %lt3A_204 = arith.cmpi slt, %add3A_198, %add3A_203 : vector<512x512xi32>
    %get3A = arith.constant 0 : index
    %get3A_205 = arith.constant 0 : index
    %get3A_206 = arith.constant 0 : index
    %get3A_207 = vector.load %arg7[%get3A, %get3A_205, %get3A_206] : memref<1x512x512xi8, #tpu.memory_space<vmem>>, vector<1x512x512xi8>
    %get3A_208 = vector.shape_cast %get3A_207 : vector<1x512x512xi8> to vector<512x512xi8>
    %convert_element_type3A_209 = arith.extsi %get3A_208 : vector<512x512xi8> to vector<512x512xi32>
    %ne3A_210 = arith.constant 0 : i32
    %ne3A_211 = vector.broadcast %ne3A_210 : i32 to vector<512x512xi32>
    %ne3A_212 = arith.cmpi ne, %convert_element_type3A_209, %ne3A_211 : vector<512x512xi32>
    %and3A_213 = arith.andi %lt3A_204, %ne3A_212 : vector<512x512xi1>
    %get3A_214 = arith.constant 0 : index
    %get3A_215 = arith.constant 0 : index
    %get3A_216 = arith.constant 0 : index
    %get3A_217 = vector.load %arg8[%get3A_214, %get3A_215, %get3A_216] : memref<1x512x512xi32, #tpu.memory_space<vmem>>, vector<1x512x512xi32>
    %get3A_218 = vector.shape_cast %get3A_217 : vector<1x512x512xi32> to vector<512x512xi32>
    %ge3A_219 = arith.constant 3 : i32
    %ge3A_220 = vector.broadcast %ge3A_219 : i32 to vector<512x512xi32>
    %ge3A_221 = arith.cmpi sge, %get3A_218, %ge3A_220 : vector<512x512xi32>
    %and3A_222 = arith.andi %and3A_213, %ge3A_221 : vector<512x512xi1>
    %get3A_223 = arith.constant 0 : index
    %get3A_224 = arith.constant 0 : index
    %get3A_225 = vector.load %arg3[%get3A_223, %get3A_224] : memref<512x1xf32, #tpu.memory_space<vmem>>, vector<512x1xf32>
    %get3A_226 = arith.constant 0 : index
    %get3A_227 = arith.constant 0 : index
    %get3A_228 = vector.load %arg4[%get3A_226, %get3A_227] : memref<1x512xf32, #tpu.memory_space<vmem>>, vector<1x512xf32>
    %mul3A_229 = vector.broadcast %get3A_225 : vector<512x1xf32> to vector<512x512xf32>
    %mul3A_230 = vector.broadcast %get3A_228 : vector<1x512xf32> to vector<512x512xf32>
    %mul3A_231 = arith.mulf %mul3A_229, %mul3A_230 : vector<512x512xf32>
    %get3A_232 = arith.constant 0 : index
    %get3A_233 = arith.constant 0 : index
    %get3A_234 = vector.load %arg5[%get3A_232, %get3A_233] : memref<512x1xf32, #tpu.memory_space<vmem>>, vector<512x1xf32>
    %sqrt3A_235 = math.sqrt %get3A_234 : vector<512x1xf32>
    %get3A_236 = arith.constant 0 : index
    %get3A_237 = arith.constant 0 : index
    %get3A_238 = vector.load %arg6[%get3A_236, %get3A_237] : memref<1x512xf32, #tpu.memory_space<vmem>>, vector<1x512xf32>
    %sqrt3A_239 = math.sqrt %get3A_238 : vector<1x512xf32>
    %mul3A_240 = vector.broadcast %sqrt3A_235 : vector<512x1xf32> to vector<512x512xf32>
    %mul3A_241 = vector.broadcast %sqrt3A_239 : vector<1x512xf32> to vector<512x512xf32>
    %mul3A_242 = arith.mulf %mul3A_240, %mul3A_241 : vector<512x512xf32>
    %mul3A_243 = arith.constant 6.250000e+00 : f32
    %mul3A_244 = vector.broadcast %mul3A_243 : f32 to vector<512x512xf32>
    %mul3A_245 = arith.mulf %mul3A_244, %mul3A_231 : vector<512x512xf32>
    %min3A_246 = arith.constant 1.000000e+02 : f32
    %min3A_247 = vector.broadcast %min3A_246 : f32 to vector<512x512xf32>
    %min3A_248 = arith.minimumf %mul3A_245, %min3A_247 : vector<512x512xf32>
    %get3A_249 = arith.constant 0 : index
    %get3A_250 = arith.constant 0 : index
    %get3A_251 = arith.constant 0 : index
    %get3A_252 = vector.load %arg1[%get3A_249, %get3A_250, %get3A_251] : memref<2x512x3xf32, #tpu.memory_space<vmem>>, vector<2x512x3xf32>
    %get3A_253 = arith.constant 0 : index
    %get3A_254 = arith.constant 0 : index
    %get3A_255 = arith.constant 0 : index
    %get3A_256 = vector.load %arg2[%get3A_253, %get3A_254, %get3A_255] : memref<2x3x512xf32, #tpu.memory_space<vmem>>, vector<2x3x512xf32>
    %slice3A = vector.extract_strided_slice %get3A_252 {offsets = [0, 0, 0], sizes = [1, 512, 1], strides = [1, 1, 1]} : vector<2x512x3xf32> to vector<1x512x1xf32>
    %squeeze3A = vector.shape_cast %slice3A : vector<1x512x1xf32> to vector<512x1xf32>
    %slice3A_257 = vector.extract_strided_slice %get3A_252 {offsets = [0, 0, 1], sizes = [1, 512, 1], strides = [1, 1, 1]} : vector<2x512x3xf32> to vector<1x512x1xf32>
    %squeeze3A_258 = vector.shape_cast %slice3A_257 : vector<1x512x1xf32> to vector<512x1xf32>
    %slice3A_259 = vector.extract_strided_slice %get3A_252 {offsets = [0, 0, 2], sizes = [1, 512, 1], strides = [1, 1, 1]} : vector<2x512x3xf32> to vector<1x512x1xf32>
    %squeeze3A_260 = vector.shape_cast %slice3A_259 : vector<1x512x1xf32> to vector<512x1xf32>
    %slice3A_261 = vector.extract_strided_slice %get3A_256 {offsets = [0, 0, 0], sizes = [1, 1, 512], strides = [1, 1, 1]} : vector<2x3x512xf32> to vector<1x1x512xf32>
    %squeeze3A_262 = vector.shape_cast %slice3A_261 : vector<1x1x512xf32> to vector<1x512xf32>
    %slice3A_263 = vector.extract_strided_slice %get3A_256 {offsets = [0, 1, 0], sizes = [1, 1, 512], strides = [1, 1, 1]} : vector<2x3x512xf32> to vector<1x1x512xf32>
    %squeeze3A_264 = vector.shape_cast %slice3A_263 : vector<1x1x512xf32> to vector<1x512xf32>
    %slice3A_265 = vector.extract_strided_slice %get3A_256 {offsets = [0, 2, 0], sizes = [1, 1, 512], strides = [1, 1, 1]} : vector<2x3x512xf32> to vector<1x1x512xf32>
    %squeeze3A_266 = vector.shape_cast %slice3A_265 : vector<1x1x512xf32> to vector<1x512xf32>
    %sub3A_267 = vector.broadcast %squeeze3A : vector<512x1xf32> to vector<512x512xf32>
    %sub3A_268 = vector.broadcast %squeeze3A_262 : vector<1x512xf32> to vector<512x512xf32>
    %sub3A_269 = arith.subf %sub3A_267, %sub3A_268 : vector<512x512xf32>
    %sub3A_270 = vector.broadcast %squeeze3A_258 : vector<512x1xf32> to vector<512x512xf32>
    %sub3A_271 = vector.broadcast %squeeze3A_264 : vector<1x512xf32> to vector<512x512xf32>
    %sub3A_272 = arith.subf %sub3A_270, %sub3A_271 : vector<512x512xf32>
    %sub3A_273 = vector.broadcast %squeeze3A_260 : vector<512x1xf32> to vector<512x512xf32>
    %sub3A_274 = vector.broadcast %squeeze3A_266 : vector<1x512xf32> to vector<512x512xf32>
    %sub3A_275 = arith.subf %sub3A_273, %sub3A_274 : vector<512x512xf32>
    %mul3A_276 = arith.mulf %sub3A_269, %sub3A_269 : vector<512x512xf32>
    %mul3A_277 = arith.mulf %sub3A_272, %sub3A_272 : vector<512x512xf32>
    %add3A_278 = arith.addf %mul3A_276, %mul3A_277 : vector<512x512xf32>
    %mul3A_279 = arith.mulf %sub3A_275, %sub3A_275 : vector<512x512xf32>
    %add3A_280 = arith.addf %add3A_278, %mul3A_279 : vector<512x512xf32>
    %max3A_281 = arith.constant 9.000000e-02 : f32
    %max3A_282 = vector.broadcast %max3A_281 : f32 to vector<512x512xf32>
    %max3A_283 = arith.maximumf %add3A_280, %max3A_282 : vector<512x512xf32>
    %div3A_284 = arith.divf %mul3A_231, %max3A_283 : vector<512x512xf32>
    %mul3A_285 = arith.mulf %div3A_284, %div3A_284 : vector<512x512xf32>
    %mul3A_286 = arith.mulf %mul3A_285, %div3A_284 : vector<512x512xf32>
    %mul3A_287 = arith.mulf %mul3A_242, %mul3A_286 : vector<512x512xf32>
    %sub3A_288 = arith.constant 2.000000e+00 : f32
    %sub3A_289 = vector.broadcast %sub3A_288 : f32 to vector<512x512xf32>
    %sub3A_290 = arith.subf %mul3A_286, %sub3A_289 : vector<512x512xf32>
    %mul3A_291 = arith.mulf %mul3A_287, %sub3A_290 : vector<512x512xf32>
    %le3A = arith.cmpf ole, %add3A_280, %min3A_248 : vector<512x512xf32>
    %and3A_292 = arith.andi %and3A_222, %le3A : vector<512x512xi1>
    %jit3A_293 = arith.constant 0.000000e+00 : f32
    %broadcast_in_dim3A = vector.broadcast %jit3A_293 : f32 to vector<512x512xf32>
    %select_n3A_294 = arith.select %and3A_292, %mul3A_291, %broadcast_in_dim3A : vector<512x512xi1>, vector<512x512xf32>
    %reduce_sum3A = arith.constant dense<0.000000e+00> : vector<512xf32>
    %reduce_sum3A_295 = vector.multi_reduction <add>, %select_n3A_294, %reduce_sum3A [0] : vector<512x512xf32> to vector<512xf32>
    %broadcast_in_dim3A_296 = vector.shape_cast %reduce_sum3A_295 : vector<512xf32> to vector<1x512xf32>
    %slice3A_297 = vector.extract_strided_slice %get3A_252 {offsets = [1, 0, 0], sizes = [1, 512, 1], strides = [1, 1, 1]} : vector<2x512x3xf32> to vector<1x512x1xf32>
    %squeeze3A_298 = vector.shape_cast %slice3A_297 : vector<1x512x1xf32> to vector<512x1xf32>
    %slice3A_299 = vector.extract_strided_slice %get3A_252 {offsets = [1, 0, 1], sizes = [1, 512, 1], strides = [1, 1, 1]} : vector<2x512x3xf32> to vector<1x512x1xf32>
    %squeeze3A_300 = vector.shape_cast %slice3A_299 : vector<1x512x1xf32> to vector<512x1xf32>
    %slice3A_301 = vector.extract_strided_slice %get3A_252 {offsets = [1, 0, 2], sizes = [1, 512, 1], strides = [1, 1, 1]} : vector<2x512x3xf32> to vector<1x512x1xf32>
    %squeeze3A_302 = vector.shape_cast %slice3A_301 : vector<1x512x1xf32> to vector<512x1xf32>
    %slice3A_303 = vector.extract_strided_slice %get3A_256 {offsets = [1, 0, 0], sizes = [1, 1, 512], strides = [1, 1, 1]} : vector<2x3x512xf32> to vector<1x1x512xf32>
    %squeeze3A_304 = vector.shape_cast %slice3A_303 : vector<1x1x512xf32> to vector<1x512xf32>
    %slice3A_305 = vector.extract_strided_slice %get3A_256 {offsets = [1, 1, 0], sizes = [1, 1, 512], strides = [1, 1, 1]} : vector<2x3x512xf32> to vector<1x1x512xf32>
    %squeeze3A_306 = vector.shape_cast %slice3A_305 : vector<1x1x512xf32> to vector<1x512xf32>
    %slice3A_307 = vector.extract_strided_slice %get3A_256 {offsets = [1, 2, 0], sizes = [1, 1, 512], strides = [1, 1, 1]} : vector<2x3x512xf32> to vector<1x1x512xf32>
    %squeeze3A_308 = vector.shape_cast %slice3A_307 : vector<1x1x512xf32> to vector<1x512xf32>
    %sub3A_309 = vector.broadcast %squeeze3A_298 : vector<512x1xf32> to vector<512x512xf32>
    %sub3A_310 = vector.broadcast %squeeze3A_304 : vector<1x512xf32> to vector<512x512xf32>
    %sub3A_311 = arith.subf %sub3A_309, %sub3A_310 : vector<512x512xf32>
    %sub3A_312 = vector.broadcast %squeeze3A_300 : vector<512x1xf32> to vector<512x512xf32>
    %sub3A_313 = vector.broadcast %squeeze3A_306 : vector<1x512xf32> to vector<512x512xf32>
    %sub3A_314 = arith.subf %sub3A_312, %sub3A_313 : vector<512x512xf32>
    %sub3A_315 = vector.broadcast %squeeze3A_302 : vector<512x1xf32> to vector<512x512xf32>
    %sub3A_316 = vector.broadcast %squeeze3A_308 : vector<1x512xf32> to vector<512x512xf32>
    %sub3A_317 = arith.subf %sub3A_315, %sub3A_316 : vector<512x512xf32>
    %mul3A_318 = arith.mulf %sub3A_311, %sub3A_311 : vector<512x512xf32>
    %mul3A_319 = arith.mulf %sub3A_314, %sub3A_314 : vector<512x512xf32>
    %add3A_320 = arith.addf %mul3A_318, %mul3A_319 : vector<512x512xf32>
    %mul3A_321 = arith.mulf %sub3A_317, %sub3A_317 : vector<512x512xf32>
    %add3A_322 = arith.addf %add3A_320, %mul3A_321 : vector<512x512xf32>
    %max3A_323 = arith.constant 9.000000e-02 : f32
    %max3A_324 = vector.broadcast %max3A_323 : f32 to vector<512x512xf32>
    %max3A_325 = arith.maximumf %add3A_322, %max3A_324 : vector<512x512xf32>
    %div3A_326 = arith.divf %mul3A_231, %max3A_325 : vector<512x512xf32>
    %mul3A_327 = arith.mulf %div3A_326, %div3A_326 : vector<512x512xf32>
    %mul3A_328 = arith.mulf %mul3A_327, %div3A_326 : vector<512x512xf32>
    %mul3A_329 = arith.mulf %mul3A_242, %mul3A_328 : vector<512x512xf32>
    %sub3A_330 = arith.constant 2.000000e+00 : f32
    %sub3A_331 = vector.broadcast %sub3A_330 : f32 to vector<512x512xf32>
    %sub3A_332 = arith.subf %mul3A_328, %sub3A_331 : vector<512x512xf32>
    %mul3A_333 = arith.mulf %mul3A_329, %sub3A_332 : vector<512x512xf32>
    %le3A_334 = arith.cmpf ole, %add3A_322, %min3A_248 : vector<512x512xf32>
    %and3A_335 = arith.andi %and3A_222, %le3A_334 : vector<512x512xi1>
    %jit3A_336 = arith.constant 0.000000e+00 : f32
    %broadcast_in_dim3A_337 = vector.broadcast %jit3A_336 : f32 to vector<512x512xf32>
    %select_n3A_338 = arith.select %and3A_335, %mul3A_333, %broadcast_in_dim3A_337 : vector<512x512xi1>, vector<512x512xf32>
    %reduce_sum3A_339 = arith.constant dense<0.000000e+00> : vector<512xf32>
    %reduce_sum3A_340 = vector.multi_reduction <add>, %select_n3A_338, %reduce_sum3A_339 [0] : vector<512x512xf32> to vector<512xf32>
    %broadcast_in_dim3A_341 = vector.shape_cast %reduce_sum3A_340 : vector<512xf32> to vector<1x512xf32>
    %concatenate3A = tpu.concatenate %broadcast_in_dim3A_296, %broadcast_in_dim3A_341 in 0 : vector<1x512xf32>, vector<1x512xf32> -> vector<2x512xf32>
    %reshape3A = vector.shape_cast %concatenate3A : vector<2x512xf32> to vector<1x2x512xf32>
    %swap3A = arith.constant 0 : index
    %swap3A_342 = arith.constant 0 : index
    %swap3A_343 = arith.constant 0 : index
    %swap3A_344 = vector.load %arg9[%swap3A, %swap3A_342, %swap3A_343] : memref<1x2x512xf32, #tpu.memory_space<vmem>>, vector<1x2x512xf32>
    tpu.vector_store %arg9[%swap3A, %swap3A_342, %swap3A_343], %reshape3A {strides = array<i32>} : memref<1x2x512xf32, #tpu.memory_space<vmem>>, vector<1x2x512xf32>,
    return
  }
  func.func @transform_0(%arg0: i32) -> (i32, i32, i32) {
    %mul3A = arith.constant 8 : i32
    %mul3A_0 = arith.muli %mul3A, %arg0 : i32
    %sub3A = arith.constant 81 : i32
    %sub3A_1 = arith.subi %sub3A, %mul3A_0 : i32
    %convert_element_type3A = arith.sitofp %sub3A_1 : i32 to f32
    %sqrt3A = math.sqrt %convert_element_type3A : f32
    %sub3A_2 = arith.constant 9.000000e+00 : f32
    %sub3A_3 = arith.subf %sub3A_2, %sqrt3A : f32
    %mul3A_4 = arith.constant 5.000000e-01 : f32
    %mul3A_5 = arith.mulf %sub3A_3, %mul3A_4 : f32
    %floor3A = math.floor %mul3A_5 : f32
    %convert_element_type3A_6 = arith.fptosi %floor3A : f32 to i32
    %jit3A = arith.constant 0 : i32
    %jit3A_7 = arith.constant 3 : i32
    %max3A = arith.maxsi %jit3A, %convert_element_type3A_6 : i32
    %min3A = arith.minsi %jit3A_7, %max3A : i32
    %add3A = arith.constant 1 : i32
    %add3A_8 = arith.addi %min3A, %add3A : i32
    %mul3A_9 = arith.constant 4 : i32
    %mul3A_10 = arith.muli %add3A_8, %mul3A_9 : i32
    %sub3A_11 = arith.constant 1 : i32
    %sub3A_12 = arith.subi %add3A_8, %sub3A_11 : i32
    %mul3A_13 = arith.muli %add3A_8, %sub3A_12 : i32
    %jit3A_14 = arith.constant 2 : i32
    %div3A = arith.divsi %mul3A_13, %jit3A_14 : i32
    %sign3A = arith.constant 0 : i32
    %sign3A_15 = arith.cmpi sgt, %mul3A_13, %sign3A : i32
    %sign3A_16 = arith.extui %sign3A_15 : i1 to i32
    %sign3A_17 = arith.constant 0 : i32
    %sign3A_18 = arith.cmpi slt, %mul3A_13, %sign3A_17 : i32
    %sign3A_19 = arith.extui %sign3A_18 : i1 to i32
    %sign3A_20 = arith.subi %sign3A_16, %sign3A_19 : i32
    %sign3A_21 = arith.constant 0 : i32
    %sign3A_22 = arith.cmpi sgt, %jit3A_14, %sign3A_21 : i32
    %sign3A_23 = arith.extui %sign3A_22 : i1 to i32
    %sign3A_24 = arith.constant 0 : i32
    %sign3A_25 = arith.cmpi slt, %jit3A_14, %sign3A_24 : i32
    %sign3A_26 = arith.extui %sign3A_25 : i1 to i32
    %sign3A_27 = arith.subi %sign3A_23, %sign3A_26 : i32
    %ne3A = arith.cmpi ne, %sign3A_20, %sign3A_27 : i32
    %rem3A = arith.remsi %mul3A_13, %jit3A_14 : i32
    %ne3A_28 = arith.constant 0 : i32
    %ne3A_29 = arith.cmpi ne, %rem3A, %ne3A_28 : i32
    %and3A = arith.andi %ne3A, %ne3A_29 : i1
    %sub3A_30 = arith.constant 1 : i32
    %sub3A_31 = arith.subi %div3A, %sub3A_30 : i32
    %select_n3A = arith.select %and3A, %sub3A_31, %div3A : i32
    %sub3A_32 = arith.subi %mul3A_10, %select_n3A : i32
    %ge3A = arith.cmpi sge, %arg0, %sub3A_32 : i32
    %add3A_33 = arith.constant 1 : i32
    %add3A_34 = arith.addi %min3A, %add3A_33 : i32
    %select_n3A_35 = arith.select %ge3A, %add3A_34, %min3A : i32
    %mul3A_36 = arith.constant 4 : i32
    %mul3A_37 = arith.muli %select_n3A_35, %mul3A_36 : i32
    %sub3A_38 = arith.constant 1 : i32
    %sub3A_39 = arith.subi %select_n3A_35, %sub3A_38 : i32
    %mul3A_40 = arith.muli %select_n3A_35, %sub3A_39 : i32
    %jit3A_41 = arith.constant 2 : i32
    %div3A_42 = arith.divsi %mul3A_40, %jit3A_41 : i32
    %sign3A_43 = arith.constant 0 : i32
    %sign3A_44 = arith.cmpi sgt, %mul3A_40, %sign3A_43 : i32
    %sign3A_45 = arith.extui %sign3A_44 : i1 to i32
    %sign3A_46 = arith.constant 0 : i32
    %sign3A_47 = arith.cmpi slt, %mul3A_40, %sign3A_46 : i32
    %sign3A_48 = arith.extui %sign3A_47 : i1 to i32
    %sign3A_49 = arith.subi %sign3A_45, %sign3A_48 : i32
    %sign3A_50 = arith.constant 0 : i32
    %sign3A_51 = arith.cmpi sgt, %jit3A_41, %sign3A_50 : i32
    %sign3A_52 = arith.extui %sign3A_51 : i1 to i32
    %sign3A_53 = arith.constant 0 : i32
    %sign3A_54 = arith.cmpi slt, %jit3A_41, %sign3A_53 : i32
    %sign3A_55 = arith.extui %sign3A_54 : i1 to i32
    %sign3A_56 = arith.subi %sign3A_52, %sign3A_55 : i32
    %ne3A_57 = arith.cmpi ne, %sign3A_49, %sign3A_56 : i32
    %rem3A_58 = arith.remsi %mul3A_40, %jit3A_41 : i32
    %ne3A_59 = arith.constant 0 : i32
    %ne3A_60 = arith.cmpi ne, %rem3A_58, %ne3A_59 : i32
    %and3A_61 = arith.andi %ne3A_57, %ne3A_60 : i1
    %sub3A_62 = arith.constant 1 : i32
    %sub3A_63 = arith.subi %div3A_42, %sub3A_62 : i32
    %select_n3A_64 = arith.select %and3A_61, %sub3A_63, %div3A_42 : i32
    %sub3A_65 = arith.subi %mul3A_37, %select_n3A_64 : i32
    %lt3A = arith.cmpi slt, %arg0, %sub3A_65 : i32
    %sub3A_66 = arith.constant 1 : i32
    %sub3A_67 = arith.subi %select_n3A_35, %sub3A_66 : i32
    %select_n3A_68 = arith.select %lt3A, %sub3A_67, %select_n3A_35 : i32
    %jit3A_69 = arith.constant 0 : i32
    %jit3A_70 = arith.constant 3 : i32
    %max3A_71 = arith.maxsi %jit3A_69, %select_n3A_68 : i32
    %min3A_72 = arith.minsi %jit3A_70, %max3A_71 : i32
    %c0_i32 = arith.constant 0 : i32
    %c0_i32_73 = arith.constant 0 : i32
    %c0_i32_74 = arith.constant 0 : i32
    return %c0_i32, %min3A_72, %c0_i32_73 : i32, i32, i32
  }
  func.func @transform_1(%arg0: i32) -> (i32, i32, i32) {
    %mul3A = arith.constant 8 : i32
    %mul3A_0 = arith.muli %mul3A, %arg0 : i32
    %sub3A = arith.constant 81 : i32
    %sub3A_1 = arith.subi %sub3A, %mul3A_0 : i32
    %convert_element_type3A = arith.sitofp %sub3A_1 : i32 to f32
    %sqrt3A = math.sqrt %convert_element_type3A : f32
    %sub3A_2 = arith.constant 9.000000e+00 : f32
    %sub3A_3 = arith.subf %sub3A_2, %sqrt3A : f32
    %mul3A_4 = arith.constant 5.000000e-01 : f32
    %mul3A_5 = arith.mulf %sub3A_3, %mul3A_4 : f32
    %floor3A = math.floor %mul3A_5 : f32
    %convert_element_type3A_6 = arith.fptosi %floor3A : f32 to i32
    %jit3A = arith.constant 0 : i32
    %jit3A_7 = arith.constant 3 : i32
    %max3A = arith.maxsi %jit3A, %convert_element_type3A_6 : i32
    %min3A = arith.minsi %jit3A_7, %max3A : i32
    %add3A = arith.constant 1 : i32
    %add3A_8 = arith.addi %min3A, %add3A : i32
    %mul3A_9 = arith.constant 4 : i32
    %mul3A_10 = arith.muli %add3A_8, %mul3A_9 : i32
    %sub3A_11 = arith.constant 1 : i32
    %sub3A_12 = arith.subi %add3A_8, %sub3A_11 : i32
    %mul3A_13 = arith.muli %add3A_8, %sub3A_12 : i32
    %jit3A_14 = arith.constant 2 : i32
    %div3A = arith.divsi %mul3A_13, %jit3A_14 : i32
    %sign3A = arith.constant 0 : i32
    %sign3A_15 = arith.cmpi sgt, %mul3A_13, %sign3A : i32
    %sign3A_16 = arith.extui %sign3A_15 : i1 to i32
    %sign3A_17 = arith.constant 0 : i32
    %sign3A_18 = arith.cmpi slt, %mul3A_13, %sign3A_17 : i32
    %sign3A_19 = arith.extui %sign3A_18 : i1 to i32
    %sign3A_20 = arith.subi %sign3A_16, %sign3A_19 : i32
    %sign3A_21 = arith.constant 0 : i32
    %sign3A_22 = arith.cmpi sgt, %jit3A_14, %sign3A_21 : i32
    %sign3A_23 = arith.extui %sign3A_22 : i1 to i32
    %sign3A_24 = arith.constant 0 : i32
    %sign3A_25 = arith.cmpi slt, %jit3A_14, %sign3A_24 : i32
    %sign3A_26 = arith.extui %sign3A_25 : i1 to i32
    %sign3A_27 = arith.subi %sign3A_23, %sign3A_26 : i32
    %ne3A = arith.cmpi ne, %sign3A_20, %sign3A_27 : i32
    %rem3A = arith.remsi %mul3A_13, %jit3A_14 : i32
    %ne3A_28 = arith.constant 0 : i32
    %ne3A_29 = arith.cmpi ne, %rem3A, %ne3A_28 : i32
    %and3A = arith.andi %ne3A, %ne3A_29 : i1
    %sub3A_30 = arith.constant 1 : i32
    %sub3A_31 = arith.subi %div3A, %sub3A_30 : i32
    %select_n3A = arith.select %and3A, %sub3A_31, %div3A : i32
    %sub3A_32 = arith.subi %mul3A_10, %select_n3A : i32
    %ge3A = arith.cmpi sge, %arg0, %sub3A_32 : i32
    %add3A_33 = arith.constant 1 : i32
    %add3A_34 = arith.addi %min3A, %add3A_33 : i32
    %select_n3A_35 = arith.select %ge3A, %add3A_34, %min3A : i32
    %mul3A_36 = arith.constant 4 : i32
    %mul3A_37 = arith.muli %select_n3A_35, %mul3A_36 : i32
    %sub3A_38 = arith.constant 1 : i32
    %sub3A_39 = arith.subi %select_n3A_35, %sub3A_38 : i32
    %mul3A_40 = arith.muli %select_n3A_35, %sub3A_39 : i32
    %jit3A_41 = arith.constant 2 : i32
    %div3A_42 = arith.divsi %mul3A_40, %jit3A_41 : i32
    %sign3A_43 = arith.constant 0 : i32
    %sign3A_44 = arith.cmpi sgt, %mul3A_40, %sign3A_43 : i32
    %sign3A_45 = arith.extui %sign3A_44 : i1 to i32
    %sign3A_46 = arith.constant 0 : i32
    %sign3A_47 = arith.cmpi slt, %mul3A_40, %sign3A_46 : i32
    %sign3A_48 = arith.extui %sign3A_47 : i1 to i32
    %sign3A_49 = arith.subi %sign3A_45, %sign3A_48 : i32
    %sign3A_50 = arith.constant 0 : i32
    %sign3A_51 = arith.cmpi sgt, %jit3A_41, %sign3A_50 : i32
    %sign3A_52 = arith.extui %sign3A_51 : i1 to i32
    %sign3A_53 = arith.constant 0 : i32
    %sign3A_54 = arith.cmpi slt, %jit3A_41, %sign3A_53 : i32
    %sign3A_55 = arith.extui %sign3A_54 : i1 to i32
    %sign3A_56 = arith.subi %sign3A_52, %sign3A_55 : i32
    %ne3A_57 = arith.cmpi ne, %sign3A_49, %sign3A_56 : i32
    %rem3A_58 = arith.remsi %mul3A_40, %jit3A_41 : i32
    %ne3A_59 = arith.constant 0 : i32
    %ne3A_60 = arith.cmpi ne, %rem3A_58, %ne3A_59 : i32
    %and3A_61 = arith.andi %ne3A_57, %ne3A_60 : i1
    %sub3A_62 = arith.constant 1 : i32
    %sub3A_63 = arith.subi %div3A_42, %sub3A_62 : i32
    %select_n3A_64 = arith.select %and3A_61, %sub3A_63, %div3A_42 : i32
    %sub3A_65 = arith.subi %mul3A_37, %select_n3A_64 : i32
    %lt3A = arith.cmpi slt, %arg0, %sub3A_65 : i32
    %sub3A_66 = arith.constant 1 : i32
    %sub3A_67 = arith.subi %select_n3A_35, %sub3A_66 : i32
    %select_n3A_68 = arith.select %lt3A, %sub3A_67, %select_n3A_35 : i32
    %jit3A_69 = arith.constant 0 : i32
    %jit3A_70 = arith.constant 3 : i32
    %max3A_71 = arith.maxsi %jit3A_69, %select_n3A_68 : i32
    %min3A_72 = arith.minsi %jit3A_70, %max3A_71 : i32
    %mul3A_73 = arith.constant 4 : i32
    %mul3A_74 = arith.muli %min3A_72, %mul3A_73 : i32
    %sub3A_75 = arith.constant 1 : i32
    %sub3A_76 = arith.subi %min3A_72, %sub3A_75 : i32
    %mul3A_77 = arith.muli %min3A_72, %sub3A_76 : i32
    %jit3A_78 = arith.constant 2 : i32
    %div3A_79 = arith.divsi %mul3A_77, %jit3A_78 : i32
    %sign3A_80 = arith.constant 0 : i32
    %sign3A_81 = arith.cmpi sgt, %mul3A_77, %sign3A_80 : i32
    %sign3A_82 = arith.extui %sign3A_81 : i1 to i32
    %sign3A_83 = arith.constant 0 : i32
    %sign3A_84 = arith.cmpi slt, %mul3A_77, %sign3A_83 : i32
    %sign3A_85 = arith.extui %sign3A_84 : i1 to i32
    %sign3A_86 = arith.subi %sign3A_82, %sign3A_85 : i32
    %sign3A_87 = arith.constant 0 : i32
    %sign3A_88 = arith.cmpi sgt, %jit3A_78, %sign3A_87 : i32
    %sign3A_89 = arith.extui %sign3A_88 : i1 to i32
    %sign3A_90 = arith.constant 0 : i32
    %sign3A_91 = arith.cmpi slt, %jit3A_78, %sign3A_90 : i32
    %sign3A_92 = arith.extui %sign3A_91 : i1 to i32
    %sign3A_93 = arith.subi %sign3A_89, %sign3A_92 : i32
    %ne3A_94 = arith.cmpi ne, %sign3A_86, %sign3A_93 : i32
    %rem3A_95 = arith.remsi %mul3A_77, %jit3A_78 : i32
    %ne3A_96 = arith.constant 0 : i32
    %ne3A_97 = arith.cmpi ne, %rem3A_95, %ne3A_96 : i32
    %and3A_98 = arith.andi %ne3A_94, %ne3A_97 : i1
    %sub3A_99 = arith.constant 1 : i32
    %sub3A_100 = arith.subi %div3A_79, %sub3A_99 : i32
    %select_n3A_101 = arith.select %and3A_98, %sub3A_100, %div3A_79 : i32
    %sub3A_102 = arith.subi %mul3A_74, %select_n3A_101 : i32
    %sub3A_103 = arith.subi %arg0, %sub3A_102 : i32
    %add3A_104 = arith.addi %sub3A_103, %min3A_72 : i32
    %c0_i32 = arith.constant 0 : i32
    %c0_i32_105 = arith.constant 0 : i32
    %c0_i32_106 = arith.constant 0 : i32
    return %c0_i32, %c0_i32_105, %add3A_104 : i32, i32, i32
  }
  func.func @transform_2(%arg0: i32) -> (i32, i32) {
    %mul3A = arith.constant 8 : i32
    %mul3A_0 = arith.muli %mul3A, %arg0 : i32
    %sub3A = arith.constant 81 : i32
    %sub3A_1 = arith.subi %sub3A, %mul3A_0 : i32
    %convert_element_type3A = arith.sitofp %sub3A_1 : i32 to f32
    %sqrt3A = math.sqrt %convert_element_type3A : f32
    %sub3A_2 = arith.constant 9.000000e+00 : f32
    %sub3A_3 = arith.subf %sub3A_2, %sqrt3A : f32
    %mul3A_4 = arith.constant 5.000000e-01 : f32
    %mul3A_5 = arith.mulf %sub3A_3, %mul3A_4 : f32
    %floor3A = math.floor %mul3A_5 : f32
    %convert_element_type3A_6 = arith.fptosi %floor3A : f32 to i32
    %jit3A = arith.constant 0 : i32
    %jit3A_7 = arith.constant 3 : i32
    %max3A = arith.maxsi %jit3A, %convert_element_type3A_6 : i32
    %min3A = arith.minsi %jit3A_7, %max3A : i32
    %add3A = arith.constant 1 : i32
    %add3A_8 = arith.addi %min3A, %add3A : i32
    %mul3A_9 = arith.constant 4 : i32
    %mul3A_10 = arith.muli %add3A_8, %mul3A_9 : i32
    %sub3A_11 = arith.constant 1 : i32
    %sub3A_12 = arith.subi %add3A_8, %sub3A_11 : i32
    %mul3A_13 = arith.muli %add3A_8, %sub3A_12 : i32
    %jit3A_14 = arith.constant 2 : i32
    %div3A = arith.divsi %mul3A_13, %jit3A_14 : i32
    %sign3A = arith.constant 0 : i32
    %sign3A_15 = arith.cmpi sgt, %mul3A_13, %sign3A : i32
    %sign3A_16 = arith.extui %sign3A_15 : i1 to i32
    %sign3A_17 = arith.constant 0 : i32
    %sign3A_18 = arith.cmpi slt, %mul3A_13, %sign3A_17 : i32
    %sign3A_19 = arith.extui %sign3A_18 : i1 to i32
    %sign3A_20 = arith.subi %sign3A_16, %sign3A_19 : i32
    %sign3A_21 = arith.constant 0 : i32
    %sign3A_22 = arith.cmpi sgt, %jit3A_14, %sign3A_21 : i32
    %sign3A_23 = arith.extui %sign3A_22 : i1 to i32
    %sign3A_24 = arith.constant 0 : i32
    %sign3A_25 = arith.cmpi slt, %jit3A_14, %sign3A_24 : i32
    %sign3A_26 = arith.extui %sign3A_25 : i1 to i32
    %sign3A_27 = arith.subi %sign3A_23, %sign3A_26 : i32
    %ne3A = arith.cmpi ne, %sign3A_20, %sign3A_27 : i32
    %rem3A = arith.remsi %mul3A_13, %jit3A_14 : i32
    %ne3A_28 = arith.constant 0 : i32
    %ne3A_29 = arith.cmpi ne, %rem3A, %ne3A_28 : i32
    %and3A = arith.andi %ne3A, %ne3A_29 : i1
    %sub3A_30 = arith.constant 1 : i32
    %sub3A_31 = arith.subi %div3A, %sub3A_30 : i32
    %select_n3A = arith.select %and3A, %sub3A_31, %div3A : i32
    %sub3A_32 = arith.subi %mul3A_10, %select_n3A : i32
    %ge3A = arith.cmpi sge, %arg0, %sub3A_32 : i32
    %add3A_33 = arith.constant 1 : i32
    %add3A_34 = arith.addi %min3A, %add3A_33 : i32
    %select_n3A_35 = arith.select %ge3A, %add3A_34, %min3A : i32
    %mul3A_36 = arith.constant 4 : i32
    %mul3A_37 = arith.muli %select_n3A_35, %mul3A_36 : i32
    %sub3A_38 = arith.constant 1 : i32
    %sub3A_39 = arith.subi %select_n3A_35, %sub3A_38 : i32
    %mul3A_40 = arith.muli %select_n3A_35, %sub3A_39 : i32
    %jit3A_41 = arith.constant 2 : i32
    %div3A_42 = arith.divsi %mul3A_40, %jit3A_41 : i32
    %sign3A_43 = arith.constant 0 : i32
    %sign3A_44 = arith.cmpi sgt, %mul3A_40, %sign3A_43 : i32
    %sign3A_45 = arith.extui %sign3A_44 : i1 to i32
    %sign3A_46 = arith.constant 0 : i32
    %sign3A_47 = arith.cmpi slt, %mul3A_40, %sign3A_46 : i32
    %sign3A_48 = arith.extui %sign3A_47 : i1 to i32
    %sign3A_49 = arith.subi %sign3A_45, %sign3A_48 : i32
    %sign3A_50 = arith.constant 0 : i32
    %sign3A_51 = arith.cmpi sgt, %jit3A_41, %sign3A_50 : i32
    %sign3A_52 = arith.extui %sign3A_51 : i1 to i32
    %sign3A_53 = arith.constant 0 : i32
    %sign3A_54 = arith.cmpi slt, %jit3A_41, %sign3A_53 : i32
    %sign3A_55 = arith.extui %sign3A_54 : i1 to i32
    %sign3A_56 = arith.subi %sign3A_52, %sign3A_55 : i32
    %ne3A_57 = arith.cmpi ne, %sign3A_49, %sign3A_56 : i32
    %rem3A_58 = arith.remsi %mul3A_40, %jit3A_41 : i32
    %ne3A_59 = arith.constant 0 : i32
    %ne3A_60 = arith.cmpi ne, %rem3A_58, %ne3A_59 : i32
    %and3A_61 = arith.andi %ne3A_57, %ne3A_60 : i1
    %sub3A_62 = arith.constant 1 : i32
    %sub3A_63 = arith.subi %div3A_42, %sub3A_62 : i32
    %select_n3A_64 = arith.select %and3A_61, %sub3A_63, %div3A_42 : i32
    %sub3A_65 = arith.subi %mul3A_37, %select_n3A_64 : i32
    %lt3A = arith.cmpi slt, %arg0, %sub3A_65 : i32
    %sub3A_66 = arith.constant 1 : i32
    %sub3A_67 = arith.subi %select_n3A_35, %sub3A_66 : i32
    %select_n3A_68 = arith.select %lt3A, %sub3A_67, %select_n3A_35 : i32
    %jit3A_69 = arith.constant 0 : i32
    %jit3A_70 = arith.constant 3 : i32
    %max3A_71 = arith.maxsi %jit3A_69, %select_n3A_68 : i32
    %min3A_72 = arith.minsi %jit3A_70, %max3A_71 : i32
    %c0_i32 = arith.constant 0 : i32
    %c0_i32_73 = arith.constant 0 : i32
    return %min3A_72, %c0_i32 : i32, i32
  }
  func.func @transform_3(%arg0: i32) -> (i32, i32) {
    %mul3A = arith.constant 8 : i32
    %mul3A_0 = arith.muli %mul3A, %arg0 : i32
    %sub3A = arith.constant 81 : i32
    %sub3A_1 = arith.subi %sub3A, %mul3A_0 : i32
    %convert_element_type3A = arith.sitofp %sub3A_1 : i32 to f32
    %sqrt3A = math.sqrt %convert_element_type3A : f32
    %sub3A_2 = arith.constant 9.000000e+00 : f32
    %sub3A_3 = arith.subf %sub3A_2, %sqrt3A : f32
    %mul3A_4 = arith.constant 5.000000e-01 : f32
    %mul3A_5 = arith.mulf %sub3A_3, %mul3A_4 : f32
    %floor3A = math.floor %mul3A_5 : f32
    %convert_element_type3A_6 = arith.fptosi %floor3A : f32 to i32
    %jit3A = arith.constant 0 : i32
    %jit3A_7 = arith.constant 3 : i32
    %max3A = arith.maxsi %jit3A, %convert_element_type3A_6 : i32
    %min3A = arith.minsi %jit3A_7, %max3A : i32
    %add3A = arith.constant 1 : i32
    %add3A_8 = arith.addi %min3A, %add3A : i32
    %mul3A_9 = arith.constant 4 : i32
    %mul3A_10 = arith.muli %add3A_8, %mul3A_9 : i32
    %sub3A_11 = arith.constant 1 : i32
    %sub3A_12 = arith.subi %add3A_8, %sub3A_11 : i32
    %mul3A_13 = arith.muli %add3A_8, %sub3A_12 : i32
    %jit3A_14 = arith.constant 2 : i32
    %div3A = arith.divsi %mul3A_13, %jit3A_14 : i32
    %sign3A = arith.constant 0 : i32
    %sign3A_15 = arith.cmpi sgt, %mul3A_13, %sign3A : i32
    %sign3A_16 = arith.extui %sign3A_15 : i1 to i32
    %sign3A_17 = arith.constant 0 : i32
    %sign3A_18 = arith.cmpi slt, %mul3A_13, %sign3A_17 : i32
    %sign3A_19 = arith.extui %sign3A_18 : i1 to i32
    %sign3A_20 = arith.subi %sign3A_16, %sign3A_19 : i32
    %sign3A_21 = arith.constant 0 : i32
    %sign3A_22 = arith.cmpi sgt, %jit3A_14, %sign3A_21 : i32
    %sign3A_23 = arith.extui %sign3A_22 : i1 to i32
    %sign3A_24 = arith.constant 0 : i32
    %sign3A_25 = arith.cmpi slt, %jit3A_14, %sign3A_24 : i32
    %sign3A_26 = arith.extui %sign3A_25 : i1 to i32
    %sign3A_27 = arith.subi %sign3A_23, %sign3A_26 : i32
    %ne3A = arith.cmpi ne, %sign3A_20, %sign3A_27 : i32
    %rem3A = arith.remsi %mul3A_13, %jit3A_14 : i32
    %ne3A_28 = arith.constant 0 : i32
    %ne3A_29 = arith.cmpi ne, %rem3A, %ne3A_28 : i32
    %and3A = arith.andi %ne3A, %ne3A_29 : i1
    %sub3A_30 = arith.constant 1 : i32
    %sub3A_31 = arith.subi %div3A, %sub3A_30 : i32
    %select_n3A = arith.select %and3A, %sub3A_31, %div3A : i32
    %sub3A_32 = arith.subi %mul3A_10, %select_n3A : i32
    %ge3A = arith.cmpi sge, %arg0, %sub3A_32 : i32
    %add3A_33 = arith.constant 1 : i32
    %add3A_34 = arith.addi %min3A, %add3A_33 : i32
    %select_n3A_35 = arith.select %ge3A, %add3A_34, %min3A : i32
    %mul3A_36 = arith.constant 4 : i32
    %mul3A_37 = arith.muli %select_n3A_35, %mul3A_36 : i32
    %sub3A_38 = arith.constant 1 : i32
    %sub3A_39 = arith.subi %select_n3A_35, %sub3A_38 : i32
    %mul3A_40 = arith.muli %select_n3A_35, %sub3A_39 : i32
    %jit3A_41 = arith.constant 2 : i32
    %div3A_42 = arith.divsi %mul3A_40, %jit3A_41 : i32
    %sign3A_43 = arith.constant 0 : i32
    %sign3A_44 = arith.cmpi sgt, %mul3A_40, %sign3A_43 : i32
    %sign3A_45 = arith.extui %sign3A_44 : i1 to i32
    %sign3A_46 = arith.constant 0 : i32
    %sign3A_47 = arith.cmpi slt, %mul3A_40, %sign3A_46 : i32
    %sign3A_48 = arith.extui %sign3A_47 : i1 to i32
    %sign3A_49 = arith.subi %sign3A_45, %sign3A_48 : i32
    %sign3A_50 = arith.constant 0 : i32
    %sign3A_51 = arith.cmpi sgt, %jit3A_41, %sign3A_50 : i32
    %sign3A_52 = arith.extui %sign3A_51 : i1 to i32
    %sign3A_53 = arith.constant 0 : i32
    %sign3A_54 = arith.cmpi slt, %jit3A_41, %sign3A_53 : i32
    %sign3A_55 = arith.extui %sign3A_54 : i1 to i32
    %sign3A_56 = arith.subi %sign3A_52, %sign3A_55 : i32
    %ne3A_57 = arith.cmpi ne, %sign3A_49, %sign3A_56 : i32
    %rem3A_58 = arith.remsi %mul3A_40, %jit3A_41 : i32
    %ne3A_59 = arith.constant 0 : i32
    %ne3A_60 = arith.cmpi ne, %rem3A_58, %ne3A_59 : i32
    %and3A_61 = arith.andi %ne3A_57, %ne3A_60 : i1
    %sub3A_62 = arith.constant 1 : i32
    %sub3A_63 = arith.subi %div3A_42, %sub3A_62 : i32
    %select_n3A_64 = arith.select %and3A_61, %sub3A_63, %div3A_42 : i32
    %sub3A_65 = arith.subi %mul3A_37, %select_n3A_64 : i32
    %lt3A = arith.cmpi slt, %arg0, %sub3A_65 : i32
    %sub3A_66 = arith.constant 1 : i32
    %sub3A_67 = arith.subi %select_n3A_35, %sub3A_66 : i32
    %select_n3A_68 = arith.select %lt3A, %sub3A_67, %select_n3A_35 : i32
    %jit3A_69 = arith.constant 0 : i32
    %jit3A_70 = arith.constant 3 : i32
    %max3A_71 = arith.maxsi %jit3A_69, %select_n3A_68 : i32
    %min3A_72 = arith.minsi %jit3A_70, %max3A_71 : i32
    %mul3A_73 = arith.constant 4 : i32
    %mul3A_74 = arith.muli %min3A_72, %mul3A_73 : i32
    %sub3A_75 = arith.constant 1 : i32
    %sub3A_76 = arith.subi %min3A_72, %sub3A_75 : i32
    %mul3A_77 = arith.muli %min3A_72, %sub3A_76 : i32
    %jit3A_78 = arith.constant 2 : i32
    %div3A_79 = arith.divsi %mul3A_77, %jit3A_78 : i32
    %sign3A_80 = arith.constant 0 : i32
    %sign3A_81 = arith.cmpi sgt, %mul3A_77, %sign3A_80 : i32
    %sign3A_82 = arith.extui %sign3A_81 : i1 to i32
    %sign3A_83 = arith.constant 0 : i32
    %sign3A_84 = arith.cmpi slt, %mul3A_77, %sign3A_83 : i32
    %sign3A_85 = arith.extui %sign3A_84 : i1 to i32
    %sign3A_86 = arith.subi %sign3A_82, %sign3A_85 : i32
    %sign3A_87 = arith.constant 0 : i32
    %sign3A_88 = arith.cmpi sgt, %jit3A_78, %sign3A_87 : i32
    %sign3A_89 = arith.extui %sign3A_88 : i1 to i32
    %sign3A_90 = arith.constant 0 : i32
    %sign3A_91 = arith.cmpi slt, %jit3A_78, %sign3A_90 : i32
    %sign3A_92 = arith.extui %sign3A_91 : i1 to i32
    %sign3A_93 = arith.subi %sign3A_89, %sign3A_92 : i32
    %ne3A_94 = arith.cmpi ne, %sign3A_86, %sign3A_93 : i32
    %rem3A_95 = arith.remsi %mul3A_77, %jit3A_78 : i32
    %ne3A_96 = arith.constant 0 : i32
    %ne3A_97 = arith.cmpi ne, %rem3A_95, %ne3A_96 : i32
    %and3A_98 = arith.andi %ne3A_94, %ne3A_97 : i1
    %sub3A_99 = arith.constant 1 : i32
    %sub3A_100 = arith.subi %div3A_79, %sub3A_99 : i32
    %select_n3A_101 = arith.select %and3A_98, %sub3A_100, %div3A_79 : i32
    %sub3A_102 = arith.subi %mul3A_74, %select_n3A_101 : i32
    %sub3A_103 = arith.subi %arg0, %sub3A_102 : i32
    %add3A_104 = arith.addi %sub3A_103, %min3A_72 : i32
    %c0_i32 = arith.constant 0 : i32
    %c0_i32_105 = arith.constant 0 : i32
    return %c0_i32, %add3A_104 : i32, i32
  }
  func.func @transform_4(%arg0: i32) -> (i32, i32) {
    %mul3A = arith.constant 8 : i32
    %mul3A_0 = arith.muli %mul3A, %arg0 : i32
    %sub3A = arith.constant 81 : i32
    %sub3A_1 = arith.subi %sub3A, %mul3A_0 : i32
    %convert_element_type3A = arith.sitofp %sub3A_1 : i32 to f32
    %sqrt3A = math.sqrt %convert_element_type3A : f32
    %sub3A_2 = arith.constant 9.000000e+00 : f32
    %sub3A_3 = arith.subf %sub3A_2, %sqrt3A : f32
    %mul3A_4 = arith.constant 5.000000e-01 : f32
    %mul3A_5 = arith.mulf %sub3A_3, %mul3A_4 : f32
    %floor3A = math.floor %mul3A_5 : f32
    %convert_element_type3A_6 = arith.fptosi %floor3A : f32 to i32
    %jit3A = arith.constant 0 : i32
    %jit3A_7 = arith.constant 3 : i32
    %max3A = arith.maxsi %jit3A, %convert_element_type3A_6 : i32
    %min3A = arith.minsi %jit3A_7, %max3A : i32
    %add3A = arith.constant 1 : i32
    %add3A_8 = arith.addi %min3A, %add3A : i32
    %mul3A_9 = arith.constant 4 : i32
    %mul3A_10 = arith.muli %add3A_8, %mul3A_9 : i32
    %sub3A_11 = arith.constant 1 : i32
    %sub3A_12 = arith.subi %add3A_8, %sub3A_11 : i32
    %mul3A_13 = arith.muli %add3A_8, %sub3A_12 : i32
    %jit3A_14 = arith.constant 2 : i32
    %div3A = arith.divsi %mul3A_13, %jit3A_14 : i32
    %sign3A = arith.constant 0 : i32
    %sign3A_15 = arith.cmpi sgt, %mul3A_13, %sign3A : i32
    %sign3A_16 = arith.extui %sign3A_15 : i1 to i32
    %sign3A_17 = arith.constant 0 : i32
    %sign3A_18 = arith.cmpi slt, %mul3A_13, %sign3A_17 : i32
    %sign3A_19 = arith.extui %sign3A_18 : i1 to i32
    %sign3A_20 = arith.subi %sign3A_16, %sign3A_19 : i32
    %sign3A_21 = arith.constant 0 : i32
    %sign3A_22 = arith.cmpi sgt, %jit3A_14, %sign3A_21 : i32
    %sign3A_23 = arith.extui %sign3A_22 : i1 to i32
    %sign3A_24 = arith.constant 0 : i32
    %sign3A_25 = arith.cmpi slt, %jit3A_14, %sign3A_24 : i32
    %sign3A_26 = arith.extui %sign3A_25 : i1 to i32
    %sign3A_27 = arith.subi %sign3A_23, %sign3A_26 : i32
    %ne3A = arith.cmpi ne, %sign3A_20, %sign3A_27 : i32
    %rem3A = arith.remsi %mul3A_13, %jit3A_14 : i32
    %ne3A_28 = arith.constant 0 : i32
    %ne3A_29 = arith.cmpi ne, %rem3A, %ne3A_28 : i32
    %and3A = arith.andi %ne3A, %ne3A_29 : i1
    %sub3A_30 = arith.constant 1 : i32
    %sub3A_31 = arith.subi %div3A, %sub3A_30 : i32
    %select_n3A = arith.select %and3A, %sub3A_31, %div3A : i32
    %sub3A_32 = arith.subi %mul3A_10, %select_n3A : i32
    %ge3A = arith.cmpi sge, %arg0, %sub3A_32 : i32
    %add3A_33 = arith.constant 1 : i32
    %add3A_34 = arith.addi %min3A, %add3A_33 : i32
    %select_n3A_35 = arith.select %ge3A, %add3A_34, %min3A : i32
    %mul3A_36 = arith.constant 4 : i32
    %mul3A_37 = arith.muli %select_n3A_35, %mul3A_36 : i32
    %sub3A_38 = arith.constant 1 : i32
    %sub3A_39 = arith.subi %select_n3A_35, %sub3A_38 : i32
    %mul3A_40 = arith.muli %select_n3A_35, %sub3A_39 : i32
    %jit3A_41 = arith.constant 2 : i32
    %div3A_42 = arith.divsi %mul3A_40, %jit3A_41 : i32
    %sign3A_43 = arith.constant 0 : i32
    %sign3A_44 = arith.cmpi sgt, %mul3A_40, %sign3A_43 : i32
    %sign3A_45 = arith.extui %sign3A_44 : i1 to i32
    %sign3A_46 = arith.constant 0 : i32
    %sign3A_47 = arith.cmpi slt, %mul3A_40, %sign3A_46 : i32
    %sign3A_48 = arith.extui %sign3A_47 : i1 to i32
    %sign3A_49 = arith.subi %sign3A_45, %sign3A_48 : i32
    %sign3A_50 = arith.constant 0 : i32
    %sign3A_51 = arith.cmpi sgt, %jit3A_41, %sign3A_50 : i32
    %sign3A_52 = arith.extui %sign3A_51 : i1 to i32
    %sign3A_53 = arith.constant 0 : i32
    %sign3A_54 = arith.cmpi slt, %jit3A_41, %sign3A_53 : i32
    %sign3A_55 = arith.extui %sign3A_54 : i1 to i32
    %sign3A_56 = arith.subi %sign3A_52, %sign3A_55 : i32
    %ne3A_57 = arith.cmpi ne, %sign3A_49, %sign3A_56 : i32
    %rem3A_58 = arith.remsi %mul3A_40, %jit3A_41 : i32
    %ne3A_59 = arith.constant 0 : i32
    %ne3A_60 = arith.cmpi ne, %rem3A_58, %ne3A_59 : i32
    %and3A_61 = arith.andi %ne3A_57, %ne3A_60 : i1
    %sub3A_62 = arith.constant 1 : i32
    %sub3A_63 = arith.subi %div3A_42, %sub3A_62 : i32
    %select_n3A_64 = arith.select %and3A_61, %sub3A_63, %div3A_42 : i32
    %sub3A_65 = arith.subi %mul3A_37, %select_n3A_64 : i32
    %lt3A = arith.cmpi slt, %arg0, %sub3A_65 : i32
    %sub3A_66 = arith.constant 1 : i32
    %sub3A_67 = arith.subi %select_n3A_35, %sub3A_66 : i32
    %select_n3A_68 = arith.select %lt3A, %sub3A_67, %select_n3A_35 : i32
    %jit3A_69 = arith.constant 0 : i32
    %jit3A_70 = arith.constant 3 : i32
    %max3A_71 = arith.maxsi %jit3A_69, %select_n3A_68 : i32
    %min3A_72 = arith.minsi %jit3A_70, %max3A_71 : i32
    %c0_i32 = arith.constant 0 : i32
    %c0_i32_73 = arith.constant 0 : i32
    return %min3A_72, %c0_i32 : i32, i32
  }
  func.func @transform_5(%arg0: i32) -> (i32, i32) {
    %mul3A = arith.constant 8 : i32
    %mul3A_0 = arith.muli %mul3A, %arg0 : i32
    %sub3A = arith.constant 81 : i32
    %sub3A_1 = arith.subi %sub3A, %mul3A_0 : i32
    %convert_element_type3A = arith.sitofp %sub3A_1 : i32 to f32
    %sqrt3A = math.sqrt %convert_element_type3A : f32
    %sub3A_2 = arith.constant 9.000000e+00 : f32
    %sub3A_3 = arith.subf %sub3A_2, %sqrt3A : f32
    %mul3A_4 = arith.constant 5.000000e-01 : f32
    %mul3A_5 = arith.mulf %sub3A_3, %mul3A_4 : f32
    %floor3A = math.floor %mul3A_5 : f32
    %convert_element_type3A_6 = arith.fptosi %floor3A : f32 to i32
    %jit3A = arith.constant 0 : i32
    %jit3A_7 = arith.constant 3 : i32
    %max3A = arith.maxsi %jit3A, %convert_element_type3A_6 : i32
    %min3A = arith.minsi %jit3A_7, %max3A : i32
    %add3A = arith.constant 1 : i32
    %add3A_8 = arith.addi %min3A, %add3A : i32
    %mul3A_9 = arith.constant 4 : i32
    %mul3A_10 = arith.muli %add3A_8, %mul3A_9 : i32
    %sub3A_11 = arith.constant 1 : i32
    %sub3A_12 = arith.subi %add3A_8, %sub3A_11 : i32
    %mul3A_13 = arith.muli %add3A_8, %sub3A_12 : i32
    %jit3A_14 = arith.constant 2 : i32
    %div3A = arith.divsi %mul3A_13, %jit3A_14 : i32
    %sign3A = arith.constant 0 : i32
    %sign3A_15 = arith.cmpi sgt, %mul3A_13, %sign3A : i32
    %sign3A_16 = arith.extui %sign3A_15 : i1 to i32
    %sign3A_17 = arith.constant 0 : i32
    %sign3A_18 = arith.cmpi slt, %mul3A_13, %sign3A_17 : i32
    %sign3A_19 = arith.extui %sign3A_18 : i1 to i32
    %sign3A_20 = arith.subi %sign3A_16, %sign3A_19 : i32
    %sign3A_21 = arith.constant 0 : i32
    %sign3A_22 = arith.cmpi sgt, %jit3A_14, %sign3A_21 : i32
    %sign3A_23 = arith.extui %sign3A_22 : i1 to i32
    %sign3A_24 = arith.constant 0 : i32
    %sign3A_25 = arith.cmpi slt, %jit3A_14, %sign3A_24 : i32
    %sign3A_26 = arith.extui %sign3A_25 : i1 to i32
    %sign3A_27 = arith.subi %sign3A_23, %sign3A_26 : i32
    %ne3A = arith.cmpi ne, %sign3A_20, %sign3A_27 : i32
    %rem3A = arith.remsi %mul3A_13, %jit3A_14 : i32
    %ne3A_28 = arith.constant 0 : i32
    %ne3A_29 = arith.cmpi ne, %rem3A, %ne3A_28 : i32
    %and3A = arith.andi %ne3A, %ne3A_29 : i1
    %sub3A_30 = arith.constant 1 : i32
    %sub3A_31 = arith.subi %div3A, %sub3A_30 : i32
    %select_n3A = arith.select %and3A, %sub3A_31, %div3A : i32
    %sub3A_32 = arith.subi %mul3A_10, %select_n3A : i32
    %ge3A = arith.cmpi sge, %arg0, %sub3A_32 : i32
    %add3A_33 = arith.constant 1 : i32
    %add3A_34 = arith.addi %min3A, %add3A_33 : i32
    %select_n3A_35 = arith.select %ge3A, %add3A_34, %min3A : i32
    %mul3A_36 = arith.constant 4 : i32
    %mul3A_37 = arith.muli %select_n3A_35, %mul3A_36 : i32
    %sub3A_38 = arith.constant 1 : i32
    %sub3A_39 = arith.subi %select_n3A_35, %sub3A_38 : i32
    %mul3A_40 = arith.muli %select_n3A_35, %sub3A_39 : i32
    %jit3A_41 = arith.constant 2 : i32
    %div3A_42 = arith.divsi %mul3A_40, %jit3A_41 : i32
    %sign3A_43 = arith.constant 0 : i32
    %sign3A_44 = arith.cmpi sgt, %mul3A_40, %sign3A_43 : i32
    %sign3A_45 = arith.extui %sign3A_44 : i1 to i32
    %sign3A_46 = arith.constant 0 : i32
    %sign3A_47 = arith.cmpi slt, %mul3A_40, %sign3A_46 : i32
    %sign3A_48 = arith.extui %sign3A_47 : i1 to i32
    %sign3A_49 = arith.subi %sign3A_45, %sign3A_48 : i32
    %sign3A_50 = arith.constant 0 : i32
    %sign3A_51 = arith.cmpi sgt, %jit3A_41, %sign3A_50 : i32
    %sign3A_52 = arith.extui %sign3A_51 : i1 to i32
    %sign3A_53 = arith.constant 0 : i32
    %sign3A_54 = arith.cmpi slt, %jit3A_41, %sign3A_53 : i32
    %sign3A_55 = arith.extui %sign3A_54 : i1 to i32
    %sign3A_56 = arith.subi %sign3A_52, %sign3A_55 : i32
    %ne3A_57 = arith.cmpi ne, %sign3A_49, %sign3A_56 : i32
    %rem3A_58 = arith.remsi %mul3A_40, %jit3A_41 : i32
    %ne3A_59 = arith.constant 0 : i32
    %ne3A_60 = arith.cmpi ne, %rem3A_58, %ne3A_59 : i32
    %and3A_61 = arith.andi %ne3A_57, %ne3A_60 : i1
    %sub3A_62 = arith.constant 1 : i32
    %sub3A_63 = arith.subi %div3A_42, %sub3A_62 : i32
    %select_n3A_64 = arith.select %and3A_61, %sub3A_63, %div3A_42 : i32
    %sub3A_65 = arith.subi %mul3A_37, %select_n3A_64 : i32
    %lt3A = arith.cmpi slt, %arg0, %sub3A_65 : i32
    %sub3A_66 = arith.constant 1 : i32
    %sub3A_67 = arith.subi %select_n3A_35, %sub3A_66 : i32
    %select_n3A_68 = arith.select %lt3A, %sub3A_67, %select_n3A_35 : i32
    %jit3A_69 = arith.constant 0 : i32
    %jit3A_70 = arith.constant 3 : i32
    %max3A_71 = arith.maxsi %jit3A_69, %select_n3A_68 : i32
    %min3A_72 = arith.minsi %jit3A_70, %max3A_71 : i32
    %mul3A_73 = arith.constant 4 : i32
    %mul3A_74 = arith.muli %min3A_72, %mul3A_73 : i32
    %sub3A_75 = arith.constant 1 : i32
    %sub3A_76 = arith.subi %min3A_72, %sub3A_75 : i32
    %mul3A_77 = arith.muli %min3A_72, %sub3A_76 : i32
    %jit3A_78 = arith.constant 2 : i32
    %div3A_79 = arith.divsi %mul3A_77, %jit3A_78 : i32
    %sign3A_80 = arith.constant 0 : i32
    %sign3A_81 = arith.cmpi sgt, %mul3A_77, %sign3A_80 : i32
    %sign3A_82 = arith.extui %sign3A_81 : i1 to i32
    %sign3A_83 = arith.constant 0 : i32
    %sign3A_84 = arith.cmpi slt, %mul3A_77, %sign3A_83 : i32
    %sign3A_85 = arith.extui %sign3A_84 : i1 to i32
    %sign3A_86 = arith.subi %sign3A_82, %sign3A_85 : i32
    %sign3A_87 = arith.constant 0 : i32
    %sign3A_88 = arith.cmpi sgt, %jit3A_78, %sign3A_87 : i32
    %sign3A_89 = arith.extui %sign3A_88 : i1 to i32
    %sign3A_90 = arith.constant 0 : i32
    %sign3A_91 = arith.cmpi slt, %jit3A_78, %sign3A_90 : i32
    %sign3A_92 = arith.extui %sign3A_91 : i1 to i32
    %sign3A_93 = arith.subi %sign3A_89, %sign3A_92 : i32
    %ne3A_94 = arith.cmpi ne, %sign3A_86, %sign3A_93 : i32
    %rem3A_95 = arith.remsi %mul3A_77, %jit3A_78 : i32
    %ne3A_96 = arith.constant 0 : i32
    %ne3A_97 = arith.cmpi ne, %rem3A_95, %ne3A_96 : i32
    %and3A_98 = arith.andi %ne3A_94, %ne3A_97 : i1
    %sub3A_99 = arith.constant 1 : i32
    %sub3A_100 = arith.subi %div3A_79, %sub3A_99 : i32
    %select_n3A_101 = arith.select %and3A_98, %sub3A_100, %div3A_79 : i32
    %sub3A_102 = arith.subi %mul3A_74, %select_n3A_101 : i32
    %sub3A_103 = arith.subi %arg0, %sub3A_102 : i32
    %add3A_104 = arith.addi %sub3A_103, %min3A_72 : i32
    %c0_i32 = arith.constant 0 : i32
    %c0_i32_105 = arith.constant 0 : i32
    return %c0_i32, %add3A_104 : i32, i32
  }
  func.func @transform_6(%arg0: i32) -> (i32, i32, i32) {
    %mul3A = arith.constant 8 : i32
    %mul3A_0 = arith.muli %mul3A, %arg0 : i32
    %sub3A = arith.constant 81 : i32
    %sub3A_1 = arith.subi %sub3A, %mul3A_0 : i32
    %convert_element_type3A = arith.sitofp %sub3A_1 : i32 to f32
    %sqrt3A = math.sqrt %convert_element_type3A : f32
    %sub3A_2 = arith.constant 9.000000e+00 : f32
    %sub3A_3 = arith.subf %sub3A_2, %sqrt3A : f32
    %mul3A_4 = arith.constant 5.000000e-01 : f32
    %mul3A_5 = arith.mulf %sub3A_3, %mul3A_4 : f32
    %floor3A = math.floor %mul3A_5 : f32
    %convert_element_type3A_6 = arith.fptosi %floor3A : f32 to i32
    %jit3A = arith.constant 0 : i32
    %jit3A_7 = arith.constant 3 : i32
    %max3A = arith.maxsi %jit3A, %convert_element_type3A_6 : i32
    %min3A = arith.minsi %jit3A_7, %max3A : i32
    %add3A = arith.constant 1 : i32
    %add3A_8 = arith.addi %min3A, %add3A : i32
    %mul3A_9 = arith.constant 4 : i32
    %mul3A_10 = arith.muli %add3A_8, %mul3A_9 : i32
    %sub3A_11 = arith.constant 1 : i32
    %sub3A_12 = arith.subi %add3A_8, %sub3A_11 : i32
    %mul3A_13 = arith.muli %add3A_8, %sub3A_12 : i32
    %jit3A_14 = arith.constant 2 : i32
    %div3A = arith.divsi %mul3A_13, %jit3A_14 : i32
    %sign3A = arith.constant 0 : i32
    %sign3A_15 = arith.cmpi sgt, %mul3A_13, %sign3A : i32
    %sign3A_16 = arith.extui %sign3A_15 : i1 to i32
    %sign3A_17 = arith.constant 0 : i32
    %sign3A_18 = arith.cmpi slt, %mul3A_13, %sign3A_17 : i32
    %sign3A_19 = arith.extui %sign3A_18 : i1 to i32
    %sign3A_20 = arith.subi %sign3A_16, %sign3A_19 : i32
    %sign3A_21 = arith.constant 0 : i32
    %sign3A_22 = arith.cmpi sgt, %jit3A_14, %sign3A_21 : i32
    %sign3A_23 = arith.extui %sign3A_22 : i1 to i32
    %sign3A_24 = arith.constant 0 : i32
    %sign3A_25 = arith.cmpi slt, %jit3A_14, %sign3A_24 : i32
    %sign3A_26 = arith.extui %sign3A_25 : i1 to i32
    %sign3A_27 = arith.subi %sign3A_23, %sign3A_26 : i32
    %ne3A = arith.cmpi ne, %sign3A_20, %sign3A_27 : i32
    %rem3A = arith.remsi %mul3A_13, %jit3A_14 : i32
    %ne3A_28 = arith.constant 0 : i32
    %ne3A_29 = arith.cmpi ne, %rem3A, %ne3A_28 : i32
    %and3A = arith.andi %ne3A, %ne3A_29 : i1
    %sub3A_30 = arith.constant 1 : i32
    %sub3A_31 = arith.subi %div3A, %sub3A_30 : i32
    %select_n3A = arith.select %and3A, %sub3A_31, %div3A : i32
    %sub3A_32 = arith.subi %mul3A_10, %select_n3A : i32
    %ge3A = arith.cmpi sge, %arg0, %sub3A_32 : i32
    %add3A_33 = arith.constant 1 : i32
    %add3A_34 = arith.addi %min3A, %add3A_33 : i32
    %select_n3A_35 = arith.select %ge3A, %add3A_34, %min3A : i32
    %mul3A_36 = arith.constant 4 : i32
    %mul3A_37 = arith.muli %select_n3A_35, %mul3A_36 : i32
    %sub3A_38 = arith.constant 1 : i32
    %sub3A_39 = arith.subi %select_n3A_35, %sub3A_38 : i32
    %mul3A_40 = arith.muli %select_n3A_35, %sub3A_39 : i32
    %jit3A_41 = arith.constant 2 : i32
    %div3A_42 = arith.divsi %mul3A_40, %jit3A_41 : i32
    %sign3A_43 = arith.constant 0 : i32
    %sign3A_44 = arith.cmpi sgt, %mul3A_40, %sign3A_43 : i32
    %sign3A_45 = arith.extui %sign3A_44 : i1 to i32
    %sign3A_46 = arith.constant 0 : i32
    %sign3A_47 = arith.cmpi slt, %mul3A_40, %sign3A_46 : i32
    %sign3A_48 = arith.extui %sign3A_47 : i1 to i32
    %sign3A_49 = arith.subi %sign3A_45, %sign3A_48 : i32
    %sign3A_50 = arith.constant 0 : i32
    %sign3A_51 = arith.cmpi sgt, %jit3A_41, %sign3A_50 : i32
    %sign3A_52 = arith.extui %sign3A_51 : i1 to i32
    %sign3A_53 = arith.constant 0 : i32
    %sign3A_54 = arith.cmpi slt, %jit3A_41, %sign3A_53 : i32
    %sign3A_55 = arith.extui %sign3A_54 : i1 to i32
    %sign3A_56 = arith.subi %sign3A_52, %sign3A_55 : i32
    %ne3A_57 = arith.cmpi ne, %sign3A_49, %sign3A_56 : i32
    %rem3A_58 = arith.remsi %mul3A_40, %jit3A_41 : i32
    %ne3A_59 = arith.constant 0 : i32
    %ne3A_60 = arith.cmpi ne, %rem3A_58, %ne3A_59 : i32
    %and3A_61 = arith.andi %ne3A_57, %ne3A_60 : i1
    %sub3A_62 = arith.constant 1 : i32
    %sub3A_63 = arith.subi %div3A_42, %sub3A_62 : i32
    %select_n3A_64 = arith.select %and3A_61, %sub3A_63, %div3A_42 : i32
    %sub3A_65 = arith.subi %mul3A_37, %select_n3A_64 : i32
    %lt3A = arith.cmpi slt, %arg0, %sub3A_65 : i32
    %sub3A_66 = arith.constant 1 : i32
    %sub3A_67 = arith.subi %select_n3A_35, %sub3A_66 : i32
    %select_n3A_68 = arith.select %lt3A, %sub3A_67, %select_n3A_35 : i32
    %jit3A_69 = arith.constant 0 : i32
    %jit3A_70 = arith.constant 3 : i32
    %max3A_71 = arith.maxsi %jit3A_69, %select_n3A_68 : i32
    %min3A_72 = arith.minsi %jit3A_70, %max3A_71 : i32
    %mul3A_73 = arith.constant 8 : i32
    %mul3A_74 = arith.muli %mul3A_73, %arg0 : i32
    %sub3A_75 = arith.constant 81 : i32
    %sub3A_76 = arith.subi %sub3A_75, %mul3A_74 : i32
    %convert_element_type3A_77 = arith.sitofp %sub3A_76 : i32 to f32
    %sqrt3A_78 = math.sqrt %convert_element_type3A_77 : f32
    %sub3A_79 = arith.constant 9.000000e+00 : f32
    %sub3A_80 = arith.subf %sub3A_79, %sqrt3A_78 : f32
    %mul3A_81 = arith.constant 5.000000e-01 : f32
    %mul3A_82 = arith.mulf %sub3A_80, %mul3A_81 : f32
    %floor3A_83 = math.floor %mul3A_82 : f32
    %convert_element_type3A_84 = arith.fptosi %floor3A_83 : f32 to i32
    %jit3A_85 = arith.constant 0 : i32
    %jit3A_86 = arith.constant 3 : i32
    %max3A_87 = arith.maxsi %jit3A_85, %convert_element_type3A_84 : i32
    %min3A_88 = arith.minsi %jit3A_86, %max3A_87 : i32
    %add3A_89 = arith.constant 1 : i32
    %add3A_90 = arith.addi %min3A_88, %add3A_89 : i32
    %mul3A_91 = arith.constant 4 : i32
    %mul3A_92 = arith.muli %add3A_90, %mul3A_91 : i32
    %sub3A_93 = arith.constant 1 : i32
    %sub3A_94 = arith.subi %add3A_90, %sub3A_93 : i32
    %mul3A_95 = arith.muli %add3A_90, %sub3A_94 : i32
    %jit3A_96 = arith.constant 2 : i32
    %div3A_97 = arith.divsi %mul3A_95, %jit3A_96 : i32
    %sign3A_98 = arith.constant 0 : i32
    %sign3A_99 = arith.cmpi sgt, %mul3A_95, %sign3A_98 : i32
    %sign3A_100 = arith.extui %sign3A_99 : i1 to i32
    %sign3A_101 = arith.constant 0 : i32
    %sign3A_102 = arith.cmpi slt, %mul3A_95, %sign3A_101 : i32
    %sign3A_103 = arith.extui %sign3A_102 : i1 to i32
    %sign3A_104 = arith.subi %sign3A_100, %sign3A_103 : i32
    %sign3A_105 = arith.constant 0 : i32
    %sign3A_106 = arith.cmpi sgt, %jit3A_96, %sign3A_105 : i32
    %sign3A_107 = arith.extui %sign3A_106 : i1 to i32
    %sign3A_108 = arith.constant 0 : i32
    %sign3A_109 = arith.cmpi slt, %jit3A_96, %sign3A_108 : i32
    %sign3A_110 = arith.extui %sign3A_109 : i1 to i32
    %sign3A_111 = arith.subi %sign3A_107, %sign3A_110 : i32
    %ne3A_112 = arith.cmpi ne, %sign3A_104, %sign3A_111 : i32
    %rem3A_113 = arith.remsi %mul3A_95, %jit3A_96 : i32
    %ne3A_114 = arith.constant 0 : i32
    %ne3A_115 = arith.cmpi ne, %rem3A_113, %ne3A_114 : i32
    %and3A_116 = arith.andi %ne3A_112, %ne3A_115 : i1
    %sub3A_117 = arith.constant 1 : i32
    %sub3A_118 = arith.subi %div3A_97, %sub3A_117 : i32
    %select_n3A_119 = arith.select %and3A_116, %sub3A_118, %div3A_97 : i32
    %sub3A_120 = arith.subi %mul3A_92, %select_n3A_119 : i32
    %ge3A_121 = arith.cmpi sge, %arg0, %sub3A_120 : i32
    %add3A_122 = arith.constant 1 : i32
    %add3A_123 = arith.addi %min3A_88, %add3A_122 : i32
    %select_n3A_124 = arith.select %ge3A_121, %add3A_123, %min3A_88 : i32
    %mul3A_125 = arith.constant 4 : i32
    %mul3A_126 = arith.muli %select_n3A_124, %mul3A_125 : i32
    %sub3A_127 = arith.constant 1 : i32
    %sub3A_128 = arith.subi %select_n3A_124, %sub3A_127 : i32
    %mul3A_129 = arith.muli %select_n3A_124, %sub3A_128 : i32
    %jit3A_130 = arith.constant 2 : i32
    %div3A_131 = arith.divsi %mul3A_129, %jit3A_130 : i32
    %sign3A_132 = arith.constant 0 : i32
    %sign3A_133 = arith.cmpi sgt, %mul3A_129, %sign3A_132 : i32
    %sign3A_134 = arith.extui %sign3A_133 : i1 to i32
    %sign3A_135 = arith.constant 0 : i32
    %sign3A_136 = arith.cmpi slt, %mul3A_129, %sign3A_135 : i32
    %sign3A_137 = arith.extui %sign3A_136 : i1 to i32
    %sign3A_138 = arith.subi %sign3A_134, %sign3A_137 : i32
    %sign3A_139 = arith.constant 0 : i32
    %sign3A_140 = arith.cmpi sgt, %jit3A_130, %sign3A_139 : i32
    %sign3A_141 = arith.extui %sign3A_140 : i1 to i32
    %sign3A_142 = arith.constant 0 : i32
    %sign3A_143 = arith.cmpi slt, %jit3A_130, %sign3A_142 : i32
    %sign3A_144 = arith.extui %sign3A_143 : i1 to i32
    %sign3A_145 = arith.subi %sign3A_141, %sign3A_144 : i32
    %ne3A_146 = arith.cmpi ne, %sign3A_138, %sign3A_145 : i32
    %rem3A_147 = arith.remsi %mul3A_129, %jit3A_130 : i32
    %ne3A_148 = arith.constant 0 : i32
    %ne3A_149 = arith.cmpi ne, %rem3A_147, %ne3A_148 : i32
    %and3A_150 = arith.andi %ne3A_146, %ne3A_149 : i1
    %sub3A_151 = arith.constant 1 : i32
    %sub3A_152 = arith.subi %div3A_131, %sub3A_151 : i32
    %select_n3A_153 = arith.select %and3A_150, %sub3A_152, %div3A_131 : i32
    %sub3A_154 = arith.subi %mul3A_126, %select_n3A_153 : i32
    %lt3A_155 = arith.cmpi slt, %arg0, %sub3A_154 : i32
    %sub3A_156 = arith.constant 1 : i32
    %sub3A_157 = arith.subi %select_n3A_124, %sub3A_156 : i32
    %select_n3A_158 = arith.select %lt3A_155, %sub3A_157, %select_n3A_124 : i32
    %jit3A_159 = arith.constant 0 : i32
    %jit3A_160 = arith.constant 3 : i32
    %max3A_161 = arith.maxsi %jit3A_159, %select_n3A_158 : i32
    %min3A_162 = arith.minsi %jit3A_160, %max3A_161 : i32
    %mul3A_163 = arith.constant 4 : i32
    %mul3A_164 = arith.muli %min3A_162, %mul3A_163 : i32
    %sub3A_165 = arith.constant 1 : i32
    %sub3A_166 = arith.subi %min3A_162, %sub3A_165 : i32
    %mul3A_167 = arith.muli %min3A_162, %sub3A_166 : i32
    %jit3A_168 = arith.constant 2 : i32
    %div3A_169 = arith.divsi %mul3A_167, %jit3A_168 : i32
    %sign3A_170 = arith.constant 0 : i32
    %sign3A_171 = arith.cmpi sgt, %mul3A_167, %sign3A_170 : i32
    %sign3A_172 = arith.extui %sign3A_171 : i1 to i32
    %sign3A_173 = arith.constant 0 : i32
    %sign3A_174 = arith.cmpi slt, %mul3A_167, %sign3A_173 : i32
    %sign3A_175 = arith.extui %sign3A_174 : i1 to i32
    %sign3A_176 = arith.subi %sign3A_172, %sign3A_175 : i32
    %sign3A_177 = arith.constant 0 : i32
    %sign3A_178 = arith.cmpi sgt, %jit3A_168, %sign3A_177 : i32
    %sign3A_179 = arith.extui %sign3A_178 : i1 to i32
    %sign3A_180 = arith.constant 0 : i32
    %sign3A_181 = arith.cmpi slt, %jit3A_168, %sign3A_180 : i32
    %sign3A_182 = arith.extui %sign3A_181 : i1 to i32
    %sign3A_183 = arith.subi %sign3A_179, %sign3A_182 : i32
    %ne3A_184 = arith.cmpi ne, %sign3A_176, %sign3A_183 : i32
    %rem3A_185 = arith.remsi %mul3A_167, %jit3A_168 : i32
    %ne3A_186 = arith.constant 0 : i32
    %ne3A_187 = arith.cmpi ne, %rem3A_185, %ne3A_186 : i32
    %and3A_188 = arith.andi %ne3A_184, %ne3A_187 : i1
    %sub3A_189 = arith.constant 1 : i32
    %sub3A_190 = arith.subi %div3A_169, %sub3A_189 : i32
    %select_n3A_191 = arith.select %and3A_188, %sub3A_190, %div3A_169 : i32
    %sub3A_192 = arith.subi %mul3A_164, %select_n3A_191 : i32
    %sub3A_193 = arith.subi %arg0, %sub3A_192 : i32
    %add3A_194 = arith.addi %sub3A_193, %min3A_162 : i32
    %c0_i32 = arith.constant 0 : i32
    %c0_i32_195 = arith.constant 0 : i32
    return %min3A_72, %c0_i32, %add3A_194 : i32, i32, i32
  }
  func.func @transform_7(%arg0: i32) -> (i32, i32, i32) {
    %mul3A = arith.constant 8 : i32
    %mul3A_0 = arith.muli %mul3A, %arg0 : i32
    %sub3A = arith.constant 81 : i32
    %sub3A_1 = arith.subi %sub3A, %mul3A_0 : i32
    %convert_element_type3A = arith.sitofp %sub3A_1 : i32 to f32
    %sqrt3A = math.sqrt %convert_element_type3A : f32
    %sub3A_2 = arith.constant 9.000000e+00 : f32
    %sub3A_3 = arith.subf %sub3A_2, %sqrt3A : f32
    %mul3A_4 = arith.constant 5.000000e-01 : f32
    %mul3A_5 = arith.mulf %sub3A_3, %mul3A_4 : f32
    %floor3A = math.floor %mul3A_5 : f32
    %convert_element_type3A_6 = arith.fptosi %floor3A : f32 to i32
    %jit3A = arith.constant 0 : i32
    %jit3A_7 = arith.constant 3 : i32
    %max3A = arith.maxsi %jit3A, %convert_element_type3A_6 : i32
    %min3A = arith.minsi %jit3A_7, %max3A : i32
    %add3A = arith.constant 1 : i32
    %add3A_8 = arith.addi %min3A, %add3A : i32
    %mul3A_9 = arith.constant 4 : i32
    %mul3A_10 = arith.muli %add3A_8, %mul3A_9 : i32
    %sub3A_11 = arith.constant 1 : i32
    %sub3A_12 = arith.subi %add3A_8, %sub3A_11 : i32
    %mul3A_13 = arith.muli %add3A_8, %sub3A_12 : i32
    %jit3A_14 = arith.constant 2 : i32
    %div3A = arith.divsi %mul3A_13, %jit3A_14 : i32
    %sign3A = arith.constant 0 : i32
    %sign3A_15 = arith.cmpi sgt, %mul3A_13, %sign3A : i32
    %sign3A_16 = arith.extui %sign3A_15 : i1 to i32
    %sign3A_17 = arith.constant 0 : i32
    %sign3A_18 = arith.cmpi slt, %mul3A_13, %sign3A_17 : i32
    %sign3A_19 = arith.extui %sign3A_18 : i1 to i32
    %sign3A_20 = arith.subi %sign3A_16, %sign3A_19 : i32
    %sign3A_21 = arith.constant 0 : i32
    %sign3A_22 = arith.cmpi sgt, %jit3A_14, %sign3A_21 : i32
    %sign3A_23 = arith.extui %sign3A_22 : i1 to i32
    %sign3A_24 = arith.constant 0 : i32
    %sign3A_25 = arith.cmpi slt, %jit3A_14, %sign3A_24 : i32
    %sign3A_26 = arith.extui %sign3A_25 : i1 to i32
    %sign3A_27 = arith.subi %sign3A_23, %sign3A_26 : i32
    %ne3A = arith.cmpi ne, %sign3A_20, %sign3A_27 : i32
    %rem3A = arith.remsi %mul3A_13, %jit3A_14 : i32
    %ne3A_28 = arith.constant 0 : i32
    %ne3A_29 = arith.cmpi ne, %rem3A, %ne3A_28 : i32
    %and3A = arith.andi %ne3A, %ne3A_29 : i1
    %sub3A_30 = arith.constant 1 : i32
    %sub3A_31 = arith.subi %div3A, %sub3A_30 : i32
    %select_n3A = arith.select %and3A, %sub3A_31, %div3A : i32
    %sub3A_32 = arith.subi %mul3A_10, %select_n3A : i32
    %ge3A = arith.cmpi sge, %arg0, %sub3A_32 : i32
    %add3A_33 = arith.constant 1 : i32
    %add3A_34 = arith.addi %min3A, %add3A_33 : i32
    %select_n3A_35 = arith.select %ge3A, %add3A_34, %min3A : i32
    %mul3A_36 = arith.constant 4 : i32
    %mul3A_37 = arith.muli %select_n3A_35, %mul3A_36 : i32
    %sub3A_38 = arith.constant 1 : i32
    %sub3A_39 = arith.subi %select_n3A_35, %sub3A_38 : i32
    %mul3A_40 = arith.muli %select_n3A_35, %sub3A_39 : i32
    %jit3A_41 = arith.constant 2 : i32
    %div3A_42 = arith.divsi %mul3A_40, %jit3A_41 : i32
    %sign3A_43 = arith.constant 0 : i32
    %sign3A_44 = arith.cmpi sgt, %mul3A_40, %sign3A_43 : i32
    %sign3A_45 = arith.extui %sign3A_44 : i1 to i32
    %sign3A_46 = arith.constant 0 : i32
    %sign3A_47 = arith.cmpi slt, %mul3A_40, %sign3A_46 : i32
    %sign3A_48 = arith.extui %sign3A_47 : i1 to i32
    %sign3A_49 = arith.subi %sign3A_45, %sign3A_48 : i32
    %sign3A_50 = arith.constant 0 : i32
    %sign3A_51 = arith.cmpi sgt, %jit3A_41, %sign3A_50 : i32
    %sign3A_52 = arith.extui %sign3A_51 : i1 to i32
    %sign3A_53 = arith.constant 0 : i32
    %sign3A_54 = arith.cmpi slt, %jit3A_41, %sign3A_53 : i32
    %sign3A_55 = arith.extui %sign3A_54 : i1 to i32
    %sign3A_56 = arith.subi %sign3A_52, %sign3A_55 : i32
    %ne3A_57 = arith.cmpi ne, %sign3A_49, %sign3A_56 : i32
    %rem3A_58 = arith.remsi %mul3A_40, %jit3A_41 : i32
    %ne3A_59 = arith.constant 0 : i32
    %ne3A_60 = arith.cmpi ne, %rem3A_58, %ne3A_59 : i32
    %and3A_61 = arith.andi %ne3A_57, %ne3A_60 : i1
    %sub3A_62 = arith.constant 1 : i32
    %sub3A_63 = arith.subi %div3A_42, %sub3A_62 : i32
    %select_n3A_64 = arith.select %and3A_61, %sub3A_63, %div3A_42 : i32
    %sub3A_65 = arith.subi %mul3A_37, %select_n3A_64 : i32
    %lt3A = arith.cmpi slt, %arg0, %sub3A_65 : i32
    %sub3A_66 = arith.constant 1 : i32
    %sub3A_67 = arith.subi %select_n3A_35, %sub3A_66 : i32
    %select_n3A_68 = arith.select %lt3A, %sub3A_67, %select_n3A_35 : i32
    %jit3A_69 = arith.constant 0 : i32
    %jit3A_70 = arith.constant 3 : i32
    %max3A_71 = arith.maxsi %jit3A_69, %select_n3A_68 : i32
    %min3A_72 = arith.minsi %jit3A_70, %max3A_71 : i32
    %mul3A_73 = arith.constant 8 : i32
    %mul3A_74 = arith.muli %mul3A_73, %arg0 : i32
    %sub3A_75 = arith.constant 81 : i32
    %sub3A_76 = arith.subi %sub3A_75, %mul3A_74 : i32
    %convert_element_type3A_77 = arith.sitofp %sub3A_76 : i32 to f32
    %sqrt3A_78 = math.sqrt %convert_element_type3A_77 : f32
    %sub3A_79 = arith.constant 9.000000e+00 : f32
    %sub3A_80 = arith.subf %sub3A_79, %sqrt3A_78 : f32
    %mul3A_81 = arith.constant 5.000000e-01 : f32
    %mul3A_82 = arith.mulf %sub3A_80, %mul3A_81 : f32
    %floor3A_83 = math.floor %mul3A_82 : f32
    %convert_element_type3A_84 = arith.fptosi %floor3A_83 : f32 to i32
    %jit3A_85 = arith.constant 0 : i32
    %jit3A_86 = arith.constant 3 : i32
    %max3A_87 = arith.maxsi %jit3A_85, %convert_element_type3A_84 : i32
    %min3A_88 = arith.minsi %jit3A_86, %max3A_87 : i32
    %add3A_89 = arith.constant 1 : i32
    %add3A_90 = arith.addi %min3A_88, %add3A_89 : i32
    %mul3A_91 = arith.constant 4 : i32
    %mul3A_92 = arith.muli %add3A_90, %mul3A_91 : i32
    %sub3A_93 = arith.constant 1 : i32
    %sub3A_94 = arith.subi %add3A_90, %sub3A_93 : i32
    %mul3A_95 = arith.muli %add3A_90, %sub3A_94 : i32
    %jit3A_96 = arith.constant 2 : i32
    %div3A_97 = arith.divsi %mul3A_95, %jit3A_96 : i32
    %sign3A_98 = arith.constant 0 : i32
    %sign3A_99 = arith.cmpi sgt, %mul3A_95, %sign3A_98 : i32
    %sign3A_100 = arith.extui %sign3A_99 : i1 to i32
    %sign3A_101 = arith.constant 0 : i32
    %sign3A_102 = arith.cmpi slt, %mul3A_95, %sign3A_101 : i32
    %sign3A_103 = arith.extui %sign3A_102 : i1 to i32
    %sign3A_104 = arith.subi %sign3A_100, %sign3A_103 : i32
    %sign3A_105 = arith.constant 0 : i32
    %sign3A_106 = arith.cmpi sgt, %jit3A_96, %sign3A_105 : i32
    %sign3A_107 = arith.extui %sign3A_106 : i1 to i32
    %sign3A_108 = arith.constant 0 : i32
    %sign3A_109 = arith.cmpi slt, %jit3A_96, %sign3A_108 : i32
    %sign3A_110 = arith.extui %sign3A_109 : i1 to i32
    %sign3A_111 = arith.subi %sign3A_107, %sign3A_110 : i32
    %ne3A_112 = arith.cmpi ne, %sign3A_104, %sign3A_111 : i32
    %rem3A_113 = arith.remsi %mul3A_95, %jit3A_96 : i32
    %ne3A_114 = arith.constant 0 : i32
    %ne3A_115 = arith.cmpi ne, %rem3A_113, %ne3A_114 : i32
    %and3A_116 = arith.andi %ne3A_112, %ne3A_115 : i1
    %sub3A_117 = arith.constant 1 : i32
    %sub3A_118 = arith.subi %div3A_97, %sub3A_117 : i32
    %select_n3A_119 = arith.select %and3A_116, %sub3A_118, %div3A_97 : i32
    %sub3A_120 = arith.subi %mul3A_92, %select_n3A_119 : i32
    %ge3A_121 = arith.cmpi sge, %arg0, %sub3A_120 : i32
    %add3A_122 = arith.constant 1 : i32
    %add3A_123 = arith.addi %min3A_88, %add3A_122 : i32
    %select_n3A_124 = arith.select %ge3A_121, %add3A_123, %min3A_88 : i32
    %mul3A_125 = arith.constant 4 : i32
    %mul3A_126 = arith.muli %select_n3A_124, %mul3A_125 : i32
    %sub3A_127 = arith.constant 1 : i32
    %sub3A_128 = arith.subi %select_n3A_124, %sub3A_127 : i32
    %mul3A_129 = arith.muli %select_n3A_124, %sub3A_128 : i32
    %jit3A_130 = arith.constant 2 : i32
    %div3A_131 = arith.divsi %mul3A_129, %jit3A_130 : i32
    %sign3A_132 = arith.constant 0 : i32
    %sign3A_133 = arith.cmpi sgt, %mul3A_129, %sign3A_132 : i32
    %sign3A_134 = arith.extui %sign3A_133 : i1 to i32
    %sign3A_135 = arith.constant 0 : i32
    %sign3A_136 = arith.cmpi slt, %mul3A_129, %sign3A_135 : i32
    %sign3A_137 = arith.extui %sign3A_136 : i1 to i32
    %sign3A_138 = arith.subi %sign3A_134, %sign3A_137 : i32
    %sign3A_139 = arith.constant 0 : i32
    %sign3A_140 = arith.cmpi sgt, %jit3A_130, %sign3A_139 : i32
    %sign3A_141 = arith.extui %sign3A_140 : i1 to i32
    %sign3A_142 = arith.constant 0 : i32
    %sign3A_143 = arith.cmpi slt, %jit3A_130, %sign3A_142 : i32
    %sign3A_144 = arith.extui %sign3A_143 : i1 to i32
    %sign3A_145 = arith.subi %sign3A_141, %sign3A_144 : i32
    %ne3A_146 = arith.cmpi ne, %sign3A_138, %sign3A_145 : i32
    %rem3A_147 = arith.remsi %mul3A_129, %jit3A_130 : i32
    %ne3A_148 = arith.constant 0 : i32
    %ne3A_149 = arith.cmpi ne, %rem3A_147, %ne3A_148 : i32
    %and3A_150 = arith.andi %ne3A_146, %ne3A_149 : i1
    %sub3A_151 = arith.constant 1 : i32
    %sub3A_152 = arith.subi %div3A_131, %sub3A_151 : i32
    %select_n3A_153 = arith.select %and3A_150, %sub3A_152, %div3A_131 : i32
    %sub3A_154 = arith.subi %mul3A_126, %select_n3A_153 : i32
    %lt3A_155 = arith.cmpi slt, %arg0, %sub3A_154 : i32
    %sub3A_156 = arith.constant 1 : i32
    %sub3A_157 = arith.subi %select_n3A_124, %sub3A_156 : i32
    %select_n3A_158 = arith.select %lt3A_155, %sub3A_157, %select_n3A_124 : i32
    %jit3A_159 = arith.constant 0 : i32
    %jit3A_160 = arith.constant 3 : i32
    %max3A_161 = arith.maxsi %jit3A_159, %select_n3A_158 : i32
    %min3A_162 = arith.minsi %jit3A_160, %max3A_161 : i32
    %mul3A_163 = arith.constant 4 : i32
    %mul3A_164 = arith.muli %min3A_162, %mul3A_163 : i32
    %sub3A_165 = arith.constant 1 : i32
    %sub3A_166 = arith.subi %min3A_162, %sub3A_165 : i32
    %mul3A_167 = arith.muli %min3A_162, %sub3A_166 : i32
    %jit3A_168 = arith.constant 2 : i32
    %div3A_169 = arith.divsi %mul3A_167, %jit3A_168 : i32
    %sign3A_170 = arith.constant 0 : i32
    %sign3A_171 = arith.cmpi sgt, %mul3A_167, %sign3A_170 : i32
    %sign3A_172 = arith.extui %sign3A_171 : i1 to i32
    %sign3A_173 = arith.constant 0 : i32
    %sign3A_174 = arith.cmpi slt, %mul3A_167, %sign3A_173 : i32
    %sign3A_175 = arith.extui %sign3A_174 : i1 to i32
    %sign3A_176 = arith.subi %sign3A_172, %sign3A_175 : i32
    %sign3A_177 = arith.constant 0 : i32
    %sign3A_178 = arith.cmpi sgt, %jit3A_168, %sign3A_177 : i32
    %sign3A_179 = arith.extui %sign3A_178 : i1 to i32
    %sign3A_180 = arith.constant 0 : i32
    %sign3A_181 = arith.cmpi slt, %jit3A_168, %sign3A_180 : i32
    %sign3A_182 = arith.extui %sign3A_181 : i1 to i32
    %sign3A_183 = arith.subi %sign3A_179, %sign3A_182 : i32
    %ne3A_184 = arith.cmpi ne, %sign3A_176, %sign3A_183 : i32
    %rem3A_185 = arith.remsi %mul3A_167, %jit3A_168 : i32
    %ne3A_186 = arith.constant 0 : i32
    %ne3A_187 = arith.cmpi ne, %rem3A_185, %ne3A_186 : i32
    %and3A_188 = arith.andi %ne3A_184, %ne3A_187 : i1
    %sub3A_189 = arith.constant 1 : i32
    %sub3A_190 = arith.subi %div3A_169, %sub3A_189 : i32
    %select_n3A_191 = arith.select %and3A_188, %sub3A_190, %div3A_169 : i32
    %sub3A_192 = arith.subi %mul3A_164, %select_n3A_191 : i32
    %sub3A_193 = arith.subi %arg0, %sub3A_192 : i32
    %add3A_194 = arith.addi %sub3A_193, %min3A_162 : i32
    %c0_i32 = arith.constant 0 : i32
    %c0_i32_195 = arith.constant 0 : i32
    return %min3A_72, %c0_i32, %add3A_194 : i32, i32, i32
  }
  func.func @transform_8(%arg0: i32) -> (i32, i32, i32) {
    %c0_i32 = arith.constant 0 : i32
    %c0_i32_0 = arith.constant 0 : i32
    %c0_i32_1 = arith.constant 0 : i32
    return %arg0, %c0_i32, %c0_i32_0 : i32, i32, i32
  }
}

</mosaic_0001>

<sc_bundles>
// kernel: kernel.4.cloned.1.call-start
scs
__scs_entry_jumppad:
0x0: {  	(pc) =	sbr.rel $0x88, $3  }
0x1: {  	(tag) =	ssettag $0x0;
	lr =	simm.s32 $0x1  }
0x2: {  	[smem:$0x3F8A] =	sst lr;
	_ =	strace $0xD0000000  }
0x3: {  	_ = 	snop  }
0x4: {  	_ = 	snop  }
0x5: {  	_ = 	snop  }
0x6: {  	_ = 	snop  }
0x7: {  	_ = 	snop  }
__scs_overlays_trampoline_lowered:
0x8: {  	[smem:$0x3F99] =	sst s0  }
0x9: {  	[smem:$0x3F9A] =	sst s1  }
0xa: {  	[smem:$0x3F9B] =	sst s2  }
0xb: {  	[smem:$0x3F9C] =	sst s3  }
0xc: {  	[smem:$0x3F9D] =	sst s4  }
0xd: {  	[smem:$0x3F9E] =	sst s5  }
0xe: {  	[smem:$0x3F9F] =	sst s6  }
0xf: {  	[smem:$0x3FA0] =	sst s7  }
0x10: {  	[smem:$0x3FA1] =	sst s8  }
0x11: {  	[smem:$0x3FA2] =	sst s9;
	s0 =	simm.s32 @!p0 $0x0  }
0x12: {  	s1 =	sld [smem:$0x3F88];
	s0 =	simm.s32 @p0 $0x1  }
0x13: {  	[smem:$0x3FA3] =	sst s0;
	s0 =	simm.s32 @!p1 $0x0  }
0x14: {  	s2 =	sld [smem:$0x3F87];
	s0 =	simm.s32 @p1 $0x1  }
0x15: {  	[smem:$0x3FA4] =	sst s0;
	s0 =	simm.s32 @!p2 $0x0  }
0x16: {  	s3 =	sld [smem:$0x3FDB];
	s0 =	simm.s32 @p2 $0x1  }
0x17: {  	s4 =	simm.s32 $0x1BF5;
	[smem:$0x3FA6] =	sst s0  }
0x18: {  	s0 =	sld [smem:$0x3F89];
	_ =	swait.ge [sflag:s4], $0x0  }
0x19: {  	s7 =	sld [smem:$0x3F8A]  }
0x1a: {  	s8 =	sadd.s32 $0xFFFFE003, lr  }
0x1b: {  	s9 =	sadd.s32 $0xFFFFFEF7, lr;
	s5 =	simm.s32 $0xFFFFFFFF;
	p2 =	slt.u32 s8, $0xFFFFF086  }
0x1c: {  	p1 =	slt.u32 s9, $0xF7A;
	s5 =	simm.s32 @!p2 $0x0  }
0x1d: {  	s5 =	simm.s32 @p1 $0x1;
	p0 =	seq.s32 s7, s2  }
0x1e: {  	s7 =	smul.u32 @!p0 $0xF7A, s2;
	p2 =	seq.s32 @!p0 s5, $0x0  }
0x1f: {  	s9 =	smul.u32 $0xF7A, s1;
	s8 =	simm.s32 @!p0 $0x1BF5;
	p2 =	por !p2, p0  }
0x20: {  	[sflag:s8] =	ssyncset.s32 @!p0 $0xFFFFF086;
	s6 =	sadd.s32 @!p0 s3, s7;
	s7 =	simm.s32 @!p0 $0x108  }
0x21: {  	s3 =	sadd.s32 s3, s9;
	s6 =	sadd.s32 @!p0 $0x88, s6;
	s7 =	simm.s32 @p2 $0x1082  }
0x22: {  	[simem:s7], [sflag:s8] =	dma.local @!p0 [hbm:s6], $0xF7A  }
0x23: {  	s9 =	sor.u32 $0xD0000000, s2;
	s6 =	simm.s32 $0x108;
	_ =	swait.ge @!p0 [sflag:s8], $0x0  }
0x24: {  	s3 =	sadd.s32 $0x88, s3;
	s6 =	simm.s32 @!p1 $0x1082;
	[sflag:s4] =	ssyncset.s32 $0xFFFFF086  }
0x25: {  	[simem:s6], [sflag:s4] =	dma.local [hbm:s3], $0xF7A  }
0x26: {  	[smem:$0x3F8A] =	sst s1;
	(tag) =	ssettag s2;
	_ =	strace s9  }
0x27: {  	s1 =	sld [smem:$0x3F9A]  }
0x28: {  	s2 =	sld [smem:$0x3F9B]  }
0x29: {  	s4 =	sld [smem:$0x3F9D]  }
0x2a: {  	p0 =	seq.s32 s5, $0x0;
	s5 =	sld [smem:$0x3F9E]  }
0x2b: {  	s6 =	sld [smem:$0x3F9F]  }
0x2c: {  	s7 =	sld [smem:$0x3FA0]  }
0x2d: {  	s3 =	simm.s32 $0x108;
	s8 =	sld [smem:$0x3FA1]  }
0x2e: {  	s3 =	simm.s32 @!p0 $0x1082;
	s9 =	sld [smem:$0x3FA2]  }
0x2f: {  	lr =	sadd.s32 s0, s3;
	s0 =	sld [smem:$0x3F99]  }
0x30: {  	s3 =	sld [smem:$0x3F9C]  }
0x31: {  	[smem:$0x3FA5] =	sst s10  }
0x32: {  	s10 =	sld [smem:$0x3FA3];
	_ =	sdelay $0x3  }
0x33: {  	p0 =	seq.s32 s10, $0x1;
	s10 =	sld [smem:$0x3FA5];
	_ =	sdelay $0x3  }
0x34: {  	[smem:$0x3FA5] =	sst s10  }
0x35: {  	s10 =	sld [smem:$0x3FA4];
	_ =	sdelay $0x3  }
0x36: {  	p1 =	seq.s32 s10, $0x1;
	s10 =	sld [smem:$0x3FA5];
	_ =	sdelay $0x3  }
0x37: {  	[smem:$0x3FA5] =	sst s10  }
0x38: {  	s10 =	sld [smem:$0x3FA6]  }
0x39: {  	_ = 	snop;
	(pc) =	sbr.ind lr, $3  }
0x3a: {  	_ = 	snop  }
0x3b: {  	_ = 	snop  }
0x3c: {  	p2 =	seq.s32 s10, $0x1;
	s10 =	sld [smem:$0x3FA5]  }
0x3d: {  	_ =	shalt  }
0x3e: {  	_ =	shalt  }
0x3f: {  	_ =	shalt  }
0x40: {  	_ =	shalt  }
0x41: {  	_ =	shalt  }
0x42: {  	_ =	shalt  }
0x43: {  	_ =	shalt  }
0x44: {  	_ =	shalt  }
0x45: {  	_ =	shalt  }
0x46: {  	_ =	shalt  }
0x47: {  	_ =	shalt  }
0x48: {  	_ =	shalt  }
0x49: {  	_ =	shalt  }
0x4a: {  	_ =	shalt  }
0x4b: {  	_ =	shalt  }
0x4c: {  	_ =	shalt  }
0x4d: {  	_ =	shalt  }
0x4e: {  	_ =	shalt  }
0x4f: {  	_ =	shalt  }
0x50: {  	_ =	shalt  }
0x51: {  	_ =	shalt  }
0x52: {  	_ =	shalt  }
0x53: {  	_ =	shalt  }
0x54: {  	_ =	shalt  }
0x55: {  	_ =	shalt  }
0x56: {  	_ =	shalt  }
0x57: {  	_ =	shalt  }
0x58: {  	_ =	shalt  }
0x59: {  	_ =	shalt  }
0x5a: {  	_ =	shalt  }
0x5b: {  	_ =	shalt  }
0x5c: {  	_ =	shalt  }
0x5d: {  	_ =	shalt  }
0x5e: {  	_ =	shalt  }
0x5f: {  	_ =	shalt  }
0x60: {  	_ =	shalt  }
0x61: {  	_ =	shalt  }
0x62: {  	_ =	shalt  }
0x63: {  	_ =	shalt  }
0x64: {  	_ =	shalt  }
0x65: {  	_ =	shalt  }
0x66: {  	_ =	shalt  }
0x67: {  	_ =	shalt  }
0x68: {  	_ =	shalt  }
0x69: {  	_ =	shalt  }
0x6a: {  	_ =	shalt  }
0x6b: {  	_ =	shalt  }
0x6c: {  	_ =	shalt  }
0x6d: {  	_ =	shalt  }
0x6e: {  	_ =	shalt  }
0x6f: {  	_ =	shalt  }
0x70: {  	_ =	shalt  }
0x71: {  	_ =	shalt  }
0x72: {  	_ =	shalt  }
0x73: {  	_ =	shalt  }
0x74: {  	_ =	shalt  }
0x75: {  	_ =	shalt  }
0x76: {  	_ =	shalt  }
0x77: {  	_ =	shalt  }
0x78: {  	_ =	shalt  }
0x79: {  	_ =	shalt  }
0x7a: {  	_ =	shalt  }
0x7b: {  	_ =	shalt  }
0x7c: {  	_ =	shalt  }
0x7d: {  	_ =	shalt  }
0x7e: {  	_ =	shalt  }
0x7f: {  	_ =	shalt  }
0x80: {  	_ =	shalt  }
0x81: {  	_ =	shalt  }
0x82: {  	_ =	shalt  }
0x83: {  	_ =	shalt  }
0x84: {  	_ =	shalt  }
0x85: {  	_ =	shalt  }
0x86: {  	_ =	shalt  }
0x87: {  	_ =	shalt  }
.Lfunc_end0:
.L_simem_size_0:
called_computation_lowered:
.L_overlay_start_0:
0x88: {  	s2 =	sld [smem:$0x3FD9]  }
0x89: {  	s3 =	sld [smem:$0x3FFE];
	_ =	sdelay $0x1  }
0x8a: {  	s1 =	srdreg.scid  }
0x8b: {  	s0 =	sand.u32 $0x1, s1  }
0x8c: {  	s24 =	sshll.u32 s0, $0xA;
	s2 =	sadd.s32 s3, s2  }
0x8d: {  	s2 =	sadd.s32 s2, s24  }
0x8e: {  	[smem:$0x3FB1] =	sst s2  }
0x8f: {  	_ = 	snop  }
0x90: {  	s2 =	sld [smem:$0x3FC7]  }
0x91: {  	s3 =	sld [smem:$0x3FC6]  }
0x92: {  	s4 =	sld [smem:$0x3FC4]  }
0x93: {  	s5 =	sld [smem:$0x3FC3]  }
0x94: {  	s6 =	sld [smem:$0x3FC2]  }
0x95: {  	s7 =	sld [smem:$0x3FC1]  }
0x96: {  	s8 =	sld [smem:$0x3FC0]  }
0x97: {  	s9 =	sld [smem:$0x3FBE]  }
0x98: {  	s10 =	sld [smem:$0x3FBD]  }
0x99: {  	s11 =	sld [smem:$0x3FBC]  }
0x9a: {  	s12 =	sld [smem:$0x3FBA]  }
0x9b: {  	s13 =	sld [smem:$0x3FB9]  }
0x9c: {  	s14 =	sld [smem:$0x3FB8]  }
0x9d: {  	s16 =	sld [smem:$0x3FB7];
	(tm) =	ssettm $0x1  }
0x9e: {  	s15 =	sld [smem:$0x3FFB];
	_ =	sdelay $0x3  }
0x9f: {  	_ =	strace s15  }
0xa0: {  	s15 =	sld [smem:$0x3FFC];
	_ =	sdelay $0x3  }
0xa1: {  	_ =	strace s15  }
0xa2: {  	s15 =	sld [smem:$0x3FFD];
	_ =	sdelay $0x3  }
0xa3: {  	_ =	strace s15  }
0xa4: {  	_ =	strace $0x8FFFFFFF  }
0xa5: {  	s25 =	sld [smem:$0x3FDB];
	_ =	sdelay $0x1  }
0xa6: {  	s17 =	simm.s32 $_scs_section_size  }
0xa7: {  	s18 =	simm.s32 $_size__tile_task_arg_handler_lowered;
	s19 =	simm.s32 $_tile_task_arg_handler_lowered  }
0xa8: {  	s29 =	simm.s32 $0x1BFF;
	s28 =	sshll.u32 s19, $0x1;
	s17 =	sadd.s32 s17, s25  }
0xa9: {  	s20 =	simm.s32 $0x60;
	s26 =	sshll.u32 s18, $0x1;
	s18 =	sadd.s32 s28, s17  }
0xaa: {  	[timem:s20], [sflag:s29] =	dma.local [hbm:s18], s26  }
0xab: {  	_ =	swait.ge [sflag:s29], s26  }
0xac: {  	s30 =	simm.s32 $_tile_overlayer_lowered;
	s15 =	ssub.s32 $0x0, s26;
	[sflag:s29] =	ssyncset.done $0x0  }
0xad: {  	s31 =	simm.s32 $_size__tile_overlayer_lowered;
	s18 =	sshll.u32 s30, $0x1;
	[sflag:s29] =	ssyncadd.s32 s15  }
0xae: {  	s21 =	simm.s32 $0x0;
	s18 =	sadd.s32 s18, s17;
	s15 =	sshll.u32 s31, $0x1  }
0xaf: {  	[timem:s21], [sflag:s29] =	dma.local [hbm:s18], s15  }
0xb0: {  	_ =	swait.ge [sflag:s29], s15  }
0xb1: {  	s22 =	ssub.s32 $0x0, s15;
	[sflag:s29] =	ssyncset.done $0x0  }
0xb2: {  	[sflag:s29] =	ssyncadd.s32 s22;
	_ =	sdelay $0x1  }
0xb3: {  	s23 =	simm.s32 $0x1B8B  }
0xb4: {  	_ =	swait.ge [sflag:s23], $0x1  }
0xb5: {  	[sflag:s23] =	ssyncset.done $0x0  }
0xb6: {  	s25 =	simm.s32 $0x1B8E;
	s24 =	sld [smem:$0x3FFE];
	[sflag:s23] =	ssyncadd.s32 $0xFFFFFFFF  }
0xb7: {  	s26 =	simm.s32 $execute0_lowered;
	[smem:$0x3FD2] =	sst s25  }
0xb8: {  	s19 =	sshll.u32 s26, $0x1;
	_ =	strace $0x80000046;
	[dreg:$0x1] =	wrdreg $0xFFFFFFFF  }
0xb9: {  	s28 =	simm.s32 $_size_execute0_lowered;
	s17 =	sadd.s32 s17, s19;
	[dreg:$0x0] =	wrdreg $0x0  }
0xba: {  	s19 =	sshll.u32 s28, $0x1;
	[dreg:$0x2] =	wrdreg s17  }
0xbb: {  	[dreg:$0x3] =	wrdreg s19  }
0xbc: {  	[dreg:$0x4] =	wrdreg $0xC0  }
0xbd: {  	_ =	task [dreg:s21], $0x5FFFF  }
0xbe: {  	[dreg:$0x1] =	wrdreg $0xFFFFFFFF  }
0xbf: {  	[dreg:$0x0] =	wrdreg $0x30  }
0xc0: {  	[dreg:$0x2] =	wrdreg $0x0  }
0xc1: {  	[dreg:$0x3] =	wrdreg s16  }
0xc2: {  	[dreg:$0x4] =	wrdreg $0x9  }
0xc3: {  	_ =	task [dreg:s21], $0x5FFFF  }
0xc4: {  	[dreg:$0x1] =	wrdreg $0xFFFFFFFF  }
0xc5: {  	[dreg:$0x0] =	wrdreg $0x60  }
0xc6: {  	[dreg:$0x2] =	wrdreg s24  }
0xc7: {  	[dreg:$0x3] =	wrdreg s2  }
0xc8: {  	[dreg:$0x4] =	wrdreg s3  }
0xc9: {  	[dreg:$0x5] =	wrdreg s4  }
0xca: {  	[dreg:$0x6] =	wrdreg s5  }
0xcb: {  	[dreg:$0x7] =	wrdreg s6  }
0xcc: {  	[dreg:$0x8] =	wrdreg s7  }
0xcd: {  	[dreg:$0x9] =	wrdreg s8  }
0xce: {  	[dreg:$0xa] =	wrdreg s9  }
0xcf: {  	[dreg:$0xb] =	wrdreg s10  }
0xd0: {  	[dreg:$0xc] =	wrdreg s11  }
0xd1: {  	[dreg:$0xd] =	wrdreg s12  }
0xd2: {  	[dreg:$0xe] =	wrdreg s13  }
0xd3: {  	[dreg:$0xf] =	wrdreg s14  }
0xd4: {  	_ =	task.clear_ibuf [dreg:s21], $0x10FFFF;
	_ =	strace $0x90000046  }
0xd5: {  	s29 =	simm.s32 $0x9;
	_ =	strace $0x80000048  }
0xd6: {  	_ =	swait.ge [sflag:s29], $0x1  }
0xd7: {  	[sflag:s29] =	ssyncadd.s32 $0xFFFFFFFF  }
0xd8: {  	_ =	strace $0x90000048  }
0xd9: {  	_ =	sfence  }
0xda: {  	s30 =	sld [smem:$0x0];
	_ =	sdelay $0x2  }
0xdb: {  	s31 =	sshll.u32 s1, $0xD;
	s1 =	sshrl.u32 s1, $0x2  }
0xdc: {  	s3 =	sand.u32 $0x4000, s31;
	s1 =	sadd.s32 s1, s30  }
0xdd: {  	s0 =	sor.u32 s3, s0;
	s1 =	sshll.u32 s1, $0x11  }
0xde: {  	s0 =	sor.u32 s1, s0  }
0xdf: {  	s0 =	sadd.s32 $0x8F2B, s0  }
0xe0: {  	[sflag:s0] =	ssyncadd.remote.s32 $0x1  }
0xe1: {  	_ =	sfence.sel $0xFFFF  }
0xe2: {  	[dreg:$0x0] =	wrdreg $0xFFFFFFFF;
	(pc) =	sbr.abs _section_cstart, $3  }
0xe3: {  	[dreg:$0x1] =	wrdreg $0xFFFFFFFF  }
0xe4: {  	_ =	task.clear_ibuf [dreg:s21], $0x2FFFF;
	_ =	strace $0x9FFFFFFF  }
0xe5: {  	(tm) =	ssettm $0x7FFFFFFF  }
tec
_tile_task_arg_handler_lowered:
.L_overlay_start_1:
0x0: {  	(tag) =	ssettag $0x1  }
0x1: {  	s0 =	rddreg [dreg:$0x0]  }
0x2: {  	s1 =	rddreg [dreg:$0x1]  }
0x3: {  	s2 =	rddreg [dreg:$0x2]  }
0x4: {  	s3 =	rddreg [dreg:$0x3]  }
0x5: {  	s4 =	rddreg [dreg:$0x4]  }
0x6: {  	s5 =	rddreg [dreg:$0x5]  }
0x7: {  	s6 =	rddreg [dreg:$0x6]  }
0x8: {  	s7 =	rddreg [dreg:$0x7]  }
0x9: {  	s8 =	rddreg [dreg:$0x8]  }
0xa: {  	s9 =	rddreg [dreg:$0x9]  }
0xb: {  	s10 =	rddreg [dreg:$0xa]  }
0xc: {  	s11 =	rddreg [dreg:$0xb]  }
0xd: {  	s12 =	rddreg [dreg:$0xc]  }
0xe: {  	s13 =	rddreg [dreg:$0xd]  }
0xf: {  	[smem:s0] =	sst s1  }
0x10: {  	[smem:s0+$0x1] =	sst s2  }
0x11: {  	[smem:s0+$0x2] =	sst s3  }
0x12: {  	[smem:s0+$0x3] =	sst s4  }
0x13: {  	[smem:s0+$0x4] =	sst s5  }
0x14: {  	[smem:s0+$0x5] =	sst s6  }
0x15: {  	[smem:s0+$0x6] =	sst s7  }
0x16: {  	[smem:s0+$0x7] =	sst s8  }
0x17: {  	[smem:s0+$0x8] =	sst s9  }
0x18: {  	[smem:s0+$0x9] =	sst s10  }
0x19: {  	[smem:s0+$0xA] =	sst s11  }
0x1a: {  	[smem:s0+$0xB] =	sst s12  }
0x1b: {  	[smem:s0+$0xC] =	sst s13;
	_ =	shalt  }
.Lfunc_end2:
execute0_lowered:
.L_overlay_start_2:
0x1c: {  	(tag) =	ssettag $0x2  }
0x1d: {  	s0 =	rddreg [dreg:$0x0]  }
0x1e: {  	s2 =	rddreg [dreg:$0x1]  }
0x1f: {  	s3 =	rddreg [dreg:$0x2]  }
0x20: {  	s4 =	rddreg [dreg:$0x3]  }
0x21: {  	s5 =	rddreg [dreg:$0x4]  }
0x22: {  	s6 =	rddreg [dreg:$0x5]  }
0x23: {  	s7 =	rddreg [dreg:$0x6]  }
0x24: {  	s8 =	rddreg [dreg:$0x7]  }
0x25: {  	s9 =	rddreg [dreg:$0x8]  }
0x26: {  	s10 =	rddreg [dreg:$0x9]  }
0x27: {  	s11 =	rddreg [dreg:$0xa]  }
0x28: {  	s12 =	rddreg [dreg:$0xb]  }
0x29: {  	s13 =	rddreg [dreg:$0xc]  }
0x2a: {  	s20 =	rddreg [dreg:$0xd]  }
0x2b: {  	s14 =	srdreg.scid;
	s15 =	stileid.u32;
	s1 =	simm.s32 $0x0  }
0x2c: {  	s14 =	sand.u32 $0x1, s14;
	s15 =	sshll.u32 s15, $0x1;
	[smem:$0x7FF] =	sst s1  }
0x2d: {  	s29 =	simm.s32 $0x4480;
	s17 =	sor.u32 s14, s15;
	s16 =	sld [smem:$0x1]  }
0x2e: {  	s28 =	simm.s32 $0x1;
	s18 =	sadd.s32 $0x400, s0;
	s15 =	smul.u32 $0x60, s17  }
0x2f: {  	s21 =	sld [smem:$0x0];
	s14 =	ssub.s32 $0x2, s14;
	s25 =	smul.u32 $0xC0, s17  }
0x30: {  	s26 =	sshll.u32 s17, $0x5;
	s19 =	sshll.u32 s17, $0x4;
	[dreg:$0xe] =	wrdreg s16  }
0x31: {  	s2 =	sadd.s32 s2, s19;
	_ =	strace $0x80000047;
	[dreg:$0xf] =	wrdreg s18  }
0x32: {  	s22 =	sshrl.u32 s14, $0x1;
	s30 =	sadd.s32 s3, s19;
	[dreg:$0x10] =	wrdreg s2  }
0x33: {  	s23 =	ssub.s32 s14, s22;
	s3 =	sadd.s32 s4, s26;
	[dreg:$0x11] =	wrdreg s30  }
0x34: {  	s22 =	sadd.s32 s26, s0;
	s4 =	sadd.s32 s5, s26;
	[dreg:$0x12] =	wrdreg s3  }
0x35: {  	s5 =	sadd.s32 s6, s26;
	s14 =	sadd.s32 s7, s26;
	[dreg:$0x13] =	wrdreg s4  }
0x36: {  	s15 =	sadd.s32 s15, s0;
	s16 =	sadd.s32 s25, s0;
	[dreg:$0x14] =	wrdreg s5  }
0x37: {  	s0 =	sadd.s32 s19, s0;
	s19 =	sadd.s32 s8, s26;
	[dreg:$0x15] =	wrdreg s14  }
0x38: {  	s6 =	smul.u32 $0x30, s17;
	s24 =	sadd.s32 $0x2E00, s22;
	[dreg:$0x16] =	wrdreg s19  }
0x39: {  	s31 =	simm.s32 $0x2;
	s23 =	smax.u32 s23, $0x1;
	[dreg:$0x17] =	wrdreg s24  }
0x3a: {  	s25 =	sadd.s32 $0x2200, s15;
	s26 =	sadd.s32 $0xA00, s16;
	s14 =	sadd.s32 s9, s6  }
0x3b: {  	s15 =	sadd.s32 s10, s6;
	s16 =	sadd.s32 s11, s6;
	s30 =	sshll.u32 s17, $0x3  }
0x3c: {  	v0 =	vlaneseq.u32;
	s17 =	sadd.s32 $0x3200, s22;
	s22 =	sadd.s32 $0x3600, s0;
	s24 =	simm.s32 $0x3000  }
0x3d: {  	v1 =	vmul.u32 $0x3, v0;
	s0 =	simm.s32 $0x3A00;
	s2 =	simm.s32 $0x0;
	[dreg:$0x18] =	wrdreg s25  }
0x3e: {  	[dreg:$0x19] =	wrdreg s26;
	s18 =	sadd.s32 s12, s30;
	s19 =	sadd.s32 s13, s30  }
0x3f: {  	v2 =	vmul.u32 $0x2, v0;
	v3 =	vadd.s32 $0x1, v1;
	v4 =	vadd.s32 $0x2, v1;
	s20 =	sadd.s32 s20, s30;
	s21 =	sadd.s32 s21, s30;
	s25 =	simm.s32 $0x3200  }
.LBB3_1:
0x40: {  	s3 =	rddreg [dreg:$0xf]  }
0x41: {  	[tilespmem:s1], [sflag:$0x1] =	stream.linear.gather [hbm4b:s3+s1], $0x3000, $0x38;
	[tilespmem:$0x4800] =	vst v63  }
0x42: {  	s7 =	rddreg [dreg:$0x17]  }
0x43: {  	[tilespmem:s24], [sflag:$0x1] =	stream.linear.gather [hbm4b:s7+s1], $0x100, $0x38;
	[tilespmem:$0x4800] =	vst v63  }
0x44: {  	s4 =	rddreg [dreg:$0x10];
	s3 =	simm.s32 $0x3100  }
0x45: {  	[tilespmem:s3], [sflag:$0x1] =	stream.linear.gather [hbm4b:s4+s1], $0x80, $0x38;
	[tilespmem:$0x4800] =	vst v63  }
0x46: {  	s5 =	rddreg [dreg:$0x11];
	s4 =	simm.s32 $0x3180  }
0x47: {  	[tilespmem:s4], [sflag:$0x1] =	stream.linear.gather [hbm4b:s5+s1], $0x80, $0x38;
	[tilespmem:$0x4800] =	vst v63  }
0x48: {  	s8 =	rddreg [dreg:$0x18]  }
0x49: {  	[tilespmem:s25], [sflag:$0x1] =	stream.linear.gather [hbm4b:s8+s1], $0x300, $0x38;
	[tilespmem:$0x4800] =	vst v63  }
0x4a: {  	s9 =	rddreg [dreg:$0x12];
	s6 =	simm.s32 $0x3500  }
0x4b: {  	[tilespmem:s6], [sflag:$0x1] =	stream.linear.gather [hbm4b:s9+s1], $0x100, $0x38;
	[tilespmem:$0x4800] =	vst v63  }
0x4c: {  	s10 =	rddreg [dreg:$0x13];
	s11 =	simm.s32 $0x3600  }
0x4d: {  	[tilespmem:s11], [sflag:$0x1] =	stream.linear.gather [hbm4b:s10+s1], $0x100, $0x38;
	[tilespmem:$0x4800] =	vst v63  }
0x4e: {  	s12 =	rddreg [dreg:$0x14];
	s13 =	simm.s32 $0x3700  }
0x4f: {  	[tilespmem:s13], [sflag:$0x1] =	stream.linear.gather [hbm4b:s12+s1], $0x100, $0x38;
	[tilespmem:$0x4800] =	vst v63  }
0x50: {  	s26 =	rddreg [dreg:$0x15];
	s30 =	simm.s32 $0x3800  }
0x51: {  	[tilespmem:s30], [sflag:$0x1] =	stream.linear.gather [hbm4b:s26+s1], $0x100, $0x38;
	[tilespmem:$0x4800] =	vst v63  }
0x52: {  	s7 =	rddreg [dreg:$0x16];
	s8 =	simm.s32 $0x3900  }
0x53: {  	[tilespmem:s8], [sflag:$0x1] =	stream.linear.gather [hbm4b:s7+s1], $0x100, $0x38;
	[tilespmem:$0x4800] =	vst v63  }
0x54: {  	s9 =	rddreg [dreg:$0x19]  }
0x55: {  	[tilespmem:s0], [sflag:$0x1] =	stream.linear.gather [hbm4b:s9+s1], $0x600, $0x38;
	[tilespmem:$0x4800] =	vst v63  }
0x56: {  	s10 =	simm.s32 $0x4000  }
0x57: {  	[tilespmem:s10], [sflag:$0x1] =	stream.linear.gather [hbm4b:s14+s1], $0x180, $0x38;
	[tilespmem:$0x4800] =	vst v63  }
0x58: {  	s11 =	simm.s32 $0x4180  }
0x59: {  	[tilespmem:s11], [sflag:$0x1] =	stream.linear.gather [hbm4b:s15+s1], $0x180, $0x38;
	[tilespmem:$0x4800] =	vst v63  }
0x5a: {  	s12 =	simm.s32 $0x4300  }
0x5b: {  	[tilespmem:s12], [sflag:$0x1] =	stream.linear.gather [hbm4b:s16+s1], $0x180, $0x38;
	[tilespmem:$0x4800] =	vst v63  }
0x5c: {  	_ = 	snop  }
0x5d: {  	[tilespmem:s29], [sflag:$0x1] =	stream.linear.gather [hbm4b:s17+s1], $0x100, $0x38;
	[tilespmem:$0x4800] =	vst v63  }
0x5e: {  	s13 =	simm.s32 $0x4580  }
0x5f: {  	[tilespmem:s13], [sflag:$0x1] =	stream.linear.gather [hbm4b:s18+s1], $0x40, $0x38;
	[tilespmem:$0x4800] =	vst v63  }
0x60: {  	s26 =	simm.s32 $0x4600  }
0x61: {  	[tilespmem:s26], [sflag:$0x1] =	stream.linear.gather [hbm4b:s19+s1], $0x40, $0x38;
	[tilespmem:$0x4800] =	vst v63  }
0x62: {  	s30 =	simm.s32 $0x4680  }
0x63: {  	[tilespmem:s30], [sflag:$0x1] =	stream.linear.gather [hbm4b:s20+s1], $0x40, $0x38;
	[tilespmem:$0x4800] =	vst v63  }
0x64: {  	s6 =	simm.s32 $0x4700  }
0x65: {  	[tilespmem:s6], [sflag:$0x1] =	stream.linear.gather [hbm4b:s21+s1], $0x40, $0x38;
	[tilespmem:$0x4800] =	vst v63  }
0x66: {  	_ =	swait.ge [sflag:s28], $0x3000  }
0x67: {  	[sflag:s28] =	ssyncset.done $0x0  }
0x68: {  	[sflag:s28] =	ssyncadd.s32 $0xFFFFD000  }
0x69: {  	_ =	swait.ge [sflag:s28], $0x100  }
0x6a: {  	[sflag:s28] =	ssyncset.done $0x0  }
0x6b: {  	[sflag:s28] =	ssyncadd.s32 $0xFFFFFF00  }
0x6c: {  	_ =	swait.ge [sflag:s28], $0x80  }
0x6d: {  	[sflag:s28] =	ssyncset.done $0x0  }
0x6e: {  	[sflag:s28] =	ssyncadd.s32 $0xFFFFFF80  }
0x6f: {  	_ =	swait.ge [sflag:s28], $0x80  }
0x70: {  	[sflag:s28] =	ssyncset.done $0x0  }
0x71: {  	[sflag:s28] =	ssyncadd.s32 $0xFFFFFF80  }
0x72: {  	_ =	swait.ge [sflag:s28], $0x300  }
0x73: {  	[sflag:s28] =	ssyncset.done $0x0  }
0x74: {  	[sflag:s28] =	ssyncadd.s32 $0xFFFFFD00  }
0x75: {  	_ =	swait.ge [sflag:s28], $0x100  }
0x76: {  	[sflag:s28] =	ssyncset.done $0x0  }
0x77: {  	[sflag:s28] =	ssyncadd.s32 $0xFFFFFF00  }
0x78: {  	_ =	swait.ge [sflag:s28], $0x100  }
0x79: {  	[sflag:s28] =	ssyncset.done $0x0  }
0x7a: {  	[sflag:s28] =	ssyncadd.s32 $0xFFFFFF00  }
0x7b: {  	_ =	swait.ge [sflag:s28], $0x100  }
0x7c: {  	[sflag:s28] =	ssyncset.done $0x0  }
0x7d: {  	[sflag:s28] =	ssyncadd.s32 $0xFFFFFF00  }
0x7e: {  	_ =	swait.ge [sflag:s28], $0x100  }
0x7f: {  	[sflag:s28] =	ssyncset.done $0x0  }
0x80: {  	[sflag:s28] =	ssyncadd.s32 $0xFFFFFF00  }
0x81: {  	_ =	swait.ge [sflag:s28], $0x100  }
0x82: {  	[sflag:s28] =	ssyncset.done $0x0  }
0x83: {  	[sflag:s28] =	ssyncadd.s32 $0xFFFFFF00  }
0x84: {  	_ =	swait.ge [sflag:s28], $0x600  }
0x85: {  	[sflag:s28] =	ssyncset.done $0x0  }
0x86: {  	[sflag:s28] =	ssyncadd.s32 $0xFFFFFA00  }
0x87: {  	_ =	swait.ge [sflag:s28], $0x180  }
0x88: {  	[sflag:s28] =	ssyncset.done $0x0  }
0x89: {  	[sflag:s28] =	ssyncadd.s32 $0xFFFFFE80  }
0x8a: {  	_ =	swait.ge [sflag:s28], $0x180  }
0x8b: {  	[sflag:s28] =	ssyncset.done $0x0  }
0x8c: {  	[sflag:s28] =	ssyncadd.s32 $0xFFFFFE80  }
0x8d: {  	_ =	swait.ge [sflag:s28], $0x180  }
0x8e: {  	[sflag:s28] =	ssyncset.done $0x0  }
0x8f: {  	[sflag:s28] =	ssyncadd.s32 $0xFFFFFE80  }
0x90: {  	_ =	swait.ge [sflag:s28], $0x100  }
0x91: {  	[sflag:s28] =	ssyncset.done $0x0  }
0x92: {  	[sflag:s28] =	ssyncadd.s32 $0xFFFFFF00  }
0x93: {  	_ =	swait.ge [sflag:s28], $0x40  }
0x94: {  	[sflag:s28] =	ssyncset.done $0x0  }
0x95: {  	[sflag:s28] =	ssyncadd.s32 $0xFFFFFFC0  }
0x96: {  	_ =	swait.ge [sflag:s28], $0x40  }
0x97: {  	[sflag:s28] =	ssyncset.done $0x0  }
0x98: {  	v5 =	vmov s1;
	[sflag:s28] =	ssyncadd.s32 $0xFFFFFFC0  }
0x99: {  	v5 =	vshll.u32 v5, $0x1;
	s7 =	simm.s32 $0x10;
	_ =	swait.ge [sflag:s28], $0x40  }
0x9a: {  	v5 =	vor.u32 v2, v5;
	v8 =	vmov s7;
	[sflag:s28] =	ssyncset.done $0x0  }
0x9b: {  	v6 =	vor.u32 $0x1, v5;
	v8 =	vshll.u32 v8, $0x1;
	[sflag:s28] =	ssyncadd.s32 $0xFFFFFFC0  }
0x9c: {  	v8 =	vor.u32 v2, v8;
	_ =	swait.ge [sflag:s28], $0x40  }
0x9d: {  	v14 =	vor.u32 $0x1, v8;
	[sflag:s28] =	ssyncset.done $0x0  }
0x9e: {  	[sflag:s28] =	ssyncadd.s32 $0xFFFFFFC0  }
0x9f: {  	v5 =	vld.idx.msk [tilespmem:v5+s24+$0x0], $0xffff  }
0xa0: {  	v6 =	vld.idx.msk [tilespmem:v6+s24+$0x0], $0xffff  }
0xa1: {  	v8 =	vld.idx.msk [tilespmem:v8+s24+$0x0], $0xffff  }
0xa2: {  	v14 =	vld.idx.msk [tilespmem:v14+s24+$0x0], $0xffff;
	_ =	sdelay $0x1  }
0xa3: {  	v5 =	vmul.u32 $0x3, v5  }
0xa4: {  	v6 =	vmul.u32 $0x3, v6  }
0xa5: {  	v8 =	vmul.u32 $0x3, v8  }
0xa6: {  	v14 =	vmul.u32 $0x3, v14  }
0xa7: {  	s8 =	simm.s32 $0x3190;
	v9 =	vld [tilespmem:s4+$0x0]  }
0xa8: {  	v13 =	vld [tilespmem:s8+$0x0];
	v7 =	vadd.s32 $0x1800, v5  }
0xa9: {  	v10 =	vadd.s32 $0x1, v5;
	v11 =	vld.idx.msk [tilespmem:v5+s1+$0x0], $0xffff  }
0xaa: {  	v12 =	vadd.s32 $0x1801, v5;
	v16 =	vld.idx.msk [tilespmem:v6+s1+$0x0], $0xffff  }
0xab: {  	v15 =	vadd.s32 $0x1802, v5;
	v24 =	vld.idx.msk [tilespmem:v8+s1+$0x0], $0xffff  }
0xac: {  	v17 =	vadd.s32 $0x1, v6;
	v27 =	vld.idx.msk [tilespmem:v14+s1+$0x0], $0xffff  }
0xad: {  	v18 =	vadd.s32 $0x1801, v6;
	v7 =	vld.idx.msk [tilespmem:v7+s1+$0x0], $0xffff  }
0xae: {  	v20 =	vadd.s32 $0x1800, v6;
	v10 =	vld.idx.msk [tilespmem:v10+s1+$0x0], $0xffff  }
0xaf: {  	v19 =	vadd.s32 $0x2, v6;
	v12 =	vld.idx.msk [tilespmem:v12+s1+$0x0], $0xffff  }
0xb0: {  	v5 =	vadd.s32 $0x2, v5;
	v15 =	vld.idx.msk [tilespmem:v15+s1+$0x0], $0xffff  }
0xb1: {  	v21 =	vadd.s32 $0x1800, v8;
	v17 =	vld.idx.msk [tilespmem:v17+s1+$0x0], $0xffff  }
0xb2: {  	v22 =	vadd.s32 $0x1, v8;
	v18 =	vld.idx.msk [tilespmem:v18+s1+$0x0], $0xffff  }
0xb3: {  	s9 =	simm.s32 $0x20;
	v6 =	vadd.s32 $0x1802, v6;
	v20 =	vld.idx.msk [tilespmem:v20+s1+$0x0], $0xffff  }
0xb4: {  	v25 =	vmov s9;
	v19 =	vld.idx.msk [tilespmem:v19+s1+$0x0], $0xffff  }
0xb5: {  	v25 =	vshll.u32 v25, $0x1;
	v23 =	vadd.s32 $0x1801, v8;
	v5 =	vld.idx.msk [tilespmem:v5+s1+$0x0], $0xffff  }
0xb6: {  	v25 =	vor.u32 v2, v25;
	v21 =	vld.idx.msk [tilespmem:v21+s1+$0x0], $0xffff  }
0xb7: {  	v22 =	vld.idx.msk [tilespmem:v22+s1+$0x0], $0xffff;
	v11 =	vsub.f32 v11, v16;
	v10 =	vsub.f32 v10, v17;
	v17 =	vadd.s32 $0x1, v14  }
0xb8: {  	s10 =	simm.s32 $0x31A0;
	v6 =	vld.idx.msk [tilespmem:v6+s1+$0x0], $0xffff;
	v7 =	vsub.f32 v7, v20;
	v20 =	vadd.s32 $0x2, v14  }
0xb9: {  	v28 =	vadd.s32 $0x1801, v14;
	v16 =	vld [tilespmem:s10+$0x0];
	v12 =	vsub.f32 v12, v18;
	v11 =	vmul.f32 v11, v11  }
0xba: {  	v10 =	vmul.f32 v10, v10;
	v5 =	vsub.f32 v5, v19;
	v19 =	vld.idx.msk [tilespmem:v23+s1+$0x0], $0xffff;
	v23 =	vor.u32 $0x1, v25  }
0xbb: {  	v30 =	vadd.s32 $0x2, v8;
	v12 =	vmul.f32 v12, v12;
	v7 =	vmul.f32 v7, v7;
	v25 =	vld.idx.msk [tilespmem:v25+s24+$0x0], $0xffff  }
0xbc: {  	v26 =	vadd.s32 $0x1802, v8;
	v10 =	vadd.f32 v10, v11;
	v17 =	vld.idx.msk [tilespmem:v17+s1+$0x0], $0xffff;
	v5 =	vmul.f32 v5, v5  }
0xbd: {  	v11 =	vadd.s32 $0x1800, v14;
	v15 =	vsub.f32 v15, v6;
	v7 =	vadd.f32 v12, v7;
	v12 =	vld.idx.msk [tilespmem:v20+s1+$0x0], $0xffff  }
0xbe: {  	v29 =	vadd.s32 $0x1802, v14;
	v8 =	vmul.f32 $5.000000000e-01, v13;
	v18 =	vadd.f32 v5, v10;
	v10 =	vld.idx.msk [tilespmem:v28+s1+$0x0], $0xffff  }
0xbf: {  	v14 =	vmul.f32 $5.000000000e-01, v9;
	v13 =	vmul.f32 v15, v15;
	v9 =	vld.idx.msk [tilespmem:v23+s24+$0x0], $0xffff  }
0xc0: {  	v23 =	vmul.u32 $0x3, v25;
	v25 =	vld.idx.msk [tilespmem:v30+s1+$0x0], $0xffff  }
0xc1: {  	v26 =	vld.idx.msk [tilespmem:v26+s1+$0x0], $0xffff;
	v13 =	vadd.f32 v13, v7;
	v5 =	vmax.f32 v18, $1.000000020e-24  }
0xc2: {  	v11 =	vld.idx.msk [tilespmem:v11+s1+$0x0], $0xffff;
	v17 =	vsub.f32 v22, v17;
	v15 =	vmul.f32 $5.000000000e-01, v5;
	v20 =	vshra.s32 v5, $0x1  }
0xc3: {  	v5 =	vmul.f32 $5.000000000e-01, v16;
	v16 =	vsub.f32 v24, v27;
	v24 =	vld.idx.msk [tilespmem:v29+s1+$0x0], $0xffff;
	v27 =	vadd.s32 $0x1800, v23  }
0xc4: {  	v20 =	vsub.s32 $0x5F3759DF, v20;
	v7 =	vmul.f32 v17, v17;
	v10 =	vsub.f32 v19, v10  }
0xc5: {  	v9 =	vmul.u32 $0x3, v9;
	v12 =	vsub.f32 v25, v12;
	v25 =	vadd.s32 $0x1802, v23  }
0xc6: {  	s11 =	simm.s32 $0x31B0;
	v22 =	vmul.f32 v20, v15;
	v16 =	vmul.f32 v16, v16  }
0xc7: {  	v29 =	vld [tilespmem:s11+$0x0];
	v11 =	vsub.f32 v21, v11;
	v19 =	vmul.f32 v10, v10;
	v10 =	vadd.s32 $0x1, v23  }
0xc8: {  	v17 =	vmul.f32 v20, v22;
	v21 =	vsub.f32 v26, v24;
	v24 =	vadd.s32 $0x1801, v23;
	v26 =	vld.idx.msk [tilespmem:v23+s1+$0x0], $0xffff  }
0xc9: {  	s26 =	simm.s32 $0x40;
	v22 =	vmax.f32 v13, $1.000000020e-24;
	v7 =	vadd.f32 v7, v16;
	v27 =	vld.idx.msk [tilespmem:v27+s1+$0x0], $0xffff;
	v16 =	vadd.s32 $0x1, v9  }
0xca: {  	v43 =	vmov s26;
	v28 =	vshra.s32 v22, $0x1;
	v32 =	vadd.s32 $0x1800, v9;
	v25 =	vld.idx.msk [tilespmem:v25+s1+$0x0], $0xffff  }
0xcb: {  	v12 =	vmul.f32 v12, v12;
	v23 =	vadd.s32 $0x2, v23;
	v17 =	vsub.f32 $1.500000000e+00, v17;
	v31 =	vld.idx.msk [tilespmem:v9+s1+$0x0], $0xffff  }
0xcc: {  	s12 =	simm.s32 $0x30;
	v30 =	vadd.s32 $0x1801, v9;
	v33 =	vadd.s32 $0x2, v9;
	v22 =	vmul.f32 $5.000000000e-01, v22;
	v34 =	vld.idx.msk [tilespmem:v10+s1+$0x0], $0xffff  }
0xcd: {  	v28 =	vsub.s32 $0x5F3759DF, v28;
	v17 =	vmul.f32 v20, v17;
	v10 =	vmov s12;
	v20 =	vld.idx.msk [tilespmem:v24+s1+$0x0], $0xffff  }
0xce: {  	v9 =	vadd.s32 $0x1802, v9;
	v24 =	vmul.f32 v28, v22;
	v10 =	vshll.u32 v10, $0x1;
	v16 =	vld.idx.msk [tilespmem:v16+s1+$0x0], $0xffff  }
0xcf: {  	v11 =	vmul.f32 v11, v11;
	v35 =	vmul.f32 v17, v15;
	v32 =	vld.idx.msk [tilespmem:v32+s1+$0x0], $0xffff;
	v36 =	vor.u32 v2, v10  }
0xd0: {  	v21 =	vmul.f32 v21, v21;
	v23 =	vld.idx.msk [tilespmem:v23+s1+$0x0], $0xffff;
	v10 =	vadd.f32 v12, v7;
	v7 =	vmul.f32 v28, v24  }
0xd1: {  	v11 =	vadd.f32 v19, v11;
	v12 =	vld.idx.msk [tilespmem:v30+s1+$0x0], $0xffff;
	v19 =	vmul.f32 v35, v17;
	v24 =	vor.u32 $0x1, v36  }
0xd2: {  	v30 =	vld.idx.msk [tilespmem:v33+s1+$0x0], $0xffff;
	v52 =	vmax.f32 v10, $1.000000020e-24;
	v26 =	vsub.f32 v26, v31;
	v31 =	vsub.f32 $1.500000000e+00, v7  }
0xd3: {  	v7 =	vmul.f32 $5.000000000e-01, v29;
	v19 =	vsub.f32 $1.500000000e+00, v19;
	v9 =	vld.idx.msk [tilespmem:v9+s1+$0x0], $0xffff;
	v29 =	vshra.s32 v52, $0x1  }
0xd4: {  	v53 =	vmul.f32 $5.000000000e-01, v52;
	v29 =	vsub.s32 $0x5F3759DF, v29;
	v28 =	vmul.f32 v28, v31;
	v31 =	vld.idx.msk [tilespmem:v36+s24+$0x0], $0xffff  }
0xd5: {  	v16 =	vsub.f32 v34, v16;
	v26 =	vmul.f32 v26, v26;
	v17 =	vmul.f32 v19, v17  }
0xd6: {  	v19 =	vmul.f32 v29, v53;
	v20 =	vsub.f32 v20, v12;
	v12 =	vadd.f32 v21, v11  }
0xd7: {  	v23 =	vsub.f32 v23, v30;
	v24 =	vld.idx.msk [tilespmem:v24+s24+$0x0], $0xffff;
	v54 =	vmul.f32 v28, v22;
	v11 =	vmul.f32 v17, v15  }
0xd8: {  	v15 =	vmul.f32 v16, v16;
	v19 =	vmul.f32 v29, v19;
	v16 =	vsub.f32 v27, v32  }
0xd9: {  	v20 =	vmul.f32 v20, v20;
	v9 =	vsub.f32 v25, v9;
	v25 =	vmul.u32 $0x3, v31  }
0xda: {  	v21 =	vmax.f32 v12, $1.000000020e-24;
	v27 =	vmul.f32 v54, v28;
	v30 =	vmul.f32 v16, v16  }
0xdb: {  	v19 =	vsub.f32 $1.500000000e+00, v19;
	v31 =	vshra.s32 v21, $0x1;
	v16 =	vadd.s32 $0x1800, v25  }
0xdc: {  	v55 =	vmul.f32 v9, v9;
	v9 =	vmul.f32 v11, v17;
	v24 =	vmul.u32 $0x3, v24  }
0xdd: {  	v11 =	vadd.f32 v15, v26;
	v15 =	vmul.f32 v23, v23;
	v27 =	vsub.f32 $1.500000000e+00, v27  }
0xde: {  	v19 =	vmul.f32 v29, v19;
	v29 =	vadd.f32 v20, v30;
	v23 =	vadd.s32 $0x1, v25  }
0xdf: {  	v57 =	vadd.s32 $0x1801, v25;
	v37 =	vadd.s32 $0x2, v25;
	v27 =	vmul.f32 v27, v28;
	v39 =	vld.idx.msk [tilespmem:v25+s1+$0x0], $0xffff  }
0xe0: {  	s13 =	simm.s32 $0x31C0;
	v26 =	vadd.s32 $0x1, v24;
	v58 =	vadd.s32 $0x1801, v24;
	v42 =	vmul.f32 v19, v53;
	v41 =	vld.idx.msk [tilespmem:v16+s1+$0x0], $0xffff  }
0xe1: {  	v20 =	vmul.f32 v27, v22;
	v16 =	vmul.f32 $5.000000000e-01, v21;
	v21 =	vsub.f32 $1.500000000e+00, v9;
	v9 =	vld [tilespmem:s13+$0x0]  }
0xe2: {  	v11 =	vadd.f32 v15, v11;
	v28 =	vsub.s32 $0x5F3759DF, v31;
	v25 =	vadd.s32 $0x1802, v25;
	v31 =	vld.idx.msk [tilespmem:v24+s1+$0x0], $0xffff  }
0xe3: {  	v56 =	vadd.s32 $0x1800, v24;
	v42 =	vmul.f32 v42, v19;
	v22 =	vld.idx.msk [tilespmem:v23+s1+$0x0], $0xffff;
	v20 =	vmul.f32 v20, v27  }
0xe4: {  	v38 =	vadd.s32 $0x2, v24;
	v30 =	vmax.f32 v11, $1.000000020e-24;
	v23 =	vld.idx.msk [tilespmem:v57+s1+$0x0], $0xffff;
	v15 =	vmul.f32 v28, v16  }
0xe5: {  	v24 =	vadd.s32 $0x1802, v24;
	v42 =	vsub.f32 $1.500000000e+00, v42;
	v26 =	vld.idx.msk [tilespmem:v26+s1+$0x0], $0xffff;
	v20 =	vsub.f32 $1.500000000e+00, v20  }
0xe6: {  	v36 =	vld.idx.msk [tilespmem:v58+s1+$0x0], $0xffff;
	v61 =	vmul.f32 v21, v17;
	v17 =	vshra.s32 v30, $0x1;
	v59 =	vmul.f32 v28, v15  }
0xe7: {  	v44 =	vld.idx.msk [tilespmem:v25+s1+$0x0], $0xffff;
	v15 =	vmul.f32 $5.000000000e-01, v30;
	v25 =	vshll.u32 v43, $0x1;
	v27 =	vmul.f32 v20, v27  }
0xe8: {  	v40 =	vld [tilespmem:s3+$0x0];
	v20 =	vsub.s32 $0x5F3759DF, v17;
	v17 =	vmul.f32 v42, v19;
	v25 =	vor.u32 v2, v25  }
0xe9: {  	v6 =	vimm.f32 $0.0e+00;
	v33 =	vld.idx.msk [tilespmem:v56+s1+$0x0], $0xffff;
	v18 =	vmul.f32 v61, v18;
	v9 =	vmul.f32 $5.000000000e-01, v9  }
0xea: {  	v38 =	vld.idx.msk [tilespmem:v38+s1+$0x0], $0xffff;
	v31 =	vsub.f32 v39, v31;
	v60 =	vor.u32 $0x1, v25;
	v34 =	vsub.f32 $1.500000000e+00, v59  }
0xeb: {  	v24 =	vld.idx.msk [tilespmem:v24+s1+$0x0], $0xffff;
	v19 =	vmul.f32 v27, v13;
	v22 =	vsub.f32 v22, v26;
	v23 =	vsub.f32 v23, v36  }
0xec: {  	v13 =	vadd.f32 v55, v29;
	v29 =	vmul.f32 v17, v53;
	v21 =	vmul.f32 v28, v34;
	v28 =	vld.idx.msk [tilespmem:v37+s1+$0x0], $0xffff  }
0xed: {  	v42 =	vsub.f32 v18, v40;
	v30 =	vmul.f32 v31, v31;
	v63 =	vmul.f32 v22, v22;
	v27 =	vld.idx.msk [tilespmem:v25+s24+$0x0], $0xffff  }
0xee: {  	v22 =	vsub.f32 v19, v40;
	v19 =	vsub.f32 v41, v33;
	v36 =	vmax.f32 v13, $1.000000020e-24  }
0xef: {  	v26 =	vmul.f32 v23, v23;
	v46 =	vmul.f32 v42, v14;
	v34 =	vshra.s32 v36, $0x1  }
0xf0: {  	v25 =	vmul.f32 v20, v15;
	v31 =	vmul.f32 v21, v16;
	v23 =	vsub.f32 v44, v24;
	v62 =	vld.idx.msk [tilespmem:v60+s24+$0x0], $0xffff  }
0xf1: {  	v32 =	vmul.f32 v19, v19;
	v35 =	vadd.f32 v63, v30;
	v41 =	vmul.f32 v22, v14  }
0xf2: {  	v31 =	vmul.f32 v31, v21;
	v24 =	vsub.f32 v28, v38;
	v28 =	vmul.u32 $0x3, v27  }
0xf3: {  	v14 =	vimm.f32 $0.0e+00;
	v25 =	vmul.f32 v20, v25;
	v19 =	vmul.f32 v23, v23  }
0xf4: {  	v45 =	vsub.f32 $1.500000000e+00, v31;
	v27 =	vmul.f32 v29, v17;
	v44 =	vadd.s32 $0x1800, v28  }
0xf5: {  	v37 =	vmul.f32 v24, v24;
	v39 =	vmul.u32 $0x3, v62;
	v38 =	vadd.s32 $0x1, v28  }
0xf6: {  	s30 =	simm.s32 $0x3110;
	v40 =	vadd.s32 $0x1801, v28;
	v23 =	vadd.s32 $0x2, v28;
	v27 =	vsub.f32 $1.500000000e+00, v27  }
0xf7: {  	s5 =	simm.s32 $0x3120;
	s7 =	simm.s32 $0x31D0;
	v18 =	vld [tilespmem:s30+$0x0];
	v43 =	vadd.s32 $0x1802, v28;
	v29 =	vadd.s32 $0x1, v39;
	v24 =	vadd.s32 $0x1800, v39  }
0xf8: {  	s6 =	simm.s32 $0x50;
	s4 =	simm.s32 $0x3120;
	s3 =	simm.s32 $0x0;
	v30 =	vadd.s32 $0x1801, v39;
	v31 =	vadd.s32 $0x2, v39;
	v33 =	vld.idx.msk [tilespmem:v28+s1+$0x0], $0xffff;
	v28 =	vadd.s32 $0x1802, v39  }
.LBB3_2:
0xf9: {  	p0 =	sne.s32 s6, $0x70;
	v44 =	vld.idx.msk [tilespmem:v44+s3+$0x0], $0xffff  }
0xfa: {  	v26 =	vadd.f32 v26, v32;
	v32 =	vmul.f32 $5.000000000e-01, v36;
	s4 =	sadd.s32 $0x10, s4;
	v21 =	vmul.f32 v45, v21;
	v47 =	vmovc v7;
	v7 =	vmovc v9;
	s8 =	smov.u32 s6;
	s6 =	sadd.s32 $0x10, s6  }
0xfb: {  	v25 =	vsub.f32 $1.500000000e+00, v25;
	v34 =	vsub.s32 $0x5F3759DF, v34;
	v9 =	vld [tilespmem:s7+$0x0];
	v36 =	vmul.f32 v46, v42  }
0xfc: {  	v35 =	vadd.f32 v37, v35;
	v39 =	vld.idx.msk [tilespmem:v39+s3+$0x0], $0xffff;
	v37 =	vmul.f32 v34, v32;
	v42 =	vmul.f32 v21, v16  }
0xfd: {  	v25 =	vmul.f32 v20, v25;
	v20 =	vmul.f32 v41, v22;
	v38 =	vld.idx.msk [tilespmem:v38+s3+$0x0], $0xffff;
	v6 =	vadd.f32 v36, v6  }
0xfe: {  	v16 =	vmovc v32;
	v36 =	vmax.f32 v35, $1.000000020e-24;
	v22 =	vld.idx.msk [tilespmem:v40+s3+$0x0], $0xffff;
	v37 =	vmul.f32 v34, v37;
	v40 =	vmul.f32 v42, v21  }
0xff: {  	v32 =	vmov s8;
	v42 =	vmul.f32 $5.000000000e-01, v36;
	v41 =	vld.idx.msk [tilespmem:v43+s3+$0x0], $0xffff;
	v43 =	vmul.f32 v25, v15  }
0x100: {  	v32 =	vshll.u32 v32, $0x1;
	v14 =	vadd.f32 v20, v14;
	v9 =	vmul.f32 $5.000000000e-01, v9;
	v29 =	vld.idx.msk [tilespmem:v29+s3+$0x0], $0xffff  }
0x101: {  	v32 =	vor.u32 v2, v32;
	v40 =	vsub.f32 $1.500000000e+00, v40;
	v30 =	vld.idx.msk [tilespmem:v30+s3+$0x0], $0xffff;
	v20 =	vmul.f32 v43, v25  }
0x102: {  	v37 =	vsub.f32 $1.500000000e+00, v37;
	v43 =	vor.u32 $0x1, v32;
	v33 =	vsub.f32 v33, v39;
	v31 =	vld.idx.msk [tilespmem:v31+s3+$0x0], $0xffff  }
0x103: {  	v27 =	vmul.f32 v27, v17;
	v40 =	vmul.f32 v40, v21;
	v24 =	vld.idx.msk [tilespmem:v24+s3+$0x0], $0xffff;
	v39 =	vsub.f32 $1.500000000e+00, v20  }
0x104: {  	v17 =	vshra.s32 v36, $0x1;
	v21 =	vmul.f32 v34, v37;
	v33 =	vmul.f32 v33, v33;
	v28 =	vld.idx.msk [tilespmem:v28+s3+$0x0], $0xffff  }
0x105: {  	v20 =	vsub.s32 $0x5F3759DF, v17;
	v34 =	vmul.f32 v40, v12;
	v12 =	vmovc v13;
	v23 =	vld.idx.msk [tilespmem:v23+s3+$0x0], $0xffff;
	v17 =	vmul.f32 v39, v25  }
0x106: {  	v25 =	vsub.f32 v38, v29;
	v29 =	vmul.f32 v20, v42;
	v37 =	vld.idx.msk [tilespmem:v32+s24+$0x0], $0xffff;
	v32 =	vmul.f32 v21, v16  }
0x107: {  	v13 =	vadd.f32 v19, v26;
	v30 =	vsub.f32 v22, v30;
	v38 =	vld.idx.msk [tilespmem:v43+s24+$0x0], $0xffff;
	v39 =	vmul.f32 v17, v15  }
0x108: {  	v22 =	vsub.f32 v34, v18;
	v40 =	vmul.f32 v25, v25;
	v25 =	vmul.f32 v20, v29;
	v15 =	vmovc v42  }
0x109: {  	v19 =	vsub.f32 v44, v24;
	v26 =	vmul.f32 v30, v30;
	v24 =	vmul.f32 v27, v10;
	v10 =	vmovc v11  }
0x10a: {  	v36 =	vmax.f32 v13, $1.000000020e-24;
	v11 =	vmovc v35;
	v27 =	vsub.f32 v41, v28;
	v28 =	vmul.f32 v32, v21  }
0x10b: {  	v34 =	vshra.s32 v36, $0x1;
	v23 =	vsub.f32 v23, v31;
	v32 =	vmul.f32 v19, v19  }
0x10c: {  	v43 =	vmul.u32 $0x3, v37;
	v19 =	vmul.f32 v27, v27;
	v27 =	vmul.f32 v39, v17  }
0x10d: {  	v35 =	vadd.f32 v40, v33;
	v39 =	vmul.u32 $0x3, v38;
	v37 =	vmul.f32 v23, v23  }
.Ltmp0:
0x10e: {  	v42 =	vsub.f32 v24, v18;
	v38 =	vadd.s32 $0x1, v43;
	v44 =	vadd.s32 $0x1800, v43;
	(pc) =	sbr.rel @p0 .LBB3_2-.Ltmp0, $4  }
0x10f: {  	v45 =	vsub.f32 $1.500000000e+00, v28;
	v29 =	vadd.s32 $0x1, v39;
	v24 =	vadd.s32 $0x1800, v39  }
0x110: {  	v41 =	vmul.f32 v22, v8;
	v40 =	vadd.s32 $0x1801, v43;
	v30 =	vadd.s32 $0x1801, v39  }
0x111: {  	s3 =	simm.s32 $0x0;
	v23 =	vadd.s32 $0x2, v43;
	v27 =	vsub.f32 $1.500000000e+00, v27;
	v31 =	vadd.s32 $0x2, v39;
	v18 =	vld [tilespmem:s5+$0x0];
	s5 =	smov.u32 s4  }
0x112: {  	s7 =	sadd.s32 $0x10, s7;
	v46 =	vmul.f32 v42, v8;
	v8 =	vmovc v5;
	v5 =	vmovc v47;
	v28 =	vadd.s32 $0x1802, v39;
	v33 =	vld.idx.msk [tilespmem:v43+s3+$0x0], $0xffff;
	v43 =	vadd.s32 $0x1802, v43  }
0x113: {  	_ =	sdelay $0x3  }
0x114: {  	v44 =	vld.idx.msk [tilespmem:v44+s3+$0x0], $0xffff  }
0x115: {  	v39 =	vld.idx.msk [tilespmem:v39+s3+$0x0], $0xffff  }
0x116: {  	v38 =	vld.idx.msk [tilespmem:v38+s3+$0x0], $0xffff  }
0x117: {  	v40 =	vld.idx.msk [tilespmem:v40+s3+$0x0], $0xffff  }
0x118: {  	v25 =	vsub.f32 $1.500000000e+00, v25;
	v21 =	vmul.f32 v45, v21;
	v29 =	vld.idx.msk [tilespmem:v29+s3+$0x0], $0xffff  }
0x119: {  	v36 =	vmul.f32 $5.000000000e-01, v36;
	v57 =	vadd.f32 v37, v35;
	v22 =	vmul.f32 v41, v22;
	v30 =	vld.idx.msk [tilespmem:v30+s3+$0x0], $0xffff  }
0x11a: {  	v26 =	vadd.f32 v26, v32;
	v31 =	vld.idx.msk [tilespmem:v31+s3+$0x0], $0xffff;
	v17 =	vmul.f32 v27, v17;
	v20 =	vmul.f32 v20, v25  }
0x11b: {  	v24 =	vld.idx.msk [tilespmem:v24+s3+$0x0], $0xffff;
	v25 =	vsub.s32 $0x5F3759DF, v34;
	v34 =	vmul.f32 v46, v42;
	v54 =	vmul.f32 v21, v16  }
0x11c: {  	v23 =	vld.idx.msk [tilespmem:v23+s3+$0x0], $0xffff;
	v62 =	vmax.f32 v57, $1.000000020e-24;
	v19 =	vadd.f32 v19, v26;
	v10 =	vmul.f32 v17, v10  }
0x11d: {  	v55 =	vmul.f32 v25, v36;
	v63 =	vmul.f32 $5.000000000e-01, v62;
	v27 =	vshra.s32 v62, $0x1  }
0x11e: {  	v56 =	vmul.f32 v20, v15;
	v58 =	vmul.f32 v54, v21;
	v27 =	vsub.s32 $0x5F3759DF, v27  }
0x11f: {  	v60 =	vmul.f32 v25, v55;
	v33 =	vsub.f32 v33, v39;
	v38 =	vsub.f32 v38, v29  }
0x120: {  	v29 =	vmul.f32 v27, v63;
	v30 =	vsub.f32 v40, v30;
	v24 =	vsub.f32 v44, v24  }
0x121: {  	v59 =	vld.idx.msk [tilespmem:v43+s3+$0x0], $0xffff;
	v23 =	vsub.f32 v23, v31;
	v61 =	vmul.f32 v56, v20;
	v35 =	vsub.f32 $1.500000000e+00, v58  }
0x122: {  	v28 =	vld.idx.msk [tilespmem:v28+s3+$0x0], $0xffff;
	v32 =	vsub.f32 $1.500000000e+00, v60;
	v33 =	vmul.f32 v33, v33;
	v26 =	vmul.f32 v27, v29  }
0x123: {  	v29 =	vmul.f32 v30, v30;
	v24 =	vmul.f32 v24, v24;
	v41 =	vsub.f32 $1.500000000e+00, v61  }
0x124: {  	v23 =	vmul.f32 v23, v23;
	v21 =	vmul.f32 v35, v21  }
0x125: {  	v10 =	vsub.f32 v10, v18;
	v25 =	vmul.f32 v25, v32;
	v20 =	vmul.f32 v41, v20  }
0x126: {  	v26 =	vsub.f32 $1.500000000e+00, v26;
	v12 =	vmul.f32 v21, v12;
	v21 =	vmul.f32 v38, v38  }
0x127: {  	v41 =	vsub.f32 v59, v28;
	v28 =	vmax.f32 v19, $1.000000020e-24;
	v32 =	vmul.f32 v25, v36  }
0x128: {  	v24 =	vadd.f32 v29, v24;
	v31 =	vshra.s32 v28, $0x1;
	v28 =	vmul.f32 $5.000000000e-01, v28  }
0x129: {  	v26 =	vmul.f32 v27, v26;
	v21 =	vadd.f32 v21, v33;
	v30 =	vmul.f32 v32, v25  }
0x12a: {  	v40 =	vmul.f32 v20, v15;
	v12 =	vsub.f32 v12, v18;
	v17 =	vmul.f32 v41, v41  }
0x12b: {  	v43 =	vsub.s32 $0x5F3759DF, v31;
	v21 =	vadd.f32 v23, v21;
	v42 =	vsub.f32 $1.500000000e+00, v30  }
0x12c: {  	v29 =	vmul.f32 v12, v8;
	v8 =	vmul.f32 v10, v8;
	v17 =	vadd.f32 v17, v24  }
0x12d: {  	v24 =	vmul.f32 v43, v28;
	v18 =	vmul.f32 v42, v25;
	v25 =	vmax.f32 v21, $1.000000020e-24  }
0x12e: {  	v31 =	vmax.f32 v17, $1.000000020e-24;
	v30 =	vmul.f32 $5.000000000e-01, v25;
	v25 =	vshra.s32 v25, $0x1  }
0x12f: {  	v44 =	vshra.s32 v31, $0x1;
	v31 =	vmul.f32 $5.000000000e-01, v31;
	v25 =	vsub.s32 $0x5F3759DF, v25  }
0x130: {  	v24 =	vmul.f32 v43, v24;
	v32 =	vsub.s32 $0x5F3759DF, v44;
	v45 =	vmul.f32 v25, v30  }
0x131: {  	v8 =	vmul.f32 v8, v10;
	v46 =	vmul.f32 v32, v31  }
0x132: {  	v10 =	vmul.f32 v26, v63;
	v24 =	vsub.f32 $1.500000000e+00, v24;
	v27 =	vmul.f32 v25, v45  }
0x133: {  	v47 =	vmul.f32 v18, v36;
	v35 =	vmul.f32 v32, v46  }
0x134: {  	v15 =	vmul.f32 v40, v20;
	v23 =	vmul.f32 v43, v24;
	v27 =	vsub.f32 $1.500000000e+00, v27  }
0x135: {  	v10 =	vmul.f32 v10, v26;
	v33 =	vmul.f32 v47, v18;
	v24 =	vsub.f32 $1.500000000e+00, v35  }
0x136: {  	v25 =	vmul.f32 v25, v27;
	v27 =	vmul.f32 v23, v28  }
0x137: {  	v12 =	vmul.f32 v29, v12;
	v10 =	vsub.f32 $1.500000000e+00, v10;
	v24 =	vmul.f32 v32, v24  }
0x138: {  	v29 =	vsub.f32 $1.500000000e+00, v33;
	v48 =	vmul.f32 v25, v30;
	v27 =	vmul.f32 v27, v23  }
0x139: {  	v15 =	vsub.f32 $1.500000000e+00, v15;
	v10 =	vmul.f32 v10, v26;
	v49 =	vmul.f32 v24, v31  }
0x13a: {  	v18 =	vmul.f32 v29, v18;
	v29 =	vmul.f32 v48, v25;
	v26 =	vsub.f32 $1.500000000e+00, v27  }
0x13b: {  	v27 =	vmul.f32 v49, v24  }
0x13c: {  	v15 =	vmul.f32 v15, v20;
	v50 =	vsub.f32 $1.500000000e+00, v29;
	v23 =	vmul.f32 v26, v23  }
0x13d: {  	v51 =	vld [tilespmem:s5+$0x0];
	v13 =	vmul.f32 v18, v13;
	v29 =	vmul.f32 v10, v63;
	v26 =	vsub.f32 $1.500000000e+00, v27  }
0x13e: {  	v6 =	vadd.f32 v34, v6;
	v52 =	vmul.f32 v50, v25;
	v53 =	vmul.f32 v23, v28  }
0x13f: {  	v14 =	vadd.f32 v22, v14;
	v24 =	vmul.f32 v26, v24;
	v25 =	vmul.f32 v29, v10  }
0x140: {  	v6 =	vadd.f32 v8, v6;
	v26 =	vmul.f32 v52, v30;
	v18 =	vmul.f32 v53, v23  }
0x141: {  	s4 =	sadd.s32 $0x10, s4;
	v11 =	vmul.f32 v15, v11;
	v54 =	vmul.f32 v24, v31;
	v25 =	vsub.f32 $1.500000000e+00, v25  }
0x142: {  	v55 =	vld [tilespmem:s4+$0x0];
	v13 =	vsub.f32 v13, v51;
	v26 =	vmul.f32 v26, v52;
	v18 =	vsub.f32 $1.500000000e+00, v18  }
0x143: {  	v11 =	vsub.f32 v11, v51;
	v22 =	vmul.f32 v54, v24;
	v10 =	vmul.f32 v25, v10  }
0x144: {  	s4 =	sadd.s32 $0x10, s4;
	v27 =	vmul.f32 v13, v5;
	v25 =	vsub.f32 $1.500000000e+00, v26;
	v18 =	vmul.f32 v18, v23  }
0x145: {  	v56 =	vld [tilespmem:s4+$0x0];
	v5 =	vmul.f32 v11, v5;
	v22 =	vsub.f32 $1.500000000e+00, v22;
	v8 =	vmul.f32 v10, v57  }
0x146: {  	v10 =	vmul.f32 v25, v52;
	v57 =	vmul.f32 v18, v19  }
0x147: {  	v5 =	vmul.f32 v5, v11;
	v58 =	vmul.f32 v22, v24;
	v8 =	vsub.f32 v8, v55  }
0x148: {  	v12 =	vadd.f32 v12, v14;
	v10 =	vmul.f32 v10, v21;
	v59 =	vsub.f32 v57, v55  }
0x149: {  	v5 =	vadd.f32 v5, v6;
	v60 =	vmul.f32 v58, v17;
	v6 =	vmul.f32 v8, v7  }
0x14a: {  	v11 =	vmul.f32 v27, v13;
	v10 =	vsub.f32 v10, v56;
	v7 =	vmul.f32 v59, v7  }
0x14b: {  	v61 =	vsub.f32 v60, v56;
	v6 =	vmul.f32 v6, v8;
	v8 =	vmov s3  }
0x14c: {  	p2 =	por $0x1, $0x1;
	v63 =	vmul.u32 $0x3, v8;
	v62 =	vmul.f32 v10, v9  }
.Ltmp1:
0x14d: {  	v11 =	vadd.f32 v11, v12;
	v7 =	vmul.f32 v7, v59;
	v9 =	vmul.f32 v61, v9;
	(pc) =	sbr.rel @!p2 .LBB3_4-.Ltmp1, $4  }
0x14e: {  	v5 =	vadd.f32 v6, v5;
	v24 =	vbroadcast v63, $0x0  }
0x14f: {  	s7 =	simm.s32 $0x3600;
	s8 =	simm.s32 $0x3700;
	v6 =	vmul.f32 v62, v10;
	v7 =	vadd.f32 v7, v11;
	v9 =	vmul.f32 v9, v61  }
0x150: {  	s6 =	simm.s32 $0x3800;
	s26 =	simm.s32 $0x3900;
	s5 =	simm.s32 $0x10  }
0x151: {  	p1 =	por $0x0, $0x0;
	p0 =	por $0x0, $0x0;
	s4 =	simm.s32 $0x3500;
	v29 =	vadd.s32 v1, v24;
	v6 =	vadd.f32 v6, v5;
	v7 =	vadd.f32 v9, v7  }
0x152: {  	_ =	sdelay $0x1  }
0x153: {  	v5 =	vadd.s32 v3, v24;
	_ =	sdelay $0x1  }
0x154: {  	v9 =	vadd.s32 v4, v24;
	v10 =	vld.idx.msk [tilespmem:v29+s25+$0x0], $0xffff;
	_ =	sdelay $0x2  }
0x155: {  	v5 =	vld.idx.msk [tilespmem:v5+s25+$0x0], $0xffff;
	_ =	sdelay $0x1  }
0x156: {  	v9 =	vld.idx.msk [tilespmem:v9+s25+$0x0], $0xffff;
	v10 =	vmul.u32 $0x3, v10;
	_ =	sdelay $0x1  }
0x157: {  	v11 =	vadd.s32 $0x1802, v10  }
0x158: {  	v12 =	vadd.s32 $0x1800, v10;
	v5 =	vmul.u32 $0x3, v5  }
0x159: {  	v13 =	vadd.s32 $0x1801, v10  }
0x15a: {  	v9 =	vmul.u32 $0x3, v9;
	v14 =	vadd.s32 $0x1800, v5  }
0x15b: {  	v15 =	vadd.s32 $0x1801, v5  }
0x15c: {  	v11 =	vld.idx.msk [tilespmem:v11+s3+$0x0], $0xffff;
	v16 =	vadd.s32 $0x1800, v9  }
0x15d: {  	v12 =	vld.idx.msk [tilespmem:v12+s3+$0x0], $0xffff;
	v17 =	vadd.s32 $0x1801, v9  }
0x15e: {  	v18 =	vadd.s32 $0x1802, v5;
	v13 =	vld.idx.msk [tilespmem:v13+s3+$0x0], $0xffff  }
0x15f: {  	v19 =	vadd.s32 $0x1802, v9;
	v14 =	vld.idx.msk [tilespmem:v14+s3+$0x0], $0xffff  }
0x160: {  	v15 =	vld.idx.msk [tilespmem:v15+s3+$0x0], $0xffff  }
0x161: {  	v20 =	vld.idx.msk [tilespmem:v16+s3+$0x0], $0xffff  }
0x162: {  	v21 =	vld.idx.msk [tilespmem:v17+s3+$0x0], $0xffff  }
0x163: {  	v22 =	vld.idx.msk [tilespmem:v18+s3+$0x0], $0xffff  }
0x164: {  	v23 =	vld.idx.msk [tilespmem:v19+s3+$0x0], $0xffff;
	_ =	sdelay $0x1  }
0x165: {  	v24 =	vadd.s32 $0x1, v10;
	v16 =	vsub.f32 v12, v14;
	v17 =	vsub.f32 v13, v15  }
0x166: {  	v12 =	vadd.s32 $0x1, v5;
	v18 =	vsub.f32 v20, v14;
	v20 =	vsub.f32 v21, v15  }
0x167: {  	v19 =	vsub.f32 v11, v22;
	v13 =	vmul.f32 v16, v16;
	v11 =	vmul.f32 v17, v17  }
0x168: {  	v21 =	vsub.f32 v23, v22;
	v14 =	vmul.f32 v18, v18;
	v15 =	vmul.f32 v20, v20  }
0x169: {  	v22 =	vld.idx.msk [tilespmem:v10+s3+$0x0], $0xffff;
	v10 =	vadd.s32 $0x2, v10;
	v23 =	vadd.s32 $0x1, v9;
	v25 =	vmul.f32 v19, v19  }
0x16a: {  	v24 =	vld.idx.msk [tilespmem:v24+s3+$0x0], $0xffff;
	v11 =	vadd.f32 v11, v13;
	v13 =	vadd.f32 v15, v14;
	v14 =	vmul.f32 v21, v21  }
0x16b: {  	v26 =	vld.idx.msk [tilespmem:v5+s3+$0x0], $0xffff;
	v5 =	vadd.s32 $0x2, v5  }
0x16c: {  	v15 =	vld.idx.msk [tilespmem:v9+s3+$0x0], $0xffff;
	v9 =	vadd.s32 $0x2, v9;
	v11 =	vadd.f32 v25, v11;
	v13 =	vadd.f32 v14, v13  }
0x16d: {  	v12 =	vld.idx.msk [tilespmem:v12+s3+$0x0], $0xffff  }
0x16e: {  	v10 =	vld.idx.msk [tilespmem:v10+s3+$0x0], $0xffff;
	v11 =	vmul.f32 v13, v11  }
0x16f: {  	v14 =	vld.idx.msk [tilespmem:v23+s3+$0x0], $0xffff  }
0x170: {  	v5 =	vld.idx.msk [tilespmem:v5+s3+$0x0], $0xffff;
	v11 =	vmax.f32 v11, $1.000000020e-24  }
0x171: {  	v9 =	vld.idx.msk [tilespmem:v9+s3+$0x0], $0xffff;
	v13 =	vshra.s32 v11, $0x1;
	v11 =	vmul.f32 $5.000000000e-01, v11  }
0x172: {  	v22 =	vsub.f32 v22, v26;
	v13 =	vsub.s32 $0x5F3759DF, v13  }
0x173: {  	v23 =	vsub.f32 v24, v12;
	v24 =	vmul.f32 v13, v11  }
0x174: {  	v25 =	vmul.f32 v22, v22;
	v15 =	vsub.f32 v15, v26;
	v12 =	vsub.f32 v14, v12  }
0x175: {  	v10 =	vsub.f32 v10, v5;
	v14 =	vmul.f32 v23, v23;
	v24 =	vmul.f32 v13, v24  }
0x176: {  	v26 =	vmul.f32 v15, v15;
	v27 =	vmul.f32 v12, v12;
	v5 =	vsub.f32 v9, v5  }
0x177: {  	v9 =	vadd.f32 v14, v25;
	v14 =	vsub.f32 $1.500000000e+00, v24  }
0x178: {  	v25 =	vadd.f32 v27, v26;
	v26 =	vmul.f32 v5, v5;
	v24 =	vmul.f32 v10, v10  }
0x179: {  	v13 =	vmul.f32 v13, v14  }
0x17a: {  	v9 =	vadd.f32 v24, v9;
	v14 =	vadd.f32 v26, v25  }
0x17b: {  	v15 =	vmul.f32 v15, v22;
	v22 =	vmul.f32 v13, v11  }
0x17c: {  	v12 =	vmul.f32 v12, v23;
	v9 =	vmul.f32 v14, v9  }
0x17d: {  	v14 =	vmov s5;
	v22 =	vmul.f32 v22, v13  }
0x17e: {  	p2 =	por $0x1, $0x1;
	v15 =	vadd.f32 v12, v15;
	v14 =	vmul.u32 $0x3, v14;
	v9 =	vmax.f32 v9, $1.000000020e-24  }
.Ltmp2:
0x17f: {  	v23 =	vshra.s32 v9, $0x1;
	v12 =	vmul.f32 $5.000000000e-01, v9;
	v9 =	vsub.f32 $1.500000000e+00, v22;
	(pc) =	sbr.rel @!p2 .LBB3_6-.Ltmp2, $4  }
0x180: {  	v5 =	vmul.f32 v5, v10;
	v24 =	vbroadcast v14, $0x0;
	v25 =	vsub.s32 $0x5F3759DF, v23  }
0x181: {  	v10 =	vmul.f32 v25, v12;
	v27 =	vmul.f32 v9, v13  }
0x182: {  	v5 =	vadd.f32 v5, v15  }
0x183: {  	s9 =	simm.s32 $0x20;
	p1 =	por $0x1, $0x1;
	v29 =	vadd.s32 v1, v24;
	v31 =	vmul.f32 v25, v10;
	v36 =	vmul.f32 v27, v11  }
0x184: {  	_ =	sdelay $0x1  }
0x185: {  	v9 =	vmul.f32 v18, v16  }
0x186: {  	v10 =	vmul.f32 v20, v17;
	v11 =	vmul.f32 v36, v27  }
0x187: {  	v13 =	vadd.s32 v3, v24;
	v14 =	vld.idx.msk [tilespmem:v29+s25+$0x0], $0xffff;
	v16 =	vadd.s32 v4, v24  }
0x188: {  	v9 =	vadd.f32 v10, v9;
	v10 =	vmul.f32 v21, v19;
	v19 =	vld [tilespmem:s26+$0x0];
	v11 =	vsub.f32 $1.500000000e+00, v11  }
0x189: {  	v15 =	vsub.f32 $1.500000000e+00, v31  }
0x18a: {  	v9 =	vadd.f32 v10, v9;
	v10 =	vmul.f32 v11, v27  }
0x18b: {  	v15 =	vmul.f32 v25, v15  }
0x18c: {  	v11 =	vld.idx.msk [tilespmem:v13+s25+$0x0], $0xffff;
	v14 =	vmul.u32 $0x3, v14;
	v9 =	vmul.f32 v10, v9  }
0x18d: {  	v13 =	vld.idx.msk [tilespmem:v16+s25+$0x0], $0xffff;
	v10 =	vmul.f32 v15, v12;
	v16 =	vcvt.s32.f32 v19  }
0x18e: {  	v17 =	vadd.s32 $0x1802, v14;
	v20 =	vadd.s32 $0x1800, v14;
	vm4 =	veq.s32 v19, $0x1  }
0x18f: {  	v23 =	vadd.s32 $0x1801, v14;
	vm1 =	veq.s32 v19, $0x2;
	v9 =	vmax.f32 v9, $-9.999989860e-01  }
0x190: {  	vm2 =	veq.s32 v19, $0x3;
	vm3 =	veq.s32 v19, $0x4;
	v9 =	vmin.f32 v9, $9.999989860e-01  }
0x191: {  	v16 =	vmul.f32 v16, v16;
	v21 =	vmul.u32 $0x3, v11;
	v18 =	vmul.f32 v9, v9  }
0x192: {  	v27 =	vld [tilespmem:s8+$0x0];
	v35 =	vadd.s32 $0x2, v14;
	v22 =	vmul.f32 v10, v15;
	v25 =	vmul.u32 $0x3, v13  }
0x193: {  	v10 =	vld [tilespmem:s7+$0x0];
	v16 =	vmax.f32 v16, $1.000000000e+00;
	v13 =	vadd.s32 $0x1800, v21;
	v24 =	vsub.f32 $1.000000000e+00, v18  }
0x194: {  	vm0 =	vgt.s32 v19, $0x0;
	v11 =	vld [tilespmem:s6+$0x0];
	(erf) = vrcp.f32 v16;
	v16 =	vadd.s32 $0x1801, v21  }
0x195: {  	v28 =	vld.idx.msk [tilespmem:v17+s3+$0x0], $0xffff;
	v29 =	vadd.s32 $0x1800, v25;
	v26 =	vmul.f32 $6.000000000e+00, v18;
	v24 =	vmax.f32 v24, $9.999999960e-13  }
0x196: {  	v34 =	vsub.f32 $0.0e+00, v9;
	v20 =	vld.idx.msk [tilespmem:v20+s3+$0x0], $0xffff;
	v31 =	vadd.s32 $0x1801, v25;
	v30 =	vmul.f32 $3.000000000e+00, v24  }
0x197: {  	v17 =	vadd.s32 $0x1802, v21;
	v23 =	vld.idx.msk [tilespmem:v23+s3+$0x0], $0xffff;
	v32 =	vmul.f32 v18, v18;
	v26 =	vmul.f32 v24, v26  }
0x198: {  	v22 =	vsub.f32 $1.500000000e+00, v22;
	v33 =	vadd.s32 $0x1802, v25;
	v13 =	vld.idx.msk [tilespmem:v13+s3+$0x0], $0xffff;
	v30 =	vsub.f32 v18, v30  }
0x199: {  	v52 =	vld.idx.msk [tilespmem:v16+s3+$0x0], $0xffff;
	v18 =	vsub.f32 v18, v24;
	v26 =	vsub.f32 v32, v26;
	v24 =	vmul.f32 v24, v24  }
0x19a: {  	v55 =	vadd.s32 $0x2, v21;
	v29 =	vld.idx.msk [tilespmem:v29+s3+$0x0], $0xffff;
	v16 =	vmul.f32 v30, v9;
	v30 =	vnsel vm4, $0x0, v34  }
0x19b: {  	v24 =	vadd.f32 v26, v24;
	v9 =	vmul.f32 v9, v27;
	v26 =	vsel vm1, v18, v30;
	v30 =	vld.idx.msk [tilespmem:v31+s3+$0x0], $0xffff  }
0x19c: {  	v37 =	vadd.s32 $0x1, v25;
	v15 =	vmul.f32 v22, v15;
	v53 =	vld.idx.msk [tilespmem:v17+s3+$0x0], $0xffff;
	v16 =	vsel vm2, v16, v26  }
0x19d: {  	v18 =	vmul.f32 v18, v11;
	v17 =	vadd.f32 v9, v10;
	v16 =	vsel vm3, v24, v16;
	v24 =	vld.idx.msk [tilespmem:v33+s3+$0x0], $0xffff  }
0x19e: {  	v12 =	vmul.f32 v15, v12;
	v54 =	vsub.f32 $1.000000000e+00, v16;
	v16 =	vsub.f32 v20, v13  }
0x19f: {  	v31 =	vadd.s32 $0x1, v21;
	v38 =	vadd.f32 v18, v17;
	v17 =	vsub.f32 v23, v52  }
0x1a0: {  	v26 =	vadd.s32 $0x1, v14;
	v18 =	vsub.f32 v29, v13;
	v20 =	vsub.f32 v30, v52  }
0x1a1: {  	v14 =	vld.idx.msk [tilespmem:v14+s3+$0x0], $0xffff;
	v19 =	vsub.f32 v28, v53;
	v29 =	vmul.f32 v16, v16;
	v28 =	vmul.f32 v17, v17  }
0x1a2: {  	v23 =	vld.idx.msk [tilespmem:v21+s3+$0x0], $0xffff;
	v21 =	vsub.f32 v24, v53;
	v24 =	vmul.f32 v18, v18;
	v32 =	vmul.f32 v20, v20  }
0x1a3: {  	v12 =	vmul.f32 v12, v15;
	v30 =	vld.idx.msk [tilespmem:v25+s3+$0x0], $0xffff;
	v28 =	vadd.f32 v28, v29  }
0x1a4: {  	v29 =	vld.idx.msk [tilespmem:v31+s3+$0x0], $0xffff;
	v31 =	vmul.f32 v19, v19;
	v24 =	vadd.f32 v32, v24;
	v56 =	vmul.f32 v21, v21  }
0x1a5: {  	v12 =	vsub.f32 $1.500000000e+00, v12;
	v25 =	vadd.s32 $0x2, v25;
	v26 =	vld.idx.msk [tilespmem:v26+s3+$0x0], $0xffff  }
0x1a6: {  	v57 =	vld.idx.msk [tilespmem:v37+s3+$0x0], $0xffff;
	v28 =	vadd.f32 v31, v28;
	v24 =	vadd.f32 v56, v24  }
0x1a7: {  	v12 =	vmul.f32 v12, v15  }
0x1a8: {  	v35 =	vld.idx.msk [tilespmem:v35+s3+$0x0], $0xffff;
	v13 =	vpop (erf);
	v31 =	vsub.f32 v14, v23;
	v23 =	vsub.f32 v30, v23;
	v24 =	vmul.f32 v24, v28  }
0x1a9: {  	v22 =	vld.idx.msk [tilespmem:v55+s3+$0x0], $0xffff;
	v5 =	vmul.f32 v12, v5;
	v33 =	vmul.f32 v54, v13  }
0x1aa: {  	v25 =	vld.idx.msk [tilespmem:v25+s3+$0x0], $0xffff;
	v26 =	vsub.f32 v26, v29;
	v30 =	vmul.f32 v23, v23;
	v24 =	vmax.f32 v24, $1.000000020e-24  }
0x1ab: {  	v29 =	vsub.f32 v57, v29;
	v58 =	vshra.s32 v24, $0x1;
	v59 =	vmul.f32 $5.000000000e-01, v24  }
0x1ac: {  	v23 =	vmul.f32 v23, v31;
	v28 =	vmul.f32 v31, v31;
	v31 =	vsub.s32 $0x5F3759DF, v58  }
0x1ad: {  	v9 =	vld [tilespmem:s4+$0x0];
	v5 =	vmax.f32 v5, $-9.999989860e-01;
	v60 =	vmul.f32 v26, v26;
	v61 =	vmul.f32 v31, v59  }
0x1ae: {  	v33 =	vsel vm0, v33, v38;
	v34 =	vmul.f32 v29, v29;
	v24 =	vsub.f32 v35, v22  }
0x1af: {  	v22 =	vsub.f32 v25, v22;
	v25 =	vadd.f32 v60, v28;
	v28 =	vmul.f32 v31, v61  }
0x1b0: {  	vm0 =	vmmov vm0;
	v26 =	vmul.f32 v29, v26;
	v15 =	vadd.f32 v34, v30  }
0x1b1: {  	v35 =	vmul.f32 v24, v24;
	v29 =	vmul.f32 v22, v22;
	v28 =	vsub.f32 $1.500000000e+00, v28  }
0x1b2: {  	v33 =	vmul.f32 v33, v9;
	v12 =	vadd.f32 v26, v23;
	v22 =	vmul.f32 v22, v24  }
0x1b3: {  	v25 =	vadd.f32 v35, v25;
	v15 =	vadd.f32 v29, v15;
	v23 =	vmul.f32 v31, v28  }
0x1b4: {  	v14 =	vadd.f32 v33, v7;
	v26 =	vmin.f32 v5, $9.999989860e-01;
	v24 =	vmov s9  }
0x1b5: {  	v5 =	vadd.f32 v22, v12;
	v15 =	vmul.f32 v15, v25;
	v12 =	vmul.f32 v23, v59  }
0x1b6: {  	v24 =	vmul.u32 $0x3, v24;
	v29 =	vsub.f32 $0.0e+00, v26;
	v22 =	vmul.f32 v26, v27  }
0x1b7: {  	v28 =	vmul.f32 v26, v26;
	v15 =	vmax.f32 v15, $1.000000020e-24;
	v27 =	vmul.f32 v12, v23  }
0x1b8: {  	p3 =	por $0x1, $0x1;
	v24 =	vbroadcast v24, $0x0;
	v25 =	vshra.s32 v15, $0x1;
	v12 =	vmul.f32 $5.000000000e-01, v15  }
.Ltmp3:
0x1b9: {  	v25 =	vsub.s32 $0x5F3759DF, v25;
	v31 =	vsub.f32 $1.000000000e+00, v28;
	v15 =	vsub.f32 $1.500000000e+00, v27;
	(pc) =	sbr.rel @!p3 .LBB3_8-.Ltmp3, $4  }
0x1ba: {  	v30 =	vnsel vm4, $0x0, v29;
	v62 =	vmul.f32 $6.000000000e+00, v28;
	v63 =	vmul.f32 v25, v12  }
0x1bb: {  	s13 =	simm.s32 $0x30;
	v33 =	vmul.f32 v28, v28;
	v32 =	vmax.f32 v31, $9.999999960e-13;
	v27 =	vmul.f32 v15, v23  }
0x1bc: {  	p2 =	por $0x1, $0x1;
	s10 =	simm.s32 $0x3900;
	s30 =	simm.s32 $0x3500;
	v29 =	vadd.s32 v1, v24;
	v34 =	vmul.f32 $3.000000000e+00, v32;
	v31 =	vmul.f32 v25, v63  }
0x1bd: {  	s12 =	simm.s32 $0x3800;
	s11 =	simm.s32 $0x3700;
	s9 =	simm.s32 $0x3600;
	v35 =	vmul.f32 v32, v62;
	v23 =	vsub.f32 v28, v32;
	v36 =	vmul.f32 v27, v59;
	v15 =	vmovc v6  }
.LBB3_9:
0x1be: {  	p3 =	sne.s32 s13, $0xF0;
	v31 =	vsub.f32 $1.500000000e+00, v31;
	v16 =	vmul.f32 v18, v16;
	v18 =	vsub.f32 v28, v34  }
0x1bf: {  	v28 =	vadd.s32 v3, v24;
	v17 =	vmul.f32 v20, v17;
	v20 =	vmul.f32 v36, v27  }
0x1c0: {  	v24 =	vadd.s32 v4, v24;
	v33 =	vsub.f32 v33, v35;
	v31 =	vmul.f32 v25, v31  }
0x1c1: {  	s10 =	sadd.s32 $0x10, s10;
	v16 =	vadd.f32 v17, v16;
	v17 =	vmul.f32 v21, v19;
	v29 =	vld.idx.msk [tilespmem:v29+s25+$0x0], $0xffff;
	v19 =	vsub.f32 $1.500000000e+00, v20  }
0x1c2: {  	v32 =	vmul.f32 v32, v32;
	v30 =	vsel vm1, v23, v30;
	v20 =	vld [tilespmem:s10+$0x0];
	v21 =	vmul.f32 v31, v12  }
0x1c3: {  	v18 =	vmul.f32 v18, v26;
	v16 =	vadd.f32 v17, v16;
	v17 =	vmul.f32 v19, v27  }
0x1c4: {  	v25 =	vmul.f32 v23, v11;
	v11 =	vadd.f32 v33, v32;
	v19 =	vld.idx.msk [tilespmem:v28+s25+$0x0], $0xffff;
	v21 =	vmul.f32 v21, v31  }
0x1c5: {  	v26 =	vadd.f32 v22, v10;
	v10 =	vsel vm2, v18, v30;
	v16 =	vmul.f32 v17, v16  }
0x1c6: {  	v10 =	vsel vm3, v11, v10;
	v17 =	vld.idx.msk [tilespmem:v24+s25+$0x0], $0xffff;
	v18 =	vsub.f32 $1.500000000e+00, v21  }
0x1c7: {  	v21 =	vmul.u32 $0x3, v29;
	v11 =	vcvt.s32.f32 v20;
	v16 =	vmax.f32 v16, $-9.999989860e-01  }
0x1c8: {  	v27 =	vsub.f32 $1.000000000e+00, v10;
	v22 =	vmul.f32 v18, v31;
	v16 =	vmin.f32 v16, $9.999989860e-01  }
0x1c9: {  	s30 =	sadd.s32 $0x10, s30;
	v18 =	vadd.s32 $0x1802, v21;
	v11 =	vmul.f32 v11, v11;
	v28 =	vmul.f32 v16, v16  }
0x1ca: {  	s9 =	sadd.s32 $0x10, s9;
	vm4 =	veq.s32 v20, $0x1;
	v29 =	vadd.s32 $0x1800, v21;
	v19 =	vmul.u32 $0x3, v19;
	v23 =	vld [tilespmem:s30+$0x0]  }
0x1cb: {  	s12 =	sadd.s32 $0x10, s12;
	v30 =	vadd.s32 $0x1801, v21;
	v10 =	vld [tilespmem:s9+$0x0];
	v24 =	vmax.f32 v11, $1.000000000e+00;
	v31 =	vsub.f32 $1.000000000e+00, v28  }
0x1cc: {  	s11 =	sadd.s32 $0x10, s11;
	v32 =	vmul.u32 $0x3, v17;
	v17 =	vadd.s32 $0x1800, v19;
	v11 =	vld [tilespmem:s12+$0x0];
	(erf) = vrcp.f32 v24  }
0x1cd: {  	v33 =	vadd.s32 $0x1801, v19;
	v34 =	vmul.f32 $6.000000000e+00, v28;
	v24 =	vld [tilespmem:s11+$0x0];
	v31 =	vmax.f32 v31, $9.999999960e-13  }
0x1ce: {  	v36 =	vadd.s32 $0x1800, v32;
	v35 =	vld.idx.msk [tilespmem:v18+s3+$0x0], $0xffff;
	v18 =	vadd.s32 $0x1802, v19;
	v37 =	vmul.f32 $3.000000000e+00, v31  }
0x1cf: {  	v39 =	vmul.f32 v28, v28;
	v38 =	vadd.s32 $0x1801, v32;
	v34 =	vmul.f32 v31, v34;
	v29 =	vld.idx.msk [tilespmem:v29+s3+$0x0], $0xffff  }
0x1d0: {  	v41 =	vsub.f32 $0.0e+00, v16;
	v40 =	vadd.s32 $0x1802, v32;
	v30 =	vld.idx.msk [tilespmem:v30+s3+$0x0], $0xffff;
	v37 =	vsub.f32 v28, v37  }
0x1d1: {  	v42 =	vld.idx.msk [tilespmem:v17+s3+$0x0], $0xffff;
	v17 =	vsub.f32 v28, v31;
	v28 =	vsub.f32 v39, v34;
	v31 =	vmul.f32 v31, v31  }
0x1d2: {  	vm1 =	veq.s32 v20, $0x2;
	v33 =	vld.idx.msk [tilespmem:v33+s3+$0x0], $0xffff;
	v34 =	vmul.f32 v37, v16;
	v37 =	vnsel vm4, $0x0, v41  }
0x1d3: {  	vm2 =	veq.s32 v20, $0x3;
	v36 =	vld.idx.msk [tilespmem:v36+s3+$0x0], $0xffff;
	v41 =	vadd.f32 v28, v31;
	v31 =	vsel vm1, v17, v37  }
0x1d4: {  	vm3 =	veq.s32 v20, $0x4;
	v16 =	vmul.f32 v16, v24;
	v37 =	vld.idx.msk [tilespmem:v38+s3+$0x0], $0xffff;
	v31 =	vsel vm2, v34, v31  }
0x1d5: {  	v34 =	vadd.s32 $0x1, v21;
	v38 =	vadd.s32 $0x1, v19;
	v39 =	vld.idx.msk [tilespmem:v18+s3+$0x0], $0xffff;
	v18 =	vsel vm3, v41, v31;
	v28 =	vpop (erf)  }
0x1d6: {  	v17 =	vmul.f32 v17, v11;
	v31 =	vld.idx.msk [tilespmem:v40+s3+$0x0], $0xffff;
	v40 =	vadd.f32 v16, v10;
	v18 =	vsub.f32 $1.000000000e+00, v18  }
0x1d7: {  	v43 =	vadd.s32 $0x2, v21;
	v44 =	vadd.s32 $0x2, v19;
	v41 =	vld.idx.msk [tilespmem:v21+s3+$0x0], $0xffff;
	v21 =	vadd.s32 $0x1, v32  }
0x1d8: {  	v16 =	vsub.f32 v29, v42;
	v45 =	vld.idx.msk [tilespmem:v19+s3+$0x0], $0xffff;
	v19 =	vadd.f32 v17, v40;
	v29 =	vmul.f32 v18, v28  }
0x1d9: {  	vm5 =	vgt.s32 v20, $0x0;
	v17 =	vsub.f32 v30, v33;
	v18 =	vsub.f32 v36, v42;
	v40 =	vld.idx.msk [tilespmem:v32+s3+$0x0], $0xffff  }
0x1da: {  	v20 =	vsub.f32 v37, v33;
	v33 =	vmul.f32 v16, v16;
	v30 =	vld.idx.msk [tilespmem:v34+s3+$0x0], $0xffff;
	v29 =	vsel vm5, v29, v19  }
0x1db: {  	v19 =	vsub.f32 v35, v39;
	v35 =	vmul.f32 v17, v17;
	v34 =	vld.idx.msk [tilespmem:v38+s3+$0x0], $0xffff;
	v29 =	vmul.f32 v29, v23  }
0x1dc: {  	v37 =	vmul.f32 v20, v20;
	v36 =	vld.idx.msk [tilespmem:v21+s3+$0x0], $0xffff;
	v21 =	vsub.f32 v31, v39;
	v31 =	vmul.f32 v18, v18  }
0x1dd: {  	v32 =	vadd.s32 $0x2, v32;
	v39 =	vmul.f32 v19, v19;
	v38 =	vld.idx.msk [tilespmem:v43+s3+$0x0], $0xffff;
	v14 =	vadd.f32 v29, v14  }
0x1de: {  	v33 =	vadd.f32 v35, v33;
	v29 =	vld.idx.msk [tilespmem:v44+s3+$0x0], $0xffff;
	v31 =	vadd.f32 v37, v31;
	v35 =	vmul.f32 v21, v21  }
0x1df: {  	v12 =	vmul.f32 v22, v12;
	v37 =	vsub.f32 v41, v45;
	v40 =	vsub.f32 v40, v45  }
0x1e0: {  	v27 =	vmul.f32 v27, v13;
	v13 =	vmovc v28;
	v33 =	vadd.f32 v39, v33;
	v31 =	vadd.f32 v35, v31  }
0x1e1: {  	v28 =	vsub.f32 v30, v34;
	v30 =	vmul.f32 v37, v37;
	v35 =	vmul.f32 v40, v40  }
0x1e2: {  	v12 =	vmul.f32 v12, v22;
	v34 =	vsub.f32 v36, v34;
	v32 =	vld.idx.msk [tilespmem:v32+s3+$0x0], $0xffff;
	v31 =	vmul.f32 v31, v33  }
0x1e3: {  	v25 =	vadd.f32 v25, v26;
	v33 =	vmul.f32 v40, v37;
	v36 =	vmul.f32 v28, v28  }
0x1e4: {  	v26 =	vsub.f32 v38, v29;
	v37 =	vmul.f32 v34, v34;
	v31 =	vmax.f32 v31, $1.000000020e-24  }
0x1e5: {  	v30 =	vadd.f32 v36, v30;
	v36 =	vshra.s32 v31, $0x1;
	v38 =	vmul.f32 $5.000000000e-01, v31  }
0x1e6: {  	v31 =	vmul.f32 v26, v26;
	v35 =	vadd.f32 v37, v35;
	v36 =	vsub.s32 $0x5F3759DF, v36  }
0x1e7: {  	v12 =	vsub.f32 $1.500000000e+00, v12;
	v28 =	vmul.f32 v34, v28;
	v34 =	vmul.f32 v36, v38  }
0x1e8: {  	v25 =	vsel vm0, v27, v25;
	v29 =	vsub.f32 v32, v29;
	v30 =	vadd.f32 v31, v30  }
0x1e9: {  	v12 =	vmul.f32 v12, v22;
	v27 =	vadd.f32 v28, v33;
	v28 =	vmul.f32 v36, v34  }
0x1ea: {  	vm0 =	vmmov vm5;
	v22 =	vmul.f32 v29, v26;
	v26 =	vmul.f32 v29, v29  }
0x1eb: {  	v25 =	vmul.f32 v25, v9;
	v9 =	vmovc v23;
	v12 =	vmul.f32 v12, v5;
	v28 =	vsub.f32 $1.500000000e+00, v28  }
0x1ec: {  	v5 =	vadd.f32 v22, v27;
	v22 =	vadd.f32 v26, v35  }
0x1ed: {  	v15 =	vadd.f32 v25, v15;
	v12 =	vmax.f32 v12, $-9.999989860e-01;
	v23 =	vmul.f32 v36, v28  }
0x1ee: {  	v26 =	vmin.f32 v12, $9.999989860e-01;
	v22 =	vmul.f32 v22, v30  }
0x1ef: {  	v27 =	vsub.f32 $0.0e+00, v26;
	v28 =	vmul.f32 v26, v26;
	v12 =	vmul.f32 v23, v38  }
0x1f0: {  	v29 =	vmax.f32 v22, $1.000000020e-24;
	v22 =	vmul.f32 v26, v24  }
0x1f1: {  	v24 =	vmov s13;
	v25 =	vshra.s32 v29, $0x1;
	v30 =	vmul.f32 v12, v23  }
0x1f2: {  	v24 =	vmul.u32 $0x3, v24;
	v25 =	vsub.s32 $0x5F3759DF, v25;
	v12 =	vmul.f32 $5.000000000e-01, v29  }
.Ltmp4:
0x1f3: {  	v31 =	vsub.f32 $1.000000000e+00, v28;
	v35 =	vmul.f32 $6.000000000e+00, v28;
	v29 =	vsub.f32 $1.500000000e+00, v30;
	(pc) =	sbr.rel @p3 .LBB3_9-.Ltmp4, $4  }
0x1f4: {  	v24 =	vbroadcast v24, $0x0;
	v34 =	vmul.f32 v25, v12;
	v30 =	vnsel vm4, $0x0, v27  }
0x1f5: {  	v33 =	vmul.f32 v28, v28;
	v32 =	vmax.f32 v31, $9.999999960e-13;
	v27 =	vmul.f32 v29, v23  }
0x1f6: {  	v29 =	vadd.s32 v1, v24;
	v31 =	vmul.f32 v25, v34;
	v34 =	vmul.f32 $3.000000000e+00, v32  }
0x1f7: {  	s13 =	sadd.s32 $0x10, s13;
	v35 =	vmul.f32 v32, v35;
	v23 =	vsub.f32 v28, v32;
	v36 =	vmul.f32 v27, v38  }
.LBB3_10:
0x1f8: {  	_ = 	snop  }
0x1f9: {  	v16 =	vmul.f32 @p1 v18, v16;
	v17 =	vmul.f32 @p1 v20, v17  }
0x1fa: {  	v18 =	vmul.f32 @p1 v36, v27  }
0x1fb: {  	v20 =	vadd.s32 v3, v24;
	s10 =	sadd.s32 @p2 $0x10, s10;
	s13 =	simm.s32 $0x3900;
	v28 =	vsub.f32 @p2 v28, v34;
	v16 =	vadd.f32 @p1 v17, v16  }
0x1fc: {  	s13 =	smov.u32 @p2 s10;
	v17 =	vmul.f32 @p1 v21, v19;
	v21 =	vadd.s32 v4, v24;
	v24 =	vld.idx.msk [tilespmem:v29+s25+$0x0], $0xffff;
	v18 =	vsub.f32 @p1 $1.500000000e+00, v18  }
0x1fd: {  	v22 =	vadd.f32 @p2 v22, v10;
	v11 =	vmul.f32 @p2 v23, v11;
	v19 =	vsub.f32 @p1 $1.500000000e+00, v31;
	v29 =	vld @p1 [tilespmem:s13+$0x0]  }
0x1fe: {  	v26 =	vmul.f32 @p2 v28, v26;
	v16 =	vadd.f32 @p1 v17, v16;
	v17 =	vmul.f32 @p1 v18, v27  }
0x1ff: {  	v25 =	vmul.f32 @p1 v25, v19;
	v19 =	vsub.f32 @p2 v33, v35;
	v18 =	vmul.f32 @p2 v32, v32  }
0x200: {  	v11 =	vadd.f32 @p2 v11, v22;
	v20 =	vld.idx.msk [tilespmem:v20+s25+$0x0], $0xffff;
	v27 =	vsel @p2 vm1, v23, v30;
	v16 =	vmul.f32 @p1 v17, v16  }
0x201: {  	v17 =	vmul.f32 @p1 v25, v12;
	v18 =	vadd.f32 @p2 v19, v18;
	v24 =	vmul.u32 $0x3, v24  }
0x202: {  	v19 =	vsel @p2 vm2, v26, v27;
	v26 =	vcvt.s32.f32 @p1 v29;
	vm1 =	veq.s32 @p1 v29, $0x1  }
0x203: {  	v21 =	vld.idx.msk [tilespmem:v21+s25+$0x0], $0xffff;
	vm4 =	veq.s32 @p1 v29, $0x2;
	vm2 =	veq.s32 @p1 v29, $0x3;
	v51 =	vadd.s32 $0x1802, v24  }
0x204: {  	s10 =	sadd.s32 @p2 $0x10, s9;
	s9 =	simm.s32 $0x3600;
	v16 =	vmax.f32 @p1 v16, $-9.999989860e-01;
	v28 =	vmul.f32 @p1 v17, v25;
	v52 =	vadd.s32 $0x1801, v24  }
0x205: {  	s12 =	sadd.s32 @p2 $0x10, s12;
	s9 =	smov.u32 @p2 s10;
	s10 =	simm.s32 $0x3800;
	v17 =	vmul.f32 @p1 v26, v26;
	v27 =	vmin.f32 @p1 v16, $9.999989860e-01;
	v26 =	vmul.u32 $0x3, v20  }
0x206: {  	s10 =	smov.u32 @p2 s12;
	v30 =	vsel @p2 vm3, v18, v19;
	v20 =	vadd.s32 $0x1800, v24;
	v16 =	vld @p1 [tilespmem:s9+$0x0];
	v18 =	vmul.f32 @p1 v27, v27  }
0x207: {  	vm5 =	vgt.s32 @p1 v29, $0x0;
	v33 =	vmax.f32 @p1 v17, $1.000000000e+00;
	v17 =	vld @p1 [tilespmem:s10+$0x0];
	v53 =	vadd.s32 $0x1800, v26  }
0x208: {  	s11 =	sadd.s32 @p2 $0x10, s11;
	s12 =	simm.s32 $0x3700;
	v21 =	vmul.u32 $0x3, v21;
	v54 =	vadd.s32 $0x1801, v26;
	v19 =	vsub.f32 @p1 $1.000000000e+00, v18;
	v31 =	vld.idx.msk [tilespmem:v51+s3+$0x0], $0xffff  }
0x209: {  	s12 =	smov.u32 @p2 s11;
	vm3 =	veq.s32 @p1 v29, $0x4;
	v56 =	vadd.s32 $0x1, v24;
	v38 =	vadd.s32 $0x1802, v26;
	v32 =	vld.idx.msk [tilespmem:v52+s3+$0x0], $0xffff  }
0x20a: {  	(erf) = vrcp.f32 @p1 v33;
	v39 =	vadd.s32 $0x1800, v21;
	v33 =	vmax.f32 @p1 v19, $9.999999960e-13;
	v19 =	vld @p1 [tilespmem:s12+$0x0]  }
0x20b: {  	v59 =	vadd.s32 $0x2, v24;
	v36 =	vmul.f32 @p1 $6.000000000e+00, v18;
	v40 =	vadd.s32 $0x1801, v21;
	v41 =	vld.idx.msk [tilespmem:v20+s3+$0x0], $0xffff  }
0x20c: {  	v30 =	vsub.f32 @p2 $1.000000000e+00, v30;
	v43 =	vsub.f32 @p1 $0.0e+00, v27;
	v37 =	vmul.f32 @p1 $3.000000000e+00, v33;
	v34 =	vld.idx.msk [tilespmem:v53+s3+$0x0], $0xffff  }
0x20d: {  	v42 =	vadd.s32 $0x1802, v21;
	v20 =	vmul.f32 @p1 v18, v18;
	v36 =	vmul.f32 @p1 v33, v36;
	v35 =	vld.idx.msk [tilespmem:v54+s3+$0x0], $0xffff  }
0x20e: {  	v10 =	vsub.f32 @p1 $1.500000000e+00, v28;
	v57 =	vadd.s32 $0x1, v26;
	v38 =	vld.idx.msk [tilespmem:v38+s3+$0x0], $0xffff;
	v37 =	vsub.f32 @p1 v18, v37  }
0x20f: {  	v18 =	vsub.f32 @p1 v18, v33;
	v20 =	vsub.f32 @p1 v20, v36;
	v33 =	vmul.f32 @p1 v33, v33;
	v39 =	vld.idx.msk [tilespmem:v39+s3+$0x0], $0xffff  }
0x210: {  	v55 =	vld.idx.msk [tilespmem:v40+s3+$0x0], $0xffff;
	v36 =	vmul.f32 @p1 v37, v27;
	v37 =	vnsel @p1 vm1, $0x0, v43;
	v27 =	vmul.f32 @p1 v27, v19  }
0x211: {  	v25 =	vmul.f32 @p1 v10, v25;
	v20 =	vadd.f32 @p1 v20, v33;
	v33 =	vsel @p1 vm4, v18, v37  }
0x212: {  	v44 =	vadd.s32 $0x1, v21;
	v58 =	vld.idx.msk [tilespmem:v42+s3+$0x0], $0xffff;
	v33 =	vsel @p1 vm2, v36, v33;
	v27 =	vadd.f32 @p1 v27, v16  }
0x213: {  	v41 =	vsub.f32 v41, v34;
	v32 =	vsub.f32 v32, v35;
	v20 =	vsel @p1 vm3, v20, v33  }
0x214: {  	s30 =	sadd.s32 @p2 $0x10, s30;
	s11 =	simm.s32 $0x3500;
	v18 =	vmul.f32 @p1 v18, v17;
	v31 =	vsub.f32 v31, v38;
	v42 =	vsub.f32 @p1 $1.000000000e+00, v20  }
0x215: {  	s11 =	smov.u32 @p2 s30;
	v61 =	vld.idx.msk [tilespmem:v26+s3+$0x0], $0xffff;
	v26 =	vadd.s32 $0x2, v26;
	v34 =	vsub.f32 v39, v34;
	v29 =	vsub.f32 v55, v35  }
0x216: {  	v27 =	vadd.f32 @p1 v18, v27;
	v18 =	vld @p1 [tilespmem:s11+$0x0];
	v60 =	vmul.f32 v41, v41;
	v62 =	vmul.f32 v32, v32  }
0x217: {  	v24 =	vld.idx.msk [tilespmem:v24+s3+$0x0], $0xffff;
	v38 =	vsub.f32 v58, v38;
	v20 =	vpop @p1 (erf);
	v48 =	vmul.f32 v34, v34;
	v45 =	vmul.f32 v29, v29  }
0x218: {  	v63 =	vld.idx.msk [tilespmem:v21+s3+$0x0], $0xffff;
	v21 =	vadd.s32 $0x2, v21;
	v49 =	vmul.f32 v31, v31;
	v42 =	vmul.f32 @p1 v42, v20  }
0x219: {  	v53 =	vld.idx.msk [tilespmem:v59+s3+$0x0], $0xffff;
	v35 =	vadd.f32 v62, v60;
	v50 =	vmul.f32 v38, v38;
	v40 =	vadd.f32 v45, v48  }
0x21a: {  	v13 =	vmul.f32 @p2 v30, v13;
	v12 =	vmul.f32 @p1 v25, v12;
	v23 =	vld.idx.msk [tilespmem:v44+s3+$0x0], $0xffff;
	v27 =	vsel @p1 vm5, v42, v27  }
0x21b: {  	v36 =	vld.idx.msk [tilespmem:v56+s3+$0x0], $0xffff;
	v51 =	vadd.f32 v49, v35;
	v27 =	vmul.f32 @p1 v27, v18;
	v52 =	vadd.f32 v50, v40  }
0x21c: {  	v11 =	vsel @p2 vm0, v13, v11;
	v12 =	vmul.f32 @p1 v12, v25;
	v24 =	vsub.f32 v24, v61;
	v33 =	vld.idx.msk [tilespmem:v57+s3+$0x0], $0xffff  }
0x21d: {  	v54 =	vld.idx.msk [tilespmem:v26+s3+$0x0], $0xffff;
	v26 =	vsub.f32 v63, v61;
	v10 =	vadd.f32 @p1 v27, v14;
	v27 =	vmul.f32 v52, v51  }
0x21e: {  	v8 =	vshll.u32 v8, $0x2;
	v9 =	vmul.f32 @p2 v11, v9;
	v12 =	vsub.f32 @p1 $1.500000000e+00, v12;
	v21 =	vld.idx.msk [tilespmem:v21+s3+$0x0], $0xffff  }
0x21f: {  	v56 =	vmul.f32 v24, v24;
	v57 =	vmul.f32 v26, v26;
	v27 =	vmax.f32 v27, $1.000000020e-24  }
0x220: {  	v24 =	vmul.f32 v26, v24;
	v58 =	vshra.s32 v27, $0x1;
	v27 =	vmul.f32 $5.000000000e-01, v27  }
0x221: {  	v55 =	vsub.f32 v36, v33;
	v23 =	vsub.f32 v23, v33;
	v26 =	vsub.s32 $0x5F3759DF, v58  }
0x222: {  	v12 =	vmul.f32 @p1 v12, v25;
	v60 =	vsub.f32 v53, v54;
	v61 =	vmul.f32 v26, v27  }
0x223: {  	v59 =	vmul.f32 v55, v55;
	v62 =	vmul.f32 v23, v23;
	v14 =	vsub.f32 v21, v54  }
0x224: {  	vm0 =	vmmov @p1 vm5;
	v63 =	vmul.f32 v60, v60;
	v40 =	vmul.f32 v26, v61  }
0x225: {  	v21 =	vadd.f32 v59, v56;
	v35 =	vadd.f32 v62, v57;
	v25 =	vmul.f32 v14, v14  }
0x226: {  	v9 =	vadd.f32 @p2 v9, v15;
	v22 =	vmul.f32 v23, v55;
	v23 =	vsub.f32 $1.500000000e+00, v40  }
0x227: {  	vm0 =	vmmov @p1 vm0;
	v21 =	vadd.f32 v63, v21;
	v42 =	vadd.f32 v25, v35  }
0x228: {  	v9 =	vpsel p2, v9, v6;
	v43 =	vadd.f32 v22, v24;
	v22 =	vmul.f32 v26, v23  }
0x229: {  	v17 =	vpsel p1, v17, v0;
	v5 =	vmul.f32 @p1 v12, v5;
	v12 =	vmul.f32 v42, v21  }
0x22a: {  	v16 =	vpsel p1, v16, v0;
	vm2 =	vmmov @p1 vm2;
	v21 =	vmul.f32 v22, v27  }
0x22b: {  	s3 =	sadd.s32 @p1 $0x10, s13;
	vm3 =	vmmov @p1 vm3;
	v5 =	vmax.f32 @p1 v5, $-9.999989860e-01;
	v12 =	vmax.f32 v12, $1.000000020e-24  }
0x22c: {  	s26 =	smov.u32 @p1 s3;
	v23 =	vshra.s32 v12, $0x1;
	v12 =	vmul.f32 $5.000000000e-01, v12;
	v21 =	vmul.f32 v21, v22  }
0x22d: {  	v5 =	vmin.f32 @p1 v5, $9.999989860e-01;
	v29 =	vmul.f32 v29, v32;
	v48 =	vld [tilespmem:s26+$0x0];
	v44 =	vsub.s32 $0x5F3759DF, v23  }
0x22e: {  	v19 =	vmul.f32 @p1 v5, v19;
	v23 =	vmul.f32 v44, v12;
	v45 =	vsub.f32 $1.500000000e+00, v21  }
0x22f: {  	v47 =	vmul.f32 v38, v31;
	v11 =	vmul.f32 @p1 v5, v5;
	v20 =	vpsel p1, v20, v0  }
0x230: {  	v19 =	vpsel p1, v19, v0;
	v15 =	vmul.f32 v45, v22;
	v22 =	vmul.f32 v44, v23  }
0x231: {  	v16 =	vadd.f32 @p1 v19, v16;
	v24 =	vsub.f32 @p1 $0.0e+00, v5;
	v14 =	vmul.f32 v14, v60  }
0x232: {  	v5 =	vpsel p1, v5, v0;
	vm10 =	veq.s32 v48, $0x1;
	v22 =	vsub.f32 $1.500000000e+00, v22  }
0x233: {  	vm11 =	veq.s32 v48, $0x2;
	vm12 =	veq.s32 v48, $0x3;
	v13 =	vadd.f32 v14, v43  }
0x234: {  	v21 =	vsub.f32 @p1 $1.000000000e+00, v11;
	v27 =	vmul.f32 v15, v27;
	v14 =	vmul.f32 v44, v22  }
0x235: {  	vm13 =	veq.s32 v48, $0x4;
	vm14 =	vgt.s32 v48, $0x0;
	v25 =	vmul.f32 @p1 $6.000000000e+00, v11  }
0x236: {  	v21 =	vmax.f32 @p1 v21, $9.999999960e-13;
	v27 =	vmul.f32 v27, v15;
	v46 =	vmul.f32 v14, v12  }
0x237: {  	v23 =	vnsel @p1 vm1, $0x0, v24;
	v24 =	vmul.f32 @p1 v11, v11;
	v22 =	vmul.f32 v34, v41  }
0x238: {  	vm1 =	vmmov @p1 vm4;
	v27 =	vsub.f32 $1.500000000e+00, v27;
	v30 =	vmul.f32 v46, v14  }
0x239: {  	v26 =	vmul.f32 @p1 $3.000000000e+00, v21;
	v25 =	vmul.f32 @p1 v21, v25;
	v22 =	vadd.f32 v29, v22  }
0x23a: {  	v28 =	vsub.f32 @p1 v11, v21;
	v15 =	vmul.f32 v27, v15;
	v27 =	vsub.f32 $1.500000000e+00, v30  }
0x23b: {  	v11 =	vpsel p1, v11, v0;
	v21 =	vpsel p1, v21, v0;
	v22 =	vadd.f32 v47, v22  }
0x23c: {  	v23 =	vpsel p1, v23, v0;
	v24 =	vpsel p1, v24, v0;
	v14 =	vmul.f32 v27, v14  }
0x23d: {  	v21 =	vmul.f32 @p1 v21, v21;
	v26 =	vpsel p1, v26, v0;
	v15 =	vmul.f32 v15, v22  }
0x23e: {  	s3 =	sadd.s32 @p1 $0x10, s12;
	v25 =	vpsel p1, v25, v0;
	v28 =	vpsel p1, v28, v0;
	v12 =	vmul.f32 v14, v12  }
0x23f: {  	s8 =	smov.u32 @p1 s3;
	v11 =	vsub.f32 @p1 v11, v26;
	v17 =	vmul.f32 @p1 v28, v17;
	v15 =	vmax.f32 v15, $-9.999989860e-01  }
0x240: {  	v23 =	vsel @p1 vm1, v28, v23;
	v22 =	vsub.f32 @p1 v24, v25;
	v24 =	vld [tilespmem:s8+$0x0];
	v12 =	vmul.f32 v12, v14  }
0x241: {  	v5 =	vmul.f32 @p1 v11, v5;
	v16 =	vadd.f32 @p1 v17, v16;
	v49 =	vmin.f32 v15, $9.999989860e-01  }
0x242: {  	v15 =	vmovc @p1 v18;
	v18 =	vadd.f32 @p1 v22, v21;
	v21 =	vmul.f32 v49, v49;
	v12 =	vsub.f32 $1.500000000e+00, v12  }
0x243: {  	v5 =	vsel @p1 vm2, v5, v23;
	v53 =	vsub.f32 $0.0e+00, v49;
	v22 =	vcvt.s32.f32 v48  }
0x244: {  	v5 =	vsel @p1 vm3, v18, v5;
	v50 =	vsub.f32 $1.000000000e+00, v21;
	v12 =	vmul.f32 v12, v14  }
0x245: {  	v11 =	vmul.f32 v49, v24;
	v19 =	vsub.f32 @p1 $1.000000000e+00, v5;
	v5 =	vmul.f32 v22, v22  }
0x246: {  	s3 =	sadd.s32 @p1 $0x10, s10;
	v22 =	vmul.f32 $6.000000000e+00, v21;
	v18 =	vmax.f32 v50, $9.999999960e-13;
	v12 =	vmul.f32 v12, v13  }
0x247: {  	s6 =	smov.u32 @p1 s3;
	v23 =	vmul.f32 v21, v21;
	v51 =	vmul.f32 $3.000000000e+00, v18;
	v5 =	vmax.f32 v5, $1.000000000e+00  }
0x248: {  	v25 =	vld [tilespmem:s6+$0x0];
	v22 =	vmul.f32 v18, v22;
	(erf) = vrcp.f32 v5;
	v12 =	vmax.f32 v12, $-9.999989860e-01  }
0x249: {  	v5 =	vsub.f32 v21, v51;
	v21 =	vsub.f32 v21, v18;
	v12 =	vmin.f32 v12, $9.999989860e-01  }
0x24a: {  	v22 =	vsub.f32 v23, v22;
	v18 =	vmul.f32 v18, v18;
	v23 =	vmul.f32 v12, v12  }
0x24b: {  	v15 =	vpsel p1, v15, v0;
	v14 =	vnsel vm10, $0x0, v53;
	v5 =	vmul.f32 v5, v49  }
0x24c: {  	v18 =	vadd.f32 v22, v18;
	v14 =	vsel vm11, v21, v14;
	v22 =	vsub.f32 $1.000000000e+00, v23  }
0x24d: {  	v19 =	vmul.f32 @p1 v19, v20;
	v54 =	vmul.f32 v21, v25;
	v5 =	vsel vm12, v5, v14  }
0x24e: {  	v5 =	vsel vm13, v18, v5;
	v55 =	vmul.f32 $6.000000000e+00, v23;
	v21 =	vmax.f32 v22, $9.999999960e-13  }
0x24f: {  	s9 =	sadd.s32 @p1 $0x10, s9;
	v16 =	vsel @p1 vm0, v19, v16;
	v22 =	vsub.f32 $1.000000000e+00, v5;
	v5 =	vmul.f32 $3.000000000e+00, v21  }
0x250: {  	s7 =	smov.u32 @p1 s9;
	v56 =	vsub.f32 $0.0e+00, v12;
	v26 =	vmul.f32 v23, v23;
	v18 =	vmul.f32 v21, v55  }
0x251: {  	v52 =	vld [tilespmem:s7+$0x0];
	v27 =	vsub.f32 v23, v21;
	v23 =	vsub.f32 v23, v5;
	v5 =	vmul.u32 $0x4, v0  }
0x252: {  	v15 =	vmul.f32 @p1 v16, v15;
	v21 =	vmul.f32 v21, v21;
	v18 =	vsub.f32 v26, v18  }
0x253: {  	v14 =	vnsel vm10, $0x0, v56;
	v23 =	vmul.f32 v23, v12;
	v8 =	vor.u32 v5, v8  }
0x254: {  	s3 =	sadd.s32 @p1 $0x10, s11;
	v14 =	vsel vm11, v27, v14;
	v18 =	vadd.f32 v18, v21;
	v21 =	vor.u32 $0x1, v8  }
0x255: {  	s4 =	smov.u32 @p1 s3;
	v7 =	vpsel p1, v10, v7;
	v12 =	vmul.f32 v12, v24;
	v14 =	vsel vm12, v23, v14  }
0x256: {  	v57 =	vld [tilespmem:s4+$0x0];
	v11 =	vadd.f32 v11, v52;
	v9 =	vadd.f32 @p1 v15, v9;
	v14 =	vsel vm13, v18, v14  }
0x257: {  	v58 =	vpop (erf);
	v20 =	vmul.f32 v27, v25;
	v12 =	vadd.f32 v12, v52;
	v59 =	vsub.f32 $1.000000000e+00, v14  }
0x258: {  	v11 =	vadd.f32 v54, v11;
	v6 =	vpsel p1, v9, v6;
	v60 =	vmul.f32 v22, v58;
	v61 =	vld.idx.msk [tilespmem:v8+s0+$0x0], $0xffff  }
0x259: {  	p1 =	por $0x1, $0x1;
	v62 =	vor.u32 $0x2, v8;
	v12 =	vadd.f32 v20, v12;
	v13 =	vmul.f32 v59, v58;
	v63 =	vld.idx.msk [tilespmem:v21+s0+$0x0], $0xffff  }
.Ltmp5:
0x25a: {  	vm15 =	vmmov vm14;
	v11 =	vsel vm14, v60, v11;
	(pc) =	sbr.rel @!p1 .LBB3_11-.Ltmp5, $4  }
0x25b: {  	v11 =	vmul.f32 v11, v57;
	v12 =	vsel vm15, v13, v12  }
0x25c: {  	v12 =	vmul.f32 v12, v57  }
0x25d: {  	v40 =	vor.u32 $0x3, v8;
	v7 =	vadd.f32 v11, v7  }
0x25e: {  	s3 =	simm.s32 $0x4000;
	s26 =	simm.s32 $0x4180;
	s4 =	simm.s32 $0x4300;
	v43 =	vld.idx.msk [tilespmem:v62+s0+$0x0], $0xffff;
	v23 =	vmul.u32 $0x3, v61;
	v6 =	vadd.f32 v12, v6;
	v24 =	vmul.u32 $0x3, v63  }
0x25f: {  	_ =	sdelay $0x1  }
0x260: {  	v5 =	vadd.s32 $0x1800, v23  }
0x261: {  	v8 =	vadd.s32 $0x1801, v23  }
0x262: {  	v10 =	vld.idx.msk [tilespmem:v40+s0+$0x0], $0xffff;
	v9 =	vadd.s32 $0x1802, v23  }
0x263: {  	v11 =	vadd.s32 $0x1800, v24  }
0x264: {  	s6 =	simm.s32 $0x0;
	v13 =	vadd.s32 $0x1801, v24;
	v12 =	vmul.u32 $0x3, v43  }
0x265: {  	v14 =	vadd.s32 $0x1802, v24;
	v5 =	vld.idx.msk [tilespmem:v5+s6+$0x0], $0xffff  }
0x266: {  	v8 =	vld.idx.msk [tilespmem:v8+s6+$0x0], $0xffff;
	v15 =	vadd.s32 $0x1800, v12  }
0x267: {  	v10 =	vmul.u32 $0x3, v10;
	v9 =	vld.idx.msk [tilespmem:v9+s6+$0x0], $0xffff;
	v16 =	vadd.s32 $0x1801, v12  }
0x268: {  	v11 =	vld.idx.msk [tilespmem:v11+s6+$0x0], $0xffff;
	v17 =	vadd.s32 $0x1802, v12  }
0x269: {  	v13 =	vld.idx.msk [tilespmem:v13+s6+$0x0], $0xffff;
	v18 =	vadd.s32 $0x1801, v10  }
0x26a: {  	v14 =	vld.idx.msk [tilespmem:v14+s6+$0x0], $0xffff;
	v19 =	vadd.s32 $0x1802, v10  }
0x26b: {  	v20 =	vadd.s32 $0x1800, v10;
	v15 =	vld.idx.msk [tilespmem:v15+s6+$0x0], $0xffff  }
0x26c: {  	v16 =	vld.idx.msk [tilespmem:v16+s6+$0x0], $0xffff  }
0x26d: {  	v17 =	vld.idx.msk [tilespmem:v17+s6+$0x0], $0xffff  }
0x26e: {  	v21 =	vadd.s32 $0x1, v24;
	v18 =	vld.idx.msk [tilespmem:v18+s6+$0x0], $0xffff  }
0x26f: {  	v22 =	vadd.s32 $0x2, v24;
	v29 =	vadd.s32 $0x1, v23;
	v19 =	vld.idx.msk [tilespmem:v19+s6+$0x0], $0xffff  }
0x270: {  	v30 =	vadd.s32 $0x2, v23;
	v5 =	vsub.f32 v5, v11;
	v8 =	vsub.f32 v8, v13;
	v20 =	vld.idx.msk [tilespmem:v20+s6+$0x0], $0xffff  }
0x271: {  	v27 =	vadd.s32 $0x1, v10;
	v11 =	vsub.f32 v15, v11;
	v13 =	vsub.f32 v16, v13  }
0x272: {  	v47 =	vld.idx.msk [tilespmem:v24+s6+$0x0], $0xffff;
	v26 =	vadd.s32 $0x2, v12;
	v9 =	vsub.f32 v9, v14;
	v14 =	vsub.f32 v17, v14  }
0x273: {  	v21 =	vld.idx.msk [tilespmem:v21+s6+$0x0], $0xffff;
	v16 =	vsub.f32 v18, v16;
	v43 =	vmul.f32 v13, v5;
	v31 =	vmul.f32 v11, v8  }
0x274: {  	v22 =	vld.idx.msk [tilespmem:v22+s6+$0x0], $0xffff;
	v17 =	vsub.f32 v19, v17;
	v8 =	vmul.f32 v14, v8;
	v44 =	vmul.f32 v13, v9  }
0x275: {  	v29 =	vld.idx.msk [tilespmem:v29+s6+$0x0], $0xffff;
	v15 =	vsub.f32 v20, v15;
	v9 =	vmul.f32 v11, v9;
	v5 =	vmul.f32 v14, v5  }
0x276: {  	v25 =	vadd.s32 $0x1, v12;
	v20 =	vld.idx.msk [tilespmem:v27+s6+$0x0], $0xffff;
	v27 =	vmul.f32 v16, v14;
	v32 =	vmul.f32 v17, v13  }
0x277: {  	v28 =	vadd.s32 $0x2, v10;
	v12 =	vld.idx.msk [tilespmem:v12+s6+$0x0], $0xffff;
	v17 =	vmul.f32 v17, v11;
	v14 =	vmul.f32 v15, v14  }
0x278: {  	v26 =	vld.idx.msk [tilespmem:v26+s6+$0x0], $0xffff;
	v11 =	vmul.f32 v16, v11;
	v8 =	vsub.f32 v8, v44;
	v9 =	vsub.f32 v9, v5  }
0x279: {  	v10 =	vld.idx.msk [tilespmem:v10+s6+$0x0], $0xffff;
	v5 =	vmul.f32 v15, v13;
	v46 =	vsub.f32 v27, v32;
	v14 =	vsub.f32 v17, v14  }
0x27a: {  	v23 =	vld.idx.msk [tilespmem:v23+s6+$0x0], $0xffff;
	v48 =	vsub.f32 v43, v31;
	v49 =	vmul.f32 v8, v8;
	v50 =	vmul.f32 v9, v9  }
0x27b: {  	v45 =	vld.idx.msk [tilespmem:v30+s6+$0x0], $0xffff;
	v11 =	vsub.f32 v5, v11;
	v5 =	vmul.f32 v46, v46;
	v24 =	vmul.f32 v14, v14  }
0x27c: {  	v25 =	vld.idx.msk [tilespmem:v25+s6+$0x0], $0xffff;
	v27 =	vsub.f32 v29, v21;
	v29 =	vmul.f32 v48, v48  }
0x27d: {  	v28 =	vld.idx.msk [tilespmem:v28+s6+$0x0], $0xffff;
	v18 =	vadd.f32 v50, v49;
	v51 =	vmul.f32 v11, v11;
	v5 =	vadd.f32 v24, v5  }
0x27e: {  	v52 =	vsub.f32 v26, v22;
	v10 =	vsub.f32 v10, v12  }
0x27f: {  	v18 =	vadd.f32 v18, v29;
	v5 =	vadd.f32 v5, v51  }
0x280: {  	v23 =	vsub.f32 v23, v47;
	v19 =	vmul.f32 v10, v52;
	v16 =	vsub.f32 v12, v47  }
0x281: {  	v13 =	vsub.f32 v45, v22;
	v21 =	vsub.f32 v25, v21;
	v5 =	vmul.f32 v5, v18  }
0x282: {  	v22 =	vsub.f32 v28, v26;
	v26 =	vmul.f32 v52, v23;
	v20 =	vsub.f32 v20, v25  }
0x283: {  	v53 =	vmul.f32 v52, v27;
	v54 =	vmul.f32 v21, v13;
	v5 =	vmax.f32 v5, $1.000000020e-24  }
0x284: {  	v13 =	vmul.f32 v16, v13;
	v25 =	vshra.s32 v5, $0x1;
	v5 =	vmul.f32 $5.000000000e-01, v5  }
0x285: {  	v28 =	vmul.f32 v22, v21;
	v22 =	vmul.f32 v22, v16;
	v25 =	vsub.s32 $0x5F3759DF, v25  }
0x286: {  	v24 =	vmul.f32 v20, v52;
	v29 =	vmul.f32 v25, v5  }
0x287: {  	v55 =	vmul.f32 v21, v23;
	v10 =	vmul.f32 v10, v21  }
0x288: {  	v12 =	vsub.f32 v53, v54;
	v23 =	vsub.f32 v24, v28;
	v24 =	vmul.f32 v25, v29  }
0x289: {  	v13 =	vsub.f32 v13, v26;
	v19 =	vsub.f32 v22, v19;
	v22 =	vmul.f32 v16, v27  }
0x28a: {  	v16 =	vmul.f32 v20, v16;
	v20 =	vmul.f32 v12, v12;
	v21 =	vsub.f32 $1.500000000e+00, v24  }
0x28b: {  	v26 =	vmul.f32 v19, v19;
	v18 =	vsub.f32 v55, v22;
	v22 =	vmul.f32 v23, v23  }
0x28c: {  	v10 =	vsub.f32 v10, v16;
	v24 =	vmul.f32 v13, v13;
	v56 =	vmul.f32 v25, v21  }
0x28d: {  	v22 =	vadd.f32 v26, v22;
	v21 =	vmul.f32 v18, v18  }
0x28e: {  	v20 =	vadd.f32 v24, v20;
	v24 =	vmul.f32 v10, v10;
	v25 =	vmul.f32 v56, v5;
	_ =	sdelay $0x1  }
0x28f: {  	v20 =	vadd.f32 v20, v21;
	v21 =	vadd.f32 v22, v24;
	v22 =	vmul.f32 v25, v56;
	_ =	sdelay $0x1  }
0x290: {  	v20 =	vmul.f32 v21, v20;
	v21 =	vsub.f32 $1.500000000e+00, v22;
	_ =	sdelay $0x1  }
0x291: {  	v16 =	vmul.f32 v21, v56  }
0x292: {  	v8 =	vmul.f32 v46, v8;
	v9 =	vmul.f32 v14, v9;
	v20 =	vmax.f32 v20, $1.000000020e-24  }
0x293: {  	v22 =	vmul.f32 $5.000000000e-01, v20;
	v24 =	vmul.f32 v16, v5  }
0x294: {  	v21 =	vshra.s32 v20, $0x1;
	v20 =	vmov s5;
	v5 =	vmul.u32 $0x4, v0  }
0x295: {  	v20 =	vshll.u32 v20, $0x2;
	v57 =	vsub.s32 $0x5F3759DF, v21;
	v21 =	vmul.f32 v24, v16  }
0x296: {  	v30 =	vld [tilespmem:s26+$0x0];
	v8 =	vadd.f32 v9, v8;
	v58 =	vor.u32 v5, v20  }
0x297: {  	v9 =	vmul.f32 v11, v48;
	v11 =	vor.u32 $0x1, v58;
	v21 =	vsub.f32 $1.500000000e+00, v21  }
0x298: {  	v20 =	vmul.f32 v57, v22  }
0x299: {  	v8 =	vadd.f32 v8, v9;
	v16 =	vmul.f32 v21, v16  }
0x29a: {  	v60 =	vmul.f32 v19, v13;
	v59 =	vmul.f32 v57, v20  }
0x29b: {  	vm7 =	veq.s32 v30, $0x3;
	v9 =	vmul.f32 v23, v12;
	v62 =	vld.idx.msk [tilespmem:v58+s0+$0x0], $0xffff;
	v8 =	vmul.f32 v16, v8  }
0x29c: {  	p2 =	por $0x1, $0x1;
	vm6 =	veq.s32 v30, $0x4;
	v63 =	vor.u32 $0x2, v58;
	v61 =	vsub.f32 $1.500000000e+00, v59;
	v11 =	vld.idx.msk [tilespmem:v11+s0+$0x0], $0xffff  }
.Ltmp6:
0x29d: {  	v9 =	vadd.f32 v60, v9;
	v10 =	vmul.f32 v10, v18;
	v8 =	vmax.f32 v8, $-9.999989860e-01;
	(pc) =	sbr.rel @!p2 .LBB3_13-.Ltmp6, $4  }
0x29e: {  	vm5 =	veq.s32 v30, $0x2;
	v26 =	vmul.f32 v57, v61;
	v35 =	vmin.f32 v8, $9.999989860e-01  }
0x29f: {  	vm13 =	veq.s32 v30, $0x1;
	v10 =	vadd.f32 v9, v10;
	v41 =	vmul.f32 v35, v35  }
0x2a0: {  	v40 =	vor.u32 $0x3, v58;
	v28 =	vmul.f32 v26, v22;
	v23 =	vmul.u32 $0x3, v62  }
0x2a1: {  	p1 =	por $0x1, $0x1;
	s5 =	simm.s32 $0x20;
	v43 =	vld.idx.msk [tilespmem:v63+s0+$0x0], $0xffff;
	v24 =	vmul.u32 $0x3, v11;
	v42 =	vmul.f32 v41, v41;
	v44 =	vsub.f32 $1.000000000e+00, v41  }
0x2a2: {  	_ = 	snop  }
0x2a3: {  	v9 =	vadd.s32 $0x1800, v23  }
0x2a4: {  	vm0 =	vmmov vm13;
	v12 =	vmul.f32 $6.000000000e+00, v41;
	v14 =	vadd.s32 $0x1801, v23  }
0x2a5: {  	v17 =	vadd.s32 $0x1802, v23;
	v25 =	vmul.f32 $1.800000000e+01, v41;
	v8 =	vmul.f32 v42, v41  }
0x2a6: {  	v18 =	vld.idx.msk [tilespmem:v40+s0+$0x0], $0xffff;
	v11 =	vmax.f32 v44, $9.999999960e-13;
	v13 =	vmul.f32 $4.800000000e+01, v42;
	v20 =	vadd.s32 $0x1800, v24  }
0x2a7: {  	v15 =	vmul.f32 $3.000000000e+00, v11;
	v19 =	vadd.f32 v11, v11;
	v12 =	vmul.f32 v11, v12  }
0x2a8: {  	v21 =	vld [tilespmem:s3+$0x0];
	v27 =	vadd.s32 $0x1802, v24;
	v11 =	vmul.f32 v11, v11;
	v16 =	vmul.f32 $3.200000000e+01, v8  }
0x2a9: {  	v8 =	vld [tilespmem:s4+$0x0];
	v5 =	vmul.u32 $0x3, v43;
	v15 =	vsub.f32 v41, v15;
	v19 =	vsub.f32 $1.000000000e+00, v19  }
0x2aa: {  	v12 =	vsub.f32 v42, v12;
	v13 =	vsub.f32 v16, v13;
	v16 =	vadd.s32 $0x1801, v24;
	v9 =	vld.idx.msk [tilespmem:v9+s6+$0x0], $0xffff  }
0x2ab: {  	v14 =	vld.idx.msk [tilespmem:v14+s6+$0x0], $0xffff;
	v18 =	vmul.u32 $0x3, v18;
	v29 =	vadd.s32 $0x1800, v5;
	v15 =	vmul.f32 v15, v35  }
0x2ac: {  	v17 =	vld.idx.msk [tilespmem:v17+s6+$0x0], $0xffff;
	v31 =	vadd.s32 $0x1801, v5;
	v13 =	vadd.f32 v13, v25;
	v25 =	vnsel vm0, $0x0, v35  }
0x2ad: {  	v20 =	vld.idx.msk [tilespmem:v20+s6+$0x0], $0xffff;
	v32 =	vadd.s32 $0x1802, v5;
	v11 =	vadd.f32 v12, v11;
	v12 =	vsel vm5, v19, v25  }
0x2ae: {  	v19 =	vadd.s32 $0x1801, v18;
	v12 =	vsel vm7, v15, v12;
	v15 =	vld.idx.msk [tilespmem:v27+s6+$0x0], $0xffff  }
0x2af: {  	v13 =	vadd.f32 $-1.000000000e+00, v13;
	v16 =	vld.idx.msk [tilespmem:v16+s6+$0x0], $0xffff  }
0x2b0: {  	vm1 =	veq.s32 v30, $0x6;
	v25 =	vadd.s32 $0x1802, v18;
	v11 =	vsel vm6, v11, v12;
	v12 =	vld.idx.msk [tilespmem:v29+s6+$0x0], $0xffff  }
0x2b1: {  	v27 =	vadd.s32 $0x1800, v18;
	v11 =	vsel vm1, v13, v11;
	v13 =	vld.idx.msk [tilespmem:v31+s6+$0x0], $0xffff  }
0x2b2: {  	v36 =	vadd.s32 $0x1, v23;
	v37 =	vadd.s32 $0x2, v23;
	v32 =	vld.idx.msk [tilespmem:v32+s6+$0x0], $0xffff;
	v30 =	vmul.f32 v11, v8  }
0x2b3: {  	vm2 =	vmmov vm7;
	v11 =	vmul.f32 $5.000000000e-01, v21;
	v21 =	vmul.f32 v28, v26;
	v19 =	vld.idx.msk [tilespmem:v19+s6+$0x0], $0xffff  }
0x2b4: {  	v33 =	vadd.s32 $0x1, v5;
	v34 =	vadd.s32 $0x1, v18;
	v56 =	vadd.s32 $0x2, v18  }
0x2b5: {  	v29 =	vadd.s32 $0x1, v24;
	v9 =	vsub.f32 v9, v20;
	v25 =	vld.idx.msk [tilespmem:v25+s6+$0x0], $0xffff;
	v21 =	vsub.f32 $1.500000000e+00, v21  }
0x2b6: {  	v31 =	vadd.s32 $0x2, v24;
	v27 =	vld.idx.msk [tilespmem:v27+s6+$0x0], $0xffff;
	v14 =	vsub.f32 v14, v16;
	v16 =	vsub.f32 v13, v16  }
0x2b7: {  	v17 =	vsub.f32 v17, v15;
	v21 =	vmul.f32 v21, v26;
	v15 =	vsub.f32 v32, v15  }
0x2b8: {  	v20 =	vsub.f32 v12, v20;
	v13 =	vsub.f32 v19, v13;
	v19 =	vmul.f32 v16, v9  }
0x2b9: {  	v36 =	vld.idx.msk [tilespmem:v36+s6+$0x0], $0xffff;
	v28 =	vadd.s32 $0x2, v5;
	v57 =	vmul.f32 v15, v14;
	v58 =	vmul.f32 v16, v17  }
0x2ba: {  	v18 =	vld.idx.msk [tilespmem:v18+s6+$0x0], $0xffff;
	v25 =	vsub.f32 v25, v32;
	v17 =	vmul.f32 v20, v17;
	v9 =	vmul.f32 v15, v9  }
0x2bb: {  	v26 =	vld.idx.msk [tilespmem:v29+s6+$0x0], $0xffff;
	v14 =	vmul.f32 v20, v14;
	v22 =	vmul.f32 v21, v22;
	v12 =	vsub.f32 v27, v12  }
0x2bc: {  	v30 =	vsub.f32 $1.000000000e+00, v30;
	v29 =	vld.idx.msk [tilespmem:v31+s6+$0x0], $0xffff;
	v59 =	vmul.f32 v13, v15;
	v60 =	vmul.f32 v25, v16  }
0x2bd: {  	v31 =	vld.idx.msk [tilespmem:v33+s6+$0x0], $0xffff;
	v32 =	vsub.f32 v57, v58;
	v25 =	vmul.f32 v25, v20;
	v15 =	vmul.f32 v12, v15  }
0x2be: {  	v5 =	vld.idx.msk [tilespmem:v5+s6+$0x0], $0xffff;
	v17 =	vsub.f32 v17, v9;
	v13 =	vmul.f32 v13, v20;
	v22 =	vmul.f32 v22, v21  }
0x2bf: {  	v9 =	vmul.f32 v12, v16;
	v12 =	vld.idx.msk [tilespmem:v37+s6+$0x0], $0xffff;
	v16 =	vsub.f32 v59, v60;
	v15 =	vsub.f32 v25, v15  }
0x2c0: {  	v20 =	vld.idx.msk [tilespmem:v24+s6+$0x0], $0xffff;
	v14 =	vsub.f32 v19, v14;
	v19 =	vmul.f32 v32, v32;
	v24 =	vmul.f32 v17, v17  }
0x2c1: {  	v28 =	vld.idx.msk [tilespmem:v28+s6+$0x0], $0xffff;
	v13 =	vsub.f32 v9, v13;
	v9 =	vmul.f32 v16, v16;
	v25 =	vmul.f32 v15, v15  }
0x2c2: {  	v35 =	vld.idx.msk [tilespmem:v56+s6+$0x0], $0xffff;
	v61 =	vsub.f32 v36, v26;
	v26 =	vsub.f32 v31, v26;
	v62 =	vmul.f32 v14, v14  }
0x2c3: {  	v27 =	vld.idx.msk [tilespmem:v34+s6+$0x0], $0xffff;
	v19 =	vadd.f32 v24, v19;
	v24 =	vmul.f32 v13, v13;
	v9 =	vadd.f32 v25, v9  }
0x2c4: {  	v23 =	vld.idx.msk [tilespmem:v23+s6+$0x0], $0xffff;
	vm3 =	vmmov vm6;
	v22 =	vsub.f32 $1.500000000e+00, v22;
	v12 =	vsub.f32 v12, v29  }
0x2c5: {  	vm4 =	vmmov vm5;
	v19 =	vadd.f32 v19, v62;
	v9 =	vadd.f32 v9, v24  }
0x2c6: {  	v25 =	vsub.f32 v28, v29;
	v29 =	vmul.f32 v30, v11;
	v30 =	vsub.f32 v5, v20  }
0x2c7: {  	v5 =	vsub.f32 v18, v5;
	v18 =	vmul.f32 v26, v12;
	v9 =	vmul.f32 v9, v19  }
0x2c8: {  	v24 =	vsub.f32 v27, v31;
	v27 =	vsub.f32 v35, v28;
	v28 =	vmul.f32 v25, v61  }
0x2c9: {  	v12 =	vmul.f32 v30, v12;
	v19 =	vsub.f32 v23, v20;
	v9 =	vmax.f32 v9, $1.000000020e-24  }
0x2ca: {  	v20 =	vmul.f32 v24, v25;
	v31 =	vshra.s32 v9, $0x1;
	v63 =	vmul.f32 $5.000000000e-01, v9  }
0x2cb: {  	v35 =	vmul.f32 v27, v26;
	v23 =	vmul.f32 v25, v19;
	v31 =	vsub.s32 $0x5F3759DF, v31  }
0x2cc: {  	v9 =	vadd.f32 v29, v7;
	v7 =	vmul.f32 v5, v25;
	v25 =	vmul.f32 v31, v63  }
0x2cd: {  	v27 =	vmul.f32 v27, v30;
	v18 =	vsub.f32 v28, v18;
	v24 =	vmul.f32 v24, v30  }
0x2ce: {  	v19 =	vmul.f32 v26, v19;
	v12 =	vsub.f32 v12, v23;
	v23 =	vmul.f32 v31, v25  }
0x2cf: {  	v20 =	vsub.f32 v20, v35;
	v5 =	vmul.f32 v5, v26;
	v7 =	vsub.f32 v27, v7  }
0x2d0: {  	v26 =	vmul.f32 v18, v18;
	v25 =	vmul.f32 v30, v61;
	v23 =	vsub.f32 $1.500000000e+00, v23  }
0x2d1: {  	v5 =	vsub.f32 v5, v24;
	v27 =	vmul.f32 v12, v12;
	v28 =	vmul.f32 v7, v7  }
0x2d2: {  	v19 =	vsub.f32 v19, v25;
	v25 =	vmul.f32 v20, v20;
	v23 =	vmul.f32 v31, v23  }
0x2d3: {  	v21 =	vmul.f32 v22, v21;
	v24 =	vadd.f32 v27, v26;
	v27 =	vmul.f32 v5, v5  }
0x2d4: {  	v26 =	vmul.f32 v19, v19;
	v25 =	vadd.f32 v28, v25;
	v28 =	vmul.f32 v23, v63  }
0x2d5: {  	vm1 =	vmmov vm1;
	v18 =	vmul.f32 v20, v18;
	v7 =	vmul.f32 v7, v12  }
0x2d6: {  	v20 =	vadd.f32 v24, v26;
	v12 =	vadd.f32 v25, v27;
	v24 =	vmul.f32 v28, v23  }
0x2d7: {  	v16 =	vmul.f32 v16, v32;
	v15 =	vmul.f32 v15, v17;
	v7 =	vadd.f32 v7, v18  }
0x2d8: {  	v5 =	vmul.f32 v5, v19;
	v12 =	vmul.f32 v12, v20;
	v18 =	vsub.f32 $1.500000000e+00, v24  }
0x2d9: {  	s7 =	simm.s32 $0x4190;
	v14 =	vmul.f32 v13, v14;
	v15 =	vadd.f32 v15, v16;
	v19 =	vmul.f32 v21, v10  }
0x2da: {  	v30 =	vld [tilespmem:s7+$0x0];
	v10 =	vadd.f32 v7, v5;
	v5 =	vmax.f32 v12, $1.000000020e-24;
	v7 =	vmul.f32 v18, v23  }
0x2db: {  	v12 =	vmax.f32 v19, $-9.999989860e-01;
	v19 =	vmov s5;
	v22 =	vmul.f32 $5.000000000e-01, v5  }
0x2dc: {  	v18 =	vshra.s32 v5, $0x1;
	v5 =	vmul.u32 $0x4, v0;
	v20 =	vmul.f32 v7, v63  }
0x2dd: {  	v14 =	vadd.f32 v15, v14;
	v12 =	vmin.f32 v12, $9.999989860e-01;
	v19 =	vshll.u32 v19, $0x2  }
0x2de: {  	v18 =	vsub.s32 $0x5F3759DF, v18;
	v21 =	vor.u32 v5, v19;
	v19 =	vmul.f32 v20, v7  }
0x2df: {  	vm7 =	veq.s32 v30, $0x3;
	v23 =	vmul.f32 v12, v12;
	v20 =	vmul.f32 v18, v22  }
0x2e0: {  	vm6 =	veq.s32 v30, $0x4;
	v17 =	vor.u32 $0x1, v21;
	v19 =	vsub.f32 $1.500000000e+00, v19  }
0x2e1: {  	vm5 =	veq.s32 v30, $0x2;
	v13 =	vmul.f32 v23, v23;
	v16 =	vmul.f32 v18, v20  }
0x2e2: {  	vm13 =	veq.s32 v30, $0x1;
	v15 =	vsub.f32 $1.000000000e+00, v23;
	v7 =	vmul.f32 v19, v7  }
0x2e3: {  	v24 =	vor.u32 $0x2, v21;
	v25 =	vmul.f32 $4.800000000e+01, v13;
	v16 =	vsub.f32 $1.500000000e+00, v16  }
0x2e4: {  	v40 =	vor.u32 $0x3, v21;
	v27 =	vld.idx.msk [tilespmem:v21+s0+$0x0], $0xffff;
	v19 =	vmul.f32 v13, v23;
	v7 =	vmul.f32 v7, v14  }
0x2e5: {  	p3 =	por $0x1, $0x1;
	v20 =	vmul.f32 $6.000000000e+00, v23;
	v29 =	vld.idx.msk [tilespmem:v17+s0+$0x0], $0xffff;
	v14 =	vmax.f32 v15, $9.999999960e-13;
	v26 =	vmul.f32 v18, v16  }
.Ltmp7:
0x2e6: {  	v18 =	vmul.f32 $3.200000000e+01, v19;
	v19 =	vmul.f32 $1.800000000e+01, v23;
	v7 =	vmax.f32 v7, $-9.999989860e-01;
	(pc) =	sbr.rel @!p3 .LBB3_15-.Ltmp7, $4  }
0x2e7: {  	v17 =	vmul.f32 $3.000000000e+00, v14;
	v16 =	vmul.f32 v14, v20;
	v35 =	vmin.f32 v7, $9.999989860e-01  }
0x2e8: {  	v15 =	vadd.f32 v14, v14;
	v28 =	vmul.f32 v26, v22;
	v41 =	vmul.f32 v35, v35  }
0x2e9: {  	v18 =	vsub.f32 v18, v25;
	v17 =	vsub.f32 v23, v17;
	v23 =	vmul.u32 $0x3, v27  }
0x2ea: {  	s9 =	simm.s32 $0x30;
	p2 =	por $0x1, $0x1;
	v43 =	vld.idx.msk [tilespmem:v24+s0+$0x0], $0xffff;
	v24 =	vmul.u32 $0x3, v29;
	v42 =	vmul.f32 v41, v41;
	v44 =	vsub.f32 $1.000000000e+00, v41  }
0x2eb: {  	v7 =	vadd.s32 $0x1800, v23;
	v25 =	vmul.f32 $6.000000000e+00, v41;
	vm8 =	vmmov vm13  }
0x2ec: {  	v31 =	vadd.s32 $0x1801, v23;
	v34 =	vadd.s32 $0x1802, v23;
	vm9 =	veq.s32 v30, $0x6  }
0x2ed: {  	vm10 =	vmmov vm0;
	v28 =	vmul.f32 v28, v26;
	v46 =	vadd.s32 $0x1, v23  }
0x2ee: {  	v47 =	vadd.s32 $0x2, v23;
	v48 =	vmul.f32 v14, v14;
	v49 =	vsub.f32 v13, v16  }
0x2ef: {  	v20 =	vmul.f32 v42, v41;
	v21 =	vmax.f32 v44, $9.999999960e-13;
	v27 =	vmul.f32 $4.800000000e+01, v42  }
0x2f0: {  	v57 =	vadd.s32 $0x1800, v24;
	v29 =	vmul.f32 $3.000000000e+00, v21;
	v25 =	vmul.f32 v21, v25  }
0x2f1: {  	v32 =	vadd.f32 v21, v21;
	v33 =	vmul.f32 v21, v21;
	v20 =	vmul.f32 $3.200000000e+01, v20  }
0x2f2: {  	v56 =	vld.idx.msk [tilespmem:v40+s0+$0x0], $0xffff;
	s6 =	simm.s32 $0x4010;
	v28 =	vsub.f32 $1.500000000e+00, v28;
	v5 =	vmul.u32 $0x3, v43;
	v29 =	vsub.f32 v41, v29  }
0x2f3: {  	s8 =	simm.s32 $0x0;
	v58 =	vld [tilespmem:s6+$0x0];
	v32 =	vsub.f32 $1.000000000e+00, v32;
	v20 =	vsub.f32 v20, v27;
	v27 =	vmul.f32 $1.800000000e+01, v41  }
0x2f4: {  	s5 =	simm.s32 $0x4310;
	v25 =	vsub.f32 v42, v25;
	v30 =	vld.idx.msk [tilespmem:v31+s8+$0x0], $0xffff;
	v29 =	vmul.f32 v29, v35;
	v31 =	vadd.s32 $0x1800, v5  }
0x2f5: {  	v21 =	vld [tilespmem:s5+$0x0];
	v37 =	vadd.s32 $0x1801, v5;
	v20 =	vadd.f32 v20, v27;
	v27 =	vnsel vm8, $0x0, v35  }
0x2f6: {  	v34 =	vld.idx.msk [tilespmem:v34+s8+$0x0], $0xffff;
	v25 =	vadd.f32 v25, v33;
	v39 =	vadd.s32 $0x1802, v5;
	v27 =	vsel vm5, v32, v27  }
0x2f7: {  	v35 =	vmul.u32 $0x3, v56;
	v32 =	vld.idx.msk [tilespmem:v57+s8+$0x0], $0xffff;
	v27 =	vsel vm7, v29, v27;
	v29 =	vadd.s32 $0x1801, v24  }
0x2f8: {  	v50 =	vsub.f32 $1.000000000e+00, v15;
	v25 =	vsel vm6, v25, v27;
	v27 =	vld.idx.msk [tilespmem:v7+s8+$0x0], $0xffff;
	v7 =	vadd.s32 $0x1802, v24  }
0x2f9: {  	v51 =	vmul.f32 v17, v12;
	v26 =	vmul.f32 v28, v26;
	v60 =	vadd.s32 $0x1801, v35;
	v31 =	vld.idx.msk [tilespmem:v31+s8+$0x0], $0xffff  }
0x2fa: {  	v52 =	vadd.f32 v18, v19;
	v20 =	vadd.f32 $-1.000000000e+00, v20;
	v63 =	vadd.s32 $0x1802, v35;
	v37 =	vld.idx.msk [tilespmem:v37+s8+$0x0], $0xffff  }
0x2fb: {  	v38 =	vadd.s32 $0x2, v24;
	v22 =	vmul.f32 v26, v22;
	v45 =	vadd.s32 $0x1800, v35;
	v39 =	vld.idx.msk [tilespmem:v39+s8+$0x0], $0xffff  }
0x2fc: {  	v53 =	vnsel vm10, $0x0, v12;
	v28 =	vadd.f32 v49, v48;
	v20 =	vsel vm9, v20, v25;
	v29 =	vld.idx.msk [tilespmem:v29+s8+$0x0], $0xffff  }
0x2fd: {  	v41 =	vadd.s32 $0x2, v5;
	v22 =	vmul.f32 v22, v26;
	v36 =	vmul.f32 v20, v21;
	v62 =	vld.idx.msk [tilespmem:v7+s8+$0x0], $0xffff  }
0x2fe: {  	v57 =	vsel vm4, v50, v53;
	v61 =	vadd.s32 $0x1, v35;
	v56 =	vadd.s32 $0x2, v35;
	v40 =	vld.idx.msk [tilespmem:v60+s8+$0x0], $0xffff  }
0x2ff: {  	v48 =	vsel vm2, v51, v57;
	v22 =	vsub.f32 $1.500000000e+00, v22;
	v59 =	vsub.f32 $1.000000000e+00, v36;
	v44 =	vld.idx.msk [tilespmem:v63+s8+$0x0], $0xffff  }
0x300: {  	v20 =	vmul.f32 $5.000000000e-01, v58;
	v45 =	vld.idx.msk [tilespmem:v45+s8+$0x0], $0xffff;
	v27 =	vsub.f32 v27, v32;
	v32 =	vsub.f32 v31, v32  }
0x301: {  	v23 =	vld.idx.msk [tilespmem:v23+s8+$0x0], $0xffff;
	v25 =	vadd.s32 $0x1, v24;
	v30 =	vsub.f32 v30, v29;
	v29 =	vsub.f32 v37, v29  }
0x302: {  	v46 =	vld.idx.msk [tilespmem:v46+s8+$0x0], $0xffff;
	v7 =	vmul.f32 v59, v20;
	v34 =	vsub.f32 v34, v62;
	v43 =	vsub.f32 v39, v62  }
0x303: {  	v38 =	vld.idx.msk [tilespmem:v38+s8+$0x0], $0xffff;
	v37 =	vsub.f32 v40, v37;
	v58 =	vmul.f32 v29, v27;
	v59 =	vmul.f32 v32, v30  }
0x304: {  	v41 =	vld.idx.msk [tilespmem:v41+s8+$0x0], $0xffff;
	v39 =	vsub.f32 v44, v39;
	v30 =	vmul.f32 v43, v30;
	v60 =	vmul.f32 v29, v34  }
0x305: {  	v24 =	vld.idx.msk [tilespmem:v24+s8+$0x0], $0xffff;
	v31 =	vsub.f32 v45, v31;
	v34 =	vmul.f32 v32, v34;
	v27 =	vmul.f32 v43, v27  }
0x306: {  	v36 =	vadd.s32 $0x1, v5;
	v42 =	vld.idx.msk [tilespmem:v61+s8+$0x0], $0xffff;
	v61 =	vmul.f32 v37, v43;
	v62 =	vmul.f32 v39, v29  }
0x307: {  	v63 =	vadd.f32 $-1.000000000e+00, v52;
	v33 =	vld.idx.msk [tilespmem:v56+s8+$0x0], $0xffff;
	v39 =	vmul.f32 v39, v32;
	v43 =	vmul.f32 v31, v43  }
0x308: {  	v35 =	vld.idx.msk [tilespmem:v35+s8+$0x0], $0xffff;
	v29 =	vmul.f32 v31, v29;
	v30 =	vsub.f32 v30, v60;
	v27 =	vsub.f32 v34, v27  }
0x309: {  	v5 =	vld.idx.msk [tilespmem:v5+s8+$0x0], $0xffff;
	v32 =	vmul.f32 v37, v32;
	v34 =	vsub.f32 v61, v62;
	v39 =	vsub.f32 v39, v43  }
0x30a: {  	v25 =	vld.idx.msk [tilespmem:v25+s8+$0x0], $0xffff;
	v37 =	vsub.f32 v58, v59;
	v49 =	vmul.f32 v30, v30;
	v51 =	vmul.f32 v27, v27  }
0x30b: {  	v36 =	vld.idx.msk [tilespmem:v36+s8+$0x0], $0xffff;
	v32 =	vsub.f32 v29, v32;
	v29 =	vmul.f32 v34, v34;
	v52 =	vmul.f32 v39, v39  }
0x30c: {  	v23 =	vsub.f32 v23, v24;
	v33 =	vsub.f32 v33, v41;
	v31 =	vld.idx.msk [tilespmem:v47+s8+$0x0], $0xffff;
	v54 =	vmul.f32 v37, v37  }
0x30d: {  	v55 =	vmul.f32 v32, v32;
	v40 =	vadd.f32 v51, v49;
	v29 =	vadd.f32 v52, v29  }
0x30e: {  	vm11 =	vmmov vm6;
	v24 =	vsub.f32 v5, v24;
	v5 =	vsub.f32 v35, v5  }
0x30f: {  	vm12 =	vmmov vm5;
	v40 =	vadd.f32 v40, v54;
	v29 =	vadd.f32 v29, v55  }
0x310: {  	v28 =	vsel vm3, v28, v48;
	v53 =	vsub.f32 v46, v25;
	v25 =	vsub.f32 v36, v25  }
0x311: {  	v31 =	vsub.f32 v31, v38;
	v38 =	vsub.f32 v41, v38;
	v29 =	vmul.f32 v29, v40  }
0x312: {  	v36 =	vsub.f32 v42, v36;
	v60 =	vmul.f32 v33, v25;
	v49 =	vmul.f32 v24, v53  }
0x313: {  	v56 =	vmul.f32 v38, v53;
	v57 =	vmul.f32 v25, v31;
	v29 =	vmax.f32 v29, $1.000000020e-24  }
0x314: {  	v58 =	vmul.f32 v36, v38;
	v61 =	vshra.s32 v29, $0x1;
	v62 =	vmul.f32 $5.000000000e-01, v29  }
0x315: {  	v31 =	vmul.f32 v24, v31;
	v59 =	vmul.f32 v38, v23;
	v47 =	vsub.s32 $0x5F3759DF, v61  }
0x316: {  	v28 =	vsel vm1, v63, v28;
	v63 =	vmul.f32 v5, v38;
	v48 =	vmul.f32 v47, v62  }
0x317: {  	v23 =	vmul.f32 v25, v23;
	v5 =	vmul.f32 v5, v25;
	v35 =	vsub.f32 v56, v57  }
0x318: {  	v31 =	vsub.f32 v31, v59;
	v29 =	vmul.f32 v33, v24;
	v41 =	vmul.f32 v47, v48  }
0x319: {  	v40 =	vsub.f32 v58, v60;
	v25 =	vmul.f32 v35, v35;
	v24 =	vmul.f32 v36, v24  }
0x31a: {  	v50 =	vmul.f32 v31, v31;
	v29 =	vsub.f32 v29, v63;
	v41 =	vsub.f32 $1.500000000e+00, v41  }
0x31b: {  	v23 =	vsub.f32 v23, v49;
	v51 =	vmul.f32 v40, v40;
	v5 =	vsub.f32 v5, v24  }
0x31c: {  	v24 =	vadd.f32 v50, v25;
	v52 =	vmul.f32 v29, v29;
	v25 =	vmul.f32 v47, v41  }
0x31d: {  	vm10 =	vmmov vm7;
	v22 =	vmul.f32 v22, v26;
	v53 =	vmul.f32 v23, v23  }
0x31e: {  	v54 =	vmul.f32 v5, v5;
	v33 =	vadd.f32 v52, v51;
	v55 =	vmul.f32 v25, v62  }
0x31f: {  	v35 =	vmul.f32 v40, v35;
	v24 =	vadd.f32 v24, v53;
	v29 =	vmul.f32 v29, v31  }
0x320: {  	v5 =	vmul.f32 v5, v23;
	v23 =	vadd.f32 v33, v54;
	v31 =	vmul.f32 v55, v25  }
0x321: {  	vm9 =	vmmov vm9;
	v22 =	vmul.f32 v22, v10;
	v26 =	vadd.f32 v29, v35  }
0x322: {  	v28 =	vmul.f32 v28, v8;
	v23 =	vmul.f32 v23, v24;
	v24 =	vsub.f32 $1.500000000e+00, v31  }
0x323: {  	v7 =	vadd.f32 v7, v9;
	v27 =	vmul.f32 v39, v27;
	v10 =	vadd.f32 v26, v5  }
0x324: {  	v5 =	vmax.f32 v23, $1.000000020e-24;
	v31 =	vsub.f32 $1.000000000e+00, v28;
	v23 =	vmul.f32 v24, v25  }
0x325: {  	v28 =	vmul.f32 v34, v30;
	v24 =	vmax.f32 v22, $-9.999989860e-01;
	v25 =	vshra.s32 v5, $0x1  }
0x326: {  	v22 =	vmul.f32 $5.000000000e-01, v5;
	v5 =	vmul.u32 $0x4, v0;
	v26 =	vmul.f32 v23, v62  }
0x327: {  	v27 =	vadd.f32 v27, v28;
	v29 =	vmin.f32 v24, $9.999989860e-01;
	v24 =	vmov s9  }
0x328: {  	v25 =	vsub.s32 $0x5F3759DF, v25;
	v24 =	vshll.u32 v24, $0x2;
	v26 =	vmul.f32 v26, v23  }
0x329: {  	v30 =	vmul.f32 v25, v22;
	v57 =	vmul.f32 v29, v29;
	v24 =	vor.u32 v5, v24  }
0x32a: {  	v28 =	vmul.f32 v32, v37;
	v56 =	vor.u32 $0x1, v24;
	v26 =	vsub.f32 $1.500000000e+00, v26  }
0x32b: {  	v58 =	vor.u32 $0x2, v24;
	v30 =	vmul.f32 v25, v30;
	v32 =	vmul.f32 v57, v57  }
0x32c: {  	v60 =	vmul.f32 $6.000000000e+00, v57;
	v23 =	vmul.f32 v26, v23;
	v26 =	vadd.f32 v27, v28  }
0x32d: {  	s7 =	simm.s32 $0x41A0;
	v37 =	vmul.f32 $1.800000000e+01, v57;
	v27 =	vsub.f32 $1.000000000e+00, v57;
	v28 =	vsub.f32 $1.500000000e+00, v30  }
0x32e: {  	v40 =	vor.u32 $0x3, v24;
	v59 =	vmul.f32 v32, v57;
	v30 =	vld [tilespmem:s7+$0x0];
	v23 =	vmul.f32 v23, v26  }
0x32f: {  	v61 =	vld.idx.msk [tilespmem:v24+s0+$0x0], $0xffff;
	v33 =	vmax.f32 v27, $9.999999960e-13;
	v27 =	vmul.f32 $4.800000000e+01, v32;
	v26 =	vmul.f32 v25, v28  }
0x330: {  	p3 =	por $0x1, $0x1;
	v62 =	vld.idx.msk [tilespmem:v56+s0+$0x0], $0xffff;
	v25 =	vmul.f32 $3.200000000e+01, v59;
	v34 =	vadd.f32 v33, v33;
	v63 =	vmul.f32 $3.000000000e+00, v33  }
.Ltmp8:
0x331: {  	v43 =	vld.idx.msk [tilespmem:v58+s0+$0x0], $0xffff;
	v38 =	vmul.f32 v33, v60;
	v23 =	vmax.f32 v23, $-9.999989860e-01;
	v28 =	vmul.f32 v26, v22;
	(pc) =	sbr.rel @!p3 .LBB3_17-.Ltmp8, $4  }
0x332: {  	v36 =	vsub.f32 v25, v27;
	v35 =	vmin.f32 v23, $9.999989860e-01;
	v39 =	vsub.f32 v57, v63  }
0x333: {  	vm7 =	veq.s32 v30, $0x3;
	vm6 =	veq.s32 v30, $0x4;
	v41 =	vmul.f32 v35, v35  }
0x334: {  	v23 =	vmul.u32 $0x3, v61;
	vm5 =	veq.s32 v30, $0x2;
	vm13 =	veq.s32 v30, $0x1  }
0x335: {  	p0 =	por $0x1, $0x1;
	s9 =	simm.s32 $0x40;
	v24 =	vmul.u32 $0x3, v62;
	v27 =	vmovc v11;
	v25 =	vmovc v6;
	v42 =	vmul.f32 v41, v41;
	v44 =	vsub.f32 $1.000000000e+00, v41  }
.LBB3_18:
0x336: {  	v43 =	vmul.u32 $0x3, v43;
	v45 =	vadd.s32 $0x1800, v23  }
0x337: {  	p3 =	sne.s32 s9, $0x170;
	v5 =	vmul.f32 v42, v41;
	vm14 =	vmmov vm8;
	vm8 =	vmmov vm13  }
0x338: {  	v46 =	vmul.f32 $6.000000000e+00, v41;
	v47 =	vmul.f32 $4.800000000e+01, v42;
	v44 =	vmax.f32 v44, $9.999999960e-13  }
0x339: {  	v48 =	vadd.s32 $0x1801, v23;
	v49 =	vmul.f32 $3.000000000e+00, v44;
	v5 =	vmul.f32 $3.200000000e+01, v5  }
0x33a: {  	v50 =	vadd.s32 $0x1802, v23;
	v51 =	vadd.f32 v44, v44;
	v46 =	vmul.f32 v44, v46  }
0x33b: {  	v49 =	vsub.f32 v41, v49;
	v47 =	vsub.f32 v5, v47;
	v41 =	vmul.f32 $1.800000000e+01, v41  }
0x33c: {  	s5 =	sadd.s32 $0x10, s5;
	v44 =	vmul.f32 v44, v44;
	v51 =	vsub.f32 $1.000000000e+00, v51;
	v42 =	vsub.f32 v42, v46;
	v40 =	vld.idx.msk [tilespmem:v40+s0+$0x0], $0xffff  }
0x33d: {  	v5 =	vld [tilespmem:s5+$0x0];
	v46 =	vmul.f32 v49, v35;
	v41 =	vadd.f32 v47, v41;
	v35 =	vnsel vm8, $0x0, v35  }
0x33e: {  	s6 =	sadd.s32 $0x10, s6;
	v47 =	vadd.s32 $0x1800, v24;
	v42 =	vadd.f32 v42, v44;
	v35 =	vsel vm5, v51, v35  }
0x33f: {  	v44 =	vadd.s32 $0x1801, v24;
	v49 =	vld [tilespmem:s6+$0x0];
	v41 =	vadd.f32 $-1.000000000e+00, v41;
	v35 =	vsel vm7, v46, v35  }
0x340: {  	vm13 =	veq.s32 v30, $0x6;
	v46 =	vadd.s32 $0x1802, v24;
	v45 =	vld.idx.msk [tilespmem:v45+s8+$0x0], $0xffff;
	v30 =	vsel vm6, v42, v35  }
0x341: {  	v35 =	vadd.s32 $0x1, v24;
	v42 =	vld.idx.msk [tilespmem:v48+s8+$0x0], $0xffff;
	v48 =	vadd.s32 $0x1800, v43;
	v30 =	vsel vm13, v41, v30  }
0x342: {  	v40 =	vmul.u32 $0x3, v40;
	v41 =	vld.idx.msk [tilespmem:v50+s8+$0x0], $0xffff;
	v50 =	vadd.s32 $0x1801, v43;
	v30 =	vmul.f32 v30, v5  }
0x343: {  	v52 =	vadd.s32 $0x1, v43;
	v53 =	vadd.s32 $0x1802, v43;
	v51 =	vadd.s32 $0x2, v24;
	v47 =	vld.idx.msk [tilespmem:v47+s8+$0x0], $0xffff  }
0x344: {  	v54 =	vadd.s32 $0x1801, v40;
	v44 =	vld.idx.msk [tilespmem:v44+s8+$0x0], $0xffff;
	v49 =	vmul.f32 $5.000000000e-01, v49;
	v30 =	vsub.f32 $1.000000000e+00, v30  }
0x345: {  	v55 =	vadd.s32 $0x2, v43;
	v56 =	vadd.s32 $0x1, v40;
	v57 =	vadd.s32 $0x1802, v40;
	v46 =	vld.idx.msk [tilespmem:v46+s8+$0x0], $0xffff  }
0x346: {  	v58 =	vadd.s32 $0x2, v40;
	v59 =	vadd.s32 $0x1800, v40;
	v48 =	vld.idx.msk [tilespmem:v48+s8+$0x0], $0xffff;
	v30 =	vmul.f32 v30, v49  }
0x347: {  	v60 =	vadd.s32 $0x1, v23;
	v61 =	vadd.s32 $0x2, v23;
	v28 =	vmul.f32 v28, v26;
	v50 =	vld.idx.msk [tilespmem:v50+s8+$0x0], $0xffff  }
0x348: {  	v33 =	vmul.f32 v33, v33;
	v53 =	vld.idx.msk [tilespmem:v53+s8+$0x0], $0xffff;
	v7 =	vadd.f32 v30, v7;
	v30 =	vsub.f32 $1.000000000e+00, v34  }
0x349: {  	v39 =	vmul.f32 v39, v29;
	v32 =	vsub.f32 v32, v38;
	v28 =	vsub.f32 $1.500000000e+00, v28;
	v34 =	vld.idx.msk [tilespmem:v54+s8+$0x0], $0xffff  }
0x34a: {  	v36 =	vadd.f32 v36, v37;
	v31 =	vmul.f32 v31, v27;
	v27 =	vmovc v20;
	v29 =	vnsel vm14, $0x0, v29;
	v38 =	vld.idx.msk [tilespmem:v57+s8+$0x0], $0xffff  }
0x34b: {  	v26 =	vmul.f32 v28, v26;
	v28 =	vadd.f32 v32, v33;
	v29 =	vsel vm12, v30, v29;
	v20 =	vld.idx.msk [tilespmem:v59+s8+$0x0], $0xffff  }
0x34c: {  	v33 =	vsub.f32 v42, v44;
	v30 =	vsub.f32 v45, v47;
	v29 =	vsel vm10, v39, v29;
	v32 =	vld.idx.msk [tilespmem:v35+s8+$0x0], $0xffff  }
0x34d: {  	v22 =	vmul.f32 v26, v22;
	v37 =	vsub.f32 v48, v47;
	v39 =	vsub.f32 v50, v44;
	v35 =	vld.idx.msk [tilespmem:v51+s8+$0x0], $0xffff  }
0x34e: {  	v41 =	vsub.f32 v41, v46;
	v29 =	vsel vm11, v28, v29;
	v44 =	vsub.f32 v53, v46;
	v42 =	vld.idx.msk [tilespmem:v52+s8+$0x0], $0xffff  }
0x34f: {  	v46 =	vmul.f32 v37, v33;
	v28 =	vsub.f32 v34, v50;
	v34 =	vmul.f32 v39, v30;
	v45 =	vld.idx.msk [tilespmem:v55+s8+$0x0], $0xffff  }
0x350: {  	v50 =	vmul.f32 v39, v41;
	v38 =	vsub.f32 v38, v53;
	v33 =	vmul.f32 v44, v33;
	v47 =	vld.idx.msk [tilespmem:v56+s8+$0x0], $0xffff  }
0x351: {  	v41 =	vmul.f32 v37, v41;
	v52 =	vmul.f32 v44, v30;
	v48 =	vsub.f32 v20, v48;
	v51 =	vld.idx.msk [tilespmem:v58+s8+$0x0], $0xffff  }
0x352: {  	v36 =	vadd.f32 $-1.000000000e+00, v36;
	v54 =	vmul.f32 v28, v44;
	v20 =	vmovc v49;
	v55 =	vmul.f32 v38, v39;
	v53 =	vld.idx.msk [tilespmem:v60+s8+$0x0], $0xffff  }
0x353: {  	v25 =	vadd.f32 v31, v25;
	v38 =	vmul.f32 v38, v37;
	v44 =	vmul.f32 v48, v44;
	v49 =	vld.idx.msk [tilespmem:v61+s8+$0x0], $0xffff  }
0x354: {  	v30 =	vsub.f32 v33, v50;
	v33 =	vmul.f32 v48, v39;
	v31 =	vld.idx.msk [tilespmem:v24+s8+$0x0], $0xffff;
	v24 =	vsub.f32 v41, v52  }
0x355: {  	v37 =	vmul.f32 v28, v37;
	v41 =	vsub.f32 v54, v55;
	v38 =	vsub.f32 v38, v44;
	v39 =	vld.idx.msk [tilespmem:v43+s8+$0x0], $0xffff  }
0x356: {  	v28 =	vsub.f32 v34, v46;
	v34 =	vmul.f32 v30, v30;
	v40 =	vld.idx.msk [tilespmem:v40+s8+$0x0], $0xffff;
	v43 =	vmul.f32 v24, v24  }
0x357: {  	v33 =	vsub.f32 v33, v37;
	v37 =	vmul.f32 v41, v41;
	v44 =	vmul.f32 v38, v38;
	v23 =	vld.idx.msk [tilespmem:v23+s8+$0x0], $0xffff  }
0x358: {  	v48 =	vmul.f32 v28, v28;
	v46 =	vsub.f32 v53, v32;
	v32 =	vsub.f32 v42, v32  }
0x359: {  	v34 =	vadd.f32 v43, v34;
	v37 =	vadd.f32 v44, v37;
	v43 =	vmul.f32 v33, v33  }
0x35a: {  	v22 =	vmul.f32 v22, v26;
	v44 =	vsub.f32 v49, v35;
	v35 =	vsub.f32 v45, v35  }
0x35b: {  	v29 =	vsel vm9, v36, v29;
	v34 =	vadd.f32 v34, v48;
	v37 =	vadd.f32 v37, v43  }
0x35c: {  	v36 =	vsub.f32 v47, v42;
	v42 =	vsub.f32 v51, v45;
	v43 =	vmul.f32 v35, v46  }
0x35d: {  	v23 =	vsub.f32 v23, v31;
	v31 =	vsub.f32 v39, v31;
	v34 =	vmul.f32 v37, v34  }
0x35e: {  	v37 =	vsub.f32 v40, v39;
	v39 =	vmul.f32 v32, v44;
	v40 =	vmul.f32 v36, v35  }
0x35f: {  	v44 =	vmul.f32 v31, v44;
	v45 =	vmul.f32 v35, v23;
	v34 =	vmax.f32 v34, $1.000000020e-24  }
0x360: {  	v47 =	vmul.f32 v42, v32;
	v48 =	vshra.s32 v34, $0x1;
	v34 =	vmul.f32 $5.000000000e-01, v34  }
0x361: {  	v42 =	vmul.f32 v42, v31;
	v35 =	vmul.f32 v37, v35;
	v48 =	vsub.s32 $0x5F3759DF, v48  }
0x362: {  	v39 =	vsub.f32 v43, v39;
	v43 =	vsub.f32 v44, v45;
	v44 =	vmul.f32 v48, v34  }
0x363: {  	v23 =	vmul.f32 v32, v23;
	v40 =	vsub.f32 v40, v47;
	v35 =	vsub.f32 v42, v35  }
0x364: {  	v22 =	vsub.f32 $1.500000000e+00, v22;
	v42 =	vmul.f32 v31, v46;
	v44 =	vmul.f32 v48, v44  }
0x365: {  	vm9 =	vmmov vm13;
	v32 =	vmul.f32 v37, v32;
	v31 =	vmul.f32 v36, v31  }
0x366: {  	v36 =	vmul.f32 v39, v39;
	v37 =	vmul.f32 v43, v43;
	v44 =	vsub.f32 $1.500000000e+00, v44  }
0x367: {  	v23 =	vsub.f32 v23, v42;
	v42 =	vmul.f32 v40, v40;
	v45 =	vmul.f32 v35, v35  }
0x368: {  	v31 =	vsub.f32 v32, v31;
	v32 =	vadd.f32 v37, v36;
	v36 =	vmul.f32 v48, v44  }
0x369: {  	v39 =	vmul.f32 v40, v39;
	v37 =	vmul.f32 v23, v23;
	v42 =	vadd.f32 v45, v42  }
0x36a: {  	vm10 =	vmmov vm7;
	v40 =	vmul.f32 v31, v31;
	v44 =	vmul.f32 v36, v34  }
0x36b: {  	v35 =	vmul.f32 v35, v43;
	v23 =	vmul.f32 v31, v23;
	v32 =	vadd.f32 v32, v37  }
0x36c: {  	v22 =	vmul.f32 v22, v26;
	v31 =	vadd.f32 v42, v40;
	v37 =	vmul.f32 v44, v36  }
0x36d: {  	vm11 =	vmmov vm6;
	v29 =	vmul.f32 v29, v21;
	v21 =	vmovc v5;
	v26 =	vadd.f32 v35, v39  }
0x36e: {  	v22 =	vmul.f32 v22, v10;
	v5 =	vmul.f32 v31, v32;
	v32 =	vsub.f32 $1.500000000e+00, v37  }
0x36f: {  	vm12 =	vmmov vm5;
	v10 =	vadd.f32 v26, v23;
	v31 =	vsub.f32 $1.000000000e+00, v29  }
0x370: {  	v26 =	vmax.f32 v22, $-9.999989860e-01;
	v5 =	vmax.f32 v5, $1.000000020e-24;
	v23 =	vmul.f32 v32, v36  }
0x371: {  	v29 =	vmin.f32 v26, $9.999989860e-01;
	v22 =	vmul.f32 $5.000000000e-01, v5;
	v32 =	vshra.s32 v5, $0x1  }
0x372: {  	v26 =	vmov s9;
	v5 =	vmul.u32 $0x4, v0;
	v34 =	vmul.f32 v23, v34  }
0x373: {  	v30 =	vmul.f32 v41, v30;
	v26 =	vshll.u32 v26, $0x2;
	v35 =	vsub.s32 $0x5F3759DF, v32  }
0x374: {  	v24 =	vmul.f32 v38, v24;
	v40 =	vor.u32 v5, v26;
	v26 =	vmul.f32 v34, v23  }
0x375: {  	v37 =	vmul.f32 v29, v29;
	v32 =	vmul.f32 v35, v22;
	v34 =	vor.u32 $0x1, v40  }
0x376: {  	v28 =	vmul.f32 v33, v28;
	v24 =	vadd.f32 v24, v30;
	v26 =	vsub.f32 $1.500000000e+00, v26  }
0x377: {  	v36 =	vor.u32 $0x2, v40;
	v33 =	vmul.f32 v35, v32;
	v32 =	vmul.f32 v37, v37  }
0x378: {  	s7 =	sadd.s32 $0x10, s7;
	v24 =	vadd.f32 v24, v28;
	v23 =	vmul.f32 v26, v23;
	v26 =	vsub.f32 $1.000000000e+00, v37  }
0x379: {  	v39 =	vmul.f32 $6.000000000e+00, v37;
	v28 =	vsub.f32 $1.500000000e+00, v33;
	v38 =	vmul.f32 v32, v37;
	v30 =	vld [tilespmem:s7+$0x0]  }
0x37a: {  	v23 =	vmul.f32 v23, v24;
	v33 =	vmax.f32 v26, $9.999999960e-13;
	v24 =	vmul.f32 $4.800000000e+01, v32;
	v42 =	vld.idx.msk [tilespmem:v40+s0+$0x0], $0xffff  }
0x37b: {  	v41 =	vmul.f32 $3.200000000e+01, v38;
	v26 =	vmul.f32 v35, v28;
	v44 =	vld.idx.msk [tilespmem:v34+s0+$0x0], $0xffff;
	v34 =	vadd.f32 v33, v33  }
0x37c: {  	v45 =	vmul.f32 $3.000000000e+00, v33;
	v38 =	vmul.f32 v33, v39;
	v23 =	vmax.f32 v23, $-9.999989860e-01;
	v43 =	vld.idx.msk [tilespmem:v36+s0+$0x0], $0xffff  }
.Ltmp9:
0x37d: {  	v28 =	vmul.f32 v26, v22;
	v35 =	vmin.f32 v23, $9.999989860e-01;
	v36 =	vsub.f32 v41, v24;
	(pc) =	sbr.rel @p3 .LBB3_18-.Ltmp9, $4  }
0x37e: {  	v39 =	vsub.f32 v37, v45;
	v37 =	vmul.f32 $1.800000000e+01, v37;
	v41 =	vmul.f32 v35, v35  }
0x37f: {  	v40 =	vor.u32 $0x3, v40;
	vm7 =	veq.s32 v30, $0x3;
	vm6 =	veq.s32 v30, $0x4  }
0x380: {  	vm5 =	veq.s32 v30, $0x2;
	v23 =	vmul.u32 $0x3, v42;
	v42 =	vmul.f32 v41, v41  }
0x381: {  	s9 =	sadd.s32 $0x10, s9;
	vm13 =	veq.s32 v30, $0x1;
	v24 =	vmul.u32 $0x3, v44;
	v44 =	vsub.f32 $1.000000000e+00, v41  }
.LBB3_19:
0x382: {  	v43 =	vmul.u32 $0x3, v43;
	v45 =	vadd.s32 $0x1800, v23;
	v46 =	vmul.f32 @p1 v42, v41  }
0x383: {  	vm13 =	vmmov @p1 vm13;
	v47 =	vmul.f32 @p1 $6.000000000e+00, v41;
	v48 =	vmul.f32 @p1 $4.800000000e+01, v42  }
0x384: {  	v49 =	vadd.s32 $0x1801, v23;
	v51 =	vadd.s32 $0x1802, v23;
	vm14 =	veq.s32 @p1 v30, $0x6  }
0x385: {  	vm8 =	vmmov @p2 vm8;
	v28 =	vmul.f32 @p1 v28, v26;
	v34 =	vsub.f32 @p2 $1.000000000e+00, v34  }
0x386: {  	v33 =	vmul.f32 @p2 v33, v33;
	v32 =	vsub.f32 @p2 v32, v38;
	v39 =	vmul.f32 @p2 v39, v29  }
0x387: {  	v27 =	vmul.f32 @p0 v31, v27;
	v36 =	vadd.f32 @p2 v36, v37;
	v20 =	vpsel p2, v20, v0  }
0x388: {  	v44 =	vmax.f32 @p1 v44, $9.999999960e-13;
	v59 =	vadd.s32 $0x1800, v24;
	v60 =	vadd.s32 $0x1801, v24  }
0x389: {  	v61 =	vadd.s32 $0x1802, v24;
	v54 =	vadd.s32 $0x1, v24;
	v55 =	vadd.s32 $0x2, v24  }
0x38a: {  	s5 =	sadd.s32 @p2 $0x10, s5;
	s8 =	simm.s32 $0x4300;
	v29 =	vnsel @p2 vm8, $0x0, v29;
	v50 =	vmul.f32 @p1 $3.000000000e+00, v44;
	v46 =	vmul.f32 @p1 $3.200000000e+01, v46  }
0x38b: {  	v58 =	vld.idx.msk [tilespmem:v40+s0+$0x0], $0xffff;
	s8 =	smov.u32 @p2 s5;
	vm8 =	vmmov @p1 vm14;
	v52 =	vadd.f32 @p1 v44, v44;
	v47 =	vmul.f32 @p1 v44, v47  }
0x38c: {  	s13 =	simm.s32 $0x0;
	v40 =	vld @p1 [tilespmem:s8+$0x0];
	v50 =	vsub.f32 @p1 v41, v50;
	v46 =	vsub.f32 @p1 v46, v48;
	v41 =	vmul.f32 @p1 $1.800000000e+01, v41  }
0x38d: {  	s5 =	sadd.s32 @p2 $0x10, s6;
	s6 =	simm.s32 $0x4000;
	v44 =	vmul.f32 @p1 v44, v44;
	v52 =	vsub.f32 @p1 $1.000000000e+00, v52;
	v42 =	vsub.f32 @p1 v42, v47;
	v45 =	vld.idx.msk [tilespmem:v45+s13+$0x0], $0xffff  }
0x38e: {  	s6 =	smov.u32 @p2 s5;
	v48 =	vld.idx.msk [tilespmem:v51+s13+$0x0], $0xffff;
	v47 =	vmul.f32 @p1 v50, v35;
	v41 =	vadd.f32 @p1 v46, v41;
	v35 =	vnsel @p1 vm13, $0x0, v35  }
0x38f: {  	v42 =	vadd.f32 @p1 v42, v44;
	v50 =	vld @p1 [tilespmem:s6+$0x0];
	v46 =	vadd.s32 $0x1802, v43;
	v35 =	vsel @p1 vm5, v52, v35  }
0x390: {  	v62 =	vadd.s32 $0x1800, v43;
	v44 =	vld.idx.msk [tilespmem:v60+s13+$0x0], $0xffff;
	v41 =	vadd.f32 @p1 $-1.000000000e+00, v41;
	v35 =	vsel @p1 vm7, v47, v35  }
0x391: {  	vm0 =	vmmov @p1 vm13;
	v47 =	vld.idx.msk [tilespmem:v49+s13+$0x0], $0xffff;
	v49 =	vadd.s32 $0x1801, v43;
	v35 =	vsel @p1 vm6, v42, v35  }
0x392: {  	v52 =	vld.idx.msk [tilespmem:v61+s13+$0x0], $0xffff;
	v42 =	vmul.u32 $0x3, v58;
	v58 =	vadd.s32 $0x1, v43;
	v35 =	vsel @p1 vm14, v41, v35  }
0x393: {  	v28 =	vsub.f32 @p1 $1.500000000e+00, v28;
	v32 =	vadd.f32 @p2 v32, v33;
	v41 =	vld.idx.msk [tilespmem:v59+s13+$0x0], $0xffff;
	v51 =	vmul.f32 @p1 v35, v40  }
0x394: {  	v29 =	vsel @p2 vm12, v34, v29;
	v36 =	vadd.f32 @p2 $-1.000000000e+00, v36;
	v53 =	vadd.s32 $0x1801, v42;
	v46 =	vld.idx.msk [tilespmem:v46+s13+$0x0], $0xffff  }
0x395: {  	v56 =	vadd.s32 $0x1802, v42;
	v35 =	vmul.f32 @p1 $5.000000000e-01, v50;
	v50 =	vsub.f32 @p1 $1.000000000e+00, v51;
	v51 =	vld.idx.msk [tilespmem:v62+s13+$0x0], $0xffff  }
0x396: {  	v25 =	vadd.f32 @p0 v27, v25;
	vm1 =	vmmov @p1 vm8;
	v57 =	vadd.s32 $0x1800, v42;
	v49 =	vld.idx.msk [tilespmem:v49+s13+$0x0], $0xffff  }
0x397: {  	v29 =	vsel @p2 vm10, v39, v29;
	v26 =	vmul.f32 @p1 v28, v26;
	v60 =	vadd.s32 $0x1, v42;
	v37 =	vld.idx.msk [tilespmem:v58+s13+$0x0], $0xffff  }
0x398: {  	vm0 =	vmmov @p1 vm0;
	v29 =	vsel @p2 vm11, v32, v29;
	v61 =	vadd.s32 $0x2, v42;
	v42 =	vld.idx.msk [tilespmem:v42+s13+$0x0], $0xffff  }
0x399: {  	vm10 =	vmmov @p1 vm6;
	v29 =	vsel @p2 vm9, v36, v29;
	v22 =	vmul.f32 @p1 v26, v22;
	v53 =	vld.idx.msk [tilespmem:v53+s13+$0x0], $0xffff  }
0x39a: {  	v21 =	vmul.f32 @p2 v29, v21;
	v59 =	vadd.s32 $0x2, v43;
	v47 =	vsub.f32 v47, v44;
	v38 =	vld.idx.msk [tilespmem:v56+s13+$0x0], $0xffff  }
0x39b: {  	v30 =	vmul.f32 @p1 v50, v35;
	v45 =	vsub.f32 v45, v41;
	v63 =	vld.idx.msk [tilespmem:v57+s13+$0x0], $0xffff;
	v31 =	vsub.f32 v51, v41  }
0x39c: {  	v50 =	vadd.s32 $0x1, v23;
	v57 =	vsub.f32 v48, v52;
	v58 =	vld.idx.msk [tilespmem:v60+s13+$0x0], $0xffff;
	v41 =	vsub.f32 v49, v44  }
0x39d: {  	v62 =	vadd.s32 $0x2, v23;
	v60 =	vld.idx.msk [tilespmem:v24+s13+$0x0], $0xffff;
	v44 =	vsub.f32 v46, v52;
	v52 =	vmul.f32 v31, v47  }
0x39e: {  	v28 =	vmul.f32 v31, v57;
	v48 =	vsub.f32 v53, v49;
	v49 =	vmul.f32 v41, v45;
	v53 =	vld.idx.msk [tilespmem:v54+s13+$0x0], $0xffff  }
0x39f: {  	v38 =	vsub.f32 v38, v46;
	v46 =	vmul.f32 v44, v47;
	v54 =	vld.idx.msk [tilespmem:v55+s13+$0x0], $0xffff;
	v45 =	vmul.f32 v44, v45  }
0x3a0: {  	v47 =	vmul.f32 v41, v57;
	v51 =	vsub.f32 v63, v51;
	v57 =	vld.idx.msk [tilespmem:v59+s13+$0x0], $0xffff;
	v55 =	vmul.f32 v48, v44  }
0x3a1: {  	v63 =	vmul.f32 v38, v41;
	v38 =	vmul.f32 v38, v31;
	v28 =	vsub.f32 v28, v45;
	v45 =	vld.idx.msk [tilespmem:v50+s13+$0x0], $0xffff  }
0x3a2: {  	v44 =	vmul.f32 v51, v44;
	v46 =	vsub.f32 v46, v47;
	v41 =	vmul.f32 v51, v41;
	v51 =	vld.idx.msk [tilespmem:v62+s13+$0x0], $0xffff  }
0x3a3: {  	v31 =	vmul.f32 v48, v31;
	v48 =	vsub.f32 v49, v52;
	v62 =	vld.idx.msk [tilespmem:v43+s13+$0x0], $0xffff;
	v47 =	vsub.f32 v55, v63  }
0x3a4: {  	v38 =	vsub.f32 v38, v44;
	v49 =	vmul.f32 v46, v46;
	v63 =	vmul.f32 v28, v28  }
0x3a5: {  	v44 =	vld.idx.msk [tilespmem:v61+s13+$0x0], $0xffff;
	v31 =	vsub.f32 v41, v31;
	v61 =	vmul.f32 v48, v48;
	v32 =	vsub.f32 v37, v53  }
0x3a6: {  	v55 =	vld.idx.msk [tilespmem:v23+s13+$0x0], $0xffff;
	v43 =	vsub.f32 v57, v54;
	v37 =	vsub.f32 v58, v37;
	v56 =	vmul.f32 v47, v47  }
0x3a7: {  	v59 =	vmul.f32 v38, v38;
	v63 =	vadd.f32 v63, v49;
	v39 =	vsub.f32 v45, v53  }
0x3a8: {  	v22 =	vmul.f32 @p1 v22, v26;
	v24 =	vsub.f32 v62, v60;
	v34 =	vsub.f32 v42, v62  }
0x3a9: {  	v52 =	vmul.f32 v31, v31;
	v41 =	vadd.f32 v59, v56;
	v33 =	vadd.f32 v63, v61  }
0x3aa: {  	v56 =	vsub.f32 v51, v54;
	v61 =	vmul.f32 v37, v43;
	v57 =	vsub.f32 v44, v57  }
0x3ab: {  	v58 =	vmul.f32 v43, v39;
	v23 =	vsub.f32 v55, v60;
	v39 =	vmul.f32 v24, v39  }
0x3ac: {  	v41 =	vadd.f32 v41, v52;
	v59 =	vmul.f32 v32, v56;
	v45 =	vmul.f32 v24, v56  }
0x3ad: {  	vm11 =	vmmov @p1 vm5;
	v62 =	vmul.f32 v43, v23;
	v53 =	vmul.f32 v57, v32  }
0x3ae: {  	vm3 =	vmmov @p1 vm10;
	v43 =	vmul.f32 v34, v43;
	v33 =	vmul.f32 v41, v33  }
0x3af: {  	v25 =	vpsel p0, v25, v6;
	v23 =	vmul.f32 v32, v23;
	v32 =	vmul.f32 v34, v32  }
0x3b0: {  	v41 =	vmul.f32 v57, v24;
	v44 =	vsub.f32 v58, v59;
	v33 =	vmax.f32 v33, $1.000000020e-24  }
0x3b1: {  	v24 =	vmul.f32 v37, v24;
	v60 =	vshra.s32 v33, $0x1;
	v33 =	vmul.f32 $5.000000000e-01, v33  }
0x3b2: {  	v42 =	vsub.f32 v45, v62;
	v27 =	vsub.f32 v61, v53;
	v50 =	vsub.s32 $0x5F3759DF, v60  }
0x3b3: {  	v41 =	vsub.f32 v41, v43;
	v56 =	vmul.f32 v44, v44;
	v63 =	vmul.f32 v50, v33  }
0x3b4: {  	v23 =	vsub.f32 v23, v39;
	v57 =	vmul.f32 v42, v42;
	v58 =	vmul.f32 v27, v27  }
0x3b5: {  	v24 =	vsub.f32 v32, v24;
	v59 =	vmul.f32 v41, v41;
	v54 =	vmul.f32 v50, v63  }
0x3b6: {  	v22 =	vsub.f32 @p1 $1.500000000e+00, v22;
	v62 =	vmul.f32 v23, v23;
	v60 =	vadd.f32 v57, v56  }
0x3b7: {  	v39 =	vadd.f32 v59, v58;
	v63 =	vmul.f32 v24, v24;
	v55 =	vsub.f32 $1.500000000e+00, v54  }
0x3b8: {  	vm9 =	vmmov @p1 vm7;
	v21 =	vsub.f32 @p2 $1.000000000e+00, v21;
	v22 =	vmul.f32 @p1 v22, v26  }
0x3b9: {  	v32 =	vadd.f32 v60, v62;
	v45 =	vadd.f32 v39, v63;
	v34 =	vmul.f32 v50, v55  }
0x3ba: {  	s7 =	sadd.s32 @p1 $0x10, s7;
	vm4 =	vmmov @p1 vm11;
	vm2 =	vmmov @p1 vm9;
	v10 =	vmul.f32 @p1 v22, v10  }
0x3bb: {  	s26 =	smov.u32 @p1 s7;
	v21 =	vpsel p2, v21, v0;
	v51 =	vmul.f32 v45, v32;
	v61 =	vmul.f32 v34, v33  }
0x3bc: {  	v10 =	vmax.f32 @p1 v10, $-9.999989860e-01;
	v27 =	vmul.f32 v27, v44;
	v49 =	vmul.f32 v41, v42;
	v57 =	vld [tilespmem:s26+$0x0]  }
0x3bd: {  	v23 =	vmul.f32 v24, v23;
	v24 =	vmax.f32 v51, $1.000000020e-24;
	v36 =	vmul.f32 v61, v34  }
0x3be: {  	v28 =	vmul.f32 v38, v28;
	v53 =	vshra.s32 v24, $0x1;
	v24 =	vmul.f32 $5.000000000e-01, v24  }
0x3bf: {  	v27 =	vadd.f32 v49, v27;
	v26 =	vsub.s32 $0x5F3759DF, v53;
	v50 =	vsub.f32 $1.500000000e+00, v36  }
0x3c0: {  	v10 =	vmin.f32 @p1 v10, $9.999989860e-01;
	v31 =	vmul.f32 v31, v48;
	v56 =	vmul.f32 v26, v24  }
0x3c1: {  	v23 =	vadd.f32 v27, v23;
	vm6 =	veq.s32 v57, $0x3;
	v52 =	vmul.f32 v50, v34  }
0x3c2: {  	vm5 =	veq.s32 v57, $0x4;
	vm7 =	veq.s32 v57, $0x2;
	v27 =	vmul.f32 v26, v56  }
0x3c3: {  	vm12 =	veq.s32 v57, $0x1;
	vm15 =	veq.s32 v57, $0x6;
	v54 =	vmul.f32 v52, v33  }
0x3c4: {  	v55 =	vmul.f32 v47, v46;
	vm14 =	vmmov vm12;
	v27 =	vsub.f32 $1.500000000e+00, v27  }
0x3c5: {  	vm11 =	vmmov vm6;
	v33 =	vmul.f32 @p1 v10, v10;
	v29 =	vmul.f32 v54, v52  }
0x3c6: {  	vm12 =	vmmov vm7;
	v28 =	vadd.f32 v28, v55;
	v26 =	vmul.f32 v26, v27  }
0x3c7: {  	vm13 =	vmmov vm14;
	v32 =	vmul.f32 @p1 v33, v33;
	v29 =	vsub.f32 $1.500000000e+00, v29  }
0x3c8: {  	v28 =	vadd.f32 v28, v31;
	v10 =	vpsel p1, v10, v12;
	v58 =	vmul.f32 v26, v24  }
0x3c9: {  	v31 =	vmul.f32 @p1 v32, v33;
	v22 =	vmul.f32 v29, v52;
	v29 =	vsub.f32 @p1 $1.000000000e+00, v33  }
0x3ca: {  	v36 =	vmul.f32 @p1 $6.000000000e+00, v33;
	v13 =	vpsel p1, v32, v13;
	v62 =	vmul.f32 v58, v26  }
0x3cb: {  	v31 =	vmul.f32 @p1 $3.200000000e+01, v31;
	v22 =	vmul.f32 v22, v28;
	v28 =	vmax.f32 @p1 v29, $9.999999960e-13  }
0x3cc: {  	v12 =	vsub.f32 $1.500000000e+00, v62;
	v29 =	vmul.f32 @p1 $4.800000000e+01, v32;
	v27 =	vadd.f32 @p1 v28, v28  }
0x3cd: {  	v37 =	vmul.f32 @p1 $3.000000000e+00, v28;
	v36 =	vmul.f32 @p1 v28, v36;
	v14 =	vpsel p1, v28, v14  }
0x3ce: {  	v12 =	vmul.f32 v12, v26;
	v22 =	vmax.f32 v22, $-9.999989860e-01;
	v29 =	vsub.f32 @p1 v31, v29  }
0x3cf: {  	v14 =	vmul.f32 @p1 v14, v14;
	v22 =	vmin.f32 v22, $9.999989860e-01;
	v37 =	vsub.f32 @p1 v33, v37  }
0x3d0: {  	v33 =	vmul.f32 @p1 $1.800000000e+01, v33;
	v15 =	vpsel p1, v27, v15;
	v16 =	vpsel p1, v36, v16  }
0x3d1: {  	v24 =	vmul.f32 v12, v24;
	v59 =	vmul.f32 v22, v22;
	v18 =	vpsel p1, v29, v18  }
0x3d2: {  	v15 =	vsub.f32 @p1 $1.000000000e+00, v15;
	v13 =	vsub.f32 @p1 v13, v16;
	v17 =	vpsel p1, v37, v17  }
0x3d3: {  	v27 =	vmovc @p1 v35;
	v19 =	vpsel p1, v33, v19;
	v24 =	vmul.f32 v24, v12;
	v60 =	vmul.f32 v59, v59  }
0x3d4: {  	v61 =	vsub.f32 $1.000000000e+00, v59;
	v11 =	vpsel p1, v27, v11;
	v36 =	vmul.f32 $6.000000000e+00, v59  }
0x3d5: {  	v43 =	vmul.f32 $1.800000000e+01, v59;
	v17 =	vmul.f32 @p1 v17, v10;
	v18 =	vadd.f32 @p1 v18, v19  }
0x3d6: {  	v10 =	vnsel @p1 vm0, $0x0, v10;
	v13 =	vadd.f32 @p1 v13, v14;
	v24 =	vsub.f32 $1.500000000e+00, v24  }
0x3d7: {  	v10 =	vsel @p1 vm4, v15, v10;
	v15 =	vmul.f32 @p2 v21, v20;
	v11 =	vpsel p1, v11, v0  }
0x3d8: {  	v63 =	vmul.f32 v60, v59;
	v37 =	vmax.f32 v61, $9.999999960e-13;
	v12 =	vmul.f32 v24, v12  }
0x3d9: {  	v38 =	vmul.f32 $4.800000000e+01, v60;
	v10 =	vsel @p1 vm2, v17, v10;
	v17 =	vadd.f32 @p1 $-1.000000000e+00, v18  }
0x3da: {  	v61 =	vmov s13;
	v41 =	vmul.f32 $3.000000000e+00, v37;
	v12 =	vmul.f32 v12, v23  }
0x3db: {  	v42 =	vadd.f32 v37, v37;
	v27 =	vmul.f32 v37, v36;
	v28 =	vmul.f32 v37, v37  }
0x3dc: {  	v10 =	vsel @p1 vm3, v13, v10;
	v26 =	vmul.f32 $3.200000000e+01, v63;
	v12 =	vmax.f32 v12, $-9.999989860e-01  }
0x3dd: {  	v10 =	vsel @p1 vm1, v17, v10;
	v32 =	vsub.f32 v59, v41;
	v12 =	vmin.f32 v12, $9.999989860e-01  }
0x3de: {  	v27 =	vsub.f32 v60, v27;
	v26 =	vsub.f32 v26, v38;
	v47 =	vmul.f32 v12, v12  }
0x3df: {  	v44 =	vsub.f32 $1.000000000e+00, v42;
	v32 =	vmul.f32 v32, v22;
	v22 =	vnsel vm14, $0x0, v22  }
0x3e0: {  	v46 =	vadd.f32 v27, v28;
	v26 =	vadd.f32 v26, v43;
	v48 =	vmul.f32 v47, v47  }
0x3e1: {  	vm14 =	vmmov vm5;
	v22 =	vsel vm7, v44, v22;
	v49 =	vsub.f32 $1.000000000e+00, v47  }
0x3e2: {  	v22 =	vsel vm6, v32, v22;
	v26 =	vadd.f32 $-1.000000000e+00, v26;
	v50 =	vmul.f32 v48, v47  }
0x3e3: {  	v27 =	vmovc @p1 v40;
	v51 =	vmul.f32 $6.000000000e+00, v47;
	v13 =	vmax.f32 v49, $9.999999960e-13;
	v52 =	vmul.f32 $4.800000000e+01, v48  }
0x3e4: {  	v8 =	vpsel p1, v27, v8;
	v53 =	vmul.f32 $3.000000000e+00, v13;
	v18 =	vmul.f32 $3.200000000e+01, v50  }
0x3e5: {  	s7 =	sadd.s32 @p1 $0x10, s8;
	v22 =	vsel vm5, v46, v22;
	v54 =	vadd.f32 v13, v13;
	v17 =	vmul.f32 v13, v51  }
0x3e6: {  	s4 =	smov.u32 @p1 s7;
	v16 =	vmul.f32 $1.800000000e+01, v47;
	v55 =	vsub.f32 v47, v53;
	v18 =	vsub.f32 v18, v52  }
0x3e7: {  	v45 =	vld [tilespmem:s4+$0x0];
	s4 =	sadd.s32 @p1 $0x10, s6;
	v13 =	vmul.f32 v13, v13;
	v56 =	vsub.f32 $1.000000000e+00, v54;
	v14 =	vsub.f32 v48, v17  }
0x3e8: {  	s3 =	smov.u32 @p1 s4;
	v57 =	vmul.f32 v55, v12;
	v12 =	vnsel vm13, $0x0, v12;
	v16 =	vadd.f32 v18, v16  }
0x3e9: {  	v58 =	vld [tilespmem:s3+$0x0];
	v8 =	vmul.f32 @p1 v10, v8;
	v59 =	vadd.f32 v14, v13;
	v12 =	vsel vm12, v56, v12  }
0x3ea: {  	v22 =	vsel vm15, v26, v22;
	v12 =	vsel vm11, v57, v12;
	v60 =	vadd.f32 $-1.000000000e+00, v16  }
0x3eb: {  	vm15 =	vmmov vm15;
	v8 =	vsub.f32 @p1 $1.000000000e+00, v8;
	v10 =	vsel vm14, v59, v12  }
0x3ec: {  	v15 =	vadd.f32 @p2 v15, v25;
	v22 =	vmul.f32 v22, v45;
	v10 =	vsel vm15, v60, v10  }
0x3ed: {  	v8 =	vpsel p1, v8, v0;
	v12 =	vshll.u32 v61, $0x2;
	v10 =	vmul.f32 v10, v45  }
0x3ee: {  	p5 =	por $0x1, $0x1;
	v62 =	vmul.f32 $5.000000000e-01, v58;
	v8 =	vmul.f32 @p1 v8, v11;
	v49 =	vor.u32 v5, v12  }
.Ltmp10:
0x3ef: {  	v63 =	vsub.f32 $1.000000000e+00, v22;
	v12 =	vpsel p2, v15, v6;
	v10 =	vsub.f32 $1.000000000e+00, v10;
	(pc) =	sbr.rel @!p5 .LBB3_20-.Ltmp10, $4  }
0x3f0: {  	s30 =	simm.s32 $0x4700;
	v7 =	vadd.f32 @p1 v30, v7;
	v8 =	vadd.f32 @p1 v8, v12  }
0x3f1: {  	p3 =	por $0x0, $0x0;
	p4 =	por $0x0, $0x0;
	s5 =	simm.s32 $0x10;
	v11 =	vmul.f32 v63, v62;
	v10 =	vmul.f32 v10, v62  }
0x3f2: {  	p0 =	por $0x0, $0x0;
	v7 =	vpsel p1, v7, v9;
	s26 =	simm.s32 $0x4580;
	s4 =	simm.s32 $0x4680;
	v6 =	vpsel p1, v8, v6  }
0x3f3: {  	s3 =	simm.s32 $0x4600;
	v7 =	vadd.f32 v11, v7;
	p2 =	por $0x0, $0x0;
	v53 =	vor.u32 $0x1, v49;
	p1 =	por $0x0, $0x0;
	v52 =	vld.idx.msk [tilespmem:v49+s29+$0x0], $0xffff;
	v6 =	vadd.f32 v10, v6  }
0x3f4: {  	_ =	sdelay $0x1  }
0x3f5: {  	v8 =	vor.u32 $0x2, v49;
	_ =	sdelay $0x1  }
0x3f6: {  	v9 =	vld.idx.msk [tilespmem:v53+s29+$0x0], $0xffff;
	_ =	sdelay $0x1  }
0x3f7: {  	v10 =	vmul.u32 $0x3, v52  }
0x3f8: {  	v11 =	vor.u32 $0x3, v49;
	v8 =	vld.idx.msk [tilespmem:v8+s29+$0x0], $0xffff  }
0x3f9: {  	v12 =	vadd.s32 $0x1800, v10  }
0x3fa: {  	v9 =	vmul.u32 $0x3, v9;
	v13 =	vadd.s32 $0x1801, v10  }
0x3fb: {  	v14 =	vadd.s32 $0x1802, v10  }
0x3fc: {  	v15 =	vadd.s32 $0x1800, v9  }
0x3fd: {  	v11 =	vld.idx.msk [tilespmem:v11+s29+$0x0], $0xffff;
	v16 =	vadd.s32 $0x1801, v9;
	v8 =	vmul.u32 $0x3, v8  }
0x3fe: {  	v17 =	vadd.s32 $0x1802, v9;
	v12 =	vld.idx.msk [tilespmem:v12+s1+$0x0], $0xffff  }
0x3ff: {  	v13 =	vld.idx.msk [tilespmem:v13+s1+$0x0], $0xffff;
	v18 =	vadd.s32 $0x1802, v8  }
0x400: {  	v14 =	vld.idx.msk [tilespmem:v14+s1+$0x0], $0xffff;
	v19 =	vadd.s32 $0x1801, v8  }
0x401: {  	v15 =	vld.idx.msk [tilespmem:v15+s1+$0x0], $0xffff;
	v20 =	vadd.s32 $0x1800, v8  }
0x402: {  	v16 =	vld.idx.msk [tilespmem:v16+s1+$0x0], $0xffff  }
0x403: {  	v11 =	vmul.u32 $0x3, v11;
	v17 =	vld.idx.msk [tilespmem:v17+s1+$0x0], $0xffff  }
0x404: {  	v18 =	vld.idx.msk [tilespmem:v18+s1+$0x0], $0xffff  }
0x405: {  	v21 =	vadd.s32 $0x1800, v11;
	v19 =	vld.idx.msk [tilespmem:v19+s1+$0x0], $0xffff  }
0x406: {  	v22 =	vadd.s32 $0x1801, v11;
	v20 =	vld.idx.msk [tilespmem:v20+s1+$0x0], $0xffff;
	_ =	sdelay $0x1  }
0x407: {  	v23 =	vadd.s32 $0x1802, v11  }
0x408: {  	v16 =	vsub.f32 v16, v13;
	v17 =	vsub.f32 v17, v14  }
0x409: {  	v24 =	vadd.s32 $0x1, v10;
	v21 =	vld.idx.msk [tilespmem:v21+s1+$0x0], $0xffff;
	v18 =	vsub.f32 v18, v14;
	v19 =	vsub.f32 v19, v13  }
0x40a: {  	v29 =	vadd.s32 $0x2, v10;
	v22 =	vld.idx.msk [tilespmem:v22+s1+$0x0], $0xffff;
	v15 =	vsub.f32 v15, v12;
	v20 =	vsub.f32 v20, v12  }
0x40b: {  	v26 =	vmul.f32 v18, v16;
	v27 =	vmul.f32 v19, v17  }
0x40c: {  	v25 =	vadd.s32 $0x1, v9;
	v23 =	vld.idx.msk [tilespmem:v23+s1+$0x0], $0xffff;
	v17 =	vmul.f32 v20, v17;
	v18 =	vmul.f32 v18, v15  }
0x40d: {  	v28 =	vadd.s32 $0x2, v9;
	v10 =	vld.idx.msk [tilespmem:v10+s1+$0x0], $0xffff;
	v30 =	vadd.s32 $0x1, v8;
	v15 =	vmul.f32 v19, v15  }
0x40e: {  	v43 =	vld.idx.msk [tilespmem:v24+s1+$0x0], $0xffff;
	v16 =	vmul.f32 v20, v16;
	v19 =	vsub.f32 v26, v27;
	v17 =	vsub.f32 v17, v18  }
0x40f: {  	v47 =	vld.idx.msk [tilespmem:v29+s1+$0x0], $0xffff;
	v37 =	vadd.s32 $0x2, v8;
	v12 =	vsub.f32 v21, v12;
	v13 =	vsub.f32 v22, v13  }
0x410: {  	v9 =	vld.idx.msk [tilespmem:v9+s1+$0x0], $0xffff;
	v15 =	vsub.f32 v15, v16;
	v39 =	vmul.f32 v19, v19;
	v40 =	vmul.f32 v17, v17  }
0x411: {  	v46 =	vadd.s32 $0x1, v11;
	v8 =	vld.idx.msk [tilespmem:v8+s1+$0x0], $0xffff;
	v14 =	vsub.f32 v23, v14;
	v42 =	vmul.f32 v12, v12  }
0x412: {  	v41 =	vld.idx.msk [tilespmem:v28+s1+$0x0], $0xffff;
	v44 =	vmul.f32 v13, v13;
	v45 =	vmul.f32 v15, v15;
	v16 =	vadd.f32 v40, v39  }
0x413: {  	v48 =	vld.idx.msk [tilespmem:v30+s1+$0x0], $0xffff  }
0x414: {  	v49 =	vmul.f32 v14, v14;
	v24 =	vadd.f32 v44, v42;
	v16 =	vadd.f32 v16, v45  }
0x415: {  	v38 =	vld.idx.msk [tilespmem:v25+s1+$0x0], $0xffff;
	v50 =	vadd.s32 $0x2, v11;
	v9 =	vsub.f32 v9, v10  }
0x416: {  	v8 =	vsub.f32 v8, v10;
	v18 =	vld.idx.msk [tilespmem:v37+s1+$0x0], $0xffff;
	v24 =	vadd.f32 v49, v24;
	v16 =	vmax.f32 v16, $1.000000020e-24  }
0x417: {  	v22 =	vsub.f32 v41, v47;
	v26 =	vld.idx.msk [tilespmem:v46+s1+$0x0], $0xffff;
	v51 =	vshra.s32 v16, $0x1;
	v16 =	vmul.f32 $5.000000000e-01, v16  }
0x418: {  	v28 =	vsub.f32 v48, v43;
	v24 =	vmax.f32 v24, $1.000000020e-24;
	v25 =	vsub.s32 $0x5F3759DF, v51  }
0x419: {  	v11 =	vld.idx.msk [tilespmem:v11+s1+$0x0], $0xffff;
	v52 =	vshra.s32 v24, $0x1;
	v24 =	vmul.f32 $5.000000000e-01, v24;
	v53 =	vmul.f32 v25, v16  }
0x41a: {  	v20 =	vsub.f32 v38, v43;
	v33 =	vmul.f32 v28, v22;
	v29 =	vsub.s32 $0x5F3759DF, v52  }
0x41b: {  	v18 =	vsub.f32 v18, v47;
	v31 =	vmul.f32 v29, v24;
	v30 =	vmul.f32 v25, v53  }
0x41c: {  	v21 =	vld.idx.msk [tilespmem:v50+s1+$0x0], $0xffff;
	v22 =	vmul.f32 v8, v22;
	v8 =	vmul.f32 v8, v20;
	v23 =	vsub.f32 v26, v43  }
0x41d: {  	v32 =	vmul.f32 v18, v20;
	v55 =	vmul.f32 v29, v31;
	v54 =	vsub.f32 $1.500000000e+00, v30  }
0x41e: {  	v10 =	vsub.f32 v11, v10;
	v18 =	vmul.f32 v18, v9;
	v9 =	vmul.f32 v28, v9  }
0x41f: {  	v61 =	vmul.f32 v23, v23;
	v56 =	vsub.f32 $1.500000000e+00, v55;
	v25 =	vmul.f32 v25, v54  }
0x420: {  	v31 =	vsub.f32 v32, v33;
	v18 =	vsub.f32 v22, v18;
	v32 =	vmul.f32 v10, v10  }
0x421: {  	v21 =	vsub.f32 v21, v47;
	v59 =	vmul.f32 v29, v56;
	v58 =	vmul.f32 v25, v16  }
0x422: {  	v8 =	vsub.f32 v9, v8;
	v57 =	vmul.f32 v31, v31;
	v60 =	vmul.f32 v18, v18  }
0x423: {  	v62 =	vmul.f32 v59, v24;
	v11 =	vmul.f32 v58, v25  }
0x424: {  	v33 =	vmul.f32 v21, v21;
	v63 =	vmul.f32 v8, v8;
	v34 =	vadd.f32 v61, v32  }
0x425: {  	v9 =	vadd.f32 v60, v57;
	v27 =	vmul.f32 v62, v59;
	v11 =	vsub.f32 $1.500000000e+00, v11  }
0x426: {  	v12 =	vmul.f32 v19, v12;
	v20 =	vadd.f32 v33, v34  }
0x427: {  	v9 =	vadd.f32 v9, v63;
	v35 =	vsub.f32 $1.500000000e+00, v27;
	v11 =	vmul.f32 v11, v25  }
0x428: {  	v13 =	vmul.f32 v13, v17;
	v14 =	vmul.f32 v14, v15;
	v38 =	vmax.f32 v20, $1.000000020e-24  }
0x429: {  	v9 =	vmax.f32 v9, $1.000000020e-24;
	v22 =	vmul.f32 v35, v59;
	v16 =	vmul.f32 v11, v16  }
0x42a: {  	v12 =	vadd.f32 v13, v12;
	v40 =	vshra.s32 v38, $0x1;
	v45 =	vmul.f32 $5.000000000e-01, v9  }
0x42b: {  	v36 =	vshra.s32 v9, $0x1;
	v39 =	vmul.f32 v22, v24;
	v16 =	vmul.f32 v16, v11  }
0x42c: {  	v44 =	vmul.f32 $5.000000000e-01, v38;
	v9 =	vsub.s32 $0x5F3759DF, v40;
	v37 =	vsub.s32 $0x5F3759DF, v36  }
0x42d: {  	v49 =	vmul.f32 v37, v45;
	v48 =	vmul.f32 v39, v22;
	v41 =	vsub.f32 $1.500000000e+00, v16  }
0x42e: {  	v12 =	vadd.f32 v14, v12;
	v52 =	vmul.f32 v9, v44  }
0x42f: {  	v51 =	vmul.f32 v37, v49;
	v50 =	vsub.f32 $1.500000000e+00, v48;
	v11 =	vmul.f32 v41, v11  }
0x430: {  	v55 =	vmul.f32 v9, v52  }
0x431: {  	v54 =	vsub.f32 $1.500000000e+00, v51;
	v53 =	vmul.f32 v50, v22;
	v11 =	vmul.f32 v11, v12  }
0x432: {  	v10 =	vmul.f32 v31, v10;
	v56 =	vmov s5;
	v58 =	vsub.f32 $1.500000000e+00, v55  }
0x433: {  	v57 =	vshll.u32 v56, $0x2;
	v50 =	vmul.f32 v37, v54;
	v11 =	vmul.f32 v11, v53  }
0x434: {  	p5 =	por $0x1, $0x1;
	v59 =	vmul.f32 v23, v18;
	v49 =	vor.u32 v5, v57;
	v48 =	vmul.f32 v9, v58  }
.Ltmp11:
0x435: {  	v8 =	vmul.f32 v21, v8;
	v60 =	vmul.f32 v50, v45;
	v11 =	vmax.f32 v11, $-9.999989860e-01;
	(pc) =	sbr.rel @!p5 .LBB3_22-.Ltmp11, $4  }
0x436: {  	v10 =	vadd.f32 v59, v10;
	v63 =	vmul.f32 v48, v44;
	v61 =	vmin.f32 v11, $9.999989860e-01  }
0x437: {  	v62 =	vmul.f32 v60, v50;
	v9 =	vmul.f32 v61, v61  }
0x438: {  	v38 =	vadd.f32 v8, v10;
	v54 =	vmul.f32 v63, v48  }
0x439: {  	p0 =	por $0x1, $0x1;
	s5 =	simm.s32 $0x20;
	v52 =	vld.idx.msk [tilespmem:v49+s29+$0x0], $0xffff;
	v55 =	vsub.f32 $1.500000000e+00, v62;
	v53 =	vor.u32 $0x1, v49;
	v56 =	vsub.f32 $1.000000000e+00, v9  }
0x43a: {  	_ =	sdelay $0x1  }
0x43b: {  	v8 =	vmax.f32 v56, $9.999999960e-13  }
0x43c: {  	v9 =	vshra.s32 v8, $0x1;
	v10 =	vmul.f32 $5.000000000e-01, v8  }
0x43d: {  	v11 =	vor.u32 $0x2, v49;
	v13 =	vld.idx.msk [tilespmem:v53+s29+$0x0], $0xffff;
	v9 =	vsub.s32 $0x5F3759DF, v9  }
0x43e: {  	v15 =	vor.u32 $0x3, v49;
	v12 =	vmul.f32 v9, v10;
	v14 =	vmul.u32 $0x3, v52;
	_ =	sdelay $0x1  }
0x43f: {  	v12 =	vmul.f32 v9, v12;
	v16 =	vadd.s32 $0x1800, v14  }
0x440: {  	v21 =	vsub.f32 $1.500000000e+00, v54;
	v17 =	vadd.s32 $0x1801, v14  }
0x441: {  	v11 =	vld.idx.msk [tilespmem:v11+s29+$0x0], $0xffff;
	v13 =	vmul.u32 $0x3, v13;
	v29 =	vadd.s32 $0x1, v14;
	v12 =	vsub.f32 $1.500000000e+00, v12  }
0x442: {  	v21 =	vmul.f32 v21, v48;
	v15 =	vld.idx.msk [tilespmem:v15+s29+$0x0], $0xffff;
	v48 =	vadd.s32 $0x2, v14  }
0x443: {  	v19 =	vadd.s32 $0x1800, v13;
	v9 =	vmul.f32 v9, v12;
	v12 =	vadd.s32 $0x1802, v14;
	v14 =	vld.idx.msk [tilespmem:v14+s1+$0x0], $0xffff  }
0x444: {  	v18 =	vmul.f32 v55, v50;
	v22 =	vadd.s32 $0x1801, v13;
	v16 =	vld.idx.msk [tilespmem:v16+s1+$0x0], $0xffff  }
0x445: {  	v23 =	vadd.s32 $0x1802, v13;
	v17 =	vld.idx.msk [tilespmem:v17+s1+$0x0], $0xffff  }
0x446: {  	v24 =	vmul.f32 v18, v45;
	v27 =	vmul.f32 v21, v44;
	v30 =	vadd.s32 $0x1, v13;
	v29 =	vld.idx.msk [tilespmem:v29+s1+$0x0], $0xffff  }
0x447: {  	v32 =	vadd.s32 $0x2, v13;
	v11 =	vmul.u32 $0x3, v11;
	v13 =	vld.idx.msk [tilespmem:v13+s1+$0x0], $0xffff;
	v20 =	vmul.f32 v9, v10  }
0x448: {  	v24 =	vmul.f32 v24, v18;
	v19 =	vld.idx.msk [tilespmem:v19+s1+$0x0], $0xffff  }
0x449: {  	v27 =	vmul.f32 v27, v21;
	v25 =	vadd.s32 $0x1802, v11;
	v22 =	vld.idx.msk [tilespmem:v22+s1+$0x0], $0xffff;
	v20 =	vmul.f32 v20, v9  }
0x44a: {  	v24 =	vsub.f32 $1.500000000e+00, v24;
	v15 =	vmul.u32 $0x3, v15;
	v26 =	vadd.s32 $0x1801, v11;
	v23 =	vld.idx.msk [tilespmem:v23+s1+$0x0], $0xffff  }
0x44b: {  	v28 =	vadd.s32 $0x1800, v11;
	v30 =	vld.idx.msk [tilespmem:v30+s1+$0x0], $0xffff;
	v20 =	vsub.f32 $1.500000000e+00, v20  }
0x44c: {  	v49 =	vsub.f32 $1.500000000e+00, v27;
	v18 =	vmul.f32 v24, v18;
	v31 =	vadd.s32 $0x1800, v15;
	v12 =	vld.idx.msk [tilespmem:v12+s1+$0x0], $0xffff  }
0x44d: {  	v33 =	vadd.s32 $0x1801, v15;
	v42 =	vld.idx.msk [tilespmem:v11+s1+$0x0], $0xffff;
	v9 =	vmul.f32 v20, v9  }
0x44e: {  	v21 =	vmul.f32 v49, v21;
	v18 =	vmul.f32 v18, v38;
	v35 =	vadd.s32 $0x1802, v15;
	v25 =	vld.idx.msk [tilespmem:v25+s1+$0x0], $0xffff  }
0x44f: {  	v50 =	vadd.s32 $0x1, v11;
	v26 =	vld.idx.msk [tilespmem:v26+s1+$0x0], $0xffff;
	v10 =	vmul.f32 v9, v10  }
0x450: {  	v34 =	vadd.s32 $0x2, v11;
	v18 =	vmul.f32 v18, v21;
	v28 =	vld.idx.msk [tilespmem:v28+s1+$0x0], $0xffff  }
0x451: {  	v52 =	vld.idx.msk [tilespmem:v31+s1+$0x0], $0xffff;
	v10 =	vmul.f32 v10, v9  }
0x452: {  	v41 =	vadd.s32 $0x2, v15;
	v18 =	vmax.f32 v18, $-9.999989860e-01;
	v13 =	vsub.f32 v13, v14;
	v53 =	vld.idx.msk [tilespmem:v33+s1+$0x0], $0xffff  }
0x453: {  	v18 =	vmin.f32 v18, $9.999989860e-01;
	v22 =	vsub.f32 v22, v17;
	v35 =	vld.idx.msk [tilespmem:v35+s1+$0x0], $0xffff;
	v10 =	vsub.f32 $1.500000000e+00, v10  }
0x454: {  	v18 =	vmul.f32 v18, v18;
	v27 =	vld.idx.msk [tilespmem:v50+s1+$0x0], $0xffff;
	v30 =	vsub.f32 v30, v29;
	v25 =	vsub.f32 v25, v12  }
0x455: {  	v40 =	vld.idx.msk [tilespmem:v34+s1+$0x0], $0xffff;
	v23 =	vsub.f32 v23, v12;
	v26 =	vsub.f32 v26, v17;
	v9 =	vmul.f32 v10, v9  }
0x456: {  	v20 =	vld.idx.msk [tilespmem:v48+s1+$0x0], $0xffff;
	v54 =	vsub.f32 v28, v16;
	v55 =	vmul.f32 v25, v22;
	v10 =	vsub.f32 v19, v16  }
0x457: {  	v34 =	vsub.f32 v42, v14;
	v56 =	vmul.f32 v26, v23;
	v36 =	vmul.f32 v9, v8  }
0x458: {  	v61 =	vld.idx.msk [tilespmem:v32+s1+$0x0], $0xffff;
	v17 =	vsub.f32 v53, v17;
	v8 =	vmul.f32 v54, v23;
	v57 =	vmul.f32 v25, v10  }
0x459: {  	v12 =	vsub.f32 v35, v12;
	v27 =	vsub.f32 v27, v29;
	v19 =	vmul.f32 v54, v22  }
0x45a: {  	v58 =	vmul.f32 v26, v10;
	v26 =	vsub.f32 v55, v56;
	v23 =	vsub.f32 v8, v57  }
0x45b: {  	v32 =	vsub.f32 v40, v20;
	v37 =	vmul.f32 v17, v17;
	v16 =	vsub.f32 v52, v16  }
0x45c: {  	v19 =	vsub.f32 v58, v19;
	v62 =	vmul.f32 v26, v26;
	v63 =	vmul.f32 v23, v23  }
0x45d: {  	v44 =	vsub.f32 v61, v20;
	v35 =	vmul.f32 v12, v12;
	v49 =	vmul.f32 v32, v30  }
0x45e: {  	v60 =	vmul.f32 v16, v16;
	v39 =	vmul.f32 v19, v19;
	v21 =	vadd.f32 v63, v62  }
0x45f: {  	v50 =	vmul.f32 v27, v44;
	v24 =	vmul.f32 v34, v44  }
0x460: {  	v32 =	vmul.f32 v32, v13;
	v22 =	vadd.f32 v37, v60;
	v21 =	vadd.f32 v21, v39  }
0x461: {  	v51 =	vadd.s32 $0x1, v15;
	v13 =	vmul.f32 v27, v13;
	v30 =	vmul.f32 v34, v30;
	v9 =	vld [tilespmem:s4+$0x0]  }
0x462: {  	v15 =	vld.idx.msk [tilespmem:v15+s1+$0x0], $0xffff;
	v24 =	vsub.f32 v24, v32;
	v22 =	vadd.f32 v35, v22;
	v11 =	vmax.f32 v21, $1.000000020e-24  }
0x463: {  	v31 =	vld.idx.msk [tilespmem:v41+s1+$0x0], $0xffff;
	v13 =	vsub.f32 v13, v30;
	v45 =	vshra.s32 v11, $0x1;
	v46 =	vmul.f32 $5.000000000e-01, v11  }
0x464: {  	v59 =	vadd.f32 v36, v36;
	v22 =	vmax.f32 v22, $1.000000020e-24;
	v28 =	vsub.s32 $0x5F3759DF, v45  }
0x465: {  	v47 =	vshra.s32 v22, $0x1;
	v22 =	vmul.f32 $5.000000000e-01, v22;
	v48 =	vmul.f32 v28, v46  }
0x466: {  	v25 =	vmul.f32 v59, v36;
	v38 =	vmul.f32 v36, v9;
	v35 =	vsub.s32 $0x5F3759DF, v47  }
0x467: {  	v43 =	vld.idx.msk [tilespmem:v51+s1+$0x0], $0xffff;
	v14 =	vsub.f32 v15, v14;
	v37 =	vmul.f32 v35, v22;
	v36 =	vmul.f32 v28, v48  }
0x468: {  	v20 =	vsub.f32 v31, v20;
	v54 =	vmul.f32 v24, v24;
	v57 =	vmul.f32 v13, v13  }
0x469: {  	v58 =	vmul.f32 v14, v14;
	v37 =	vmul.f32 v35, v37;
	v36 =	vsub.f32 $1.500000000e+00, v36  }
0x46a: {  	v10 =	vld [tilespmem:s3+$0x0];
	v16 =	vmul.f32 v26, v16;
	v59 =	vmul.f32 v20, v20  }
0x46b: {  	v8 =	vld [tilespmem:s30+$0x0];
	v20 =	vmul.f32 v20, v13;
	v52 =	vsub.f32 $1.500000000e+00, v37;
	v51 =	vmul.f32 v28, v36  }
0x46c: {  	v17 =	vmul.f32 v17, v23;
	v21 =	vsub.f32 v43, v29;
	v29 =	vsub.f32 v49, v50  }
0x46d: {  	v18 =	vsub.f32 $1.000000000e+00, v18;
	v28 =	vmul.f32 v35, v52;
	v15 =	vmul.f32 v51, v46  }
0x46e: {  	v12 =	vmul.f32 v12, v19;
	v25 =	vadd.f32 $-1.000000000e+00, v25;
	v53 =	vmul.f32 v29, v29  }
0x46f: {  	v16 =	vadd.f32 v17, v16;
	v56 =	vmul.f32 v28, v22;
	v15 =	vmul.f32 v15, v51  }
0x470: {  	v33 =	vadd.f32 v38, v10;
	v25 =	vmul.f32 v25, v8;
	v55 =	vmul.f32 v21, v21  }
0x471: {  	v30 =	vadd.f32 v54, v53;
	v31 =	vmul.f32 v56, v28;
	v15 =	vsub.f32 $1.500000000e+00, v15  }
0x472: {  	v16 =	vadd.f32 v12, v16;
	v12 =	vmax.f32 v18, $9.999999960e-13;
	v60 =	vadd.f32 v55, v58  }
0x473: {  	v30 =	vadd.f32 v30, v57;
	v61 =	vsub.f32 $1.500000000e+00, v31;
	v15 =	vmul.f32 v15, v51  }
0x474: {  	v14 =	vmul.f32 v29, v14;
	v21 =	vmul.f32 v21, v24;
	v62 =	vadd.f32 v59, v60  }
0x475: {  	v13 =	vmax.f32 v30, $1.000000020e-24;
	v24 =	vmul.f32 v61, v28;
	v34 =	vmul.f32 v15, v46  }
0x476: {  	v37 =	vmax.f32 v62, $1.000000020e-24;
	v63 =	vshra.s32 v13, $0x1;
	v45 =	vmul.f32 $5.000000000e-01, v13  }
0x477: {  	v35 =	vsub.s32 $0x5F3759DF, v63;
	v22 =	vmul.f32 v24, v22;
	v38 =	vmul.f32 v34, v15  }
0x478: {  	v13 =	vshra.s32 v37, $0x1;
	v44 =	vmul.f32 $5.000000000e-01, v37;
	v41 =	vmul.f32 v35, v45  }
0x479: {  	v13 =	vsub.s32 $0x5F3759DF, v13;
	v40 =	vmul.f32 v22, v24;
	v39 =	vsub.f32 $1.500000000e+00, v38  }
0x47a: {  	v25 =	vadd.f32 v25, v33;
	v47 =	vmul.f32 v13, v44;
	v46 =	vmul.f32 v35, v41  }
0x47b: {  	v53 =	vshra.s32 v12, $0x1;
	v43 =	vsub.f32 $1.500000000e+00, v40;
	v15 =	vmul.f32 v39, v15  }
0x47c: {  	v11 =	vld [tilespmem:s26+$0x0];
	v14 =	vadd.f32 v21, v14;
	v56 =	vmul.f32 v13, v47;
	v55 =	vsub.f32 $1.500000000e+00, v46  }
0x47d: {  	v57 =	vmov s5;
	v54 =	vmul.f32 v43, v24;
	v15 =	vmul.f32 v15, v16  }
0x47e: {  	v58 =	vshll.u32 v57, $0x2;
	v37 =	vmul.f32 $5.000000000e-01, v12;
	v50 =	vmul.f32 v35, v55  }
0x47f: {  	v59 =	vsub.f32 $1.500000000e+00, v56;
	v51 =	vsub.s32 $0x5F3759DF, v53;
	v15 =	vmul.f32 v15, v54  }
0x480: {  	p5 =	por $0x1, $0x1;
	v49 =	vor.u32 v5, v58;
	v60 =	vmul.f32 v51, v37;
	v61 =	vmul.f32 v50, v45  }
.Ltmp12:
0x481: {  	v25 =	vmul.f32 v25, v11;
	v48 =	vmul.f32 v13, v59;
	v15 =	vmax.f32 v15, $-9.999989860e-01;
	(pc) =	sbr.rel @!p5 .LBB3_24-.Ltmp12, $4  }
0x482: {  	v16 =	vmul.f32 v51, v60;
	v62 =	vmul.f32 v61, v50;
	v13 =	vmin.f32 v15, $9.999989860e-01  }
0x483: {  	v63 =	vmul.f32 v48, v44;
	v38 =	vadd.f32 v20, v14;
	v15 =	vmul.f32 v13, v13  }
0x484: {  	v53 =	vor.u32 $0x1, v49;
	v57 =	vsub.f32 $1.500000000e+00, v16;
	v55 =	vsub.f32 $1.500000000e+00, v62  }
0x485: {  	s9 =	simm.s32 $0x30;
	p1 =	por $0x1, $0x1;
	v52 =	vld.idx.msk [tilespmem:v49+s29+$0x0], $0xffff;
	v54 =	vmul.f32 v63, v48;
	v13 =	vadd.f32 v25, v7;
	v56 =	vsub.f32 $1.000000000e+00, v15  }
0x486: {  	_ =	sdelay $0x3  }
0x487: {  	v19 =	vld.idx.msk [tilespmem:v53+s29+$0x0], $0xffff  }
0x488: {  	v17 =	vor.u32 $0x2, v49;
	v24 =	vor.u32 $0x3, v49;
	v14 =	vmax.f32 v56, $9.999999960e-13  }
0x489: {  	v15 =	vshra.s32 v14, $0x1;
	v16 =	vmul.f32 $5.000000000e-01, v14;
	v22 =	vmul.u32 $0x3, v52  }
0x48a: {  	v15 =	vsub.s32 $0x5F3759DF, v15  }
0x48b: {  	v18 =	vmul.f32 v15, v16;
	v27 =	vadd.s32 $0x1800, v22  }
0x48c: {  	v28 =	vmul.u32 $0x3, v19;
	v19 =	vadd.s32 $0x1801, v22  }
0x48d: {  	v17 =	vld.idx.msk [tilespmem:v17+s29+$0x0], $0xffff;
	v18 =	vmul.f32 v15, v18;
	v49 =	vadd.s32 $0x1802, v22  }
0x48e: {  	v20 =	vmul.f32 v51, v57;
	v21 =	vmul.f32 v55, v50;
	v24 =	vld.idx.msk [tilespmem:v24+s29+$0x0], $0xffff;
	v35 =	vadd.s32 $0x1, v22  }
0x48f: {  	v23 =	vsub.f32 $1.500000000e+00, v54;
	v39 =	vadd.s32 $0x2, v22;
	v18 =	vsub.f32 $1.500000000e+00, v18;
	v22 =	vld.idx.msk [tilespmem:v22+s1+$0x0], $0xffff  }
0x490: {  	v25 =	vmul.f32 v20, v37;
	v26 =	vmul.f32 v21, v45;
	v29 =	vadd.s32 $0x1800, v28;
	v27 =	vld.idx.msk [tilespmem:v27+s1+$0x0], $0xffff  }
0x491: {  	v33 =	vadd.s32 $0x1802, v28;
	v15 =	vmul.f32 v15, v18;
	v18 =	vmul.f32 v23, v48;
	v34 =	vld.idx.msk [tilespmem:v19+s1+$0x0], $0xffff  }
0x492: {  	v48 =	vmul.f32 v25, v20;
	v32 =	vmul.u32 $0x3, v17;
	v17 =	vadd.s32 $0x1801, v28;
	v25 =	vld.idx.msk [tilespmem:v49+s1+$0x0], $0xffff  }
0x493: {  	v26 =	vmul.f32 v26, v21;
	v52 =	vadd.s32 $0x1, v28;
	v35 =	vld.idx.msk [tilespmem:v35+s1+$0x0], $0xffff  }
0x494: {  	v55 =	vadd.s32 $0x2, v28;
	v28 =	vld.idx.msk [tilespmem:v28+s1+$0x0], $0xffff;
	v30 =	vmul.f32 v15, v16;
	v19 =	vadd.s32 $0x1802, v32  }
0x495: {  	v26 =	vsub.f32 $1.500000000e+00, v26;
	v24 =	vmul.u32 $0x3, v24;
	v36 =	vadd.s32 $0x1801, v32;
	v50 =	vld.idx.msk [tilespmem:v29+s1+$0x0], $0xffff  }
0x496: {  	v31 =	vmul.f32 v18, v44;
	v51 =	vadd.s32 $0x1800, v32;
	v33 =	vld.idx.msk [tilespmem:v33+s1+$0x0], $0xffff;
	v30 =	vmul.f32 v30, v15  }
0x497: {  	v21 =	vmul.f32 v26, v21;
	v40 =	vadd.s32 $0x1801, v24;
	v56 =	vadd.s32 $0x1, v32;
	v17 =	vld.idx.msk [tilespmem:v17+s1+$0x0], $0xffff  }
0x498: {  	v57 =	vadd.s32 $0x2, v32;
	v31 =	vmul.f32 v31, v18;
	v30 =	vsub.f32 $1.500000000e+00, v30;
	v32 =	vld.idx.msk [tilespmem:v32+s1+$0x0], $0xffff  }
0x499: {  	v23 =	vsub.f32 $1.500000000e+00, v48;
	v41 =	vadd.s32 $0x1802, v24;
	v54 =	vld.idx.msk [tilespmem:v19+s1+$0x0], $0xffff  }
0x49a: {  	v21 =	vmul.f32 v21, v38;
	v31 =	vsub.f32 $1.500000000e+00, v31;
	v36 =	vld.idx.msk [tilespmem:v36+s1+$0x0], $0xffff;
	v15 =	vmul.f32 v30, v15  }
0x49b: {  	v53 =	vadd.s32 $0x1800, v24;
	v42 =	vadd.s32 $0x1, v24;
	v19 =	vmul.f32 v23, v20;
	v29 =	vld.idx.msk [tilespmem:v51+s1+$0x0], $0xffff  }
0x49c: {  	v45 =	vadd.s32 $0x2, v24;
	v40 =	vld.idx.msk [tilespmem:v40+s1+$0x0], $0xffff;
	v18 =	vmul.f32 v31, v18;
	v16 =	vmul.f32 v15, v16  }
0x49d: {  	v39 =	vld.idx.msk [tilespmem:v39+s1+$0x0], $0xffff;
	v28 =	vsub.f32 v28, v22;
	v33 =	vsub.f32 v33, v25;
	v20 =	vmul.f32 v19, v37  }
0x49e: {  	v41 =	vld.idx.msk [tilespmem:v41+s1+$0x0], $0xffff;
	v18 =	vmul.f32 v21, v18;
	v17 =	vsub.f32 v17, v34;
	v16 =	vmul.f32 v16, v15  }
0x49f: {  	v23 =	vld.idx.msk [tilespmem:v55+s1+$0x0], $0xffff;
	v20 =	vmul.f32 v20, v19;
	v32 =	vsub.f32 v32, v22;
	v38 =	vsub.f32 v54, v25  }
0x4a0: {  	v30 =	vld.idx.msk [tilespmem:v52+s1+$0x0], $0xffff;
	v18 =	vmax.f32 v18, $-9.999989860e-01;
	v36 =	vsub.f32 v36, v34;
	v16 =	vsub.f32 $1.500000000e+00, v16  }
0x4a1: {  	v31 =	vld.idx.msk [tilespmem:v53+s1+$0x0], $0xffff;
	v58 =	vsub.f32 v29, v27;
	v26 =	vsub.f32 v40, v34;
	v18 =	vmin.f32 v18, $9.999989860e-01  }
0x4a2: {  	v37 =	vld.idx.msk [tilespmem:v57+s1+$0x0], $0xffff;
	v18 =	vmul.f32 v18, v18;
	v15 =	vmul.f32 v16, v15;
	v16 =	vsub.f32 v50, v27  }
0x4a3: {  	v53 =	vld.idx.msk [tilespmem:v42+s1+$0x0], $0xffff;
	v25 =	vsub.f32 v41, v25;
	v59 =	vmul.f32 v38, v17;
	v43 =	vmul.f32 v36, v33  }
0x4a4: {  	v21 =	vld.idx.msk [tilespmem:v56+s1+$0x0], $0xffff;
	v23 =	vsub.f32 v23, v39;
	v33 =	vmul.f32 v58, v33;
	v38 =	vmul.f32 v38, v16  }
0x4a5: {  	v30 =	vsub.f32 v30, v35;
	v17 =	vmul.f32 v58, v17;
	v40 =	vmul.f32 v26, v26  }
0x4a6: {  	v29 =	vsub.f32 v59, v43;
	v61 =	vmul.f32 v36, v16;
	v33 =	vsub.f32 v33, v38  }
0x4a7: {  	v56 =	vsub.f32 v37, v39;
	v27 =	vsub.f32 v31, v27;
	v60 =	vmul.f32 v15, v14  }
0x4a8: {  	s5 =	simm.s32 $0x4690;
	v31 =	vsub.f32 v61, v17;
	v17 =	vmul.f32 v29, v29;
	v38 =	vmul.f32 v33, v33  }
0x4a9: {  	s6 =	simm.s32 $0x4610;
	v21 =	vsub.f32 v21, v35;
	v35 =	vsub.f32 v53, v35;
	v14 =	vld [tilespmem:s5+$0x0];
	v63 =	vmul.f32 v27, v27  }
0x4aa: {  	s8 =	simm.s32 $0x4710;
	v15 =	vld [tilespmem:s6+$0x0];
	v62 =	vadd.f32 v60, v60;
	v49 =	vmul.f32 v31, v31;
	v38 =	vadd.f32 v38, v17  }
0x4ab: {  	v50 =	vmul.f32 v25, v25;
	v46 =	vmul.f32 v21, v23;
	v16 =	vld [tilespmem:s8+$0x0];
	v34 =	vadd.f32 v40, v63  }
0x4ac: {  	v23 =	vmul.f32 v32, v23;
	v36 =	vmul.f32 v62, v60;
	v38 =	vadd.f32 v38, v49  }
0x4ad: {  	v21 =	vmul.f32 v21, v28;
	v53 =	vmul.f32 v35, v35;
	v34 =	vadd.f32 v50, v34  }
0x4ae: {  	s7 =	simm.s32 $0x4590;
	v24 =	vld.idx.msk [tilespmem:v24+s1+$0x0], $0xffff;
	v48 =	vmul.f32 v60, v14;
	v36 =	vadd.f32 $-1.000000000e+00, v36;
	v38 =	vmax.f32 v38, $1.000000020e-24  }
0x4af: {  	v17 =	vld [tilespmem:s7+$0x0];
	v34 =	vmax.f32 v34, $1.000000020e-24;
	v52 =	vshra.s32 v38, $0x1;
	v38 =	vmul.f32 $5.000000000e-01, v38  }
0x4b0: {  	v51 =	vadd.f32 v48, v15;
	v36 =	vmul.f32 v36, v16;
	v40 =	vsub.s32 $0x5F3759DF, v52  }
0x4b1: {  	v54 =	vshra.s32 v34, $0x1;
	v34 =	vmul.f32 $5.000000000e-01, v34;
	v55 =	vmul.f32 v40, v38  }
0x4b2: {  	v27 =	vmul.f32 v29, v27;
	v63 =	vld.idx.msk [tilespmem:v45+s1+$0x0], $0xffff;
	v57 =	vsub.s32 $0x5F3759DF, v54;
	v36 =	vadd.f32 v36, v51  }
0x4b3: {  	v22 =	vsub.f32 v24, v22;
	v59 =	vmul.f32 v57, v34;
	v58 =	vmul.f32 v40, v55  }
0x4b4: {  	v18 =	vsub.f32 $1.000000000e+00, v18;
	v60 =	vmul.f32 v56, v30;
	v36 =	vmul.f32 v36, v17  }
0x4b5: {  	v30 =	vmul.f32 v32, v30;
	v62 =	vmul.f32 v57, v59;
	v61 =	vsub.f32 $1.500000000e+00, v58  }
0x4b6: {  	v44 =	vsub.f32 v60, v46;
	v13 =	vadd.f32 v36, v13;
	v36 =	vmul.f32 v56, v28  }
0x4b7: {  	v39 =	vsub.f32 v63, v39;
	v48 =	vsub.f32 $1.500000000e+00, v62;
	v47 =	vmul.f32 v40, v61  }
0x4b8: {  	v49 =	vmul.f32 v44, v44;
	v55 =	vmul.f32 v22, v22;
	v23 =	vsub.f32 v23, v36  }
0x4b9: {  	v21 =	vsub.f32 v21, v30;
	v51 =	vmul.f32 v57, v48;
	v50 =	vmul.f32 v47, v38  }
0x4ba: {  	v56 =	vmul.f32 v39, v39;
	v57 =	vadd.f32 v53, v55;
	v52 =	vmul.f32 v23, v23  }
0x4bb: {  	v18 =	vmax.f32 v18, $9.999999960e-13;
	v40 =	vmul.f32 v51, v34;
	v24 =	vmul.f32 v50, v47  }
0x4bc: {  	v26 =	vmul.f32 v26, v33;
	v54 =	vmul.f32 v21, v21;
	v32 =	vadd.f32 v56, v57  }
0x4bd: {  	v30 =	vadd.f32 v52, v49;
	v40 =	vmul.f32 v40, v51;
	v24 =	vsub.f32 $1.500000000e+00, v24  }
0x4be: {  	v25 =	vmul.f32 v25, v31;
	v26 =	vadd.f32 v26, v27;
	v61 =	vmax.f32 v32, $1.000000020e-24  }
0x4bf: {  	v30 =	vadd.f32 v30, v54;
	v58 =	vsub.f32 $1.500000000e+00, v40;
	v24 =	vmul.f32 v24, v47  }
0x4c0: {  	v22 =	vmul.f32 v44, v22;
	v23 =	vmul.f32 v35, v23;
	v36 =	vshra.s32 v61, $0x1  }
0x4c1: {  	v30 =	vmax.f32 v30, $1.000000020e-24;
	v28 =	vmul.f32 v58, v51;
	v60 =	vmul.f32 v24, v38  }
0x4c2: {  	v44 =	vmul.f32 $5.000000000e-01, v61;
	v59 =	vshra.s32 v30, $0x1;
	v45 =	vmul.f32 $5.000000000e-01, v30  }
0x4c3: {  	v35 =	vsub.s32 $0x5F3759DF, v59;
	v63 =	vmul.f32 v28, v34;
	v62 =	vmul.f32 v60, v24  }
0x4c4: {  	v21 =	vmul.f32 v39, v21;
	v30 =	vsub.s32 $0x5F3759DF, v36;
	v39 =	vmul.f32 v35, v45  }
0x4c5: {  	v43 =	vmul.f32 v30, v44;
	v38 =	vmul.f32 v63, v28;
	v37 =	vsub.f32 $1.500000000e+00, v62  }
0x4c6: {  	v25 =	vadd.f32 v25, v26;
	v55 =	vmov s9;
	v42 =	vmul.f32 v35, v39  }
0x4c7: {  	v54 =	vmul.f32 v30, v43;
	v40 =	vsub.f32 $1.500000000e+00, v38;
	v24 =	vmul.f32 v37, v24  }
0x4c8: {  	v41 =	vshra.s32 v18, $0x1;
	v56 =	vshll.u32 v55, $0x2;
	v53 =	vsub.f32 $1.500000000e+00, v42  }
0x4c9: {  	v57 =	vsub.f32 $1.500000000e+00, v54;
	v47 =	vmul.f32 v40, v28;
	v46 =	vmul.f32 v24, v25  }
0x4ca: {  	v22 =	vadd.f32 v23, v22;
	v50 =	vmul.f32 v35, v53;
	v37 =	vmul.f32 $5.000000000e-01, v18  }
0x4cb: {  	v51 =	vsub.s32 $0x5F3759DF, v41;
	v48 =	vmul.f32 v30, v57;
	v23 =	vmul.f32 v46, v47  }
0x4cc: {  	p5 =	por $0x0, $0x0;
	v49 =	vor.u32 v5, v56;
	v59 =	vmul.f32 v50, v45;
	v58 =	vmul.f32 v51, v37  }
.Ltmp13:
0x4cd: {  	[tilespmem:$0x1FFA0] =	vst v8;
	v20 =	vsub.f32 $1.500000000e+00, v20;
	v63 =	vmul.f32 v48, v44;
	v23 =	vmax.f32 v23, $-9.999989860e-01;
	(pc) =	sbr.rel @!p5 .LBB3_26-.Ltmp13, $4  }
0x4ce: {  	[tilespmem:$0x1FFB0] =	vst v9;
	v62 =	vmul.f32 v59, v50;
	v61 =	vmul.f32 v51, v58;
	v23 =	vmin.f32 v23, $9.999989860e-01  }
0x4cf: {  	[tilespmem:$0x1FFC0] =	vst v10;
	v58 =	vmul.f32 v20, v19;
	v60 =	vmul.f32 v23, v23  }
0x4d0: {  	[tilespmem:$0x1FFD0] =	vst v11;
	v38 =	vadd.f32 v21, v22;
	v53 =	vor.u32 $0x1, v49;
	v55 =	vsub.f32 $1.500000000e+00, v62  }
0x4d1: {  	p2 =	por $0x1, $0x1;
	s9 =	simm.s32 $0x40;
	v52 =	vld.idx.msk [tilespmem:v49+s29+$0x0], $0xffff;
	v54 =	vmul.f32 v63, v48;
	v57 =	vsub.f32 $1.500000000e+00, v61;
	[tilespmem:$0x1FFE0] =	vst v58;
	v56 =	vsub.f32 $1.000000000e+00, v60  }
0x4d2: {  	_ = 	snop  }
0x4d3: {  	v7 =	vor.u32 $0x2, v49;
	v24 =	vmul.f32 v55, v50  }
0x4d4: {  	v29 =	vor.u32 $0x3, v49;
	v33 =	vmul.f32 v58, v12;
	v20 =	vmax.f32 v56, $9.999999960e-13  }
0x4d5: {  	v21 =	vmul.f32 v51, v57;
	v22 =	vshra.s32 v20, $0x1;
	v23 =	vmul.f32 $5.000000000e-01, v20  }
0x4d6: {  	v26 =	vld.idx.msk [tilespmem:v53+s29+$0x0], $0xffff;
	v25 =	vsub.f32 $1.500000000e+00, v54;
	v30 =	vmul.f32 v24, v45;
	v22 =	vsub.s32 $0x5F3759DF, v22  }
0x4d7: {  	v63 =	vmul.f32 v33, v9;
	v28 =	vmul.f32 v22, v23;
	v31 =	vmul.u32 $0x3, v52  }
0x4d8: {  	v62 =	vadd.f32 v33, v33;
	v27 =	vmul.f32 v21, v37;
	v25 =	vmul.f32 v25, v48  }
0x4d9: {  	v30 =	vmul.f32 v30, v24;
	v28 =	vmul.f32 v22, v28;
	v35 =	vadd.s32 $0x1800, v31  }
0x4da: {  	v33 =	vmul.f32 v62, v33;
	v27 =	vmul.f32 v27, v21;
	v7 =	vld.idx.msk [tilespmem:v7+s29+$0x0], $0xffff;
	v39 =	vadd.s32 $0x1801, v31  }
0x4db: {  	v26 =	vmul.u32 $0x3, v26;
	v54 =	vadd.s32 $0x1802, v31;
	v28 =	vsub.f32 $1.500000000e+00, v28  }
0x4dc: {  	v32 =	vmul.f32 v25, v44;
	v34 =	vadd.s32 $0x1, v31;
	v30 =	vsub.f32 $1.500000000e+00, v30  }
0x4dd: {  	v29 =	vld.idx.msk [tilespmem:v29+s29+$0x0], $0xffff;
	v36 =	vadd.s32 $0x2, v31;
	v42 =	vadd.s32 $0x1800, v26;
	v22 =	vmul.f32 v22, v28  }
0x4de: {  	v55 =	vadd.s32 $0x1801, v26;
	v56 =	vadd.s32 $0x1802, v26;
	v24 =	vmul.f32 v30, v24;
	v30 =	vld.idx.msk [tilespmem:v35+s1+$0x0], $0xffff  }
0x4df: {  	v32 =	vmul.f32 v32, v25;
	v7 =	vmul.u32 $0x3, v7;
	v39 =	vld.idx.msk [tilespmem:v39+s1+$0x0], $0xffff;
	v43 =	vmul.f32 v22, v23  }
0x4e0: {  	v27 =	vsub.f32 $1.500000000e+00, v27;
	v40 =	vadd.s32 $0x1, v26;
	v41 =	vadd.s32 $0x2, v26;
	v49 =	vld.idx.msk [tilespmem:v54+s1+$0x0], $0xffff  }
0x4e1: {  	v32 =	vsub.f32 $1.500000000e+00, v32;
	v34 =	vld.idx.msk [tilespmem:v34+s1+$0x0], $0xffff;
	v46 =	vadd.s32 $0x1802, v7;
	v43 =	vmul.f32 v43, v22  }
0x4e2: {  	v27 =	vmul.f32 v27, v21;
	v47 =	vmul.u32 $0x3, v29;
	v57 =	vadd.s32 $0x1801, v7;
	v42 =	vld.idx.msk [tilespmem:v42+s1+$0x0], $0xffff  }
0x4e3: {  	v24 =	vmul.f32 v24, v38;
	v59 =	vadd.s32 $0x1800, v7;
	v44 =	vld.idx.msk [tilespmem:v55+s1+$0x0], $0xffff;
	v58 =	vsub.f32 $1.500000000e+00, v43  }
0x4e4: {  	v29 =	vadd.f32 v63, v10;
	v25 =	vmul.f32 v32, v25;
	v60 =	vadd.s32 $0x1800, v47;
	v35 =	vld.idx.msk [tilespmem:v56+s1+$0x0], $0xffff  }
0x4e5: {  	v32 =	vadd.f32 $-1.000000000e+00, v33;
	v61 =	vadd.s32 $0x1801, v47;
	v40 =	vld.idx.msk [tilespmem:v40+s1+$0x0], $0xffff;
	v22 =	vmul.f32 v58, v22  }
0x4e6: {  	v45 =	vadd.s32 $0x1, v7;
	v24 =	vmul.f32 v24, v25;
	v25 =	vmul.f32 v27, v37;
	v21 =	vld.idx.msk [tilespmem:v46+s1+$0x0], $0xffff  }
0x4e7: {  	v32 =	vmul.f32 v32, v8;
	v56 =	vld.idx.msk [tilespmem:v57+s1+$0x0], $0xffff;
	v58 =	vadd.s32 $0x1802, v47;
	v23 =	vmul.f32 v22, v23  }
0x4e8: {  	v48 =	vadd.s32 $0x2, v7;
	v50 =	vadd.s32 $0x1, v47;
	v24 =	vmax.f32 v24, $-9.999989860e-01;
	v57 =	vld.idx.msk [tilespmem:v59+s1+$0x0], $0xffff  }
0x4e9: {  	v28 =	vmul.f32 v25, v27;
	v8 =	vadd.f32 v32, v29;
	v51 =	vld.idx.msk [tilespmem:v60+s1+$0x0], $0xffff;
	v23 =	vmul.f32 v23, v22  }
0x4ea: {  	v24 =	vmin.f32 v24, $9.999989860e-01;
	v25 =	vld.idx.msk [tilespmem:v61+s1+$0x0], $0xffff;
	v59 =	vsub.f32 v44, v39;
	v35 =	vsub.f32 v35, v49  }
0x4eb: {  	v36 =	vld.idx.msk [tilespmem:v36+s1+$0x0], $0xffff;
	v24 =	vmul.f32 v24, v24;
	v40 =	vsub.f32 v40, v34;
	v23 =	vsub.f32 $1.500000000e+00, v23  }
0x4ec: {  	v46 =	vadd.s32 $0x2, v47;
	v21 =	vsub.f32 v21, v49;
	v60 =	vsub.f32 v56, v39;
	v43 =	vld.idx.msk [tilespmem:v58+s1+$0x0], $0xffff  }
0x4ed: {  	v24 =	vsub.f32 $1.000000000e+00, v24;
	v37 =	vsub.f32 v57, v30;
	v58 =	vld.idx.msk [tilespmem:v41+s1+$0x0], $0xffff;
	v22 =	vmul.f32 v23, v22  }
0x4ee: {  	v61 =	vmul.f32 v21, v59;
	v62 =	vmul.f32 v60, v35;
	v23 =	vsub.f32 v42, v30  }
0x4ef: {  	s5 =	simm.s32 $0x46A0;
	v25 =	vsub.f32 v25, v39;
	v30 =	vsub.f32 v51, v30;
	v63 =	vmul.f32 v22, v20  }
0x4f0: {  	v35 =	vmul.f32 v37, v35;
	v42 =	vsub.f32 v61, v62;
	v21 =	vmul.f32 v21, v23;
	v20 =	vld [tilespmem:s5+$0x0]  }
0x4f1: {  	s6 =	simm.s32 $0x4620;
	v31 =	vld.idx.msk [tilespmem:v31+s1+$0x0], $0xffff;
	v38 =	vmul.f32 v60, v23;
	v56 =	vmul.f32 v30, v30;
	v57 =	vadd.f32 v63, v63  }
0x4f2: {  	s8 =	simm.s32 $0x4720;
	v22 =	vld [tilespmem:s6+$0x0];
	v33 =	vsub.f32 v58, v36;
	v35 =	vsub.f32 v35, v21;
	v21 =	vmul.f32 v37, v59  }
0x4f3: {  	v23 =	vld [tilespmem:s8+$0x0];
	v37 =	vsub.f32 v43, v49;
	v59 =	vmul.f32 v25, v25;
	v60 =	vmul.f32 v57, v63  }
0x4f4: {  	v54 =	vld.idx.msk [tilespmem:v7+s1+$0x0], $0xffff;
	v38 =	vsub.f32 v38, v21;
	v21 =	vmul.f32 v42, v42;
	v61 =	vmul.f32 v35, v35  }
0x4f5: {  	v49 =	vmul.f32 v37, v37;
	v39 =	vadd.f32 v59, v56;
	v51 =	vmul.f32 v63, v20  }
0x4f6: {  	s7 =	simm.s32 $0x45A0;
	v63 =	vld.idx.msk [tilespmem:v45+s1+$0x0], $0xffff;
	v43 =	vadd.f32 $-1.000000000e+00, v60;
	v44 =	vadd.f32 v61, v21;
	v62 =	vmul.f32 v38, v38  }
0x4f7: {  	v30 =	vmul.f32 v42, v30;
	v25 =	vmul.f32 v25, v35;
	v21 =	vld [tilespmem:s7+$0x0];
	v39 =	vadd.f32 v49, v39  }
0x4f8: {  	v55 =	vld.idx.msk [tilespmem:v50+s1+$0x0], $0xffff;
	v53 =	vadd.f32 v51, v22;
	v43 =	vmul.f32 v43, v23;
	v44 =	vadd.f32 v44, v62  }
0x4f9: {  	v26 =	vld.idx.msk [tilespmem:v26+s1+$0x0], $0xffff;
	v45 =	vsub.f32 v54, v31;
	v37 =	vmul.f32 v37, v38;
	v39 =	vmax.f32 v39, $1.000000020e-24  }
0x4fa: {  	v48 =	vld.idx.msk [tilespmem:v48+s1+$0x0], $0xffff;
	v58 =	vshra.s32 v39, $0x1;
	v43 =	vadd.f32 v43, v53;
	v7 =	vmax.f32 v44, $1.000000020e-24  }
0x4fb: {  	v47 =	vld.idx.msk [tilespmem:v47+s1+$0x0], $0xffff;
	v39 =	vmul.f32 $5.000000000e-01, v39;
	v56 =	vshra.s32 v7, $0x1;
	v50 =	vmul.f32 $5.000000000e-01, v7  }
0x4fc: {  	v41 =	vsub.f32 v63, v34;
	v7 =	vmul.f32 v43, v21;
	v57 =	vsub.s32 $0x5F3759DF, v56  }
0x4fd: {  	v46 =	vld.idx.msk [tilespmem:v46+s1+$0x0], $0xffff;
	v60 =	vsub.s32 $0x5F3759DF, v58;
	v34 =	vsub.f32 v55, v34;
	v59 =	vmul.f32 v57, v50  }
0x4fe: {  	v62 =	vmul.f32 v60, v39;
	v56 =	vmul.f32 v41, v33;
	v7 =	vadd.f32 v7, v13  }
0x4ff: {  	v13 =	vsub.f32 v26, v31;
	v26 =	vsub.f32 v48, v36;
	v61 =	vmul.f32 v57, v59  }
0x500: {  	v33 =	vmul.f32 v45, v33;
	v51 =	vmul.f32 v60, v62;
	v31 =	vsub.f32 v47, v31  }
0x501: {  	v63 =	vmul.f32 v26, v40;
	v26 =	vmul.f32 v26, v13;
	v49 =	vsub.f32 $1.500000000e+00, v61  }
0x502: {  	v36 =	vsub.f32 v46, v36;
	v13 =	vmul.f32 v41, v13;
	v40 =	vmul.f32 v45, v40  }
0x503: {  	v54 =	vmul.f32 v31, v31;
	v41 =	vmul.f32 v57, v49;
	v57 =	vsub.f32 $1.500000000e+00, v51  }
0x504: {  	v55 =	vmul.f32 v36, v36;
	v44 =	vsub.f32 v63, v56;
	v26 =	vsub.f32 v33, v26  }
0x505: {  	v25 =	vadd.f32 v25, v30;
	v59 =	vmul.f32 v41, v50;
	v43 =	vmul.f32 v60, v57  }
0x506: {  	v13 =	vsub.f32 v13, v40;
	v58 =	vmul.f32 v44, v44;
	v60 =	vmul.f32 v26, v26  }
0x507: {  	v24 =	vmax.f32 v24, $9.999999960e-13;
	v40 =	vmul.f32 v59, v41;
	v62 =	vmul.f32 v43, v39  }
0x508: {  	v25 =	vadd.f32 v37, v25;
	v61 =	vmul.f32 v34, v34;
	v63 =	vmul.f32 v13, v13  }
0x509: {  	v33 =	vadd.f32 v60, v58;
	v40 =	vsub.f32 $1.500000000e+00, v40;
	v47 =	vmul.f32 v62, v43  }
0x50a: {  	v56 =	vadd.f32 v61, v54;
	v31 =	vmul.f32 v44, v31;
	v26 =	vmul.f32 v34, v26  }
0x50b: {  	v33 =	vadd.f32 v33, v63;
	v57 =	vmul.f32 v40, v41;
	v58 =	vsub.f32 $1.500000000e+00, v47  }
0x50c: {  	v13 =	vmul.f32 v36, v13;
	v59 =	vadd.f32 v55, v56;
	v26 =	vadd.f32 v26, v31  }
0x50d: {  	v33 =	vmax.f32 v33, $1.000000020e-24;
	v61 =	vmul.f32 v57, v50;
	v40 =	vmul.f32 v58, v43  }
0x50e: {  	v62 =	vmax.f32 v59, $1.000000020e-24;
	v60 =	vshra.s32 v33, $0x1;
	v45 =	vmul.f32 $5.000000000e-01, v33  }
0x50f: {  	v36 =	vsub.s32 $0x5F3759DF, v60;
	v63 =	vmul.f32 v61, v57;
	v39 =	vmul.f32 v40, v39  }
0x510: {  	v49 =	vshra.s32 v62, $0x1;
	v44 =	vmul.f32 $5.000000000e-01, v62;
	v52 =	vmul.f32 v36, v45  }
0x511: {  	v33 =	vsub.s32 $0x5F3759DF, v49;
	v50 =	vsub.f32 $1.500000000e+00, v63;
	v51 =	vmul.f32 v39, v40  }
0x512: {  	v48 =	vshra.s32 v24, $0x1;
	v35 =	vmul.f32 v33, v44;
	v54 =	vmul.f32 v36, v52  }
0x513: {  	v38 =	vadd.f32 v13, v26;
	v30 =	vmul.f32 v50, v57;
	v53 =	vsub.f32 $1.500000000e+00, v51  }
0x514: {  	v26 =	vmul.f32 $5.000000000e-01, v24;
	v55 =	vmul.f32 v33, v35;
	v13 =	vsub.f32 $1.500000000e+00, v54  }
0x515: {  	v56 =	vmov s9;
	v30 =	vmul.f32 v30, v25;
	v34 =	vmul.f32 v53, v40  }
0x516: {  	[tilespmem:$0x1FF30] =	vst v14;
	v57 =	vshll.u32 v56, $0x2;
	v50 =	vmul.f32 v36, v13;
	v25 =	vsub.s32 $0x5F3759DF, v48  }
0x517: {  	[tilespmem:$0x1FF40] =	vst v15;
	v13 =	vsub.f32 $1.500000000e+00, v55;
	v58 =	vmul.f32 v25, v26;
	v30 =	vmul.f32 v30, v34  }
0x518: {  	p5 =	por $0x1, $0x1;
	[tilespmem:$0x1FF50] =	vst v16;
	v61 =	vsub.f32 $1.500000000e+00, v28;
	v49 =	vor.u32 v5, v57;
	v59 =	vmul.f32 v50, v45  }
.Ltmp14:
0x519: {  	[tilespmem:$0x1FF60] =	vst v17;
	v48 =	vmul.f32 v33, v13;
	v60 =	vmul.f32 v25, v58;
	v30 =	vmax.f32 v30, $-9.999989860e-01;
	(pc) =	sbr.rel @!p5 .LBB3_28-.Ltmp14, $4  }
0x51a: {  	[tilespmem:$0x1FF90] =	vst v8;
	v62 =	vmul.f32 v59, v50;
	v58 =	vmul.f32 v61, v27;
	v13 =	vmin.f32 v30, $9.999989860e-01  }
0x51b: {  	[tilespmem:$0x1FFF0] =	vst v7;
	v63 =	vmul.f32 v48, v44;
	v57 =	vsub.f32 $1.500000000e+00, v60;
	v13 =	vmul.f32 v13, v13  }
0x51c: {  	v53 =	vor.u32 $0x1, v49;
	[tilespmem:$0x1FF70] =	vst v58  }
0x51d: {  	p3 =	por $0x1, $0x1;
	s9 =	simm.s32 $0x50;
	v52 =	vld.idx.msk [tilespmem:v49+s29+$0x0], $0xffff;
	v55 =	vsub.f32 $1.500000000e+00, v62;
	v54 =	vmul.f32 v63, v48;
	[tilespmem:$0x1FF80] =	vst v57;
	v56 =	vsub.f32 $1.000000000e+00, v13  }
0x51e: {  	_ =	sdelay $0x1  }
0x51f: {  	v13 =	vor.u32 $0x2, v49;
	v30 =	vmax.f32 v56, $9.999999960e-13  }
0x520: {  	v31 =	vmul.f32 v25, v57;
	v33 =	vshra.s32 v30, $0x1;
	v34 =	vmul.f32 $5.000000000e-01, v30  }
0x521: {  	v37 =	vld.idx.msk [tilespmem:v53+s29+$0x0], $0xffff;
	v32 =	vmul.f32 v55, v50;
	v33 =	vsub.s32 $0x5F3759DF, v33;
	v42 =	vmul.u32 $0x3, v52  }
0x522: {  	v41 =	vor.u32 $0x3, v49;
	v35 =	vsub.f32 $1.500000000e+00, v54;
	v40 =	vmul.f32 v33, v34  }
0x523: {  	v36 =	vmul.f32 v31, v26;
	v39 =	vmul.f32 v32, v45;
	v46 =	vadd.s32 $0x1800, v42  }
0x524: {  	v35 =	vmul.f32 v35, v48;
	v40 =	vmul.f32 v33, v40;
	v59 =	vadd.s32 $0x1801, v42  }
0x525: {  	v36 =	vmul.f32 v36, v31;
	v39 =	vmul.f32 v39, v32;
	v60 =	vadd.s32 $0x1802, v42  }
0x526: {  	v13 =	vld.idx.msk [tilespmem:v13+s29+$0x0], $0xffff;
	v37 =	vmul.u32 $0x3, v37;
	v45 =	vadd.s32 $0x1, v42;
	v40 =	vsub.f32 $1.500000000e+00, v40  }
0x527: {  	v43 =	vmul.f32 v35, v44;
	v44 =	vmul.f32 v58, v18;
	v41 =	vld.idx.msk [tilespmem:v41+s29+$0x0], $0xffff;
	v47 =	vadd.s32 $0x2, v42  }
0x528: {  	v36 =	vsub.f32 $1.500000000e+00, v36;
	v61 =	vadd.s32 $0x1800, v37;
	v33 =	vmul.f32 v33, v40;
	v46 =	vld.idx.msk [tilespmem:v46+s1+$0x0], $0xffff  }
0x529: {  	v39 =	vsub.f32 $1.500000000e+00, v39;
	v53 =	vadd.s32 $0x1801, v37;
	v63 =	vmul.f32 v43, v35;
	v48 =	vld.idx.msk [tilespmem:v59+s1+$0x0], $0xffff  }
0x52a: {  	v50 =	vadd.s32 $0x1, v37;
	v54 =	vadd.s32 $0x1802, v37;
	v49 =	vld.idx.msk [tilespmem:v60+s1+$0x0], $0xffff;
	v62 =	vmul.f32 v33, v34  }
0x52b: {  	v32 =	vmul.f32 v39, v32;
	v39 =	vsub.f32 $1.500000000e+00, v63;
	v13 =	vmul.u32 $0x3, v13;
	v45 =	vld.idx.msk [tilespmem:v45+s1+$0x0], $0xffff  }
0x52c: {  	v51 =	vadd.s32 $0x2, v37;
	v41 =	vmul.u32 $0x3, v41;
	v47 =	vld.idx.msk [tilespmem:v47+s1+$0x0], $0xffff;
	v52 =	vmul.f32 v62, v33  }
0x52d: {  	v32 =	vmul.f32 v32, v38;
	v39 =	vmul.f32 v39, v35;
	v9 =	vadd.s32 $0x1802, v13;
	v59 =	vld.idx.msk [tilespmem:v61+s1+$0x0], $0xffff  }
0x52e: {  	v35 =	vmul.f32 v36, v31;
	v10 =	vadd.s32 $0x1801, v13;
	v53 =	vld.idx.msk [tilespmem:v53+s1+$0x0], $0xffff;
	v52 =	vsub.f32 $1.500000000e+00, v52  }
0x52f: {  	v36 =	vadd.f32 v44, v44;
	v43 =	vadd.s32 $0x1, v13;
	v58 =	vadd.s32 $0x1800, v13;
	v38 =	vld.idx.msk [tilespmem:v54+s1+$0x0], $0xffff  }
0x530: {  	v56 =	vadd.s32 $0x2, v13;
	v40 =	vadd.s32 $0x1800, v41;
	v50 =	vld.idx.msk [tilespmem:v50+s1+$0x0], $0xffff;
	v33 =	vmul.f32 v52, v33  }
0x531: {  	v60 =	vadd.s32 $0x1, v41;
	v61 =	vadd.s32 $0x2, v41;
	v54 =	vmul.f32 v44, v14;
	v51 =	vld.idx.msk [tilespmem:v51+s1+$0x0], $0xffff  }
0x532: {  	v32 =	vmul.f32 v32, v39;
	v31 =	vld.idx.msk [tilespmem:v9+s1+$0x0], $0xffff;
	v52 =	vadd.s32 $0x1801, v41;
	v34 =	vmul.f32 v33, v34  }
0x533: {  	v36 =	vmul.f32 v36, v44;
	v62 =	vmul.f32 v35, v26;
	v39 =	vadd.f32 v54, v15;
	v9 =	vld.idx.msk [tilespmem:v10+s1+$0x0], $0xffff  }
0x534: {  	v32 =	vmax.f32 v32, $-9.999989860e-01;
	v10 =	vadd.s32 $0x1802, v41;
	v58 =	vld.idx.msk [tilespmem:v58+s1+$0x0], $0xffff;
	v63 =	vmul.f32 v34, v33  }
0x535: {  	v36 =	vadd.f32 $-1.000000000e+00, v36;
	v32 =	vmin.f32 v32, $9.999989860e-01;
	v44 =	vld.idx.msk [tilespmem:v40+s1+$0x0], $0xffff;
	v40 =	vmul.f32 v62, v35  }
0x536: {  	v53 =	vsub.f32 v53, v48;
	v34 =	vmul.f32 v8, v11;
	v11 =	vsub.f32 $1.500000000e+00, v63  }
0x537: {  	v62 =	vmul.f32 v32, v32;
	v50 =	vsub.f32 v50, v45;
	v31 =	vsub.f32 v31, v49;
	v52 =	vld.idx.msk [tilespmem:v52+s1+$0x0], $0xffff  }
0x538: {  	v43 =	vld.idx.msk [tilespmem:v43+s1+$0x0], $0xffff;
	v63 =	vsub.f32 v38, v49;
	v38 =	vsub.f32 v9, v48;
	v33 =	vmul.f32 v11, v33  }
0x539: {  	v54 =	vld.idx.msk [tilespmem:v10+s1+$0x0], $0xffff;
	v57 =	vsub.f32 v58, v46;
	v9 =	vsub.f32 v59, v46;
	v10 =	vmul.f32 v31, v53  }
0x53a: {  	v51 =	vsub.f32 v51, v47;
	v11 =	vmul.f32 v38, v63;
	v33 =	vmul.f32 v33, v30  }
0x53b: {  	s5 =	simm.s32 $0x46B0;
	v44 =	vsub.f32 v44, v46;
	v30 =	vmul.f32 v57, v63;
	v63 =	vmul.f32 v31, v9  }
0x53c: {  	s6 =	simm.s32 $0x4630;
	v38 =	vmul.f32 v38, v9;
	v48 =	vsub.f32 v52, v48;
	v31 =	vld [tilespmem:s5+$0x0];
	v9 =	vadd.f32 v33, v33  }
0x53d: {  	s8 =	simm.s32 $0x4730;
	v32 =	vld [tilespmem:s6+$0x0];
	v53 =	vmul.f32 v57, v53;
	v46 =	vsub.f32 v10, v11;
	v52 =	vsub.f32 v30, v63  }
0x53e: {  	v43 =	vsub.f32 v43, v45;
	v55 =	vmul.f32 v44, v44;
	v30 =	vld [tilespmem:s8+$0x0];
	v10 =	vmul.f32 v9, v33  }
0x53f: {  	v56 =	vld.idx.msk [tilespmem:v56+s1+$0x0], $0xffff;
	v38 =	vsub.f32 v38, v53;
	v11 =	vmul.f32 v46, v46;
	v9 =	vmul.f32 v52, v52  }
0x540: {  	v49 =	vsub.f32 v54, v49;
	v54 =	vmul.f32 v48, v48;
	v57 =	vadd.f32 $-1.000000000e+00, v10  }
0x541: {  	v42 =	vld.idx.msk [tilespmem:v42+s1+$0x0], $0xffff;
	v10 =	vmul.f32 v33, v31;
	v53 =	vadd.f32 v9, v11;
	v11 =	vmul.f32 v38, v38  }
0x542: {  	s7 =	simm.s32 $0x45B0;
	v37 =	vld.idx.msk [tilespmem:v37+s1+$0x0], $0xffff;
	v59 =	vmul.f32 v49, v49;
	v54 =	vadd.f32 v54, v55;
	v9 =	vsub.f32 $1.000000000e+00, v62  }
0x543: {  	v33 =	vld [tilespmem:s7+$0x0];
	v10 =	vadd.f32 v10, v32;
	v57 =	vmul.f32 v57, v30;
	v53 =	vadd.f32 v53, v11  }
0x544: {  	v56 =	vsub.f32 v56, v47;
	v54 =	vadd.f32 v59, v54;
	v59 =	vmul.f32 v36, v16  }
0x545: {  	v36 =	vmax.f32 v9, $9.999999960e-13;
	v11 =	vadd.f32 v57, v10;
	v57 =	vld.idx.msk [tilespmem:v13+s1+$0x0], $0xffff;
	v13 =	vmax.f32 v53, $1.000000020e-24  }
0x546: {  	v53 =	vmax.f32 v54, $1.000000020e-24;
	v54 =	vld.idx.msk [tilespmem:v60+s1+$0x0], $0xffff;
	v9 =	vshra.s32 v13, $0x1;
	v60 =	vmul.f32 $5.000000000e-01, v13  }
0x547: {  	v10 =	vshra.s32 v53, $0x1;
	v53 =	vmul.f32 $5.000000000e-01, v53;
	v55 =	vsub.s32 $0x5F3759DF, v9  }
0x548: {  	v37 =	vsub.f32 v37, v42;
	v13 =	vmul.f32 v11, v33;
	v11 =	vmul.f32 v55, v60  }
0x549: {  	v19 =	vmul.f32 v43, v51;
	v58 =	vsub.s32 $0x5F3759DF, v10;
	v10 =	vmul.f32 v56, v50  }
0x54a: {  	v41 =	vld.idx.msk [tilespmem:v41+s1+$0x0], $0xffff;
	v40 =	vsub.f32 $1.500000000e+00, v40;
	v9 =	vmul.f32 v58, v53;
	v62 =	vmul.f32 v55, v11  }
0x54b: {  	v61 =	vld.idx.msk [tilespmem:v61+s1+$0x0], $0xffff;
	v44 =	vmul.f32 v46, v44;
	v38 =	vmul.f32 v49, v38;
	v19 =	vsub.f32 v10, v19  }
0x54c: {  	v57 =	vsub.f32 v57, v42;
	v63 =	vmul.f32 v58, v9;
	v62 =	vsub.f32 $1.500000000e+00, v62  }
0x54d: {  	v45 =	vsub.f32 v54, v45;
	v11 =	vmul.f32 v56, v37;
	v37 =	vmul.f32 v43, v37  }
0x54e: {  	v9 =	vmul.f32 v57, v50;
	v10 =	vsub.f32 $1.500000000e+00, v63;
	v50 =	vmul.f32 v55, v62  }
0x54f: {  	v41 =	vsub.f32 v41, v42;
	v51 =	vmul.f32 v57, v51;
	v56 =	vmul.f32 v45, v45  }
0x550: {  	v47 =	vsub.f32 v61, v47;
	v54 =	vmul.f32 v58, v10;
	v62 =	vmul.f32 v50, v60  }
0x551: {  	v42 =	vsub.f32 v51, v11;
	v11 =	vmul.f32 v19, v19;
	v10 =	vmul.f32 v41, v41  }
0x552: {  	v37 =	vsub.f32 v37, v9;
	v57 =	vmul.f32 v54, v53;
	v43 =	vmul.f32 v62, v50  }
0x553: {  	v13 =	vadd.f32 v13, v7;
	v19 =	vmul.f32 v19, v41;
	v63 =	vmul.f32 v42, v42  }
0x554: {  	v9 =	vmul.f32 v37, v37;
	v57 =	vmul.f32 v57, v54;
	v43 =	vsub.f32 $1.500000000e+00, v43  }
0x555: {  	v61 =	vadd.f32 v56, v10;
	v41 =	vmul.f32 v45, v42;
	v56 =	vmul.f32 v48, v52  }
0x556: {  	v51 =	vadd.f32 v63, v11;
	v63 =	vsub.f32 $1.500000000e+00, v57;
	v42 =	vmul.f32 v43, v50  }
0x557: {  	v58 =	vshra.s32 v36, $0x1;
	v11 =	vmul.f32 v47, v47;
	v46 =	vadd.f32 v56, v44  }
0x558: {  	v51 =	vadd.f32 v51, v9;
	v43 =	vmul.f32 v63, v54;
	v55 =	vmul.f32 v42, v60  }
0x559: {  	v37 =	vmul.f32 v47, v37;
	v9 =	vadd.f32 v11, v61;
	v38 =	vadd.f32 v38, v46  }
0x55a: {  	v10 =	vmax.f32 v51, $1.000000020e-24;
	v60 =	vmul.f32 v43, v53;
	v51 =	vmul.f32 v55, v42  }
0x55b: {  	v57 =	vmax.f32 v9, $1.000000020e-24;
	v11 =	vshra.s32 v10, $0x1;
	v45 =	vmul.f32 $5.000000000e-01, v10  }
0x55c: {  	v50 =	vsub.s32 $0x5F3759DF, v11;
	v63 =	vmul.f32 v60, v43;
	v62 =	vsub.f32 $1.500000000e+00, v51  }
0x55d: {  	v61 =	vshra.s32 v57, $0x1;
	v44 =	vmul.f32 $5.000000000e-01, v57;
	v9 =	vmul.f32 v50, v45  }
0x55e: {  	v47 =	vsub.s32 $0x5F3759DF, v61;
	v10 =	vsub.f32 $1.500000000e+00, v63;
	v42 =	vmul.f32 v62, v42  }
0x55f: {  	v19 =	vadd.f32 v41, v19;
	v48 =	vmul.f32 v47, v44;
	v11 =	vmul.f32 v50, v9  }
0x560: {  	v55 =	vmov s9;
	v43 =	vmul.f32 v10, v43;
	v42 =	vmul.f32 v42, v38  }
0x561: {  	v54 =	vmul.f32 v47, v48;
	v38 =	vadd.f32 v37, v19;
	v19 =	vsub.f32 $1.500000000e+00, v11  }
0x562: {  	v56 =	vshll.u32 v55, $0x2;
	v37 =	vmul.f32 $5.000000000e-01, v36;
	v42 =	vmul.f32 v42, v43  }
0x563: {  	v51 =	vsub.s32 $0x5F3759DF, v58;
	v50 =	vmul.f32 v50, v19;
	v19 =	vsub.f32 $1.500000000e+00, v54  }
0x564: {  	p5 =	por $0x1, $0x1;
	v49 =	vor.u32 v5, v56;
	v58 =	vmul.f32 v51, v37;
	v57 =	vmax.f32 v42, $-9.999989860e-01  }
.Ltmp15:
0x565: {  	v60 =	vmul.f32 v50, v45;
	v48 =	vmul.f32 v47, v19;
	v19 =	vmin.f32 v57, $9.999989860e-01;
	(pc) =	sbr.rel @!p5 .LBB3_30-.Ltmp15, $4  }
0x566: {  	v41 =	vmovc v6;
	v53 =	vor.u32 $0x1, v49;
	v61 =	vmul.f32 v51, v58;
	v19 =	vmul.f32 v19, v19  }
0x567: {  	v46 =	vmovc v24;
	v47 =	vadd.f32 v59, v39;
	v62 =	vmul.f32 v60, v50;
	v63 =	vmul.f32 v48, v44  }
0x568: {  	v43 =	vmovc v20;
	v58 =	vmul.f32 v40, v35;
	v40 =	vmovc v22;
	v57 =	vsub.f32 $1.500000000e+00, v61;
	v56 =	vsub.f32 $1.000000000e+00, v19  }
0x569: {  	p4 =	por $0x1, $0x1;
	s9 =	simm.s32 $0x60;
	v52 =	vld.idx.msk [tilespmem:v49+s29+$0x0], $0xffff;
	v39 =	vmovc v17;
	v35 =	vmovc v21;
	v42 =	vmov v23;
	v55 =	vsub.f32 $1.500000000e+00, v62;
	v54 =	vmul.f32 v63, v48  }
.LBB3_31:
0x56a: {  	p5 =	sne.s32 s9, $0x30;
	v19 =	vor.u32 $0x2, v49;
	v56 =	vmax.f32 v56, $9.999999960e-13;
	v51 =	vmul.f32 v51, v57  }
0x56b: {  	v50 =	vmul.f32 v55, v50;
	v55 =	vshra.s32 v56, $0x1;
	v57 =	vmul.f32 $5.000000000e-01, v56  }
0x56c: {  	v54 =	vsub.f32 $1.500000000e+00, v54;
	v53 =	vld.idx.msk [tilespmem:v53+s29+$0x0], $0xffff;
	v55 =	vsub.s32 $0x5F3759DF, v55;
	v59 =	vmul.f32 v51, v37  }
0x56d: {  	v49 =	vor.u32 $0x3, v49;
	v45 =	vmul.f32 v50, v45;
	v60 =	vmul.f32 v55, v57  }
0x56e: {  	v41 =	vadd.f32 v34, v41;
	v48 =	vmul.f32 v54, v48;
	v54 =	vmul.f32 v59, v51  }
0x56f: {  	v34 =	vmul.u32 $0x3, v52;
	v19 =	vld.idx.msk [tilespmem:v19+s29+$0x0], $0xffff;
	v45 =	vmul.f32 v45, v50;
	v52 =	vmul.f32 v55, v60  }
0x570: {  	v58 =	vmul.f32 v58, v46;
	v46 =	vmovc v36;
	v59 =	vmul.f32 v48, v44;
	v54 =	vsub.f32 $1.500000000e+00, v54  }
0x571: {  	v36 =	vadd.s32 $0x1, v34;
	v60 =	vadd.s32 $0x1800, v34;
	v44 =	vsub.f32 $1.500000000e+00, v52  }
0x572: {  	v61 =	vadd.s32 $0x2, v34;
	v62 =	vmul.u32 $0x3, v53;
	v52 =	vadd.s32 $0x1801, v34;
	v49 =	vld.idx.msk [tilespmem:v49+s29+$0x0], $0xffff  }
0x573: {  	v53 =	vadd.s32 $0x1802, v34;
	v45 =	vsub.f32 $1.500000000e+00, v45;
	v55 =	vmul.f32 v55, v44  }
0x574: {  	v63 =	vadd.s32 $0x1, v62;
	v8 =	vadd.s32 $0x2, v62;
	v9 =	vadd.s32 $0x1800, v62  }
0x575: {  	v19 =	vmul.u32 $0x3, v19;
	v44 =	vld.idx.msk [tilespmem:v34+s1+$0x0], $0xffff;
	v34 =	vadd.s32 $0x1801, v62;
	v10 =	vmul.f32 v55, v57  }
0x576: {  	v7 =	vadd.s32 $0x1802, v62;
	v45 =	vmul.f32 v45, v50;
	v50 =	vmul.f32 v59, v48;
	v60 =	vld.idx.msk [tilespmem:v60+s1+$0x0], $0xffff  }
0x577: {  	v14 =	vadd.s32 $0x1, v19;
	v15 =	vld.idx.msk [tilespmem:v52+s1+$0x0], $0xffff;
	v52 =	vadd.s32 $0x1802, v19;
	v10 =	vmul.f32 v10, v55  }
0x578: {  	v16 =	vadd.s32 $0x2, v19;
	v49 =	vmul.u32 $0x3, v49;
	v17 =	vld.idx.msk [tilespmem:v53+s1+$0x0], $0xffff;
	v53 =	vadd.s32 $0x1801, v19  }
0x579: {  	v50 =	vsub.f32 $1.500000000e+00, v50;
	v59 =	vadd.s32 $0x1800, v19;
	v9 =	vld.idx.msk [tilespmem:v9+s1+$0x0], $0xffff;
	v10 =	vsub.f32 $1.500000000e+00, v10  }
0x57a: {  	v27 =	vadd.s32 $0x1, v49;
	v11 =	vadd.s32 $0x2, v49;
	v28 =	vld.idx.msk [tilespmem:v34+s1+$0x0], $0xffff;
	v34 =	vadd.s32 $0x1800, v49  }
0x57b: {  	v38 =	vmul.f32 v45, v38;
	v29 =	vadd.s32 $0x1801, v49;
	v7 =	vld.idx.msk [tilespmem:v7+s1+$0x0], $0xffff;
	v10 =	vmul.f32 v10, v55  }
0x57c: {  	v48 =	vmul.f32 v50, v48;
	v50 =	vadd.f32 v58, v58;
	v45 =	vld.idx.msk [tilespmem:v52+s1+$0x0], $0xffff;
	v52 =	vmul.f32 v54, v51  }
0x57d: {  	v54 =	vmul.f32 v58, v43;
	v43 =	vmov v31;
	v51 =	vld.idx.msk [tilespmem:v53+s1+$0x0], $0xffff;
	v53 =	vmul.f32 v10, v57  }
0x57e: {  	v38 =	vmul.f32 v38, v48;
	v55 =	vadd.s32 $0x1802, v49;
	v31 =	vld.idx.msk [tilespmem:v59+s1+$0x0], $0xffff;
	v37 =	vmul.f32 v52, v37  }
0x57f: {  	v50 =	vmul.f32 v50, v58;
	v59 =	vadd.f32 v54, v40;
	v48 =	vld.idx.msk [tilespmem:v34+s1+$0x0], $0xffff;
	v57 =	vmul.f32 v53, v10  }
0x580: {  	v38 =	vmax.f32 v38, $-9.999989860e-01;
	v40 =	vmovc v32;
	v34 =	vmul.f32 v47, v39;
	v29 =	vld.idx.msk [tilespmem:v29+s1+$0x0], $0xffff;
	v53 =	vmul.f32 v37, v52  }
0x581: {  	v32 =	vmin.f32 v38, $9.999989860e-01;
	v47 =	vadd.f32 $-1.000000000e+00, v50;
	v39 =	vmovc v35;
	v35 =	vmovc v33;
	v54 =	vld.idx.msk [tilespmem:v63+s1+$0x0], $0xffff;
	v37 =	vsub.f32 $1.500000000e+00, v57  }
0x582: {  	v28 =	vsub.f32 v28, v15;
	v33 =	vsub.f32 v45, v17;
	v45 =	vmul.f32 v32, v32;
	v8 =	vld.idx.msk [tilespmem:v8+s1+$0x0], $0xffff  }
0x583: {  	v7 =	vsub.f32 v7, v17;
	v32 =	vsub.f32 v51, v15;
	v50 =	vld.idx.msk [tilespmem:v55+s1+$0x0], $0xffff;
	v10 =	vmul.f32 v37, v10  }
0x584: {  	v9 =	vsub.f32 v9, v60;
	v51 =	vsub.f32 v31, v60;
	v55 =	vmul.f32 v33, v28;
	v14 =	vld.idx.msk [tilespmem:v14+s1+$0x0], $0xffff  }
0x585: {  	s5 =	sadd.s32 $0x10, s5;
	v37 =	vsub.f32 v48, v60;
	v48 =	vmul.f32 v32, v7;
	v16 =	vld.idx.msk [tilespmem:v16+s1+$0x0], $0xffff;
	v10 =	vmul.f32 v10, v56  }
0x586: {  	s6 =	sadd.s32 $0x10, s6;
	v38 =	vsub.f32 v29, v15;
	v7 =	vmul.f32 v51, v7;
	v15 =	vmul.f32 v33, v9;
	v31 =	vld [tilespmem:s5+$0x0]  }
0x587: {  	s8 =	sadd.s32 $0x10, s8;
	v9 =	vmul.f32 v32, v9;
	v29 =	vmul.f32 v37, v37;
	v32 =	vld [tilespmem:s6+$0x0];
	v33 =	vadd.f32 v10, v10  }
0x588: {  	v48 =	vsub.f32 v55, v48;
	v7 =	vsub.f32 v7, v15;
	v15 =	vmul.f32 v51, v28;
	v28 =	vld [tilespmem:s8+$0x0]  }
0x589: {  	v17 =	vsub.f32 v50, v17;
	v51 =	vld.idx.msk [tilespmem:v36+s1+$0x0], $0xffff;
	v36 =	vmul.f32 v38, v38;
	v33 =	vmul.f32 v33, v10  }
0x58a: {  	v9 =	vsub.f32 v9, v15;
	v15 =	vmul.f32 v48, v48;
	v55 =	vmul.f32 v7, v7;
	v50 =	vld.idx.msk [tilespmem:v61+s1+$0x0], $0xffff  }
0x58b: {  	s7 =	sadd.s32 $0x10, s7;
	v57 =	vmul.f32 v17, v17;
	v56 =	vld.idx.msk [tilespmem:v62+s1+$0x0], $0xffff;
	v58 =	vadd.f32 $-1.000000000e+00, v33;
	v10 =	vmul.f32 v10, v31  }
0x58c: {  	v15 =	vadd.f32 v55, v15;
	v55 =	vmul.f32 v9, v9;
	v29 =	vadd.f32 v36, v29;
	v33 =	vld [tilespmem:s7+$0x0]  }
0x58d: {  	v36 =	vsub.f32 $1.000000000e+00, v45;
	v19 =	vld.idx.msk [tilespmem:v19+s1+$0x0], $0xffff;
	v10 =	vadd.f32 v10, v32;
	v45 =	vmul.f32 v58, v28  }
0x58e: {  	v47 =	vmul.f32 v47, v42;
	v15 =	vadd.f32 v15, v55;
	v29 =	vadd.f32 v57, v29;
	v27 =	vld.idx.msk [tilespmem:v27+s1+$0x0], $0xffff  }
0x58f: {  	v42 =	vmovc v30;
	v36 =	vmax.f32 v36, $9.999999960e-13;
	v54 =	vsub.f32 v54, v51;
	v49 =	vld.idx.msk [tilespmem:v49+s1+$0x0], $0xffff;
	v10 =	vadd.f32 v45, v10  }
0x590: {  	v30 =	vmovc v28;
	v8 =	vsub.f32 v8, v50;
	v15 =	vmax.f32 v15, $1.000000020e-24;
	v29 =	vmax.f32 v29, $1.000000020e-24;
	v11 =	vld.idx.msk [tilespmem:v11+s1+$0x0], $0xffff  }
0x591: {  	v28 =	vshra.s32 v15, $0x1;
	v15 =	vmul.f32 $5.000000000e-01, v15;
	v10 =	vmul.f32 v10, v33  }
0x592: {  	v14 =	vsub.f32 v14, v51;
	v45 =	vshra.s32 v29, $0x1;
	v28 =	vsub.s32 $0x5F3759DF, v28  }
0x593: {  	v29 =	vmul.f32 $5.000000000e-01, v29;
	v55 =	vmul.f32 v28, v15;
	v13 =	vadd.f32 v10, v13  }
0x594: {  	v16 =	vsub.f32 v16, v50;
	v45 =	vsub.s32 $0x5F3759DF, v45;
	v10 =	vsub.f32 v56, v44  }
0x595: {  	v19 =	vsub.f32 v19, v44;
	v56 =	vmul.f32 v45, v29;
	v55 =	vmul.f32 v28, v55  }
0x596: {  	v57 =	vmul.f32 v14, v8;
	v27 =	vsub.f32 v27, v51;
	v51 =	vmul.f32 v16, v54  }
0x597: {  	v8 =	vmul.f32 v19, v8;
	v56 =	vmul.f32 v45, v56;
	v55 =	vsub.f32 $1.500000000e+00, v55  }
0x598: {  	v51 =	vsub.f32 v51, v57;
	v16 =	vmul.f32 v16, v10;
	v10 =	vmul.f32 v14, v10  }
0x599: {  	v14 =	vmul.f32 v19, v54;
	v19 =	vmul.f32 v28, v55;
	v28 =	vsub.f32 $1.500000000e+00, v56  }
0x59a: {  	v44 =	vsub.f32 v49, v44;
	v8 =	vsub.f32 v8, v16;
	v16 =	vmul.f32 v51, v51  }
0x59b: {  	v10 =	vsub.f32 v10, v14;
	v14 =	vmul.f32 v19, v15;
	v28 =	vmul.f32 v45, v28  }
0x59c: {  	v11 =	vsub.f32 v11, v50;
	v49 =	vmul.f32 v27, v27;
	v45 =	vmul.f32 v8, v8  }
0x59d: {  	v54 =	vshra.s32 v36, $0x1;
	v14 =	vmul.f32 v14, v19;
	v50 =	vmul.f32 v28, v29  }
0x59e: {  	v55 =	vmul.f32 v44, v44;
	v16 =	vadd.f32 v45, v16;
	v45 =	vmul.f32 v10, v10  }
0x59f: {  	v56 =	vmul.f32 v11, v11;
	v14 =	vsub.f32 $1.500000000e+00, v14;
	v50 =	vmul.f32 v50, v28  }
0x5a0: {  	v16 =	vadd.f32 v16, v45;
	v45 =	vadd.f32 v49, v55;
	v49 =	vmul.f32 v51, v44  }
0x5a1: {  	v8 =	vmul.f32 v27, v8;
	v14 =	vmul.f32 v14, v19;
	v19 =	vsub.f32 $1.500000000e+00, v50  }
0x5a2: {  	v10 =	vmul.f32 v11, v10;
	v27 =	vadd.f32 v56, v45;
	v11 =	vmax.f32 v16, $1.000000020e-24  }
0x5a3: {  	v16 =	vshra.s32 v11, $0x1;
	v15 =	vmul.f32 v14, v15;
	v19 =	vmul.f32 v19, v28  }
0x5a4: {  	v7 =	vmul.f32 v38, v7;
	v16 =	vsub.s32 $0x5F3759DF, v16;
	v28 =	vmul.f32 v48, v37  }
0x5a5: {  	v27 =	vmax.f32 v27, $1.000000020e-24;
	v15 =	vmul.f32 v15, v14;
	v29 =	vmul.f32 v19, v29  }
0x5a6: {  	v9 =	vmul.f32 v17, v9;
	v45 =	vmul.f32 $5.000000000e-01, v11;
	v11 =	vshra.s32 v27, $0x1  }
0x5a7: {  	v7 =	vadd.f32 v7, v28;
	v15 =	vsub.f32 $1.500000000e+00, v15;
	v17 =	vmul.f32 v29, v19  }
0x5a8: {  	v44 =	vmul.f32 $5.000000000e-01, v27;
	v28 =	vmul.f32 v16, v45;
	v11 =	vsub.s32 $0x5F3759DF, v11  }
0x5a9: {  	v7 =	vadd.f32 v9, v7;
	v9 =	vmul.f32 v15, v14;
	v14 =	vsub.f32 $1.500000000e+00, v17  }
0x5aa: {  	v8 =	vadd.f32 v8, v49;
	v15 =	vmul.f32 v16, v28;
	v17 =	vmul.f32 v11, v44  }
0x5ab: {  	v51 =	vsub.s32 $0x5F3759DF, v54;
	v7 =	vmul.f32 v9, v7;
	v9 =	vmul.f32 v14, v19  }
0x5ac: {  	v38 =	vadd.f32 v10, v8;
	v8 =	vsub.f32 $1.500000000e+00, v15;
	v10 =	vmul.f32 v11, v17  }
0x5ad: {  	v37 =	vmul.f32 $5.000000000e-01, v36;
	v14 =	vmov s9;
	v7 =	vmul.f32 v7, v9  }
0x5ae: {  	v9 =	vshll.u32 v14, $0x2;
	v50 =	vmul.f32 v16, v8;
	v8 =	vsub.f32 $1.500000000e+00, v10  }
0x5af: {  	v49 =	vor.u32 v5, v9;
	v9 =	vmul.f32 v51, v37;
	v7 =	vmax.f32 v7, $-9.999989860e-01  }
.Ltmp16:
0x5b0: {  	v10 =	vmul.f32 v50, v45;
	v48 =	vmul.f32 v11, v8;
	v7 =	vmin.f32 v7, $9.999989860e-01;
	(pc) =	sbr.rel @p5 .LBB3_31-.Ltmp16, $4  }
0x5b1: {  	v8 =	vmul.f32 v51, v9;
	v9 =	vsub.f32 $1.500000000e+00, v53;
	v7 =	vmul.f32 v7, v7  }
0x5b2: {  	v53 =	vor.u32 $0x1, v49;
	v10 =	vmul.f32 v10, v50;
	v11 =	vmul.f32 v48, v44  }
0x5b3: {  	v57 =	vsub.f32 $1.500000000e+00, v8;
	v58 =	vmul.f32 v9, v52;
	v56 =	vsub.f32 $1.000000000e+00, v7  }
0x5b4: {  	v47 =	vadd.f32 v47, v59;
	s9 =	sadd.s32 $0x10, s9;
	v55 =	vsub.f32 $1.500000000e+00, v10;
	v54 =	vmul.f32 v11, v48;
	v52 =	vld.idx.msk [tilespmem:v49+s29+$0x0], $0xffff  }
.LBB3_32:
0x5b5: {  	_ =	sdelay $0x1  }
0x5b6: {  	v5 =	vor.u32 $0x2, v49;
	_ =	sdelay $0x1  }
0x5b7: {  	v7 =	vld.idx.msk [tilespmem:v53+s29+$0x0], $0xffff;
	_ =	sdelay $0x1  }
0x5b8: {  	v9 =	vor.u32 $0x3, v49;
	v8 =	vmul.u32 $0x3, v52  }
0x5b9: {  	v5 =	vld.idx.msk [tilespmem:v5+s29+$0x0], $0xffff  }
0x5ba: {  	v10 =	vadd.s32 $0x1800, v8  }
0x5bb: {  	v7 =	vmul.u32 $0x3, v7;
	v11 =	vadd.s32 $0x1801, v8  }
0x5bc: {  	v14 =	vadd.s32 $0x1802, v8  }
0x5bd: {  	v9 =	vld.idx.msk [tilespmem:v9+s29+$0x0], $0xffff;
	v15 =	vadd.s32 $0x1800, v7  }
0x5be: {  	v17 =	vadd.s32 $0x1801, v7;
	v16 =	vmul.u32 $0x3, v5  }
0x5bf: {  	v19 =	vadd.s32 $0x1802, v7;
	v10 =	vld.idx.msk [tilespmem:v10+s1+$0x0], $0xffff  }
0x5c0: {  	v5 =	vmax.f32 @p0 v56, $9.999999960e-13;
	v11 =	vld.idx.msk [tilespmem:v11+s1+$0x0], $0xffff;
	v27 =	vadd.s32 $0x1801, v16  }
0x5c1: {  	v28 =	vshra.s32 @p0 v5, $0x1;
	v49 =	vmul.f32 @p0 $5.000000000e-01, v5;
	v14 =	vld.idx.msk [tilespmem:v14+s1+$0x0], $0xffff;
	v29 =	vadd.s32 $0x1800, v16  }
0x5c2: {  	v9 =	vmul.u32 $0x3, v9;
	v28 =	vsub.s32 @p0 $0x5F3759DF, v28;
	v15 =	vld.idx.msk [tilespmem:v15+s1+$0x0], $0xffff;
	v63 =	vadd.s32 $0x1802, v16  }
0x5c3: {  	v53 =	vmul.f32 @p0 v55, v50;
	v62 =	vadd.s32 $0x1, v7;
	v17 =	vld.idx.msk [tilespmem:v17+s1+$0x0], $0xffff;
	v50 =	vmul.f32 @p0 v28, v49  }
0x5c4: {  	v19 =	vld.idx.msk [tilespmem:v19+s1+$0x0], $0xffff;
	v60 =	vadd.s32 $0x1800, v9  }
0x5c5: {  	v45 =	vmul.f32 @p0 v53, v45;
	v61 =	vadd.s32 $0x1801, v9;
	v55 =	vmul.f32 @p0 v28, v50;
	v27 =	vld.idx.msk [tilespmem:v27+s1+$0x0], $0xffff  }
0x5c6: {  	v50 =	vmul.f32 @p1 v51, v57;
	v51 =	vsub.f32 @p0 $1.500000000e+00, v54;
	v29 =	vld.idx.msk [tilespmem:v29+s1+$0x0], $0xffff  }
0x5c7: {  	v59 =	vadd.s32 $0x1, v8;
	v56 =	vmul.f32 @p0 v45, v53;
	v55 =	vsub.f32 @p0 $1.500000000e+00, v55;
	v52 =	vld.idx.msk [tilespmem:v63+s1+$0x0], $0xffff  }
0x5c8: {  	v45 =	vmul.f32 @p2 v58, v46;
	v58 =	vadd.s32 $0x1, v16;
	v46 =	vld.idx.msk [tilespmem:v62+s1+$0x0], $0xffff;
	v48 =	vmul.f32 @p0 v51, v48  }
0x5c9: {  	v51 =	vsub.f32 @p0 $1.500000000e+00, v56;
	v54 =	vld.idx.msk [tilespmem:v60+s1+$0x0], $0xffff;
	v28 =	vmul.f32 @p0 v28, v55;
	v55 =	vadd.s32 $0x2, v7  }
0x5ca: {  	v17 =	vsub.f32 v17, v11;
	v19 =	vsub.f32 v19, v14;
	v56 =	vadd.s32 $0x1802, v9;
	v57 =	vld.idx.msk [tilespmem:v61+s1+$0x0], $0xffff  }
0x5cb: {  	v61 =	vadd.s32 $0x2, v8;
	v63 =	vadd.s32 $0x2, v16;
	v8 =	vld.idx.msk [tilespmem:v8+s1+$0x0], $0xffff;
	v27 =	vsub.f32 v27, v11  }
0x5cc: {  	v16 =	vld.idx.msk [tilespmem:v16+s1+$0x0], $0xffff;
	v51 =	vmul.f32 @p0 v51, v53;
	v29 =	vsub.f32 v29, v10;
	v52 =	vsub.f32 v52, v14  }
0x5cd: {  	v15 =	vsub.f32 v15, v10;
	v44 =	vmul.f32 @p0 v48, v44;
	v7 =	vld.idx.msk [tilespmem:v7+s1+$0x0], $0xffff;
	v60 =	vmul.f32 v27, v19  }
0x5ce: {  	v19 =	vmul.f32 v29, v19;
	v55 =	vld.idx.msk [tilespmem:v55+s1+$0x0], $0xffff;
	v62 =	vmul.f32 v52, v17  }
0x5cf: {  	v52 =	vmul.f32 v52, v15;
	v15 =	vmul.f32 v27, v15;
	v27 =	vld.idx.msk [tilespmem:v56+s1+$0x0], $0xffff  }
0x5d0: {  	v44 =	vmul.f32 @p0 v44, v48;
	v10 =	vsub.f32 v54, v10;
	v17 =	vmul.f32 v29, v17;
	v29 =	vld.idx.msk [tilespmem:v58+s1+$0x0], $0xffff  }
0x5d1: {  	v11 =	vsub.f32 v57, v11;
	v54 =	vmul.f32 @p0 v28, v49;
	v19 =	vsub.f32 v19, v52;
	v52 =	vld.idx.msk [tilespmem:v59+s1+$0x0], $0xffff  }
0x5d2: {  	v38 =	vmul.f32 @p0 v51, v38;
	v53 =	vsub.f32 v62, v60;
	v15 =	vsub.f32 v15, v17;
	v17 =	vld.idx.msk [tilespmem:v61+s1+$0x0], $0xffff  }
0x5d3: {  	v16 =	vsub.f32 v16, v8;
	v44 =	vsub.f32 @p0 $1.500000000e+00, v44;
	v58 =	vld.idx.msk [tilespmem:v63+s1+$0x0], $0xffff;
	v54 =	vmul.f32 @p0 v54, v28  }
0x5d4: {  	v7 =	vsub.f32 v7, v8;
	v56 =	vmul.f32 v53, v53;
	v57 =	vmul.f32 v19, v19  }
0x5d5: {  	v44 =	vmul.f32 @p0 v44, v48;
	v59 =	vmul.f32 v10, v10;
	v54 =	vsub.f32 @p0 $1.500000000e+00, v54  }
0x5d6: {  	v60 =	vmul.f32 v11, v11;
	v14 =	vsub.f32 v27, v14;
	v56 =	vadd.f32 v57, v56  }
0x5d7: {  	v63 =	vmul.f32 v15, v15;
	v46 =	vsub.f32 v46, v52;
	v55 =	vsub.f32 v55, v17  }
0x5d8: {  	v28 =	vmul.f32 @p0 v54, v28;
	v29 =	vsub.f32 v29, v52;
	v62 =	vsub.f32 v58, v17  }
0x5d9: {  	v27 =	vadd.f32 v60, v59;
	v61 =	vadd.f32 v56, v63;
	v63 =	vmul.f32 v14, v14  }
0x5da: {  	v56 =	vadd.s32 $0x1, v9;
	v58 =	vmul.f32 v62, v46;
	v60 =	vmul.f32 v29, v55  }
0x5db: {  	v57 =	vadd.s32 $0x2, v9;
	v54 =	vmul.f32 v62, v7;
	v7 =	vmul.f32 v29, v7  }
0x5dc: {  	v62 =	vmul.f32 v16, v55;
	v16 =	vmul.f32 v16, v46  }
0x5dd: {  	v9 =	vld.idx.msk [tilespmem:v9+s1+$0x0], $0xffff;
	v27 =	vadd.f32 v63, v27;
	v61 =	vmax.f32 v61, $1.000000020e-24;
	v48 =	vsub.f32 v58, v60  }
0x5de: {  	v63 =	vshra.s32 v61, $0x1;
	v29 =	vmul.f32 $5.000000000e-01, v61;
	v51 =	vsub.f32 v62, v54  }
0x5df: {  	v7 =	vsub.f32 v7, v16;
	v27 =	vmax.f32 v27, $1.000000020e-24;
	v54 =	vsub.s32 $0x5F3759DF, v63;
	v46 =	vld.idx.msk [tilespmem:v56+s1+$0x0], $0xffff  }
0x5e0: {  	v60 =	vshra.s32 v27, $0x1;
	v27 =	vmul.f32 $5.000000000e-01, v27;
	v56 =	vld.idx.msk [tilespmem:v57+s1+$0x0], $0xffff;
	v57 =	vmul.f32 v54, v29  }
0x5e1: {  	v59 =	vmul.f32 v48, v48;
	v55 =	vsub.s32 $0x5F3759DF, v60;
	v60 =	vmul.f32 v51, v51  }
0x5e2: {  	v38 =	vmul.f32 @p0 v38, v44;
	v8 =	vsub.f32 v9, v8;
	v61 =	vmul.f32 v54, v57  }
0x5e3: {  	v63 =	vmul.f32 v7, v7;
	v58 =	vmul.f32 v55, v27;
	v9 =	vadd.f32 v60, v59  }
0x5e4: {  	v57 =	vmul.f32 @p1 v50, v37;
	v16 =	vsub.f32 $1.500000000e+00, v61;
	v46 =	vsub.f32 v46, v52  }
0x5e5: {  	v62 =	vmul.f32 v55, v58;
	v61 =	vmul.f32 v8, v8;
	v17 =	vsub.f32 v56, v17  }
0x5e6: {  	v9 =	vadd.f32 v9, v63;
	v16 =	vmul.f32 v54, v16;
	v60 =	vmul.f32 v46, v46  }
0x5e7: {  	v56 =	vmul.f32 @p1 v57, v50;
	v52 =	vsub.f32 $1.500000000e+00, v62;
	v63 =	vmul.f32 v17, v17  }
0x5e8: {  	v9 =	vmax.f32 v9, $1.000000020e-24;
	v62 =	vadd.f32 v60, v61;
	v60 =	vmul.f32 v16, v29  }
0x5e9: {  	v52 =	vmul.f32 v55, v52;
	v61 =	vshra.s32 v9, $0x1;
	v9 =	vmul.f32 $5.000000000e-01, v9  }
0x5ea: {  	v57 =	vsub.s32 $0x5F3759DF, v61;
	v54 =	vadd.f32 v63, v62;
	v55 =	vmul.f32 v60, v16  }
0x5eb: {  	v10 =	vmul.f32 v53, v10;
	v60 =	vmul.f32 v57, v9  }
0x5ec: {  	v58 =	vmul.f32 v52, v27;
	v54 =	vmax.f32 v54, $1.000000020e-24;
	v55 =	vsub.f32 $1.500000000e+00, v55  }
0x5ed: {  	v60 =	vmul.f32 v57, v60;
	v59 =	vshra.s32 v54, $0x1;
	v54 =	vmul.f32 $5.000000000e-01, v54  }
0x5ee: {  	v58 =	vmul.f32 v58, v52;
	v59 =	vsub.s32 $0x5F3759DF, v59;
	v16 =	vmul.f32 v55, v16  }
0x5ef: {  	v11 =	vmul.f32 v11, v19;
	v63 =	vsub.f32 $1.500000000e+00, v60;
	v61 =	vmul.f32 v59, v54  }
0x5f0: {  	v14 =	vmul.f32 v14, v15;
	v62 =	vsub.f32 $1.500000000e+00, v58;
	v29 =	vmul.f32 v16, v29  }
0x5f1: {  	v10 =	vadd.f32 v11, v10;
	v44 =	vmul.f32 v57, v63;
	v60 =	vmul.f32 v59, v61  }
0x5f2: {  	v56 =	vsub.f32 @p1 $1.500000000e+00, v56;
	v52 =	vmul.f32 v62, v52;
	v62 =	vmul.f32 v29, v16  }
0x5f3: {  	v8 =	vmul.f32 v48, v8;
	v63 =	vmul.f32 v44, v9;
	v61 =	vsub.f32 $1.500000000e+00, v60  }
0x5f4: {  	v50 =	vmul.f32 @p1 v56, v50;
	v55 =	vmul.f32 v52, v27;
	v56 =	vsub.f32 $1.500000000e+00, v62  }
0x5f5: {  	v57 =	vmul.f32 v63, v44;
	v29 =	vmul.f32 v59, v61  }
0x5f6: {  	v10 =	vadd.f32 v14, v10;
	v59 =	vmul.f32 v55, v52;
	v11 =	vmul.f32 v56, v16  }
0x5f7: {  	v62 =	vmul.f32 v46, v51;
	v60 =	vsub.f32 $1.500000000e+00, v57;
	v58 =	vmul.f32 v29, v54  }
0x5f8: {  	v16 =	vmul.f32 @p0 v28, v49;
	v14 =	vsub.f32 $1.500000000e+00, v59;
	v10 =	vmul.f32 v11, v10  }
0x5f9: {  	v63 =	vmul.f32 v60, v44;
	v61 =	vmul.f32 v58, v29  }
0x5fa: {  	v16 =	vmul.f32 @p0 v16, v28;
	v14 =	vmul.f32 v14, v52  }
0x5fb: {  	v7 =	vmul.f32 v17, v7;
	v8 =	vadd.f32 v62, v8;
	v27 =	vsub.f32 $1.500000000e+00, v61  }
0x5fc: {  	v9 =	vmul.f32 v63, v9;
	v10 =	vmul.f32 v10, v14;
	v14 =	vsub.f32 @p0 $1.500000000e+00, v16  }
0x5fd: {  	v17 =	vmul.f32 @p2 v45, v43;
	v7 =	vadd.f32 v7, v8;
	v15 =	vmul.f32 v27, v29  }
0x5fe: {  	v9 =	vmul.f32 v9, v63;
	v27 =	vmax.f32 @p0 v38, $-9.999989860e-01;
	v14 =	vmul.f32 @p0 v14, v28  }
0x5ff: {  	v44 =	vmax.f32 v10, $-9.999989860e-01;
	v10 =	vmul.f32 @p1 v50, v37;
	v29 =	vmul.f32 v15, v54  }
0x600: {  	v38 =	vmul.f32 @p3 v47, v39;
	v27 =	vmin.f32 @p0 v27, $9.999989860e-01;
	v9 =	vsub.f32 $1.500000000e+00, v9  }
0x601: {  	v8 =	vmin.f32 v44, $9.999989860e-01;
	v19 =	vmul.f32 @p0 v27, v27;
	v43 =	vmul.f32 v29, v15  }
0x602: {  	v11 =	vadd.f32 @p2 v45, v45;
	v8 =	vmul.f32 v8, v8;
	v9 =	vmul.f32 v9, v63  }
0x603: {  	v5 =	vmul.f32 @p0 v14, v5;
	v10 =	vmul.f32 @p1 v10, v50;
	v46 =	vsub.f32 $1.500000000e+00, v43  }
0x604: {  	v19 =	vsub.f32 @p0 $1.000000000e+00, v19;
	v8 =	vsub.f32 $1.000000000e+00, v8;
	v7 =	vmul.f32 v9, v7  }
0x605: {  	v10 =	vsub.f32 @p1 $1.500000000e+00, v10;
	v9 =	vmul.f32 @p2 v11, v45;
	v48 =	vmul.f32 v46, v15  }
0x606: {  	v11 =	vadd.f32 @p0 v5, v5;
	v16 =	vmax.f32 @p0 v19, $9.999999960e-13;
	v8 =	vmax.f32 v8, $9.999999960e-13  }
0x607: {  	s5 =	sadd.s32 @p1 $0x10, s5;
	s9 =	simm.s32 $0x4680;
	v14 =	vshra.s32 @p0 v16, $0x1;
	v15 =	vmul.f32 @p0 $5.000000000e-01, v16;
	v7 =	vmul.f32 v7, v48  }
0x608: {  	s9 =	smov.u32 @p1 s5;
	v49 =	vshra.s32 v8, $0x1;
	v51 =	vmul.f32 $5.000000000e-01, v8;
	v14 =	vsub.s32 @p0 $0x5F3759DF, v14  }
0x609: {  	v29 =	vld @p0 [tilespmem:s9+$0x0];
	v27 =	vsub.s32 $0x5F3759DF, v49;
	v19 =	vmul.f32 @p0 v14, v15;
	v7 =	vmax.f32 v7, $-9.999989860e-01  }
0x60a: {  	v53 =	vld [tilespmem:$0x1FF80];
	v11 =	vmul.f32 @p0 v11, v5;
	v52 =	vmul.f32 v27, v51;
	v7 =	vmin.f32 v7, $9.999989860e-01  }
0x60b: {  	s10 =	sadd.s32 @p1 $0x10, s6;
	s6 =	simm.s32 $0x4600;
	v17 =	vadd.f32 @p2 v17, v40;
	v19 =	vmul.f32 @p0 v14, v19;
	v7 =	vmul.f32 v7, v7  }
0x60c: {  	s8 =	sadd.s32 @p1 $0x10, s8;
	s5 =	simm.s32 $0x4700;
	s6 =	smov.u32 @p1 s10;
	v10 =	vmul.f32 @p1 v10, v50;
	v9 =	vadd.f32 @p2 $-1.000000000e+00, v9;
	v11 =	vadd.f32 @p0 $-1.000000000e+00, v11  }
0x60d: {  	s5 =	smov.u32 @p1 s8;
	v40 =	vld @p0 [tilespmem:s6+$0x0];
	v37 =	vmul.f32 v27, v52;
	v19 =	vsub.f32 @p0 $1.500000000e+00, v19;
	v7 =	vsub.f32 $1.000000000e+00, v7  }
0x60e: {  	v39 =	vld @p0 [tilespmem:s5+$0x0];
	v5 =	vmul.f32 @p0 v5, v29;
	v9 =	vmul.f32 @p2 v9, v42;
	v14 =	vpsel p0, v14, v25  }
0x60f: {  	v54 =	vsub.f32 $1.500000000e+00, v37;
	v19 =	vpsel p0, v19, v53;
	v7 =	vmax.f32 v7, $9.999999960e-13  }
0x610: {  	v14 =	vmul.f32 @p0 v14, v19;
	v55 =	vshra.s32 v7, $0x1;
	v56 =	vmul.f32 $5.000000000e-01, v7  }
0x611: {  	v15 =	vpsel p0, v15, v26;
	v25 =	vmul.f32 v27, v54;
	v57 =	vsub.s32 $0x5F3759DF, v55  }
0x612: {  	v34 =	vadd.f32 @p4 v34, v41;
	v62 =	vld [tilespmem:$0x1FF70];
	v27 =	vmul.f32 @p0 v14, v15;
	v58 =	vmul.f32 v57, v56  }
0x613: {  	v22 =	vpsel p0, v40, v22;
	v11 =	vmul.f32 @p0 v11, v39;
	v59 =	vmul.f32 v25, v51  }
0x614: {  	s8 =	sadd.s32 @p1 $0x10, s7;
	s7 =	simm.s32 $0x4580;
	v44 =	vld [tilespmem:$0x1FF50];
	v16 =	vpsel p0, v16, v24;
	v27 =	vmul.f32 @p0 v27, v14;
	v26 =	vmul.f32 v57, v58  }
0x615: {  	s7 =	smov.u32 @p1 s8;
	v42 =	vld [tilespmem:$0x1FF90];
	v5 =	vadd.f32 @p0 v5, v40;
	v9 =	vadd.f32 @p2 v9, v17;
	v60 =	vmul.f32 v59, v25  }
0x616: {  	v12 =	vpsel p0, v16, v12;
	v16 =	vld @p0 [tilespmem:s7+$0x0];
	v27 =	vsub.f32 @p0 $1.500000000e+00, v27;
	v26 =	vsub.f32 $1.500000000e+00, v26  }
0x617: {  	v63 =	vld [tilespmem:$0x1FF30];
	v10 =	vpsel p1, v10, v62;
	v17 =	vmovc @p1 v36;
	v5 =	vadd.f32 @p0 v11, v5;
	v11 =	vsub.f32 $1.500000000e+00, v60  }
0x618: {  	v28 =	vmovc @p1 v30;
	v36 =	vld [tilespmem:$0x1FF40];
	v17 =	vpsel p1, v17, v18;
	v14 =	vmul.f32 @p0 v27, v14;
	v61 =	vmul.f32 v57, v26  }
0x619: {  	v28 =	vpsel p1, v28, v44;
	v10 =	vmul.f32 @p1 v10, v17;
	v11 =	vmul.f32 v11, v25  }
0x61a: {  	v20 =	vpsel p0, v29, v20;
	v19 =	vmovc @p1 v31;
	v15 =	vmul.f32 @p0 v14, v15;
	v31 =	vmul.f32 v61, v56  }
0x61b: {  	v9 =	vpsel p2, v9, v42;
	v5 =	vmul.f32 @p0 v5, v16;
	v37 =	vmul.f32 v11, v51  }
0x61c: {  	v43 =	vld [tilespmem:$0x1FF60];
	v17 =	vmovc @p1 v32;
	v26 =	vadd.f32 @p1 v10, v10;
	v15 =	vmul.f32 @p0 v15, v14;
	v24 =	vmul.f32 v31, v61  }
0x61d: {  	v47 =	vld [tilespmem:$0x1FFE0];
	v17 =	vpsel p1, v17, v36;
	v19 =	vpsel p1, v19, v63;
	v25 =	vmul.f32 v37, v11  }
0x61e: {  	v49 =	vld [tilespmem:$0x1FFD0];
	v26 =	vmul.f32 @p1 v26, v10;
	v15 =	vsub.f32 @p0 $1.500000000e+00, v15;
	v24 =	vsub.f32 $1.500000000e+00, v24  }
0x61f: {  	v51 =	vpsel p0, v16, v21;
	v45 =	vsub.f32 $1.500000000e+00, v25;
	v10 =	vmul.f32 @p1 v10, v19  }
0x620: {  	v27 =	vmovc @p1 v33;
	v19 =	vadd.f32 @p1 $-1.000000000e+00, v26;
	v14 =	vmul.f32 @p0 v15, v14;
	v18 =	vmul.f32 v24, v61  }
0x621: {  	v55 =	vld [tilespmem:$0x1FFA0];
	v27 =	vpsel p1, v27, v43;
	v11 =	vmul.f32 v45, v11;
	v10 =	vadd.f32 @p1 v10, v17  }
0x622: {  	v19 =	vmul.f32 @p1 v19, v28;
	v14 =	vpsel p0, v14, v47;
	v46 =	vmul.f32 v18, v56  }
0x623: {  	s8 =	sadd.s32 @p0 $0x10, s9;
	v17 =	vpsel p0, v51, v49;
	v8 =	vmul.f32 v11, v8;
	v12 =	vmul.f32 @p0 v14, v12  }
0x624: {  	s4 =	smov.u32 @p0 s8;
	v52 =	vld [tilespmem:$0x1FFB0];
	v15 =	vmovc @p0 v39;
	v24 =	vpsel p3, v38, v0;
	v10 =	vadd.f32 @p1 v19, v10;
	v48 =	vmul.f32 v46, v18  }
0x625: {  	v54 =	vld [tilespmem:s4+$0x0];
	v15 =	vpsel p0, v15, v23;
	v23 =	vpsel p4, v34, v6;
	v11 =	vadd.f32 @p0 v12, v12  }
0x626: {  	v53 =	vld [tilespmem:$0x1FFC0];
	v23 =	vadd.f32 @p3 v24, v23;
	v15 =	vpsel p0, v15, v55;
	v14 =	vmovc @p2 v35;
	v50 =	vsub.f32 $1.500000000e+00, v48  }
0x627: {  	s4 =	sadd.s32 @p0 $0x10, s6;
	v56 =	vadd.f32 v8, v8;
	v14 =	vpsel p2, v14, v49;
	v11 =	vmul.f32 @p0 v11, v12  }
0x628: {  	s3 =	smov.u32 @p0 s4;
	v10 =	vpsel p1, v10, v0;
	v9 =	vmul.f32 @p2 v9, v14;
	v14 =	vmul.f32 v50, v18;
	v18 =	vmovc @p0 v20  }
0x629: {  	s4 =	sadd.s32 @p0 $0x10, s5;
	v57 =	vld [tilespmem:s3+$0x0];
	v11 =	vadd.f32 @p0 $-1.000000000e+00, v11;
	v20 =	vmul.f32 v56, v8;
	v18 =	vpsel p0, v18, v52  }
0x62a: {  	s30 =	smov.u32 @p0 s4;
	v19 =	vmovc @p0 v22;
	v12 =	vmul.f32 @p0 v12, v18;
	v7 =	vmul.f32 v14, v7;
	v18 =	vpsel p3, v23, v6  }
0x62b: {  	v59 =	vld [tilespmem:s30+$0x0];
	v19 =	vpsel p0, v19, v53;
	v9 =	vpsel p2, v9, v0;
	v8 =	vmul.f32 v8, v54  }
0x62c: {  	v11 =	vmul.f32 @p0 v11, v15;
	v15 =	vmovc @p0 v17;
	v61 =	vadd.f32 $-1.000000000e+00, v20;
	v58 =	vadd.f32 v7, v7  }
0x62d: {  	v15 =	vpsel p0, v15, v0;
	v9 =	vadd.f32 @p2 v9, v18;
	v12 =	vadd.f32 @p0 v12, v19;
	v18 =	vmovc @p1 v27  }
0x62e: {  	s3 =	sadd.s32 @p0 $0x10, s7;
	v8 =	vadd.f32 v8, v57;
	v18 =	vpsel p1, v18, v0;
	v60 =	vmul.f32 v58, v7  }
0x62f: {  	s26 =	smov.u32 @p0 s3;
	v11 =	vadd.f32 @p0 v11, v12;
	v7 =	vmul.f32 v7, v54;
	v10 =	vmul.f32 @p1 v10, v18  }
0x630: {  	v62 =	vld [tilespmem:s26+$0x0];
	v14 =	vmul.f32 v61, v59;
	v9 =	vpsel p2, v9, v6;
	v12 =	vadd.f32 $-1.000000000e+00, v60  }
0x631: {  	v63 =	vld [tilespmem:$0x1FFF0];
	v11 =	vpsel p0, v11, v0;
	v7 =	vadd.f32 v7, v57;
	v10 =	vpsel p1, v10, v0  }
0x632: {  	v11 =	vmul.f32 @p0 v11, v15;
	v9 =	vadd.f32 @p1 v10, v9;
	v12 =	vmul.f32 v12, v59  }
0x633: {  	v5 =	vadd.f32 @p0 v5, v13;
	v8 =	vadd.f32 v14, v8  }
0x634: {  	v11 =	vpsel p0, v11, v0;
	v7 =	vadd.f32 v12, v7;
	v9 =	vpsel p1, v9, v6  }
0x635: {  	v8 =	vmul.f32 v8, v62;
	v9 =	vadd.f32 @p0 v11, v9  }
0x636: {  	v5 =	vpsel p0, v5, v63;
	v7 =	vmul.f32 v7, v62  }
0x637: {  	v5 =	vadd.f32 v8, v5;
	v6 =	vpsel p0, v9, v6  }
0x638: {  	v6 =	vadd.f32 v7, v6  }
0x639: {  	s2 =	sadd.s32 $0x1, s2;
	[tilespmem:$0x4790] =	vst v5  }
0x63a: {  	s30 =	simm.s32 $0x4780;
	p0 =	sne.s32 s2, s23;
	[tilespmem:$0x4780] =	vst v6  }
0x63b: {  	[hbm4b:s22+s1] =	stream.linear.scatter [tilespmem:s30], [sflag:$0x2], $0x80, $0x38;
	[tilespmem:$0x4800] =	vst v63  }
.Ltmp17:
0x63c: {  	_ = 	snop;
	(pc) =	sbr.rel @p0 .LBB3_1-.Ltmp17, $4  }
.Ltmp18:
0x63d: {  	_ = 	snop;
	(pc) =	sbr.rel @!p0 .LBB3_33-.Ltmp18, $4  }
0x63e: {  	_ =	swait.ge [sflag:s31], $0x80  }
0x63f: {  	[sflag:s31] =	ssyncset.done $0x0  }
0x640: {  	[sflag:s31] =	ssyncadd.s32 $0xFFFFFF80  }
0x641: {  	_ = 	snop  }
.LBB3_4:
.Ltmp19:
0x642: {  	(pc) =	sbr.rel .LBB3_10-.Ltmp19, $3  }
0x643: {  	_ =	sdelay $0x1  }
0x644: {  	s10 =	simm.s32 $0x3900;
	s30 =	simm.s32 $0x3500;
	s9 =	simm.s32 $0x3600  }
0x645: {  	s12 =	simm.s32 $0x3800;
	s11 =	simm.s32 $0x3700;
	p2 =	por $0x0, $0x0;
	v14 =	vmov v7;
	v15 =	vmov v6  }
.LBB3_11:
.Ltmp20:
0x646: {  	(pc) =	sbr.rel .LBB3_19-.Ltmp20, $3  }
0x647: {  	_ =	sdelay $0x1  }
0x648: {  	s5 =	simm.s32 $0x4300;
	s6 =	simm.s32 $0x4000  }
0x649: {  	s7 =	simm.s32 $0x4180;
	p1 =	por $0x0, $0x0;
	p2 =	por $0x0, $0x0;
	v9 =	vmov v7;
	v25 =	vmov v6  }
.LBB3_20:
0x64a: {  	_ = 	snop  }
0x64b: {  	_ = 	snop  }
0x64c: {  	_ = 	snop  }
0x64d: {  	_ = 	snop  }
0x64e: {  	_ = 	snop  }
0x64f: {  	_ = 	snop  }
0x650: {  	_ = 	snop  }
.Ltmp21:
0x651: {  	(pc) =	sbr.rel .LBB3_32-.Ltmp21, $4  }
0x652: {  	_ = 	snop  }
0x653: {  	_ = 	snop  }
0x654: {  	s5 =	simm.s32 $0x4680  }
0x655: {  	s6 =	simm.s32 $0x4600;
	s8 =	simm.s32 $0x4700;
	s7 =	simm.s32 $0x4580;
	v41 =	vmov v6;
	[tilespmem:$0x1FFF0] =	vst v7;
	v13 =	vmov v7  }
.LBB3_6:
.Ltmp22:
0x656: {  	(pc) =	sbr.rel .LBB3_10-.Ltmp22, $3  }
0x657: {  	_ =	sdelay $0x1  }
0x658: {  	s10 =	simm.s32 $0x3900;
	s30 =	simm.s32 $0x3500;
	s9 =	simm.s32 $0x3600  }
0x659: {  	s12 =	simm.s32 $0x3800;
	s11 =	simm.s32 $0x3700;
	v14 =	vmov v7;
	v15 =	vmov v6;
	p2 =	por $0x0, $0x0  }
.LBB3_13:
.Ltmp23:
0x65a: {  	(pc) =	sbr.rel .LBB3_19-.Ltmp23, $3  }
0x65b: {  	_ =	sdelay $0x1  }
0x65c: {  	s5 =	simm.s32 $0x4300  }
0x65d: {  	s6 =	simm.s32 $0x4000;
	v25 =	vmov v6;
	s7 =	simm.s32 $0x4180;
	p2 =	por $0x0, $0x0;
	v9 =	vmov v7  }
.LBB3_22:
0x65e: {  	_ = 	snop  }
0x65f: {  	_ = 	snop  }
0x660: {  	_ = 	snop  }
0x661: {  	_ = 	snop  }
0x662: {  	_ = 	snop  }
0x663: {  	_ = 	snop  }
0x664: {  	_ = 	snop  }
.Ltmp24:
0x665: {  	(pc) =	sbr.rel .LBB3_32-.Ltmp24, $4  }
0x666: {  	_ = 	snop  }
0x667: {  	_ = 	snop  }
0x668: {  	s5 =	simm.s32 $0x4680  }
0x669: {  	v41 =	vmov v6;
	s6 =	simm.s32 $0x4600;
	s8 =	simm.s32 $0x4700;
	s7 =	simm.s32 $0x4580;
	[tilespmem:$0x1FFF0] =	vst v7;
	v13 =	vmov v7  }
.LBB3_8:
.Ltmp25:
0x66a: {  	(pc) =	sbr.rel .LBB3_10-.Ltmp25, $3  }
0x66b: {  	_ =	sdelay $0x1  }
0x66c: {  	s10 =	simm.s32 $0x3900;
	s30 =	simm.s32 $0x3500  }
0x66d: {  	s9 =	simm.s32 $0x3600;
	s12 =	simm.s32 $0x3800;
	s11 =	simm.s32 $0x3700;
	v15 =	vmov v6  }
.LBB3_15:
.Ltmp26:
0x66e: {  	(pc) =	sbr.rel .LBB3_19-.Ltmp26, $4  }
0x66f: {  	vm8 =	vmmov vm0;
	v7 =	vmov v9  }
0x670: {  	v34 =	vmovc v15;
	v33 =	vmovc v14;
	v29 =	vmov v12;
	v39 =	vmov v17;
	v32 =	vmov v13  }
0x671: {  	v38 =	vmovc v16;
	v37 =	vmovc v19;
	v36 =	vmov v18;
	v20 =	vmov v11;
	vm12 =	vmmov vm4  }
0x672: {  	s5 =	simm.s32 $0x4300;
	s6 =	simm.s32 $0x4000;
	vm10 =	vmmov vm2;
	vm11 =	vmmov vm3;
	v25 =	vmovc v6;
	vm9 =	vmmov vm1;
	v21 =	vmovc v8  }
.LBB3_24:
0x673: {  	_ = 	snop  }
0x674: {  	_ = 	snop  }
0x675: {  	_ = 	snop  }
0x676: {  	_ = 	snop  }
0x677: {  	_ = 	snop  }
0x678: {  	_ = 	snop  }
0x679: {  	_ = 	snop  }
.Ltmp27:
0x67a: {  	(pc) =	sbr.rel .LBB3_32-.Ltmp27, $4  }
0x67b: {  	_ = 	snop  }
0x67c: {  	_ = 	snop  }
0x67d: {  	v36 =	vmov v12;
	s5 =	simm.s32 $0x4680  }
0x67e: {  	[tilespmem:$0x1FFF0] =	vst v7;
	v31 =	vmovc v9;
	v32 =	vmovc v10;
	v33 =	vmov v11;
	v30 =	vmov v8;
	v41 =	vmov v6;
	s6 =	simm.s32 $0x4600;
	s8 =	simm.s32 $0x4700;
	s7 =	simm.s32 $0x4580  }
.LBB3_17:
.Ltmp28:
0x67f: {  	(pc) =	sbr.rel .LBB3_19-.Ltmp28, $2  }
0x680: {  	_ =	sdelay $0x2  }
0x681: {  	v27 =	vmov v11;
	v25 =	vmov v6  }
.LBB3_26:
0x682: {  	_ = 	snop  }
0x683: {  	_ = 	snop  }
.Ltmp29:
0x684: {  	(pc) =	sbr.rel .LBB3_32-.Ltmp29, $4  }
0x685: {  	_ = 	snop  }
0x686: {  	v36 =	vmov v18  }
0x687: {  	v31 =	vmovc v14;
	v32 =	vmovc v15;
	v33 =	vmov v17;
	v30 =	vmov v16;
	v41 =	vmov v6  }
0x688: {  	[tilespmem:$0x1FFF0] =	vst v7;
	v46 =	vmovc v12;
	v43 =	vmovc v9;
	v40 =	vmov v10;
	v35 =	vmov v11;
	v42 =	vmov v8  }
.LBB3_28:
.Ltmp30:
0x689: {  	(pc) =	sbr.rel .LBB3_32-.Ltmp30, $4  }
0x68a: {  	v51 =	vmov v25  }
0x68b: {  	v37 =	vmovc v26;
	v41 =	vmovc v6;
	v46 =	vmov v18;
	v36 =	vmov v24;
	v43 =	vmov v14  }
0x68c: {  	v31 =	vmovc v20;
	v40 =	vmovc v15;
	v39 =	vmov v11;
	v47 =	vmov v8;
	v32 =	vmov v22  }
0x68d: {  	v35 =	vmovc v17;
	v33 =	vmovc v21;
	v42 =	vmov v16;
	v30 =	vmov v23;
	v13 =	vmov v7  }
.LBB3_30:
.Ltmp31:
0x68e: {  	(pc) =	sbr.rel .LBB3_32-.Ltmp31, $3  }
0x68f: {  	_ =	sdelay $0x1  }
0x690: {  	v41 =	vmov v6  }
0x691: {  	v46 =	vmovc v24;
	v43 =	vmovc v20;
	v40 =	vmov v22;
	v39 =	vld [tilespmem:$0x1FF60];
	v35 =	vmov v21;
	v42 =	vmov v23  }
.LBB3_33:
0x692: {  	_ =	sfence.sel $0x180000  }
0x693: {  	[bflag:$0x0] =	sbarrier.arrive $0xFFFF  }
0x694: {  	_ =	strace $0x90000047  }
0x695: {  	s0 =	stileid.u32;
	[bflag:$0x2] =	sbarrier.arrive $0xFFFF  }
0x696: {  	p0 =	sne.s32 s0, $0x0;
	s0 =	rddreg [dreg:$0xe]  }
0x697: {  	s0 =	sadd.s32 @!p0 $0x100000, s0  }
0x698: {  	[sflag:s0] =	ssyncadd.tile.s32 @!p0 $0x1;
	_ =	shalt  }
.Lfunc_end3:
_tile_overlayer_lowered:
.L_overlay_start_3:
0x699: {  	(tag) =	ssettag $0x3  }
0x69a: {  	s0 =	rddreg [dreg:$0x0];
	s2 =	stileid.u32  }
0x69b: {  	s1 =	rddreg [dreg:$0x1];
	p0 =	sne.s32 s2, $0x0  }
0x69c: {  	s3 =	rddreg [dreg:$0x2];
	[bflag:$0x3] =	sbarrier.arrive $0xFFFF;
	s2 =	simm.s32 @!p0 $0x1C02  }
0x69d: {  	[timem:s3], [sflag:s2] =	dma.local @!p0 [hbm:s0], s1  }
0x69e: {  	s0 =	simm.s32 @!p0 $0x2  }
0x69f: {  	_ =	swait.ge @!p0 [sflag:s0], s1  }
0x6a0: {  	s1 =	ssub.s32 @!p0 $0x0, s1;
	[sflag:s0] =	ssyncset.done @!p0 $0x0  }
0x6a1: {  	[sflag:s0] =	ssyncadd.s32 @!p0 s1  }
0x6a2: {  	[bflag:$0x3] =	sbarrier.arrive $0xFFFF  }
0x6a3: {  	_ =	shalt  }

</sc_bundles>
